<compile_context>
chip_gen: v7x
topology: tpu7x:2x2x1
jax: 0.10.2.dev20260603
libtpu: 0.0.44.dev20260713+nightly
codegen_flags: <defaults>
</compile_context>

<pallas_src>
import functools

import jax
import jax.numpy as jnp
from jax import lax
from jax.experimental import pallas as pl
from jax.experimental.pallas import tpu as pltpu
from jax.experimental.pallas import tpu_sc as plsc

_COMMIT_W = 0.25


def _vq_tc_body(z_ref, cb_ref, idx_ref, acc_ref):
    first = jnp.logical_and(pl.program_id(0) == 0, pl.program_id(1) == 0)

    @pl.when(first)
    def _():
        acc_ref[...] = jnp.zeros((1, 1), jnp.float32)

    zt = z_ref[0]
    cb = cb_ref[...]

    scores2 = lax.dot_general(cb, -2.0 * zt, (((1,), (0,)), ((), ())),
                              preferred_element_type=jnp.float32)
    cbsq = jnp.sum(cb * cb, axis=1, keepdims=True)
    dist = scores2 + cbsq

    m = jnp.min(dist, axis=0, keepdims=True)
    idx = jnp.argmin(dist, axis=0).astype(jnp.int32)

    acc_ref[...] += (jnp.sum(m) + jnp.sum(zt * zt)).reshape(1, 1)
    idx_ref[0, 0] = idx


def _tc_indices(zc, codebook, b_start, b_cnt):
    _, c, n = zc.shape
    tile = 8192
    n_t = n // tile
    k = codebook.shape[0]
    idx_arr, acc = pl.pallas_call(
        _vq_tc_body,
        grid=(b_cnt, n_t),
        in_specs=[
            pl.BlockSpec((1, c, tile), lambda i, j: (i + b_start, 0, j)),
            pl.BlockSpec((k, c), lambda i, j: (0, 0)),
        ],
        out_specs=[
            pl.BlockSpec((1, 1, tile), lambda i, j: (i * (n // tile) + j, 0, 0)),
            pl.BlockSpec((1, 1), lambda i, j: (0, 0)),
        ],
        out_shape=[
            jax.ShapeDtypeStruct((b_cnt * n_t, 1, tile), jnp.int32),
            jax.ShapeDtypeStruct((1, 1), jnp.float32),
        ],
    )(zc, codebook)
    return idx_arr.reshape(b_cnt * n), acc


def _sc_gather_body(ntok, idx_hbm, cbt_hbm, out_hbm, idx_v, cbt_v, stage_v):
    wid = lax.axis_index("s") * 2 + lax.axis_index("c")
    base = wid * ntok
    bi = base // 16384
    off = base % 16384
    pltpu.sync_copy(idx_hbm.at[pl.ds(base, ntok)], idx_v)
    pltpu.sync_copy(cbt_hbm, cbt_v)

    chunk = 512

    def chunk_body(ch, carry):
        def grp(g, carry2):
            iv = idx_v[pl.ds(ch * chunk + g * 16, 16)]
            for cc in range(32):
                cvec = jnp.full((16,), cc, jnp.int32)
                stage_v[cc, pl.ds(g * 16, 16)] = plsc.load_gather(
                    cbt_v, [cvec, iv])
            return carry2
        lax.fori_loop(0, chunk // 16, grp, 0, unroll=4)
        dst = pl.multiple_of(off + ch * chunk, chunk)
        pltpu.sync_copy(stage_v, out_hbm.at[bi, :, pl.ds(dst, chunk)])
        return carry
    lax.fori_loop(0, ntok // chunk, chunk_body, 0)


def _sc_gather(idx_flat, codebook_t, b_cnt, c, n):
    ntok = (b_cnt * n) // 32
    mesh = plsc.VectorSubcoreMesh(core_axis_name="c", subcore_axis_name="s")
    f = functools.partial(
        pl.kernel,
        out_type=jax.ShapeDtypeStruct((b_cnt, c, n), jnp.float32),
        compiler_params=pltpu.CompilerParams(needs_layout_passes=False),
        mesh=mesh,
        scratch_types=[
            pltpu.VMEM((ntok,), jnp.int32),
            pltpu.VMEM((c, codebook_t.shape[1]), jnp.float32),
            pltpu.VMEM((c, 512), jnp.float32),
        ],
    )(functools.partial(_sc_gather_body, ntok))
    return f(idx_flat, codebook_t)


@jax.jit
def kernel(z, codebook):
    b, c, f, h, w = z.shape
    n = f * h * w
    zc = z.reshape(b, c, n)
    cbt = codebook.T
    half = b // 2

    idx0, acc0 = _tc_indices(zc, codebook, 0, half)
    zq0 = _sc_gather(idx0, cbt, half, c, n)
    idx1, acc1 = _tc_indices(zc, codebook, half, half)
    zq1 = _sc_gather(idx1, cbt, half, c, n)

    zq = jnp.concatenate([zq0, zq1], axis=0).reshape(b, c, f, h, w)
    commit_loss = (acc0[0, 0] + acc1[0, 0]) * (_COMMIT_W / (b * n * c))
    min_encoding_indices = jnp.concatenate([idx0, idx1]).reshape(-1, 1)
    return (zq, commit_loss, min_encoding_indices)

# --- scband reference (transcript-rebuilt; emitter-appended) ---
"""Pipeline reference for scband-vector-quantizer-v2-27152783245577 (READ-ONLY COPY).

The authoritative reference and input builder live on the scoring server;
editing this copy changes nothing except your own understanding.
"""

import jax, jax.numpy as jnp
import numpy as np

CODEBOOK_SIZE = 1024
EMB_DIM = 32
COMMITMENT_WEIGHT = 0.25


def setup_inputs(seed: int = 0) -> dict:
    key = jax.random.key(seed)
    k1, k2 = jax.random.split(key)
    z = jax.random.normal(k1, (4, 32, 16, 32, 32), dtype=jnp.float32)
    codebook = jax.random.normal(k2, (CODEBOOK_SIZE, EMB_DIM), dtype=jnp.float32)
    return {"z": z, "codebook": codebook}


def reference(z, codebook):
    b, c, f, h, w = z.shape
    # rearrange 'b c f h w -> b (f h w) c'
    zf = jnp.transpose(z, (0, 2, 3, 4, 1)).reshape(b, f * h * w, c)
    flat = zf.reshape(-1, c)
    # squared euclidean distances to codebook entries
    dist = (
        jnp.sum(flat ** 2, axis=-1, keepdims=True)
        - 2.0 * flat @ codebook.T
        + jnp.sum(codebook ** 2, axis=-1)[None, :]
    )
    indices = jnp.argmin(dist, axis=-1)
    quantized = jnp.take(codebook, indices, axis=0).reshape(b, f * h * w, c)
    # commitment loss: mse(stop_grad(zq), z) * commitment_weight
    commit_loss = COMMITMENT_WEIGHT * jnp.mean((jax.lax.stop_gradient(quantized) - zf) ** 2)
    # straight-through estimator
    q_st = zf + jax.lax.stop_gradient(quantized - zf)
    # rearrange 'b (f h w) c -> b c f h w'
    zq = jnp.transpose(q_st.reshape(b, f, h, w, c), (0, 4, 1, 2, 3))
    min_encoding_indices = indices.reshape(-1, 1)
    return (zq, commit_loss, min_encoding_indices)

if __name__ == "__main__":
    import jax
    _d = setup_inputs()
    print(jax.jit(kernel)(*tuple(_d.values())))

</pallas_src>

<mosaic_0001>
#map = affine_map<(d0, d1) -> (0)>
#map1 = affine_map<(d0, d1) -> (0, 0)>
#map2 = affine_map<(d0, d1) -> (0, 0, 0)>
module attributes {stable_mosaic.version = 14 : i64} {
  func.func @_sc_gather_body(%arg0: i32, %arg1: i32, %arg2: memref<32768xi32, #tpu.memory_space<hbm>>, %arg3: memref<32x1024xf32, #tpu.memory_space<hbm>>, %arg4: memref<2x32x16384xf32, #tpu.memory_space<hbm>>, %arg5: memref<1024xi32, #tpu.memory_space<vmem>>, %arg6: memref<32x1024xf32, #tpu.memory_space<vmem>>, %arg7: memref<32x512xf32, #tpu.memory_space<vmem>>) attributes {dimension_semantics = [#tpu.dimension_semantics<core_parallel>, #tpu.dimension_semantics<subcore_parallel>], iteration_bounds = array<i64: 2, 16>, scalar_prefetch = 0 : i64, scratch_operands = 3 : i64, tpu.core_type = #tpu.core_type<sc_vector_subcore>, window_params = [{transform_indices = #map}, {transform_indices = #map1}, {transform_indices = #map2}]} {
    %mul3A = arith.constant 2 : i32
    %mul3A_0 = arith.muli %arg1, %mul3A : i32
    %add3A = arith.addi %mul3A_0, %arg0 : i32
    %mul3A_1 = arith.constant 1024 : i32
    %mul3A_2 = arith.muli %add3A, %mul3A_1 : i32
    %jit3A = arith.constant 16384 : i32
    %div3A = arith.divsi %mul3A_2, %jit3A : i32
    %sign3A = arith.constant 0 : i32
    %sign3A_3 = arith.cmpi sgt, %mul3A_2, %sign3A : i32
    %sign3A_4 = arith.extui %sign3A_3 : i1 to i32
    %sign3A_5 = arith.constant 0 : i32
    %sign3A_6 = arith.cmpi slt, %mul3A_2, %sign3A_5 : i32
    %sign3A_7 = arith.extui %sign3A_6 : i1 to i32
    %sign3A_8 = arith.subi %sign3A_4, %sign3A_7 : i32
    %sign3A_9 = arith.constant 0 : i32
    %sign3A_10 = arith.cmpi sgt, %jit3A, %sign3A_9 : i32
    %sign3A_11 = arith.extui %sign3A_10 : i1 to i32
    %sign3A_12 = arith.constant 0 : i32
    %sign3A_13 = arith.cmpi slt, %jit3A, %sign3A_12 : i32
    %sign3A_14 = arith.extui %sign3A_13 : i1 to i32
    %sign3A_15 = arith.subi %sign3A_11, %sign3A_14 : i32
    %ne3A = arith.cmpi ne, %sign3A_8, %sign3A_15 : i32
    %rem3A = arith.remsi %mul3A_2, %jit3A : i32
    %ne3A_16 = arith.constant 0 : i32
    %ne3A_17 = arith.cmpi ne, %rem3A, %ne3A_16 : i32
    %and3A = arith.andi %ne3A, %ne3A_17 : i1
    %sub3A = arith.constant 1 : i32
    %sub3A_18 = arith.subi %div3A, %sub3A : i32
    %select_n3A = arith.select %and3A, %sub3A_18, %div3A : i32
    %jit3A_19 = arith.constant 16384 : i32
    %eq3A = arith.constant 0 : i32
    %eq3A_20 = arith.cmpi eq, %jit3A_19, %eq3A : i32
    %jit3A_21 = arith.constant 1 : i32
    %select_n3A_22 = arith.select %eq3A_20, %jit3A_21, %jit3A_19 : i32
    %rem3A_23 = arith.remsi %mul3A_2, %select_n3A_22 : i32
    %ne3A_24 = arith.constant 0 : i32
    %ne3A_25 = arith.cmpi ne, %rem3A_23, %ne3A_24 : i32
    %lt3A = arith.constant 0 : i32
    %lt3A_26 = arith.cmpi slt, %rem3A_23, %lt3A : i32
    %lt3A_27 = arith.constant 0 : i32
    %lt3A_28 = arith.cmpi slt, %select_n3A_22, %lt3A_27 : i32
    %ne3A_29 = arith.xori %lt3A_26, %lt3A_28 : i1
    %and3A_30 = arith.andi %ne3A_29, %ne3A_25 : i1
    %add3A_31 = arith.addi %rem3A_23, %select_n3A_22 : i32
    %select_n3A_32 = arith.select %and3A_30, %add3A_31, %rem3A_23 : i32
    "tpu.region"() ({
      %run_scoped3A = tpu.sem_alloc : memref<!tpu.dma_semaphore, #tpu.memory_space<semaphore_mem>>
      %dma_start3A = tpu.memref_slice %arg2[%mul3A_2] : memref<32768xi32, #tpu.memory_space<hbm>> -> memref<1024xi32, #tpu.memory_space<hbm>>
      %dma_start3A_38 = tpu.memref_slice %arg2[%mul3A_2] : memref<32768xi32, #tpu.memory_space<hbm>> -> memref<1024xi32, #tpu.memory_space<hbm>>
      tpu.enqueue_dma source(%dma_start3A_38 : memref<1024xi32, #tpu.memory_space<hbm>>) target(%arg5 : memref<1024xi32, #tpu.memory_space<vmem>>) target_semaphore(%run_scoped3A : memref<!tpu.dma_semaphore, #tpu.memory_space<semaphore_mem>>)
      %dma_wait3A = tpu.memref_slice %arg2[%mul3A_2] : memref<32768xi32, #tpu.memory_space<hbm>> -> memref<1024xi32, #tpu.memory_space<hbm>>
      %dma_wait3A_39 = tpu.memref_slice %arg2[%mul3A_2] : memref<32768xi32, #tpu.memory_space<hbm>> -> memref<1024xi32, #tpu.memory_space<hbm>>
      tpu.wait_dma2 semaphore(%run_scoped3A : memref<!tpu.dma_semaphore, #tpu.memory_space<semaphore_mem>>) src(%dma_wait3A_39 : memref<1024xi32, #tpu.memory_space<hbm>>) dst(%arg5 : memref<1024xi32, #tpu.memory_space<vmem>>)
      tpu.yield
    }) : () -> ()
    "tpu.region"() ({
      %run_scoped3A = tpu.sem_alloc : memref<!tpu.dma_semaphore, #tpu.memory_space<semaphore_mem>>
      tpu.enqueue_dma source(%arg3 : memref<32x1024xf32, #tpu.memory_space<hbm>>) target(%arg6 : memref<32x1024xf32, #tpu.memory_space<vmem>>) target_semaphore(%run_scoped3A : memref<!tpu.dma_semaphore, #tpu.memory_space<semaphore_mem>>)
      tpu.wait_dma2 semaphore(%run_scoped3A : memref<!tpu.dma_semaphore, #tpu.memory_space<semaphore_mem>>) src(%arg3 : memref<32x1024xf32, #tpu.memory_space<hbm>>) dst(%arg6 : memref<32x1024xf32, #tpu.memory_space<vmem>>)
      tpu.yield
    }) : () -> ()
    %scan3A = arith.constant 0 : i32
    %scan3A_33 = arith.constant 0 : i32
    %scan3A_34 = arith.constant 2 : i32
    %scan3A_35 = arith.addi %scan3A_33, %scan3A_34 : i32
    %scan3A_36 = arith.constant 1 : i32
    scf.for %scan3A_38 = %scan3A_33 to %scan3A_35 step %scan3A_36  : i32 {
      %scan3A_39 = arith.constant 0 : i32
      %scan3A_40 = arith.constant 0 : i32
      %scan3A_41 = arith.constant 32 : i32
      %scan3A_42 = arith.addi %scan3A_40, %scan3A_41 : i32
      %scan3A_43 = arith.constant 4 : i32
      scf.for %scan3A_48 = %scan3A_40 to %scan3A_42 step %scan3A_43  : i32 {
        %mul3A_49 = arith.constant 512 : i32
        %mul3A_50 = arith.muli %scan3A_38, %mul3A_49 : i32
        %mul3A_51 = arith.constant 16 : i32
        %mul3A_52 = arith.muli %scan3A_48, %mul3A_51 : i32
        %add3A_53 = arith.addi %mul3A_50, %mul3A_52 : i32
        %get3A = arith.index_cast %add3A_53 : i32 to index
        %get3A_54 = tpu.vector_load %arg5[%get3A] {strides = array<i32>} : memref<1024xi32, #tpu.memory_space<vmem>>, vector<16xi32>,
        %broadcast_in_dim3A = arith.constant 0 : i32
        %broadcast_in_dim3A_55 = vector.broadcast %broadcast_in_dim3A : i32 to vector<16xi32>
        %gather3A = tpu.vector_load_idx %arg6[%broadcast_in_dim3A_55, %get3A_54] : memref<32x1024xf32, #tpu.memory_space<vmem>>[vector<16xi32>, vector<16xi32>], vector<16xf32>,
        %mul3A_56 = arith.constant 16 : i32
        %mul3A_57 = arith.muli %scan3A_48, %mul3A_56 : i32
        %swap3A = arith.constant 0 : i32
        %swap3A_58 = arith.index_cast %swap3A : i32 to index
        %swap3A_59 = arith.index_cast %mul3A_57 : i32 to index
        %swap3A_60 = tpu.vector_load %arg7[%swap3A_58, %swap3A_59] {strides = array<i32>} : memref<32x512xf32, #tpu.memory_space<vmem>>, vector<16xf32>,
        tpu.vector_store %arg7[%swap3A_58, %swap3A_59], %gather3A {strides = array<i32>} : memref<32x512xf32, #tpu.memory_space<vmem>>, vector<16xf32>,
        %broadcast_in_dim3A_61 = arith.constant 1 : i32
        %broadcast_in_dim3A_62 = vector.broadcast %broadcast_in_dim3A_61 : i32 to vector<16xi32>
        %gather3A_63 = tpu.vector_load_idx %arg6[%broadcast_in_dim3A_62, %get3A_54] : memref<32x1024xf32, #tpu.memory_space<vmem>>[vector<16xi32>, vector<16xi32>], vector<16xf32>,
        %mul3A_64 = arith.constant 16 : i32
        %mul3A_65 = arith.muli %scan3A_48, %mul3A_64 : i32
        %swap3A_66 = arith.constant 1 : i32
        %swap3A_67 = arith.index_cast %swap3A_66 : i32 to index
        %swap3A_68 = arith.index_cast %mul3A_65 : i32 to index
        %swap3A_69 = tpu.vector_load %arg7[%swap3A_67, %swap3A_68] {strides = array<i32>} : memref<32x512xf32, #tpu.memory_space<vmem>>, vector<16xf32>,
        tpu.vector_store %arg7[%swap3A_67, %swap3A_68], %gather3A_63 {strides = array<i32>} : memref<32x512xf32, #tpu.memory_space<vmem>>, vector<16xf32>,
        %broadcast_in_dim3A_70 = arith.constant 2 : i32
        %broadcast_in_dim3A_71 = vector.broadcast %broadcast_in_dim3A_70 : i32 to vector<16xi32>
        %gather3A_72 = tpu.vector_load_idx %arg6[%broadcast_in_dim3A_71, %get3A_54] : memref<32x1024xf32, #tpu.memory_space<vmem>>[vector<16xi32>, vector<16xi32>], vector<16xf32>,
        %mul3A_73 = arith.constant 16 : i32
        %mul3A_74 = arith.muli %scan3A_48, %mul3A_73 : i32
        %swap3A_75 = arith.constant 2 : i32
        %swap3A_76 = arith.index_cast %swap3A_75 : i32 to index
        %swap3A_77 = arith.index_cast %mul3A_74 : i32 to index
        %swap3A_78 = tpu.vector_load %arg7[%swap3A_76, %swap3A_77] {strides = array<i32>} : memref<32x512xf32, #tpu.memory_space<vmem>>, vector<16xf32>,
        tpu.vector_store %arg7[%swap3A_76, %swap3A_77], %gather3A_72 {strides = array<i32>} : memref<32x512xf32, #tpu.memory_space<vmem>>, vector<16xf32>,
        %broadcast_in_dim3A_79 = arith.constant 3 : i32
        %broadcast_in_dim3A_80 = vector.broadcast %broadcast_in_dim3A_79 : i32 to vector<16xi32>
        %gather3A_81 = tpu.vector_load_idx %arg6[%broadcast_in_dim3A_80, %get3A_54] : memref<32x1024xf32, #tpu.memory_space<vmem>>[vector<16xi32>, vector<16xi32>], vector<16xf32>,
        %mul3A_82 = arith.constant 16 : i32
        %mul3A_83 = arith.muli %scan3A_48, %mul3A_82 : i32
        %swap3A_84 = arith.constant 3 : i32
        %swap3A_85 = arith.index_cast %swap3A_84 : i32 to index
        %swap3A_86 = arith.index_cast %mul3A_83 : i32 to index
        %swap3A_87 = tpu.vector_load %arg7[%swap3A_85, %swap3A_86] {strides = array<i32>} : memref<32x512xf32, #tpu.memory_space<vmem>>, vector<16xf32>,
        tpu.vector_store %arg7[%swap3A_85, %swap3A_86], %gather3A_81 {strides = array<i32>} : memref<32x512xf32, #tpu.memory_space<vmem>>, vector<16xf32>,
        %broadcast_in_dim3A_88 = arith.constant 4 : i32
        %broadcast_in_dim3A_89 = vector.broadcast %broadcast_in_dim3A_88 : i32 to vector<16xi32>
        %gather3A_90 = tpu.vector_load_idx %arg6[%broadcast_in_dim3A_89, %get3A_54] : memref<32x1024xf32, #tpu.memory_space<vmem>>[vector<16xi32>, vector<16xi32>], vector<16xf32>,
        %mul3A_91 = arith.constant 16 : i32
        %mul3A_92 = arith.muli %scan3A_48, %mul3A_91 : i32
        %swap3A_93 = arith.constant 4 : i32
        %swap3A_94 = arith.index_cast %swap3A_93 : i32 to index
        %swap3A_95 = arith.index_cast %mul3A_92 : i32 to index
        %swap3A_96 = tpu.vector_load %arg7[%swap3A_94, %swap3A_95] {strides = array<i32>} : memref<32x512xf32, #tpu.memory_space<vmem>>, vector<16xf32>,
        tpu.vector_store %arg7[%swap3A_94, %swap3A_95], %gather3A_90 {strides = array<i32>} : memref<32x512xf32, #tpu.memory_space<vmem>>, vector<16xf32>,
        %broadcast_in_dim3A_97 = arith.constant 5 : i32
        %broadcast_in_dim3A_98 = vector.broadcast %broadcast_in_dim3A_97 : i32 to vector<16xi32>
        %gather3A_99 = tpu.vector_load_idx %arg6[%broadcast_in_dim3A_98, %get3A_54] : memref<32x1024xf32, #tpu.memory_space<vmem>>[vector<16xi32>, vector<16xi32>], vector<16xf32>,
        %mul3A_100 = arith.constant 16 : i32
        %mul3A_101 = arith.muli %scan3A_48, %mul3A_100 : i32
        %swap3A_102 = arith.constant 5 : i32
        %swap3A_103 = arith.index_cast %swap3A_102 : i32 to index
        %swap3A_104 = arith.index_cast %mul3A_101 : i32 to index
        %swap3A_105 = tpu.vector_load %arg7[%swap3A_103, %swap3A_104] {strides = array<i32>} : memref<32x512xf32, #tpu.memory_space<vmem>>, vector<16xf32>,
        tpu.vector_store %arg7[%swap3A_103, %swap3A_104], %gather3A_99 {strides = array<i32>} : memref<32x512xf32, #tpu.memory_space<vmem>>, vector<16xf32>,
        %broadcast_in_dim3A_106 = arith.constant 6 : i32
        %broadcast_in_dim3A_107 = vector.broadcast %broadcast_in_dim3A_106 : i32 to vector<16xi32>
        %gather3A_108 = tpu.vector_load_idx %arg6[%broadcast_in_dim3A_107, %get3A_54] : memref<32x1024xf32, #tpu.memory_space<vmem>>[vector<16xi32>, vector<16xi32>], vector<16xf32>,
        %mul3A_109 = arith.constant 16 : i32
        %mul3A_110 = arith.muli %scan3A_48, %mul3A_109 : i32
        %swap3A_111 = arith.constant 6 : i32
        %swap3A_112 = arith.index_cast %swap3A_111 : i32 to index
        %swap3A_113 = arith.index_cast %mul3A_110 : i32 to index
        %swap3A_114 = tpu.vector_load %arg7[%swap3A_112, %swap3A_113] {strides = array<i32>} : memref<32x512xf32, #tpu.memory_space<vmem>>, vector<16xf32>,
        tpu.vector_store %arg7[%swap3A_112, %swap3A_113], %gather3A_108 {strides = array<i32>} : memref<32x512xf32, #tpu.memory_space<vmem>>, vector<16xf32>,
        %broadcast_in_dim3A_115 = arith.constant 7 : i32
        %broadcast_in_dim3A_116 = vector.broadcast %broadcast_in_dim3A_115 : i32 to vector<16xi32>
        %gather3A_117 = tpu.vector_load_idx %arg6[%broadcast_in_dim3A_116, %get3A_54] : memref<32x1024xf32, #tpu.memory_space<vmem>>[vector<16xi32>, vector<16xi32>], vector<16xf32>,
        %mul3A_118 = arith.constant 16 : i32
        %mul3A_119 = arith.muli %scan3A_48, %mul3A_118 : i32
        %swap3A_120 = arith.constant 7 : i32
        %swap3A_121 = arith.index_cast %swap3A_120 : i32 to index
        %swap3A_122 = arith.index_cast %mul3A_119 : i32 to index
        %swap3A_123 = tpu.vector_load %arg7[%swap3A_121, %swap3A_122] {strides = array<i32>} : memref<32x512xf32, #tpu.memory_space<vmem>>, vector<16xf32>,
        tpu.vector_store %arg7[%swap3A_121, %swap3A_122], %gather3A_117 {strides = array<i32>} : memref<32x512xf32, #tpu.memory_space<vmem>>, vector<16xf32>,
        %broadcast_in_dim3A_124 = arith.constant 8 : i32
        %broadcast_in_dim3A_125 = vector.broadcast %broadcast_in_dim3A_124 : i32 to vector<16xi32>
        %gather3A_126 = tpu.vector_load_idx %arg6[%broadcast_in_dim3A_125, %get3A_54] : memref<32x1024xf32, #tpu.memory_space<vmem>>[vector<16xi32>, vector<16xi32>], vector<16xf32>,
        %mul3A_127 = arith.constant 16 : i32
        %mul3A_128 = arith.muli %scan3A_48, %mul3A_127 : i32
        %swap3A_129 = arith.constant 8 : i32
        %swap3A_130 = arith.index_cast %swap3A_129 : i32 to index
        %swap3A_131 = arith.index_cast %mul3A_128 : i32 to index
        %swap3A_132 = tpu.vector_load %arg7[%swap3A_130, %swap3A_131] {strides = array<i32>} : memref<32x512xf32, #tpu.memory_space<vmem>>, vector<16xf32>,
        tpu.vector_store %arg7[%swap3A_130, %swap3A_131], %gather3A_126 {strides = array<i32>} : memref<32x512xf32, #tpu.memory_space<vmem>>, vector<16xf32>,
        %broadcast_in_dim3A_133 = arith.constant 9 : i32
        %broadcast_in_dim3A_134 = vector.broadcast %broadcast_in_dim3A_133 : i32 to vector<16xi32>
        %gather3A_135 = tpu.vector_load_idx %arg6[%broadcast_in_dim3A_134, %get3A_54] : memref<32x1024xf32, #tpu.memory_space<vmem>>[vector<16xi32>, vector<16xi32>], vector<16xf32>,
        %mul3A_136 = arith.constant 16 : i32
        %mul3A_137 = arith.muli %scan3A_48, %mul3A_136 : i32
        %swap3A_138 = arith.constant 9 : i32
        %swap3A_139 = arith.index_cast %swap3A_138 : i32 to index
        %swap3A_140 = arith.index_cast %mul3A_137 : i32 to index
        %swap3A_141 = tpu.vector_load %arg7[%swap3A_139, %swap3A_140] {strides = array<i32>} : memref<32x512xf32, #tpu.memory_space<vmem>>, vector<16xf32>,
        tpu.vector_store %arg7[%swap3A_139, %swap3A_140], %gather3A_135 {strides = array<i32>} : memref<32x512xf32, #tpu.memory_space<vmem>>, vector<16xf32>,
        %broadcast_in_dim3A_142 = arith.constant 10 : i32
        %broadcast_in_dim3A_143 = vector.broadcast %broadcast_in_dim3A_142 : i32 to vector<16xi32>
        %gather3A_144 = tpu.vector_load_idx %arg6[%broadcast_in_dim3A_143, %get3A_54] : memref<32x1024xf32, #tpu.memory_space<vmem>>[vector<16xi32>, vector<16xi32>], vector<16xf32>,
        %mul3A_145 = arith.constant 16 : i32
        %mul3A_146 = arith.muli %scan3A_48, %mul3A_145 : i32
        %swap3A_147 = arith.constant 10 : i32
        %swap3A_148 = arith.index_cast %swap3A_147 : i32 to index
        %swap3A_149 = arith.index_cast %mul3A_146 : i32 to index
        %swap3A_150 = tpu.vector_load %arg7[%swap3A_148, %swap3A_149] {strides = array<i32>} : memref<32x512xf32, #tpu.memory_space<vmem>>, vector<16xf32>,
        tpu.vector_store %arg7[%swap3A_148, %swap3A_149], %gather3A_144 {strides = array<i32>} : memref<32x512xf32, #tpu.memory_space<vmem>>, vector<16xf32>,
        %broadcast_in_dim3A_151 = arith.constant 11 : i32
        %broadcast_in_dim3A_152 = vector.broadcast %broadcast_in_dim3A_151 : i32 to vector<16xi32>
        %gather3A_153 = tpu.vector_load_idx %arg6[%broadcast_in_dim3A_152, %get3A_54] : memref<32x1024xf32, #tpu.memory_space<vmem>>[vector<16xi32>, vector<16xi32>], vector<16xf32>,
        %mul3A_154 = arith.constant 16 : i32
        %mul3A_155 = arith.muli %scan3A_48, %mul3A_154 : i32
        %swap3A_156 = arith.constant 11 : i32
        %swap3A_157 = arith.index_cast %swap3A_156 : i32 to index
        %swap3A_158 = arith.index_cast %mul3A_155 : i32 to index
        %swap3A_159 = tpu.vector_load %arg7[%swap3A_157, %swap3A_158] {strides = array<i32>} : memref<32x512xf32, #tpu.memory_space<vmem>>, vector<16xf32>,
        tpu.vector_store %arg7[%swap3A_157, %swap3A_158], %gather3A_153 {strides = array<i32>} : memref<32x512xf32, #tpu.memory_space<vmem>>, vector<16xf32>,
        %broadcast_in_dim3A_160 = arith.constant 12 : i32
        %broadcast_in_dim3A_161 = vector.broadcast %broadcast_in_dim3A_160 : i32 to vector<16xi32>
        %gather3A_162 = tpu.vector_load_idx %arg6[%broadcast_in_dim3A_161, %get3A_54] : memref<32x1024xf32, #tpu.memory_space<vmem>>[vector<16xi32>, vector<16xi32>], vector<16xf32>,
        %mul3A_163 = arith.constant 16 : i32
        %mul3A_164 = arith.muli %scan3A_48, %mul3A_163 : i32
        %swap3A_165 = arith.constant 12 : i32
        %swap3A_166 = arith.index_cast %swap3A_165 : i32 to index
        %swap3A_167 = arith.index_cast %mul3A_164 : i32 to index
        %swap3A_168 = tpu.vector_load %arg7[%swap3A_166, %swap3A_167] {strides = array<i32>} : memref<32x512xf32, #tpu.memory_space<vmem>>, vector<16xf32>,
        tpu.vector_store %arg7[%swap3A_166, %swap3A_167], %gather3A_162 {strides = array<i32>} : memref<32x512xf32, #tpu.memory_space<vmem>>, vector<16xf32>,
        %broadcast_in_dim3A_169 = arith.constant 13 : i32
        %broadcast_in_dim3A_170 = vector.broadcast %broadcast_in_dim3A_169 : i32 to vector<16xi32>
        %gather3A_171 = tpu.vector_load_idx %arg6[%broadcast_in_dim3A_170, %get3A_54] : memref<32x1024xf32, #tpu.memory_space<vmem>>[vector<16xi32>, vector<16xi32>], vector<16xf32>,
        %mul3A_172 = arith.constant 16 : i32
        %mul3A_173 = arith.muli %scan3A_48, %mul3A_172 : i32
        %swap3A_174 = arith.constant 13 : i32
        %swap3A_175 = arith.index_cast %swap3A_174 : i32 to index
        %swap3A_176 = arith.index_cast %mul3A_173 : i32 to index
        %swap3A_177 = tpu.vector_load %arg7[%swap3A_175, %swap3A_176] {strides = array<i32>} : memref<32x512xf32, #tpu.memory_space<vmem>>, vector<16xf32>,
        tpu.vector_store %arg7[%swap3A_175, %swap3A_176], %gather3A_171 {strides = array<i32>} : memref<32x512xf32, #tpu.memory_space<vmem>>, vector<16xf32>,
        %broadcast_in_dim3A_178 = arith.constant 14 : i32
        %broadcast_in_dim3A_179 = vector.broadcast %broadcast_in_dim3A_178 : i32 to vector<16xi32>
        %gather3A_180 = tpu.vector_load_idx %arg6[%broadcast_in_dim3A_179, %get3A_54] : memref<32x1024xf32, #tpu.memory_space<vmem>>[vector<16xi32>, vector<16xi32>], vector<16xf32>,
        %mul3A_181 = arith.constant 16 : i32
        %mul3A_182 = arith.muli %scan3A_48, %mul3A_181 : i32
        %swap3A_183 = arith.constant 14 : i32
        %swap3A_184 = arith.index_cast %swap3A_183 : i32 to index
        %swap3A_185 = arith.index_cast %mul3A_182 : i32 to index
        %swap3A_186 = tpu.vector_load %arg7[%swap3A_184, %swap3A_185] {strides = array<i32>} : memref<32x512xf32, #tpu.memory_space<vmem>>, vector<16xf32>,
        tpu.vector_store %arg7[%swap3A_184, %swap3A_185], %gather3A_180 {strides = array<i32>} : memref<32x512xf32, #tpu.memory_space<vmem>>, vector<16xf32>,
        %broadcast_in_dim3A_187 = arith.constant 15 : i32
        %broadcast_in_dim3A_188 = vector.broadcast %broadcast_in_dim3A_187 : i32 to vector<16xi32>
        %gather3A_189 = tpu.vector_load_idx %arg6[%broadcast_in_dim3A_188, %get3A_54] : memref<32x1024xf32, #tpu.memory_space<vmem>>[vector<16xi32>, vector<16xi32>], vector<16xf32>,
        %mul3A_190 = arith.constant 16 : i32
        %mul3A_191 = arith.muli %scan3A_48, %mul3A_190 : i32
        %swap3A_192 = arith.constant 15 : i32
        %swap3A_193 = arith.index_cast %swap3A_192 : i32 to index
        %swap3A_194 = arith.index_cast %mul3A_191 : i32 to index
        %swap3A_195 = tpu.vector_load %arg7[%swap3A_193, %swap3A_194] {strides = array<i32>} : memref<32x512xf32, #tpu.memory_space<vmem>>, vector<16xf32>,
        tpu.vector_store %arg7[%swap3A_193, %swap3A_194], %gather3A_189 {strides = array<i32>} : memref<32x512xf32, #tpu.memory_space<vmem>>, vector<16xf32>,
        %broadcast_in_dim3A_196 = arith.constant 16 : i32
        %broadcast_in_dim3A_197 = vector.broadcast %broadcast_in_dim3A_196 : i32 to vector<16xi32>
        %gather3A_198 = tpu.vector_load_idx %arg6[%broadcast_in_dim3A_197, %get3A_54] : memref<32x1024xf32, #tpu.memory_space<vmem>>[vector<16xi32>, vector<16xi32>], vector<16xf32>,
        %mul3A_199 = arith.constant 16 : i32
        %mul3A_200 = arith.muli %scan3A_48, %mul3A_199 : i32
        %swap3A_201 = arith.constant 16 : i32
        %swap3A_202 = arith.index_cast %swap3A_201 : i32 to index
        %swap3A_203 = arith.index_cast %mul3A_200 : i32 to index
        %swap3A_204 = tpu.vector_load %arg7[%swap3A_202, %swap3A_203] {strides = array<i32>} : memref<32x512xf32, #tpu.memory_space<vmem>>, vector<16xf32>,
        tpu.vector_store %arg7[%swap3A_202, %swap3A_203], %gather3A_198 {strides = array<i32>} : memref<32x512xf32, #tpu.memory_space<vmem>>, vector<16xf32>,
        %broadcast_in_dim3A_205 = arith.constant 17 : i32
        %broadcast_in_dim3A_206 = vector.broadcast %broadcast_in_dim3A_205 : i32 to vector<16xi32>
        %gather3A_207 = tpu.vector_load_idx %arg6[%broadcast_in_dim3A_206, %get3A_54] : memref<32x1024xf32, #tpu.memory_space<vmem>>[vector<16xi32>, vector<16xi32>], vector<16xf32>,
        %mul3A_208 = arith.constant 16 : i32
        %mul3A_209 = arith.muli %scan3A_48, %mul3A_208 : i32
        %swap3A_210 = arith.constant 17 : i32
        %swap3A_211 = arith.index_cast %swap3A_210 : i32 to index
        %swap3A_212 = arith.index_cast %mul3A_209 : i32 to index
        %swap3A_213 = tpu.vector_load %arg7[%swap3A_211, %swap3A_212] {strides = array<i32>} : memref<32x512xf32, #tpu.memory_space<vmem>>, vector<16xf32>,
        tpu.vector_store %arg7[%swap3A_211, %swap3A_212], %gather3A_207 {strides = array<i32>} : memref<32x512xf32, #tpu.memory_space<vmem>>, vector<16xf32>,
        %broadcast_in_dim3A_214 = arith.constant 18 : i32
        %broadcast_in_dim3A_215 = vector.broadcast %broadcast_in_dim3A_214 : i32 to vector<16xi32>
        %gather3A_216 = tpu.vector_load_idx %arg6[%broadcast_in_dim3A_215, %get3A_54] : memref<32x1024xf32, #tpu.memory_space<vmem>>[vector<16xi32>, vector<16xi32>], vector<16xf32>,
        %mul3A_217 = arith.constant 16 : i32
        %mul3A_218 = arith.muli %scan3A_48, %mul3A_217 : i32
        %swap3A_219 = arith.constant 18 : i32
        %swap3A_220 = arith.index_cast %swap3A_219 : i32 to index
        %swap3A_221 = arith.index_cast %mul3A_218 : i32 to index
        %swap3A_222 = tpu.vector_load %arg7[%swap3A_220, %swap3A_221] {strides = array<i32>} : memref<32x512xf32, #tpu.memory_space<vmem>>, vector<16xf32>,
        tpu.vector_store %arg7[%swap3A_220, %swap3A_221], %gather3A_216 {strides = array<i32>} : memref<32x512xf32, #tpu.memory_space<vmem>>, vector<16xf32>,
        %broadcast_in_dim3A_223 = arith.constant 19 : i32
        %broadcast_in_dim3A_224 = vector.broadcast %broadcast_in_dim3A_223 : i32 to vector<16xi32>
        %gather3A_225 = tpu.vector_load_idx %arg6[%broadcast_in_dim3A_224, %get3A_54] : memref<32x1024xf32, #tpu.memory_space<vmem>>[vector<16xi32>, vector<16xi32>], vector<16xf32>,
        %mul3A_226 = arith.constant 16 : i32
        %mul3A_227 = arith.muli %scan3A_48, %mul3A_226 : i32
        %swap3A_228 = arith.constant 19 : i32
        %swap3A_229 = arith.index_cast %swap3A_228 : i32 to index
        %swap3A_230 = arith.index_cast %mul3A_227 : i32 to index
        %swap3A_231 = tpu.vector_load %arg7[%swap3A_229, %swap3A_230] {strides = array<i32>} : memref<32x512xf32, #tpu.memory_space<vmem>>, vector<16xf32>,
        tpu.vector_store %arg7[%swap3A_229, %swap3A_230], %gather3A_225 {strides = array<i32>} : memref<32x512xf32, #tpu.memory_space<vmem>>, vector<16xf32>,
        %broadcast_in_dim3A_232 = arith.constant 20 : i32
        %broadcast_in_dim3A_233 = vector.broadcast %broadcast_in_dim3A_232 : i32 to vector<16xi32>
        %gather3A_234 = tpu.vector_load_idx %arg6[%broadcast_in_dim3A_233, %get3A_54] : memref<32x1024xf32, #tpu.memory_space<vmem>>[vector<16xi32>, vector<16xi32>], vector<16xf32>,
        %mul3A_235 = arith.constant 16 : i32
        %mul3A_236 = arith.muli %scan3A_48, %mul3A_235 : i32
        %swap3A_237 = arith.constant 20 : i32
        %swap3A_238 = arith.index_cast %swap3A_237 : i32 to index
        %swap3A_239 = arith.index_cast %mul3A_236 : i32 to index
        %swap3A_240 = tpu.vector_load %arg7[%swap3A_238, %swap3A_239] {strides = array<i32>} : memref<32x512xf32, #tpu.memory_space<vmem>>, vector<16xf32>,
        tpu.vector_store %arg7[%swap3A_238, %swap3A_239], %gather3A_234 {strides = array<i32>} : memref<32x512xf32, #tpu.memory_space<vmem>>, vector<16xf32>,
        %broadcast_in_dim3A_241 = arith.constant 21 : i32
        %broadcast_in_dim3A_242 = vector.broadcast %broadcast_in_dim3A_241 : i32 to vector<16xi32>
        %gather3A_243 = tpu.vector_load_idx %arg6[%broadcast_in_dim3A_242, %get3A_54] : memref<32x1024xf32, #tpu.memory_space<vmem>>[vector<16xi32>, vector<16xi32>], vector<16xf32>,
        %mul3A_244 = arith.constant 16 : i32
        %mul3A_245 = arith.muli %scan3A_48, %mul3A_244 : i32
        %swap3A_246 = arith.constant 21 : i32
        %swap3A_247 = arith.index_cast %swap3A_246 : i32 to index
        %swap3A_248 = arith.index_cast %mul3A_245 : i32 to index
        %swap3A_249 = tpu.vector_load %arg7[%swap3A_247, %swap3A_248] {strides = array<i32>} : memref<32x512xf32, #tpu.memory_space<vmem>>, vector<16xf32>,
        tpu.vector_store %arg7[%swap3A_247, %swap3A_248], %gather3A_243 {strides = array<i32>} : memref<32x512xf32, #tpu.memory_space<vmem>>, vector<16xf32>,
        %broadcast_in_dim3A_250 = arith.constant 22 : i32
        %broadcast_in_dim3A_251 = vector.broadcast %broadcast_in_dim3A_250 : i32 to vector<16xi32>
        %gather3A_252 = tpu.vector_load_idx %arg6[%broadcast_in_dim3A_251, %get3A_54] : memref<32x1024xf32, #tpu.memory_space<vmem>>[vector<16xi32>, vector<16xi32>], vector<16xf32>,
        %mul3A_253 = arith.constant 16 : i32
        %mul3A_254 = arith.muli %scan3A_48, %mul3A_253 : i32
        %swap3A_255 = arith.constant 22 : i32
        %swap3A_256 = arith.index_cast %swap3A_255 : i32 to index
        %swap3A_257 = arith.index_cast %mul3A_254 : i32 to index
        %swap3A_258 = tpu.vector_load %arg7[%swap3A_256, %swap3A_257] {strides = array<i32>} : memref<32x512xf32, #tpu.memory_space<vmem>>, vector<16xf32>,
        tpu.vector_store %arg7[%swap3A_256, %swap3A_257], %gather3A_252 {strides = array<i32>} : memref<32x512xf32, #tpu.memory_space<vmem>>, vector<16xf32>,
        %broadcast_in_dim3A_259 = arith.constant 23 : i32
        %broadcast_in_dim3A_260 = vector.broadcast %broadcast_in_dim3A_259 : i32 to vector<16xi32>
        %gather3A_261 = tpu.vector_load_idx %arg6[%broadcast_in_dim3A_260, %get3A_54] : memref<32x1024xf32, #tpu.memory_space<vmem>>[vector<16xi32>, vector<16xi32>], vector<16xf32>,
        %mul3A_262 = arith.constant 16 : i32
        %mul3A_263 = arith.muli %scan3A_48, %mul3A_262 : i32
        %swap3A_264 = arith.constant 23 : i32
        %swap3A_265 = arith.index_cast %swap3A_264 : i32 to index
        %swap3A_266 = arith.index_cast %mul3A_263 : i32 to index
        %swap3A_267 = tpu.vector_load %arg7[%swap3A_265, %swap3A_266] {strides = array<i32>} : memref<32x512xf32, #tpu.memory_space<vmem>>, vector<16xf32>,
        tpu.vector_store %arg7[%swap3A_265, %swap3A_266], %gather3A_261 {strides = array<i32>} : memref<32x512xf32, #tpu.memory_space<vmem>>, vector<16xf32>,
        %broadcast_in_dim3A_268 = arith.constant 24 : i32
        %broadcast_in_dim3A_269 = vector.broadcast %broadcast_in_dim3A_268 : i32 to vector<16xi32>
        %gather3A_270 = tpu.vector_load_idx %arg6[%broadcast_in_dim3A_269, %get3A_54] : memref<32x1024xf32, #tpu.memory_space<vmem>>[vector<16xi32>, vector<16xi32>], vector<16xf32>,
        %mul3A_271 = arith.constant 16 : i32
        %mul3A_272 = arith.muli %scan3A_48, %mul3A_271 : i32
        %swap3A_273 = arith.constant 24 : i32
        %swap3A_274 = arith.index_cast %swap3A_273 : i32 to index
        %swap3A_275 = arith.index_cast %mul3A_272 : i32 to index
        %swap3A_276 = tpu.vector_load %arg7[%swap3A_274, %swap3A_275] {strides = array<i32>} : memref<32x512xf32, #tpu.memory_space<vmem>>, vector<16xf32>,
        tpu.vector_store %arg7[%swap3A_274, %swap3A_275], %gather3A_270 {strides = array<i32>} : memref<32x512xf32, #tpu.memory_space<vmem>>, vector<16xf32>,
        %broadcast_in_dim3A_277 = arith.constant 25 : i32
        %broadcast_in_dim3A_278 = vector.broadcast %broadcast_in_dim3A_277 : i32 to vector<16xi32>
        %gather3A_279 = tpu.vector_load_idx %arg6[%broadcast_in_dim3A_278, %get3A_54] : memref<32x1024xf32, #tpu.memory_space<vmem>>[vector<16xi32>, vector<16xi32>], vector<16xf32>,
        %mul3A_280 = arith.constant 16 : i32
        %mul3A_281 = arith.muli %scan3A_48, %mul3A_280 : i32
        %swap3A_282 = arith.constant 25 : i32
        %swap3A_283 = arith.index_cast %swap3A_282 : i32 to index
        %swap3A_284 = arith.index_cast %mul3A_281 : i32 to index
        %swap3A_285 = tpu.vector_load %arg7[%swap3A_283, %swap3A_284] {strides = array<i32>} : memref<32x512xf32, #tpu.memory_space<vmem>>, vector<16xf32>,
        tpu.vector_store %arg7[%swap3A_283, %swap3A_284], %gather3A_279 {strides = array<i32>} : memref<32x512xf32, #tpu.memory_space<vmem>>, vector<16xf32>,
        %broadcast_in_dim3A_286 = arith.constant 26 : i32
        %broadcast_in_dim3A_287 = vector.broadcast %broadcast_in_dim3A_286 : i32 to vector<16xi32>
        %gather3A_288 = tpu.vector_load_idx %arg6[%broadcast_in_dim3A_287, %get3A_54] : memref<32x1024xf32, #tpu.memory_space<vmem>>[vector<16xi32>, vector<16xi32>], vector<16xf32>,
        %mul3A_289 = arith.constant 16 : i32
        %mul3A_290 = arith.muli %scan3A_48, %mul3A_289 : i32
        %swap3A_291 = arith.constant 26 : i32
        %swap3A_292 = arith.index_cast %swap3A_291 : i32 to index
        %swap3A_293 = arith.index_cast %mul3A_290 : i32 to index
        %swap3A_294 = tpu.vector_load %arg7[%swap3A_292, %swap3A_293] {strides = array<i32>} : memref<32x512xf32, #tpu.memory_space<vmem>>, vector<16xf32>,
        tpu.vector_store %arg7[%swap3A_292, %swap3A_293], %gather3A_288 {strides = array<i32>} : memref<32x512xf32, #tpu.memory_space<vmem>>, vector<16xf32>,
        %broadcast_in_dim3A_295 = arith.constant 27 : i32
        %broadcast_in_dim3A_296 = vector.broadcast %broadcast_in_dim3A_295 : i32 to vector<16xi32>
        %gather3A_297 = tpu.vector_load_idx %arg6[%broadcast_in_dim3A_296, %get3A_54] : memref<32x1024xf32, #tpu.memory_space<vmem>>[vector<16xi32>, vector<16xi32>], vector<16xf32>,
        %mul3A_298 = arith.constant 16 : i32
        %mul3A_299 = arith.muli %scan3A_48, %mul3A_298 : i32
        %swap3A_300 = arith.constant 27 : i32
        %swap3A_301 = arith.index_cast %swap3A_300 : i32 to index
        %swap3A_302 = arith.index_cast %mul3A_299 : i32 to index
        %swap3A_303 = tpu.vector_load %arg7[%swap3A_301, %swap3A_302] {strides = array<i32>} : memref<32x512xf32, #tpu.memory_space<vmem>>, vector<16xf32>,
        tpu.vector_store %arg7[%swap3A_301, %swap3A_302], %gather3A_297 {strides = array<i32>} : memref<32x512xf32, #tpu.memory_space<vmem>>, vector<16xf32>,
        %broadcast_in_dim3A_304 = arith.constant 28 : i32
        %broadcast_in_dim3A_305 = vector.broadcast %broadcast_in_dim3A_304 : i32 to vector<16xi32>
        %gather3A_306 = tpu.vector_load_idx %arg6[%broadcast_in_dim3A_305, %get3A_54] : memref<32x1024xf32, #tpu.memory_space<vmem>>[vector<16xi32>, vector<16xi32>], vector<16xf32>,
        %mul3A_307 = arith.constant 16 : i32
        %mul3A_308 = arith.muli %scan3A_48, %mul3A_307 : i32
        %swap3A_309 = arith.constant 28 : i32
        %swap3A_310 = arith.index_cast %swap3A_309 : i32 to index
        %swap3A_311 = arith.index_cast %mul3A_308 : i32 to index
        %swap3A_312 = tpu.vector_load %arg7[%swap3A_310, %swap3A_311] {strides = array<i32>} : memref<32x512xf32, #tpu.memory_space<vmem>>, vector<16xf32>,
        tpu.vector_store %arg7[%swap3A_310, %swap3A_311], %gather3A_306 {strides = array<i32>} : memref<32x512xf32, #tpu.memory_space<vmem>>, vector<16xf32>,
        %broadcast_in_dim3A_313 = arith.constant 29 : i32
        %broadcast_in_dim3A_314 = vector.broadcast %broadcast_in_dim3A_313 : i32 to vector<16xi32>
        %gather3A_315 = tpu.vector_load_idx %arg6[%broadcast_in_dim3A_314, %get3A_54] : memref<32x1024xf32, #tpu.memory_space<vmem>>[vector<16xi32>, vector<16xi32>], vector<16xf32>,
        %mul3A_316 = arith.constant 16 : i32
        %mul3A_317 = arith.muli %scan3A_48, %mul3A_316 : i32
        %swap3A_318 = arith.constant 29 : i32
        %swap3A_319 = arith.index_cast %swap3A_318 : i32 to index
        %swap3A_320 = arith.index_cast %mul3A_317 : i32 to index
        %swap3A_321 = tpu.vector_load %arg7[%swap3A_319, %swap3A_320] {strides = array<i32>} : memref<32x512xf32, #tpu.memory_space<vmem>>, vector<16xf32>,
        tpu.vector_store %arg7[%swap3A_319, %swap3A_320], %gather3A_315 {strides = array<i32>} : memref<32x512xf32, #tpu.memory_space<vmem>>, vector<16xf32>,
        %broadcast_in_dim3A_322 = arith.constant 30 : i32
        %broadcast_in_dim3A_323 = vector.broadcast %broadcast_in_dim3A_322 : i32 to vector<16xi32>
        %gather3A_324 = tpu.vector_load_idx %arg6[%broadcast_in_dim3A_323, %get3A_54] : memref<32x1024xf32, #tpu.memory_space<vmem>>[vector<16xi32>, vector<16xi32>], vector<16xf32>,
        %mul3A_325 = arith.constant 16 : i32
        %mul3A_326 = arith.muli %scan3A_48, %mul3A_325 : i32
        %swap3A_327 = arith.constant 30 : i32
        %swap3A_328 = arith.index_cast %swap3A_327 : i32 to index
        %swap3A_329 = arith.index_cast %mul3A_326 : i32 to index
        %swap3A_330 = tpu.vector_load %arg7[%swap3A_328, %swap3A_329] {strides = array<i32>} : memref<32x512xf32, #tpu.memory_space<vmem>>, vector<16xf32>,
        tpu.vector_store %arg7[%swap3A_328, %swap3A_329], %gather3A_324 {strides = array<i32>} : memref<32x512xf32, #tpu.memory_space<vmem>>, vector<16xf32>,
        %broadcast_in_dim3A_331 = arith.constant 31 : i32
        %broadcast_in_dim3A_332 = vector.broadcast %broadcast_in_dim3A_331 : i32 to vector<16xi32>
        %gather3A_333 = tpu.vector_load_idx %arg6[%broadcast_in_dim3A_332, %get3A_54] : memref<32x1024xf32, #tpu.memory_space<vmem>>[vector<16xi32>, vector<16xi32>], vector<16xf32>,
        %mul3A_334 = arith.constant 16 : i32
        %mul3A_335 = arith.muli %scan3A_48, %mul3A_334 : i32
        %swap3A_336 = arith.constant 31 : i32
        %swap3A_337 = arith.index_cast %swap3A_336 : i32 to index
        %swap3A_338 = arith.index_cast %mul3A_335 : i32 to index
        %swap3A_339 = tpu.vector_load %arg7[%swap3A_337, %swap3A_338] {strides = array<i32>} : memref<32x512xf32, #tpu.memory_space<vmem>>, vector<16xf32>,
        tpu.vector_store %arg7[%swap3A_337, %swap3A_338], %gather3A_333 {strides = array<i32>} : memref<32x512xf32, #tpu.memory_space<vmem>>, vector<16xf32>,
        %scan3A_340 = arith.constant 1 : i32
        %scan3A_341 = arith.addi %scan3A_48, %scan3A_340 : i32
        %mul3A_342 = arith.constant 512 : i32
        %mul3A_343 = arith.muli %scan3A_38, %mul3A_342 : i32
        %mul3A_344 = arith.constant 16 : i32
        %mul3A_345 = arith.muli %scan3A_341, %mul3A_344 : i32
        %add3A_346 = arith.addi %mul3A_343, %mul3A_345 : i32
        %get3A_347 = arith.index_cast %add3A_346 : i32 to index
        %get3A_348 = tpu.vector_load %arg5[%get3A_347] {strides = array<i32>} : memref<1024xi32, #tpu.memory_space<vmem>>, vector<16xi32>,
        %broadcast_in_dim3A_349 = arith.constant 0 : i32
        %broadcast_in_dim3A_350 = vector.broadcast %broadcast_in_dim3A_349 : i32 to vector<16xi32>
        %gather3A_351 = tpu.vector_load_idx %arg6[%broadcast_in_dim3A_350, %get3A_348] : memref<32x1024xf32, #tpu.memory_space<vmem>>[vector<16xi32>, vector<16xi32>], vector<16xf32>,
        %mul3A_352 = arith.constant 16 : i32
        %mul3A_353 = arith.muli %scan3A_341, %mul3A_352 : i32
        %swap3A_354 = arith.constant 0 : i32
        %swap3A_355 = arith.index_cast %swap3A_354 : i32 to index
        %swap3A_356 = arith.index_cast %mul3A_353 : i32 to index
        %swap3A_357 = tpu.vector_load %arg7[%swap3A_355, %swap3A_356] {strides = array<i32>} : memref<32x512xf32, #tpu.memory_space<vmem>>, vector<16xf32>,
        tpu.vector_store %arg7[%swap3A_355, %swap3A_356], %gather3A_351 {strides = array<i32>} : memref<32x512xf32, #tpu.memory_space<vmem>>, vector<16xf32>,
        %broadcast_in_dim3A_358 = arith.constant 1 : i32
        %broadcast_in_dim3A_359 = vector.broadcast %broadcast_in_dim3A_358 : i32 to vector<16xi32>
        %gather3A_360 = tpu.vector_load_idx %arg6[%broadcast_in_dim3A_359, %get3A_348] : memref<32x1024xf32, #tpu.memory_space<vmem>>[vector<16xi32>, vector<16xi32>], vector<16xf32>,
        %mul3A_361 = arith.constant 16 : i32
        %mul3A_362 = arith.muli %scan3A_341, %mul3A_361 : i32
        %swap3A_363 = arith.constant 1 : i32
        %swap3A_364 = arith.index_cast %swap3A_363 : i32 to index
        %swap3A_365 = arith.index_cast %mul3A_362 : i32 to index
        %swap3A_366 = tpu.vector_load %arg7[%swap3A_364, %swap3A_365] {strides = array<i32>} : memref<32x512xf32, #tpu.memory_space<vmem>>, vector<16xf32>,
        tpu.vector_store %arg7[%swap3A_364, %swap3A_365], %gather3A_360 {strides = array<i32>} : memref<32x512xf32, #tpu.memory_space<vmem>>, vector<16xf32>,
        %broadcast_in_dim3A_367 = arith.constant 2 : i32
        %broadcast_in_dim3A_368 = vector.broadcast %broadcast_in_dim3A_367 : i32 to vector<16xi32>
        %gather3A_369 = tpu.vector_load_idx %arg6[%broadcast_in_dim3A_368, %get3A_348] : memref<32x1024xf32, #tpu.memory_space<vmem>>[vector<16xi32>, vector<16xi32>], vector<16xf32>,
        %mul3A_370 = arith.constant 16 : i32
        %mul3A_371 = arith.muli %scan3A_341, %mul3A_370 : i32
        %swap3A_372 = arith.constant 2 : i32
        %swap3A_373 = arith.index_cast %swap3A_372 : i32 to index
        %swap3A_374 = arith.index_cast %mul3A_371 : i32 to index
        %swap3A_375 = tpu.vector_load %arg7[%swap3A_373, %swap3A_374] {strides = array<i32>} : memref<32x512xf32, #tpu.memory_space<vmem>>, vector<16xf32>,
        tpu.vector_store %arg7[%swap3A_373, %swap3A_374], %gather3A_369 {strides = array<i32>} : memref<32x512xf32, #tpu.memory_space<vmem>>, vector<16xf32>,
        %broadcast_in_dim3A_376 = arith.constant 3 : i32
        %broadcast_in_dim3A_377 = vector.broadcast %broadcast_in_dim3A_376 : i32 to vector<16xi32>
        %gather3A_378 = tpu.vector_load_idx %arg6[%broadcast_in_dim3A_377, %get3A_348] : memref<32x1024xf32, #tpu.memory_space<vmem>>[vector<16xi32>, vector<16xi32>], vector<16xf32>,
        %mul3A_379 = arith.constant 16 : i32
        %mul3A_380 = arith.muli %scan3A_341, %mul3A_379 : i32
        %swap3A_381 = arith.constant 3 : i32
        %swap3A_382 = arith.index_cast %swap3A_381 : i32 to index
        %swap3A_383 = arith.index_cast %mul3A_380 : i32 to index
        %swap3A_384 = tpu.vector_load %arg7[%swap3A_382, %swap3A_383] {strides = array<i32>} : memref<32x512xf32, #tpu.memory_space<vmem>>, vector<16xf32>,
        tpu.vector_store %arg7[%swap3A_382, %swap3A_383], %gather3A_378 {strides = array<i32>} : memref<32x512xf32, #tpu.memory_space<vmem>>, vector<16xf32>,
        %broadcast_in_dim3A_385 = arith.constant 4 : i32
        %broadcast_in_dim3A_386 = vector.broadcast %broadcast_in_dim3A_385 : i32 to vector<16xi32>
        %gather3A_387 = tpu.vector_load_idx %arg6[%broadcast_in_dim3A_386, %get3A_348] : memref<32x1024xf32, #tpu.memory_space<vmem>>[vector<16xi32>, vector<16xi32>], vector<16xf32>,
        %mul3A_388 = arith.constant 16 : i32
        %mul3A_389 = arith.muli %scan3A_341, %mul3A_388 : i32
        %swap3A_390 = arith.constant 4 : i32
        %swap3A_391 = arith.index_cast %swap3A_390 : i32 to index
        %swap3A_392 = arith.index_cast %mul3A_389 : i32 to index
        %swap3A_393 = tpu.vector_load %arg7[%swap3A_391, %swap3A_392] {strides = array<i32>} : memref<32x512xf32, #tpu.memory_space<vmem>>, vector<16xf32>,
        tpu.vector_store %arg7[%swap3A_391, %swap3A_392], %gather3A_387 {strides = array<i32>} : memref<32x512xf32, #tpu.memory_space<vmem>>, vector<16xf32>,
        %broadcast_in_dim3A_394 = arith.constant 5 : i32
        %broadcast_in_dim3A_395 = vector.broadcast %broadcast_in_dim3A_394 : i32 to vector<16xi32>
        %gather3A_396 = tpu.vector_load_idx %arg6[%broadcast_in_dim3A_395, %get3A_348] : memref<32x1024xf32, #tpu.memory_space<vmem>>[vector<16xi32>, vector<16xi32>], vector<16xf32>,
        %mul3A_397 = arith.constant 16 : i32
        %mul3A_398 = arith.muli %scan3A_341, %mul3A_397 : i32
        %swap3A_399 = arith.constant 5 : i32
        %swap3A_400 = arith.index_cast %swap3A_399 : i32 to index
        %swap3A_401 = arith.index_cast %mul3A_398 : i32 to index
        %swap3A_402 = tpu.vector_load %arg7[%swap3A_400, %swap3A_401] {strides = array<i32>} : memref<32x512xf32, #tpu.memory_space<vmem>>, vector<16xf32>,
        tpu.vector_store %arg7[%swap3A_400, %swap3A_401], %gather3A_396 {strides = array<i32>} : memref<32x512xf32, #tpu.memory_space<vmem>>, vector<16xf32>,
        %broadcast_in_dim3A_403 = arith.constant 6 : i32
        %broadcast_in_dim3A_404 = vector.broadcast %broadcast_in_dim3A_403 : i32 to vector<16xi32>
        %gather3A_405 = tpu.vector_load_idx %arg6[%broadcast_in_dim3A_404, %get3A_348] : memref<32x1024xf32, #tpu.memory_space<vmem>>[vector<16xi32>, vector<16xi32>], vector<16xf32>,
        %mul3A_406 = arith.constant 16 : i32
        %mul3A_407 = arith.muli %scan3A_341, %mul3A_406 : i32
        %swap3A_408 = arith.constant 6 : i32
        %swap3A_409 = arith.index_cast %swap3A_408 : i32 to index
        %swap3A_410 = arith.index_cast %mul3A_407 : i32 to index
        %swap3A_411 = tpu.vector_load %arg7[%swap3A_409, %swap3A_410] {strides = array<i32>} : memref<32x512xf32, #tpu.memory_space<vmem>>, vector<16xf32>,
        tpu.vector_store %arg7[%swap3A_409, %swap3A_410], %gather3A_405 {strides = array<i32>} : memref<32x512xf32, #tpu.memory_space<vmem>>, vector<16xf32>,
        %broadcast_in_dim3A_412 = arith.constant 7 : i32
        %broadcast_in_dim3A_413 = vector.broadcast %broadcast_in_dim3A_412 : i32 to vector<16xi32>
        %gather3A_414 = tpu.vector_load_idx %arg6[%broadcast_in_dim3A_413, %get3A_348] : memref<32x1024xf32, #tpu.memory_space<vmem>>[vector<16xi32>, vector<16xi32>], vector<16xf32>,
        %mul3A_415 = arith.constant 16 : i32
        %mul3A_416 = arith.muli %scan3A_341, %mul3A_415 : i32
        %swap3A_417 = arith.constant 7 : i32
        %swap3A_418 = arith.index_cast %swap3A_417 : i32 to index
        %swap3A_419 = arith.index_cast %mul3A_416 : i32 to index
        %swap3A_420 = tpu.vector_load %arg7[%swap3A_418, %swap3A_419] {strides = array<i32>} : memref<32x512xf32, #tpu.memory_space<vmem>>, vector<16xf32>,
        tpu.vector_store %arg7[%swap3A_418, %swap3A_419], %gather3A_414 {strides = array<i32>} : memref<32x512xf32, #tpu.memory_space<vmem>>, vector<16xf32>,
        %broadcast_in_dim3A_421 = arith.constant 8 : i32
        %broadcast_in_dim3A_422 = vector.broadcast %broadcast_in_dim3A_421 : i32 to vector<16xi32>
        %gather3A_423 = tpu.vector_load_idx %arg6[%broadcast_in_dim3A_422, %get3A_348] : memref<32x1024xf32, #tpu.memory_space<vmem>>[vector<16xi32>, vector<16xi32>], vector<16xf32>,
        %mul3A_424 = arith.constant 16 : i32
        %mul3A_425 = arith.muli %scan3A_341, %mul3A_424 : i32
        %swap3A_426 = arith.constant 8 : i32
        %swap3A_427 = arith.index_cast %swap3A_426 : i32 to index
        %swap3A_428 = arith.index_cast %mul3A_425 : i32 to index
        %swap3A_429 = tpu.vector_load %arg7[%swap3A_427, %swap3A_428] {strides = array<i32>} : memref<32x512xf32, #tpu.memory_space<vmem>>, vector<16xf32>,
        tpu.vector_store %arg7[%swap3A_427, %swap3A_428], %gather3A_423 {strides = array<i32>} : memref<32x512xf32, #tpu.memory_space<vmem>>, vector<16xf32>,
        %broadcast_in_dim3A_430 = arith.constant 9 : i32
        %broadcast_in_dim3A_431 = vector.broadcast %broadcast_in_dim3A_430 : i32 to vector<16xi32>
        %gather3A_432 = tpu.vector_load_idx %arg6[%broadcast_in_dim3A_431, %get3A_348] : memref<32x1024xf32, #tpu.memory_space<vmem>>[vector<16xi32>, vector<16xi32>], vector<16xf32>,
        %mul3A_433 = arith.constant 16 : i32
        %mul3A_434 = arith.muli %scan3A_341, %mul3A_433 : i32
        %swap3A_435 = arith.constant 9 : i32
        %swap3A_436 = arith.index_cast %swap3A_435 : i32 to index
        %swap3A_437 = arith.index_cast %mul3A_434 : i32 to index
        %swap3A_438 = tpu.vector_load %arg7[%swap3A_436, %swap3A_437] {strides = array<i32>} : memref<32x512xf32, #tpu.memory_space<vmem>>, vector<16xf32>,
        tpu.vector_store %arg7[%swap3A_436, %swap3A_437], %gather3A_432 {strides = array<i32>} : memref<32x512xf32, #tpu.memory_space<vmem>>, vector<16xf32>,
        %broadcast_in_dim3A_439 = arith.constant 10 : i32
        %broadcast_in_dim3A_440 = vector.broadcast %broadcast_in_dim3A_439 : i32 to vector<16xi32>
        %gather3A_441 = tpu.vector_load_idx %arg6[%broadcast_in_dim3A_440, %get3A_348] : memref<32x1024xf32, #tpu.memory_space<vmem>>[vector<16xi32>, vector<16xi32>], vector<16xf32>,
        %mul3A_442 = arith.constant 16 : i32
        %mul3A_443 = arith.muli %scan3A_341, %mul3A_442 : i32
        %swap3A_444 = arith.constant 10 : i32
        %swap3A_445 = arith.index_cast %swap3A_444 : i32 to index
        %swap3A_446 = arith.index_cast %mul3A_443 : i32 to index
        %swap3A_447 = tpu.vector_load %arg7[%swap3A_445, %swap3A_446] {strides = array<i32>} : memref<32x512xf32, #tpu.memory_space<vmem>>, vector<16xf32>,
        tpu.vector_store %arg7[%swap3A_445, %swap3A_446], %gather3A_441 {strides = array<i32>} : memref<32x512xf32, #tpu.memory_space<vmem>>, vector<16xf32>,
        %broadcast_in_dim3A_448 = arith.constant 11 : i32
        %broadcast_in_dim3A_449 = vector.broadcast %broadcast_in_dim3A_448 : i32 to vector<16xi32>
        %gather3A_450 = tpu.vector_load_idx %arg6[%broadcast_in_dim3A_449, %get3A_348] : memref<32x1024xf32, #tpu.memory_space<vmem>>[vector<16xi32>, vector<16xi32>], vector<16xf32>,
        %mul3A_451 = arith.constant 16 : i32
        %mul3A_452 = arith.muli %scan3A_341, %mul3A_451 : i32
        %swap3A_453 = arith.constant 11 : i32
        %swap3A_454 = arith.index_cast %swap3A_453 : i32 to index
        %swap3A_455 = arith.index_cast %mul3A_452 : i32 to index
        %swap3A_456 = tpu.vector_load %arg7[%swap3A_454, %swap3A_455] {strides = array<i32>} : memref<32x512xf32, #tpu.memory_space<vmem>>, vector<16xf32>,
        tpu.vector_store %arg7[%swap3A_454, %swap3A_455], %gather3A_450 {strides = array<i32>} : memref<32x512xf32, #tpu.memory_space<vmem>>, vector<16xf32>,
        %broadcast_in_dim3A_457 = arith.constant 12 : i32
        %broadcast_in_dim3A_458 = vector.broadcast %broadcast_in_dim3A_457 : i32 to vector<16xi32>
        %gather3A_459 = tpu.vector_load_idx %arg6[%broadcast_in_dim3A_458, %get3A_348] : memref<32x1024xf32, #tpu.memory_space<vmem>>[vector<16xi32>, vector<16xi32>], vector<16xf32>,
        %mul3A_460 = arith.constant 16 : i32
        %mul3A_461 = arith.muli %scan3A_341, %mul3A_460 : i32
        %swap3A_462 = arith.constant 12 : i32
        %swap3A_463 = arith.index_cast %swap3A_462 : i32 to index
        %swap3A_464 = arith.index_cast %mul3A_461 : i32 to index
        %swap3A_465 = tpu.vector_load %arg7[%swap3A_463, %swap3A_464] {strides = array<i32>} : memref<32x512xf32, #tpu.memory_space<vmem>>, vector<16xf32>,
        tpu.vector_store %arg7[%swap3A_463, %swap3A_464], %gather3A_459 {strides = array<i32>} : memref<32x512xf32, #tpu.memory_space<vmem>>, vector<16xf32>,
        %broadcast_in_dim3A_466 = arith.constant 13 : i32
        %broadcast_in_dim3A_467 = vector.broadcast %broadcast_in_dim3A_466 : i32 to vector<16xi32>
        %gather3A_468 = tpu.vector_load_idx %arg6[%broadcast_in_dim3A_467, %get3A_348] : memref<32x1024xf32, #tpu.memory_space<vmem>>[vector<16xi32>, vector<16xi32>], vector<16xf32>,
        %mul3A_469 = arith.constant 16 : i32
        %mul3A_470 = arith.muli %scan3A_341, %mul3A_469 : i32
        %swap3A_471 = arith.constant 13 : i32
        %swap3A_472 = arith.index_cast %swap3A_471 : i32 to index
        %swap3A_473 = arith.index_cast %mul3A_470 : i32 to index
        %swap3A_474 = tpu.vector_load %arg7[%swap3A_472, %swap3A_473] {strides = array<i32>} : memref<32x512xf32, #tpu.memory_space<vmem>>, vector<16xf32>,
        tpu.vector_store %arg7[%swap3A_472, %swap3A_473], %gather3A_468 {strides = array<i32>} : memref<32x512xf32, #tpu.memory_space<vmem>>, vector<16xf32>,
        %broadcast_in_dim3A_475 = arith.constant 14 : i32
        %broadcast_in_dim3A_476 = vector.broadcast %broadcast_in_dim3A_475 : i32 to vector<16xi32>
        %gather3A_477 = tpu.vector_load_idx %arg6[%broadcast_in_dim3A_476, %get3A_348] : memref<32x1024xf32, #tpu.memory_space<vmem>>[vector<16xi32>, vector<16xi32>], vector<16xf32>,
        %mul3A_478 = arith.constant 16 : i32
        %mul3A_479 = arith.muli %scan3A_341, %mul3A_478 : i32
        %swap3A_480 = arith.constant 14 : i32
        %swap3A_481 = arith.index_cast %swap3A_480 : i32 to index
        %swap3A_482 = arith.index_cast %mul3A_479 : i32 to index
        %swap3A_483 = tpu.vector_load %arg7[%swap3A_481, %swap3A_482] {strides = array<i32>} : memref<32x512xf32, #tpu.memory_space<vmem>>, vector<16xf32>,
        tpu.vector_store %arg7[%swap3A_481, %swap3A_482], %gather3A_477 {strides = array<i32>} : memref<32x512xf32, #tpu.memory_space<vmem>>, vector<16xf32>,
        %broadcast_in_dim3A_484 = arith.constant 15 : i32
        %broadcast_in_dim3A_485 = vector.broadcast %broadcast_in_dim3A_484 : i32 to vector<16xi32>
        %gather3A_486 = tpu.vector_load_idx %arg6[%broadcast_in_dim3A_485, %get3A_348] : memref<32x1024xf32, #tpu.memory_space<vmem>>[vector<16xi32>, vector<16xi32>], vector<16xf32>,
        %mul3A_487 = arith.constant 16 : i32
        %mul3A_488 = arith.muli %scan3A_341, %mul3A_487 : i32
        %swap3A_489 = arith.constant 15 : i32
        %swap3A_490 = arith.index_cast %swap3A_489 : i32 to index
        %swap3A_491 = arith.index_cast %mul3A_488 : i32 to index
        %swap3A_492 = tpu.vector_load %arg7[%swap3A_490, %swap3A_491] {strides = array<i32>} : memref<32x512xf32, #tpu.memory_space<vmem>>, vector<16xf32>,
        tpu.vector_store %arg7[%swap3A_490, %swap3A_491], %gather3A_486 {strides = array<i32>} : memref<32x512xf32, #tpu.memory_space<vmem>>, vector<16xf32>,
        %broadcast_in_dim3A_493 = arith.constant 16 : i32
        %broadcast_in_dim3A_494 = vector.broadcast %broadcast_in_dim3A_493 : i32 to vector<16xi32>
        %gather3A_495 = tpu.vector_load_idx %arg6[%broadcast_in_dim3A_494, %get3A_348] : memref<32x1024xf32, #tpu.memory_space<vmem>>[vector<16xi32>, vector<16xi32>], vector<16xf32>,
        %mul3A_496 = arith.constant 16 : i32
        %mul3A_497 = arith.muli %scan3A_341, %mul3A_496 : i32
        %swap3A_498 = arith.constant 16 : i32
        %swap3A_499 = arith.index_cast %swap3A_498 : i32 to index
        %swap3A_500 = arith.index_cast %mul3A_497 : i32 to index
        %swap3A_501 = tpu.vector_load %arg7[%swap3A_499, %swap3A_500] {strides = array<i32>} : memref<32x512xf32, #tpu.memory_space<vmem>>, vector<16xf32>,
        tpu.vector_store %arg7[%swap3A_499, %swap3A_500], %gather3A_495 {strides = array<i32>} : memref<32x512xf32, #tpu.memory_space<vmem>>, vector<16xf32>,
        %broadcast_in_dim3A_502 = arith.constant 17 : i32
        %broadcast_in_dim3A_503 = vector.broadcast %broadcast_in_dim3A_502 : i32 to vector<16xi32>
        %gather3A_504 = tpu.vector_load_idx %arg6[%broadcast_in_dim3A_503, %get3A_348] : memref<32x1024xf32, #tpu.memory_space<vmem>>[vector<16xi32>, vector<16xi32>], vector<16xf32>,
        %mul3A_505 = arith.constant 16 : i32
        %mul3A_506 = arith.muli %scan3A_341, %mul3A_505 : i32
        %swap3A_507 = arith.constant 17 : i32
        %swap3A_508 = arith.index_cast %swap3A_507 : i32 to index
        %swap3A_509 = arith.index_cast %mul3A_506 : i32 to index
        %swap3A_510 = tpu.vector_load %arg7[%swap3A_508, %swap3A_509] {strides = array<i32>} : memref<32x512xf32, #tpu.memory_space<vmem>>, vector<16xf32>,
        tpu.vector_store %arg7[%swap3A_508, %swap3A_509], %gather3A_504 {strides = array<i32>} : memref<32x512xf32, #tpu.memory_space<vmem>>, vector<16xf32>,
        %broadcast_in_dim3A_511 = arith.constant 18 : i32
        %broadcast_in_dim3A_512 = vector.broadcast %broadcast_in_dim3A_511 : i32 to vector<16xi32>
        %gather3A_513 = tpu.vector_load_idx %arg6[%broadcast_in_dim3A_512, %get3A_348] : memref<32x1024xf32, #tpu.memory_space<vmem>>[vector<16xi32>, vector<16xi32>], vector<16xf32>,
        %mul3A_514 = arith.constant 16 : i32
        %mul3A_515 = arith.muli %scan3A_341, %mul3A_514 : i32
        %swap3A_516 = arith.constant 18 : i32
        %swap3A_517 = arith.index_cast %swap3A_516 : i32 to index
        %swap3A_518 = arith.index_cast %mul3A_515 : i32 to index
        %swap3A_519 = tpu.vector_load %arg7[%swap3A_517, %swap3A_518] {strides = array<i32>} : memref<32x512xf32, #tpu.memory_space<vmem>>, vector<16xf32>,
        tpu.vector_store %arg7[%swap3A_517, %swap3A_518], %gather3A_513 {strides = array<i32>} : memref<32x512xf32, #tpu.memory_space<vmem>>, vector<16xf32>,
        %broadcast_in_dim3A_520 = arith.constant 19 : i32
        %broadcast_in_dim3A_521 = vector.broadcast %broadcast_in_dim3A_520 : i32 to vector<16xi32>
        %gather3A_522 = tpu.vector_load_idx %arg6[%broadcast_in_dim3A_521, %get3A_348] : memref<32x1024xf32, #tpu.memory_space<vmem>>[vector<16xi32>, vector<16xi32>], vector<16xf32>,
        %mul3A_523 = arith.constant 16 : i32
        %mul3A_524 = arith.muli %scan3A_341, %mul3A_523 : i32
        %swap3A_525 = arith.constant 19 : i32
        %swap3A_526 = arith.index_cast %swap3A_525 : i32 to index
        %swap3A_527 = arith.index_cast %mul3A_524 : i32 to index
        %swap3A_528 = tpu.vector_load %arg7[%swap3A_526, %swap3A_527] {strides = array<i32>} : memref<32x512xf32, #tpu.memory_space<vmem>>, vector<16xf32>,
        tpu.vector_store %arg7[%swap3A_526, %swap3A_527], %gather3A_522 {strides = array<i32>} : memref<32x512xf32, #tpu.memory_space<vmem>>, vector<16xf32>,
        %broadcast_in_dim3A_529 = arith.constant 20 : i32
        %broadcast_in_dim3A_530 = vector.broadcast %broadcast_in_dim3A_529 : i32 to vector<16xi32>
        %gather3A_531 = tpu.vector_load_idx %arg6[%broadcast_in_dim3A_530, %get3A_348] : memref<32x1024xf32, #tpu.memory_space<vmem>>[vector<16xi32>, vector<16xi32>], vector<16xf32>,
        %mul3A_532 = arith.constant 16 : i32
        %mul3A_533 = arith.muli %scan3A_341, %mul3A_532 : i32
        %swap3A_534 = arith.constant 20 : i32
        %swap3A_535 = arith.index_cast %swap3A_534 : i32 to index
        %swap3A_536 = arith.index_cast %mul3A_533 : i32 to index
        %swap3A_537 = tpu.vector_load %arg7[%swap3A_535, %swap3A_536] {strides = array<i32>} : memref<32x512xf32, #tpu.memory_space<vmem>>, vector<16xf32>,
        tpu.vector_store %arg7[%swap3A_535, %swap3A_536], %gather3A_531 {strides = array<i32>} : memref<32x512xf32, #tpu.memory_space<vmem>>, vector<16xf32>,
        %broadcast_in_dim3A_538 = arith.constant 21 : i32
        %broadcast_in_dim3A_539 = vector.broadcast %broadcast_in_dim3A_538 : i32 to vector<16xi32>
        %gather3A_540 = tpu.vector_load_idx %arg6[%broadcast_in_dim3A_539, %get3A_348] : memref<32x1024xf32, #tpu.memory_space<vmem>>[vector<16xi32>, vector<16xi32>], vector<16xf32>,
        %mul3A_541 = arith.constant 16 : i32
        %mul3A_542 = arith.muli %scan3A_341, %mul3A_541 : i32
        %swap3A_543 = arith.constant 21 : i32
        %swap3A_544 = arith.index_cast %swap3A_543 : i32 to index
        %swap3A_545 = arith.index_cast %mul3A_542 : i32 to index
        %swap3A_546 = tpu.vector_load %arg7[%swap3A_544, %swap3A_545] {strides = array<i32>} : memref<32x512xf32, #tpu.memory_space<vmem>>, vector<16xf32>,
        tpu.vector_store %arg7[%swap3A_544, %swap3A_545], %gather3A_540 {strides = array<i32>} : memref<32x512xf32, #tpu.memory_space<vmem>>, vector<16xf32>,
        %broadcast_in_dim3A_547 = arith.constant 22 : i32
        %broadcast_in_dim3A_548 = vector.broadcast %broadcast_in_dim3A_547 : i32 to vector<16xi32>
        %gather3A_549 = tpu.vector_load_idx %arg6[%broadcast_in_dim3A_548, %get3A_348] : memref<32x1024xf32, #tpu.memory_space<vmem>>[vector<16xi32>, vector<16xi32>], vector<16xf32>,
        %mul3A_550 = arith.constant 16 : i32
        %mul3A_551 = arith.muli %scan3A_341, %mul3A_550 : i32
        %swap3A_552 = arith.constant 22 : i32
        %swap3A_553 = arith.index_cast %swap3A_552 : i32 to index
        %swap3A_554 = arith.index_cast %mul3A_551 : i32 to index
        %swap3A_555 = tpu.vector_load %arg7[%swap3A_553, %swap3A_554] {strides = array<i32>} : memref<32x512xf32, #tpu.memory_space<vmem>>, vector<16xf32>,
        tpu.vector_store %arg7[%swap3A_553, %swap3A_554], %gather3A_549 {strides = array<i32>} : memref<32x512xf32, #tpu.memory_space<vmem>>, vector<16xf32>,
        %broadcast_in_dim3A_556 = arith.constant 23 : i32
        %broadcast_in_dim3A_557 = vector.broadcast %broadcast_in_dim3A_556 : i32 to vector<16xi32>
        %gather3A_558 = tpu.vector_load_idx %arg6[%broadcast_in_dim3A_557, %get3A_348] : memref<32x1024xf32, #tpu.memory_space<vmem>>[vector<16xi32>, vector<16xi32>], vector<16xf32>,
        %mul3A_559 = arith.constant 16 : i32
        %mul3A_560 = arith.muli %scan3A_341, %mul3A_559 : i32
        %swap3A_561 = arith.constant 23 : i32
        %swap3A_562 = arith.index_cast %swap3A_561 : i32 to index
        %swap3A_563 = arith.index_cast %mul3A_560 : i32 to index
        %swap3A_564 = tpu.vector_load %arg7[%swap3A_562, %swap3A_563] {strides = array<i32>} : memref<32x512xf32, #tpu.memory_space<vmem>>, vector<16xf32>,
        tpu.vector_store %arg7[%swap3A_562, %swap3A_563], %gather3A_558 {strides = array<i32>} : memref<32x512xf32, #tpu.memory_space<vmem>>, vector<16xf32>,
        %broadcast_in_dim3A_565 = arith.constant 24 : i32
        %broadcast_in_dim3A_566 = vector.broadcast %broadcast_in_dim3A_565 : i32 to vector<16xi32>
        %gather3A_567 = tpu.vector_load_idx %arg6[%broadcast_in_dim3A_566, %get3A_348] : memref<32x1024xf32, #tpu.memory_space<vmem>>[vector<16xi32>, vector<16xi32>], vector<16xf32>,
        %mul3A_568 = arith.constant 16 : i32
        %mul3A_569 = arith.muli %scan3A_341, %mul3A_568 : i32
        %swap3A_570 = arith.constant 24 : i32
        %swap3A_571 = arith.index_cast %swap3A_570 : i32 to index
        %swap3A_572 = arith.index_cast %mul3A_569 : i32 to index
        %swap3A_573 = tpu.vector_load %arg7[%swap3A_571, %swap3A_572] {strides = array<i32>} : memref<32x512xf32, #tpu.memory_space<vmem>>, vector<16xf32>,
        tpu.vector_store %arg7[%swap3A_571, %swap3A_572], %gather3A_567 {strides = array<i32>} : memref<32x512xf32, #tpu.memory_space<vmem>>, vector<16xf32>,
        %broadcast_in_dim3A_574 = arith.constant 25 : i32
        %broadcast_in_dim3A_575 = vector.broadcast %broadcast_in_dim3A_574 : i32 to vector<16xi32>
        %gather3A_576 = tpu.vector_load_idx %arg6[%broadcast_in_dim3A_575, %get3A_348] : memref<32x1024xf32, #tpu.memory_space<vmem>>[vector<16xi32>, vector<16xi32>], vector<16xf32>,
        %mul3A_577 = arith.constant 16 : i32
        %mul3A_578 = arith.muli %scan3A_341, %mul3A_577 : i32
        %swap3A_579 = arith.constant 25 : i32
        %swap3A_580 = arith.index_cast %swap3A_579 : i32 to index
        %swap3A_581 = arith.index_cast %mul3A_578 : i32 to index
        %swap3A_582 = tpu.vector_load %arg7[%swap3A_580, %swap3A_581] {strides = array<i32>} : memref<32x512xf32, #tpu.memory_space<vmem>>, vector<16xf32>,
        tpu.vector_store %arg7[%swap3A_580, %swap3A_581], %gather3A_576 {strides = array<i32>} : memref<32x512xf32, #tpu.memory_space<vmem>>, vector<16xf32>,
        %broadcast_in_dim3A_583 = arith.constant 26 : i32
        %broadcast_in_dim3A_584 = vector.broadcast %broadcast_in_dim3A_583 : i32 to vector<16xi32>
        %gather3A_585 = tpu.vector_load_idx %arg6[%broadcast_in_dim3A_584, %get3A_348] : memref<32x1024xf32, #tpu.memory_space<vmem>>[vector<16xi32>, vector<16xi32>], vector<16xf32>,
        %mul3A_586 = arith.constant 16 : i32
        %mul3A_587 = arith.muli %scan3A_341, %mul3A_586 : i32
        %swap3A_588 = arith.constant 26 : i32
        %swap3A_589 = arith.index_cast %swap3A_588 : i32 to index
        %swap3A_590 = arith.index_cast %mul3A_587 : i32 to index
        %swap3A_591 = tpu.vector_load %arg7[%swap3A_589, %swap3A_590] {strides = array<i32>} : memref<32x512xf32, #tpu.memory_space<vmem>>, vector<16xf32>,
        tpu.vector_store %arg7[%swap3A_589, %swap3A_590], %gather3A_585 {strides = array<i32>} : memref<32x512xf32, #tpu.memory_space<vmem>>, vector<16xf32>,
        %broadcast_in_dim3A_592 = arith.constant 27 : i32
        %broadcast_in_dim3A_593 = vector.broadcast %broadcast_in_dim3A_592 : i32 to vector<16xi32>
        %gather3A_594 = tpu.vector_load_idx %arg6[%broadcast_in_dim3A_593, %get3A_348] : memref<32x1024xf32, #tpu.memory_space<vmem>>[vector<16xi32>, vector<16xi32>], vector<16xf32>,
        %mul3A_595 = arith.constant 16 : i32
        %mul3A_596 = arith.muli %scan3A_341, %mul3A_595 : i32
        %swap3A_597 = arith.constant 27 : i32
        %swap3A_598 = arith.index_cast %swap3A_597 : i32 to index
        %swap3A_599 = arith.index_cast %mul3A_596 : i32 to index
        %swap3A_600 = tpu.vector_load %arg7[%swap3A_598, %swap3A_599] {strides = array<i32>} : memref<32x512xf32, #tpu.memory_space<vmem>>, vector<16xf32>,
        tpu.vector_store %arg7[%swap3A_598, %swap3A_599], %gather3A_594 {strides = array<i32>} : memref<32x512xf32, #tpu.memory_space<vmem>>, vector<16xf32>,
        %broadcast_in_dim3A_601 = arith.constant 28 : i32
        %broadcast_in_dim3A_602 = vector.broadcast %broadcast_in_dim3A_601 : i32 to vector<16xi32>
        %gather3A_603 = tpu.vector_load_idx %arg6[%broadcast_in_dim3A_602, %get3A_348] : memref<32x1024xf32, #tpu.memory_space<vmem>>[vector<16xi32>, vector<16xi32>], vector<16xf32>,
        %mul3A_604 = arith.constant 16 : i32
        %mul3A_605 = arith.muli %scan3A_341, %mul3A_604 : i32
        %swap3A_606 = arith.constant 28 : i32
        %swap3A_607 = arith.index_cast %swap3A_606 : i32 to index
        %swap3A_608 = arith.index_cast %mul3A_605 : i32 to index
        %swap3A_609 = tpu.vector_load %arg7[%swap3A_607, %swap3A_608] {strides = array<i32>} : memref<32x512xf32, #tpu.memory_space<vmem>>, vector<16xf32>,
        tpu.vector_store %arg7[%swap3A_607, %swap3A_608], %gather3A_603 {strides = array<i32>} : memref<32x512xf32, #tpu.memory_space<vmem>>, vector<16xf32>,
        %broadcast_in_dim3A_610 = arith.constant 29 : i32
        %broadcast_in_dim3A_611 = vector.broadcast %broadcast_in_dim3A_610 : i32 to vector<16xi32>
        %gather3A_612 = tpu.vector_load_idx %arg6[%broadcast_in_dim3A_611, %get3A_348] : memref<32x1024xf32, #tpu.memory_space<vmem>>[vector<16xi32>, vector<16xi32>], vector<16xf32>,
        %mul3A_613 = arith.constant 16 : i32
        %mul3A_614 = arith.muli %scan3A_341, %mul3A_613 : i32
        %swap3A_615 = arith.constant 29 : i32
        %swap3A_616 = arith.index_cast %swap3A_615 : i32 to index
        %swap3A_617 = arith.index_cast %mul3A_614 : i32 to index
        %swap3A_618 = tpu.vector_load %arg7[%swap3A_616, %swap3A_617] {strides = array<i32>} : memref<32x512xf32, #tpu.memory_space<vmem>>, vector<16xf32>,
        tpu.vector_store %arg7[%swap3A_616, %swap3A_617], %gather3A_612 {strides = array<i32>} : memref<32x512xf32, #tpu.memory_space<vmem>>, vector<16xf32>,
        %broadcast_in_dim3A_619 = arith.constant 30 : i32
        %broadcast_in_dim3A_620 = vector.broadcast %broadcast_in_dim3A_619 : i32 to vector<16xi32>
        %gather3A_621 = tpu.vector_load_idx %arg6[%broadcast_in_dim3A_620, %get3A_348] : memref<32x1024xf32, #tpu.memory_space<vmem>>[vector<16xi32>, vector<16xi32>], vector<16xf32>,
        %mul3A_622 = arith.constant 16 : i32
        %mul3A_623 = arith.muli %scan3A_341, %mul3A_622 : i32
        %swap3A_624 = arith.constant 30 : i32
        %swap3A_625 = arith.index_cast %swap3A_624 : i32 to index
        %swap3A_626 = arith.index_cast %mul3A_623 : i32 to index
        %swap3A_627 = tpu.vector_load %arg7[%swap3A_625, %swap3A_626] {strides = array<i32>} : memref<32x512xf32, #tpu.memory_space<vmem>>, vector<16xf32>,
        tpu.vector_store %arg7[%swap3A_625, %swap3A_626], %gather3A_621 {strides = array<i32>} : memref<32x512xf32, #tpu.memory_space<vmem>>, vector<16xf32>,
        %broadcast_in_dim3A_628 = arith.constant 31 : i32
        %broadcast_in_dim3A_629 = vector.broadcast %broadcast_in_dim3A_628 : i32 to vector<16xi32>
        %gather3A_630 = tpu.vector_load_idx %arg6[%broadcast_in_dim3A_629, %get3A_348] : memref<32x1024xf32, #tpu.memory_space<vmem>>[vector<16xi32>, vector<16xi32>], vector<16xf32>,
        %mul3A_631 = arith.constant 16 : i32
        %mul3A_632 = arith.muli %scan3A_341, %mul3A_631 : i32
        %swap3A_633 = arith.constant 31 : i32
        %swap3A_634 = arith.index_cast %swap3A_633 : i32 to index
        %swap3A_635 = arith.index_cast %mul3A_632 : i32 to index
        %swap3A_636 = tpu.vector_load %arg7[%swap3A_634, %swap3A_635] {strides = array<i32>} : memref<32x512xf32, #tpu.memory_space<vmem>>, vector<16xf32>,
        tpu.vector_store %arg7[%swap3A_634, %swap3A_635], %gather3A_630 {strides = array<i32>} : memref<32x512xf32, #tpu.memory_space<vmem>>, vector<16xf32>,
        %scan3A_637 = arith.constant 2 : i32
        %scan3A_638 = arith.addi %scan3A_48, %scan3A_637 : i32
        %mul3A_639 = arith.constant 512 : i32
        %mul3A_640 = arith.muli %scan3A_38, %mul3A_639 : i32
        %mul3A_641 = arith.constant 16 : i32
        %mul3A_642 = arith.muli %scan3A_638, %mul3A_641 : i32
        %add3A_643 = arith.addi %mul3A_640, %mul3A_642 : i32
        %get3A_644 = arith.index_cast %add3A_643 : i32 to index
        %get3A_645 = tpu.vector_load %arg5[%get3A_644] {strides = array<i32>} : memref<1024xi32, #tpu.memory_space<vmem>>, vector<16xi32>,
        %broadcast_in_dim3A_646 = arith.constant 0 : i32
        %broadcast_in_dim3A_647 = vector.broadcast %broadcast_in_dim3A_646 : i32 to vector<16xi32>
        %gather3A_648 = tpu.vector_load_idx %arg6[%broadcast_in_dim3A_647, %get3A_645] : memref<32x1024xf32, #tpu.memory_space<vmem>>[vector<16xi32>, vector<16xi32>], vector<16xf32>,
        %mul3A_649 = arith.constant 16 : i32
        %mul3A_650 = arith.muli %scan3A_638, %mul3A_649 : i32
        %swap3A_651 = arith.constant 0 : i32
        %swap3A_652 = arith.index_cast %swap3A_651 : i32 to index
        %swap3A_653 = arith.index_cast %mul3A_650 : i32 to index
        %swap3A_654 = tpu.vector_load %arg7[%swap3A_652, %swap3A_653] {strides = array<i32>} : memref<32x512xf32, #tpu.memory_space<vmem>>, vector<16xf32>,
        tpu.vector_store %arg7[%swap3A_652, %swap3A_653], %gather3A_648 {strides = array<i32>} : memref<32x512xf32, #tpu.memory_space<vmem>>, vector<16xf32>,
        %broadcast_in_dim3A_655 = arith.constant 1 : i32
        %broadcast_in_dim3A_656 = vector.broadcast %broadcast_in_dim3A_655 : i32 to vector<16xi32>
        %gather3A_657 = tpu.vector_load_idx %arg6[%broadcast_in_dim3A_656, %get3A_645] : memref<32x1024xf32, #tpu.memory_space<vmem>>[vector<16xi32>, vector<16xi32>], vector<16xf32>,
        %mul3A_658 = arith.constant 16 : i32
        %mul3A_659 = arith.muli %scan3A_638, %mul3A_658 : i32
        %swap3A_660 = arith.constant 1 : i32
        %swap3A_661 = arith.index_cast %swap3A_660 : i32 to index
        %swap3A_662 = arith.index_cast %mul3A_659 : i32 to index
        %swap3A_663 = tpu.vector_load %arg7[%swap3A_661, %swap3A_662] {strides = array<i32>} : memref<32x512xf32, #tpu.memory_space<vmem>>, vector<16xf32>,
        tpu.vector_store %arg7[%swap3A_661, %swap3A_662], %gather3A_657 {strides = array<i32>} : memref<32x512xf32, #tpu.memory_space<vmem>>, vector<16xf32>,
        %broadcast_in_dim3A_664 = arith.constant 2 : i32
        %broadcast_in_dim3A_665 = vector.broadcast %broadcast_in_dim3A_664 : i32 to vector<16xi32>
        %gather3A_666 = tpu.vector_load_idx %arg6[%broadcast_in_dim3A_665, %get3A_645] : memref<32x1024xf32, #tpu.memory_space<vmem>>[vector<16xi32>, vector<16xi32>], vector<16xf32>,
        %mul3A_667 = arith.constant 16 : i32
        %mul3A_668 = arith.muli %scan3A_638, %mul3A_667 : i32
        %swap3A_669 = arith.constant 2 : i32
        %swap3A_670 = arith.index_cast %swap3A_669 : i32 to index
        %swap3A_671 = arith.index_cast %mul3A_668 : i32 to index
        %swap3A_672 = tpu.vector_load %arg7[%swap3A_670, %swap3A_671] {strides = array<i32>} : memref<32x512xf32, #tpu.memory_space<vmem>>, vector<16xf32>,
        tpu.vector_store %arg7[%swap3A_670, %swap3A_671], %gather3A_666 {strides = array<i32>} : memref<32x512xf32, #tpu.memory_space<vmem>>, vector<16xf32>,
        %broadcast_in_dim3A_673 = arith.constant 3 : i32
        %broadcast_in_dim3A_674 = vector.broadcast %broadcast_in_dim3A_673 : i32 to vector<16xi32>
        %gather3A_675 = tpu.vector_load_idx %arg6[%broadcast_in_dim3A_674, %get3A_645] : memref<32x1024xf32, #tpu.memory_space<vmem>>[vector<16xi32>, vector<16xi32>], vector<16xf32>,
        %mul3A_676 = arith.constant 16 : i32
        %mul3A_677 = arith.muli %scan3A_638, %mul3A_676 : i32
        %swap3A_678 = arith.constant 3 : i32
        %swap3A_679 = arith.index_cast %swap3A_678 : i32 to index
        %swap3A_680 = arith.index_cast %mul3A_677 : i32 to index
        %swap3A_681 = tpu.vector_load %arg7[%swap3A_679, %swap3A_680] {strides = array<i32>} : memref<32x512xf32, #tpu.memory_space<vmem>>, vector<16xf32>,
        tpu.vector_store %arg7[%swap3A_679, %swap3A_680], %gather3A_675 {strides = array<i32>} : memref<32x512xf32, #tpu.memory_space<vmem>>, vector<16xf32>,
        %broadcast_in_dim3A_682 = arith.constant 4 : i32
        %broadcast_in_dim3A_683 = vector.broadcast %broadcast_in_dim3A_682 : i32 to vector<16xi32>
        %gather3A_684 = tpu.vector_load_idx %arg6[%broadcast_in_dim3A_683, %get3A_645] : memref<32x1024xf32, #tpu.memory_space<vmem>>[vector<16xi32>, vector<16xi32>], vector<16xf32>,
        %mul3A_685 = arith.constant 16 : i32
        %mul3A_686 = arith.muli %scan3A_638, %mul3A_685 : i32
        %swap3A_687 = arith.constant 4 : i32
        %swap3A_688 = arith.index_cast %swap3A_687 : i32 to index
        %swap3A_689 = arith.index_cast %mul3A_686 : i32 to index
        %swap3A_690 = tpu.vector_load %arg7[%swap3A_688, %swap3A_689] {strides = array<i32>} : memref<32x512xf32, #tpu.memory_space<vmem>>, vector<16xf32>,
        tpu.vector_store %arg7[%swap3A_688, %swap3A_689], %gather3A_684 {strides = array<i32>} : memref<32x512xf32, #tpu.memory_space<vmem>>, vector<16xf32>,
        %broadcast_in_dim3A_691 = arith.constant 5 : i32
        %broadcast_in_dim3A_692 = vector.broadcast %broadcast_in_dim3A_691 : i32 to vector<16xi32>
        %gather3A_693 = tpu.vector_load_idx %arg6[%broadcast_in_dim3A_692, %get3A_645] : memref<32x1024xf32, #tpu.memory_space<vmem>>[vector<16xi32>, vector<16xi32>], vector<16xf32>,
        %mul3A_694 = arith.constant 16 : i32
        %mul3A_695 = arith.muli %scan3A_638, %mul3A_694 : i32
        %swap3A_696 = arith.constant 5 : i32
        %swap3A_697 = arith.index_cast %swap3A_696 : i32 to index
        %swap3A_698 = arith.index_cast %mul3A_695 : i32 to index
        %swap3A_699 = tpu.vector_load %arg7[%swap3A_697, %swap3A_698] {strides = array<i32>} : memref<32x512xf32, #tpu.memory_space<vmem>>, vector<16xf32>,
        tpu.vector_store %arg7[%swap3A_697, %swap3A_698], %gather3A_693 {strides = array<i32>} : memref<32x512xf32, #tpu.memory_space<vmem>>, vector<16xf32>,
        %broadcast_in_dim3A_700 = arith.constant 6 : i32
        %broadcast_in_dim3A_701 = vector.broadcast %broadcast_in_dim3A_700 : i32 to vector<16xi32>
        %gather3A_702 = tpu.vector_load_idx %arg6[%broadcast_in_dim3A_701, %get3A_645] : memref<32x1024xf32, #tpu.memory_space<vmem>>[vector<16xi32>, vector<16xi32>], vector<16xf32>,
        %mul3A_703 = arith.constant 16 : i32
        %mul3A_704 = arith.muli %scan3A_638, %mul3A_703 : i32
        %swap3A_705 = arith.constant 6 : i32
        %swap3A_706 = arith.index_cast %swap3A_705 : i32 to index
        %swap3A_707 = arith.index_cast %mul3A_704 : i32 to index
        %swap3A_708 = tpu.vector_load %arg7[%swap3A_706, %swap3A_707] {strides = array<i32>} : memref<32x512xf32, #tpu.memory_space<vmem>>, vector<16xf32>,
        tpu.vector_store %arg7[%swap3A_706, %swap3A_707], %gather3A_702 {strides = array<i32>} : memref<32x512xf32, #tpu.memory_space<vmem>>, vector<16xf32>,
        %broadcast_in_dim3A_709 = arith.constant 7 : i32
        %broadcast_in_dim3A_710 = vector.broadcast %broadcast_in_dim3A_709 : i32 to vector<16xi32>
        %gather3A_711 = tpu.vector_load_idx %arg6[%broadcast_in_dim3A_710, %get3A_645] : memref<32x1024xf32, #tpu.memory_space<vmem>>[vector<16xi32>, vector<16xi32>], vector<16xf32>,
        %mul3A_712 = arith.constant 16 : i32
        %mul3A_713 = arith.muli %scan3A_638, %mul3A_712 : i32
        %swap3A_714 = arith.constant 7 : i32
        %swap3A_715 = arith.index_cast %swap3A_714 : i32 to index
        %swap3A_716 = arith.index_cast %mul3A_713 : i32 to index
        %swap3A_717 = tpu.vector_load %arg7[%swap3A_715, %swap3A_716] {strides = array<i32>} : memref<32x512xf32, #tpu.memory_space<vmem>>, vector<16xf32>,
        tpu.vector_store %arg7[%swap3A_715, %swap3A_716], %gather3A_711 {strides = array<i32>} : memref<32x512xf32, #tpu.memory_space<vmem>>, vector<16xf32>,
        %broadcast_in_dim3A_718 = arith.constant 8 : i32
        %broadcast_in_dim3A_719 = vector.broadcast %broadcast_in_dim3A_718 : i32 to vector<16xi32>
        %gather3A_720 = tpu.vector_load_idx %arg6[%broadcast_in_dim3A_719, %get3A_645] : memref<32x1024xf32, #tpu.memory_space<vmem>>[vector<16xi32>, vector<16xi32>], vector<16xf32>,
        %mul3A_721 = arith.constant 16 : i32
        %mul3A_722 = arith.muli %scan3A_638, %mul3A_721 : i32
        %swap3A_723 = arith.constant 8 : i32
        %swap3A_724 = arith.index_cast %swap3A_723 : i32 to index
        %swap3A_725 = arith.index_cast %mul3A_722 : i32 to index
        %swap3A_726 = tpu.vector_load %arg7[%swap3A_724, %swap3A_725] {strides = array<i32>} : memref<32x512xf32, #tpu.memory_space<vmem>>, vector<16xf32>,
        tpu.vector_store %arg7[%swap3A_724, %swap3A_725], %gather3A_720 {strides = array<i32>} : memref<32x512xf32, #tpu.memory_space<vmem>>, vector<16xf32>,
        %broadcast_in_dim3A_727 = arith.constant 9 : i32
        %broadcast_in_dim3A_728 = vector.broadcast %broadcast_in_dim3A_727 : i32 to vector<16xi32>
        %gather3A_729 = tpu.vector_load_idx %arg6[%broadcast_in_dim3A_728, %get3A_645] : memref<32x1024xf32, #tpu.memory_space<vmem>>[vector<16xi32>, vector<16xi32>], vector<16xf32>,
        %mul3A_730 = arith.constant 16 : i32
        %mul3A_731 = arith.muli %scan3A_638, %mul3A_730 : i32
        %swap3A_732 = arith.constant 9 : i32
        %swap3A_733 = arith.index_cast %swap3A_732 : i32 to index
        %swap3A_734 = arith.index_cast %mul3A_731 : i32 to index
        %swap3A_735 = tpu.vector_load %arg7[%swap3A_733, %swap3A_734] {strides = array<i32>} : memref<32x512xf32, #tpu.memory_space<vmem>>, vector<16xf32>,
        tpu.vector_store %arg7[%swap3A_733, %swap3A_734], %gather3A_729 {strides = array<i32>} : memref<32x512xf32, #tpu.memory_space<vmem>>, vector<16xf32>,
        %broadcast_in_dim3A_736 = arith.constant 10 : i32
        %broadcast_in_dim3A_737 = vector.broadcast %broadcast_in_dim3A_736 : i32 to vector<16xi32>
        %gather3A_738 = tpu.vector_load_idx %arg6[%broadcast_in_dim3A_737, %get3A_645] : memref<32x1024xf32, #tpu.memory_space<vmem>>[vector<16xi32>, vector<16xi32>], vector<16xf32>,
        %mul3A_739 = arith.constant 16 : i32
        %mul3A_740 = arith.muli %scan3A_638, %mul3A_739 : i32
        %swap3A_741 = arith.constant 10 : i32
        %swap3A_742 = arith.index_cast %swap3A_741 : i32 to index
        %swap3A_743 = arith.index_cast %mul3A_740 : i32 to index
        %swap3A_744 = tpu.vector_load %arg7[%swap3A_742, %swap3A_743] {strides = array<i32>} : memref<32x512xf32, #tpu.memory_space<vmem>>, vector<16xf32>,
        tpu.vector_store %arg7[%swap3A_742, %swap3A_743], %gather3A_738 {strides = array<i32>} : memref<32x512xf32, #tpu.memory_space<vmem>>, vector<16xf32>,
        %broadcast_in_dim3A_745 = arith.constant 11 : i32
        %broadcast_in_dim3A_746 = vector.broadcast %broadcast_in_dim3A_745 : i32 to vector<16xi32>
        %gather3A_747 = tpu.vector_load_idx %arg6[%broadcast_in_dim3A_746, %get3A_645] : memref<32x1024xf32, #tpu.memory_space<vmem>>[vector<16xi32>, vector<16xi32>], vector<16xf32>,
        %mul3A_748 = arith.constant 16 : i32
        %mul3A_749 = arith.muli %scan3A_638, %mul3A_748 : i32
        %swap3A_750 = arith.constant 11 : i32
        %swap3A_751 = arith.index_cast %swap3A_750 : i32 to index
        %swap3A_752 = arith.index_cast %mul3A_749 : i32 to index
        %swap3A_753 = tpu.vector_load %arg7[%swap3A_751, %swap3A_752] {strides = array<i32>} : memref<32x512xf32, #tpu.memory_space<vmem>>, vector<16xf32>,
        tpu.vector_store %arg7[%swap3A_751, %swap3A_752], %gather3A_747 {strides = array<i32>} : memref<32x512xf32, #tpu.memory_space<vmem>>, vector<16xf32>,
        %broadcast_in_dim3A_754 = arith.constant 12 : i32
        %broadcast_in_dim3A_755 = vector.broadcast %broadcast_in_dim3A_754 : i32 to vector<16xi32>
        %gather3A_756 = tpu.vector_load_idx %arg6[%broadcast_in_dim3A_755, %get3A_645] : memref<32x1024xf32, #tpu.memory_space<vmem>>[vector<16xi32>, vector<16xi32>], vector<16xf32>,
        %mul3A_757 = arith.constant 16 : i32
        %mul3A_758 = arith.muli %scan3A_638, %mul3A_757 : i32
        %swap3A_759 = arith.constant 12 : i32
        %swap3A_760 = arith.index_cast %swap3A_759 : i32 to index
        %swap3A_761 = arith.index_cast %mul3A_758 : i32 to index
        %swap3A_762 = tpu.vector_load %arg7[%swap3A_760, %swap3A_761] {strides = array<i32>} : memref<32x512xf32, #tpu.memory_space<vmem>>, vector<16xf32>,
        tpu.vector_store %arg7[%swap3A_760, %swap3A_761], %gather3A_756 {strides = array<i32>} : memref<32x512xf32, #tpu.memory_space<vmem>>, vector<16xf32>,
        %broadcast_in_dim3A_763 = arith.constant 13 : i32
        %broadcast_in_dim3A_764 = vector.broadcast %broadcast_in_dim3A_763 : i32 to vector<16xi32>
        %gather3A_765 = tpu.vector_load_idx %arg6[%broadcast_in_dim3A_764, %get3A_645] : memref<32x1024xf32, #tpu.memory_space<vmem>>[vector<16xi32>, vector<16xi32>], vector<16xf32>,
        %mul3A_766 = arith.constant 16 : i32
        %mul3A_767 = arith.muli %scan3A_638, %mul3A_766 : i32
        %swap3A_768 = arith.constant 13 : i32
        %swap3A_769 = arith.index_cast %swap3A_768 : i32 to index
        %swap3A_770 = arith.index_cast %mul3A_767 : i32 to index
        %swap3A_771 = tpu.vector_load %arg7[%swap3A_769, %swap3A_770] {strides = array<i32>} : memref<32x512xf32, #tpu.memory_space<vmem>>, vector<16xf32>,
        tpu.vector_store %arg7[%swap3A_769, %swap3A_770], %gather3A_765 {strides = array<i32>} : memref<32x512xf32, #tpu.memory_space<vmem>>, vector<16xf32>,
        %broadcast_in_dim3A_772 = arith.constant 14 : i32
        %broadcast_in_dim3A_773 = vector.broadcast %broadcast_in_dim3A_772 : i32 to vector<16xi32>
        %gather3A_774 = tpu.vector_load_idx %arg6[%broadcast_in_dim3A_773, %get3A_645] : memref<32x1024xf32, #tpu.memory_space<vmem>>[vector<16xi32>, vector<16xi32>], vector<16xf32>,
        %mul3A_775 = arith.constant 16 : i32
        %mul3A_776 = arith.muli %scan3A_638, %mul3A_775 : i32
        %swap3A_777 = arith.constant 14 : i32
        %swap3A_778 = arith.index_cast %swap3A_777 : i32 to index
        %swap3A_779 = arith.index_cast %mul3A_776 : i32 to index
        %swap3A_780 = tpu.vector_load %arg7[%swap3A_778, %swap3A_779] {strides = array<i32>} : memref<32x512xf32, #tpu.memory_space<vmem>>, vector<16xf32>,
        tpu.vector_store %arg7[%swap3A_778, %swap3A_779], %gather3A_774 {strides = array<i32>} : memref<32x512xf32, #tpu.memory_space<vmem>>, vector<16xf32>,
        %broadcast_in_dim3A_781 = arith.constant 15 : i32
        %broadcast_in_dim3A_782 = vector.broadcast %broadcast_in_dim3A_781 : i32 to vector<16xi32>
        %gather3A_783 = tpu.vector_load_idx %arg6[%broadcast_in_dim3A_782, %get3A_645] : memref<32x1024xf32, #tpu.memory_space<vmem>>[vector<16xi32>, vector<16xi32>], vector<16xf32>,
        %mul3A_784 = arith.constant 16 : i32
        %mul3A_785 = arith.muli %scan3A_638, %mul3A_784 : i32
        %swap3A_786 = arith.constant 15 : i32
        %swap3A_787 = arith.index_cast %swap3A_786 : i32 to index
        %swap3A_788 = arith.index_cast %mul3A_785 : i32 to index
        %swap3A_789 = tpu.vector_load %arg7[%swap3A_787, %swap3A_788] {strides = array<i32>} : memref<32x512xf32, #tpu.memory_space<vmem>>, vector<16xf32>,
        tpu.vector_store %arg7[%swap3A_787, %swap3A_788], %gather3A_783 {strides = array<i32>} : memref<32x512xf32, #tpu.memory_space<vmem>>, vector<16xf32>,
        %broadcast_in_dim3A_790 = arith.constant 16 : i32
        %broadcast_in_dim3A_791 = vector.broadcast %broadcast_in_dim3A_790 : i32 to vector<16xi32>
        %gather3A_792 = tpu.vector_load_idx %arg6[%broadcast_in_dim3A_791, %get3A_645] : memref<32x1024xf32, #tpu.memory_space<vmem>>[vector<16xi32>, vector<16xi32>], vector<16xf32>,
        %mul3A_793 = arith.constant 16 : i32
        %mul3A_794 = arith.muli %scan3A_638, %mul3A_793 : i32
        %swap3A_795 = arith.constant 16 : i32
        %swap3A_796 = arith.index_cast %swap3A_795 : i32 to index
        %swap3A_797 = arith.index_cast %mul3A_794 : i32 to index
        %swap3A_798 = tpu.vector_load %arg7[%swap3A_796, %swap3A_797] {strides = array<i32>} : memref<32x512xf32, #tpu.memory_space<vmem>>, vector<16xf32>,
        tpu.vector_store %arg7[%swap3A_796, %swap3A_797], %gather3A_792 {strides = array<i32>} : memref<32x512xf32, #tpu.memory_space<vmem>>, vector<16xf32>,
        %broadcast_in_dim3A_799 = arith.constant 17 : i32
        %broadcast_in_dim3A_800 = vector.broadcast %broadcast_in_dim3A_799 : i32 to vector<16xi32>
        %gather3A_801 = tpu.vector_load_idx %arg6[%broadcast_in_dim3A_800, %get3A_645] : memref<32x1024xf32, #tpu.memory_space<vmem>>[vector<16xi32>, vector<16xi32>], vector<16xf32>,
        %mul3A_802 = arith.constant 16 : i32
        %mul3A_803 = arith.muli %scan3A_638, %mul3A_802 : i32
        %swap3A_804 = arith.constant 17 : i32
        %swap3A_805 = arith.index_cast %swap3A_804 : i32 to index
        %swap3A_806 = arith.index_cast %mul3A_803 : i32 to index
        %swap3A_807 = tpu.vector_load %arg7[%swap3A_805, %swap3A_806] {strides = array<i32>} : memref<32x512xf32, #tpu.memory_space<vmem>>, vector<16xf32>,
        tpu.vector_store %arg7[%swap3A_805, %swap3A_806], %gather3A_801 {strides = array<i32>} : memref<32x512xf32, #tpu.memory_space<vmem>>, vector<16xf32>,
        %broadcast_in_dim3A_808 = arith.constant 18 : i32
        %broadcast_in_dim3A_809 = vector.broadcast %broadcast_in_dim3A_808 : i32 to vector<16xi32>
        %gather3A_810 = tpu.vector_load_idx %arg6[%broadcast_in_dim3A_809, %get3A_645] : memref<32x1024xf32, #tpu.memory_space<vmem>>[vector<16xi32>, vector<16xi32>], vector<16xf32>,
        %mul3A_811 = arith.constant 16 : i32
        %mul3A_812 = arith.muli %scan3A_638, %mul3A_811 : i32
        %swap3A_813 = arith.constant 18 : i32
        %swap3A_814 = arith.index_cast %swap3A_813 : i32 to index
        %swap3A_815 = arith.index_cast %mul3A_812 : i32 to index
        %swap3A_816 = tpu.vector_load %arg7[%swap3A_814, %swap3A_815] {strides = array<i32>} : memref<32x512xf32, #tpu.memory_space<vmem>>, vector<16xf32>,
        tpu.vector_store %arg7[%swap3A_814, %swap3A_815], %gather3A_810 {strides = array<i32>} : memref<32x512xf32, #tpu.memory_space<vmem>>, vector<16xf32>,
        %broadcast_in_dim3A_817 = arith.constant 19 : i32
        %broadcast_in_dim3A_818 = vector.broadcast %broadcast_in_dim3A_817 : i32 to vector<16xi32>
        %gather3A_819 = tpu.vector_load_idx %arg6[%broadcast_in_dim3A_818, %get3A_645] : memref<32x1024xf32, #tpu.memory_space<vmem>>[vector<16xi32>, vector<16xi32>], vector<16xf32>,
        %mul3A_820 = arith.constant 16 : i32
        %mul3A_821 = arith.muli %scan3A_638, %mul3A_820 : i32
        %swap3A_822 = arith.constant 19 : i32
        %swap3A_823 = arith.index_cast %swap3A_822 : i32 to index
        %swap3A_824 = arith.index_cast %mul3A_821 : i32 to index
        %swap3A_825 = tpu.vector_load %arg7[%swap3A_823, %swap3A_824] {strides = array<i32>} : memref<32x512xf32, #tpu.memory_space<vmem>>, vector<16xf32>,
        tpu.vector_store %arg7[%swap3A_823, %swap3A_824], %gather3A_819 {strides = array<i32>} : memref<32x512xf32, #tpu.memory_space<vmem>>, vector<16xf32>,
        %broadcast_in_dim3A_826 = arith.constant 20 : i32
        %broadcast_in_dim3A_827 = vector.broadcast %broadcast_in_dim3A_826 : i32 to vector<16xi32>
        %gather3A_828 = tpu.vector_load_idx %arg6[%broadcast_in_dim3A_827, %get3A_645] : memref<32x1024xf32, #tpu.memory_space<vmem>>[vector<16xi32>, vector<16xi32>], vector<16xf32>,
        %mul3A_829 = arith.constant 16 : i32
        %mul3A_830 = arith.muli %scan3A_638, %mul3A_829 : i32
        %swap3A_831 = arith.constant 20 : i32
        %swap3A_832 = arith.index_cast %swap3A_831 : i32 to index
        %swap3A_833 = arith.index_cast %mul3A_830 : i32 to index
        %swap3A_834 = tpu.vector_load %arg7[%swap3A_832, %swap3A_833] {strides = array<i32>} : memref<32x512xf32, #tpu.memory_space<vmem>>, vector<16xf32>,
        tpu.vector_store %arg7[%swap3A_832, %swap3A_833], %gather3A_828 {strides = array<i32>} : memref<32x512xf32, #tpu.memory_space<vmem>>, vector<16xf32>,
        %broadcast_in_dim3A_835 = arith.constant 21 : i32
        %broadcast_in_dim3A_836 = vector.broadcast %broadcast_in_dim3A_835 : i32 to vector<16xi32>
        %gather3A_837 = tpu.vector_load_idx %arg6[%broadcast_in_dim3A_836, %get3A_645] : memref<32x1024xf32, #tpu.memory_space<vmem>>[vector<16xi32>, vector<16xi32>], vector<16xf32>,
        %mul3A_838 = arith.constant 16 : i32
        %mul3A_839 = arith.muli %scan3A_638, %mul3A_838 : i32
        %swap3A_840 = arith.constant 21 : i32
        %swap3A_841 = arith.index_cast %swap3A_840 : i32 to index
        %swap3A_842 = arith.index_cast %mul3A_839 : i32 to index
        %swap3A_843 = tpu.vector_load %arg7[%swap3A_841, %swap3A_842] {strides = array<i32>} : memref<32x512xf32, #tpu.memory_space<vmem>>, vector<16xf32>,
        tpu.vector_store %arg7[%swap3A_841, %swap3A_842], %gather3A_837 {strides = array<i32>} : memref<32x512xf32, #tpu.memory_space<vmem>>, vector<16xf32>,
        %broadcast_in_dim3A_844 = arith.constant 22 : i32
        %broadcast_in_dim3A_845 = vector.broadcast %broadcast_in_dim3A_844 : i32 to vector<16xi32>
        %gather3A_846 = tpu.vector_load_idx %arg6[%broadcast_in_dim3A_845, %get3A_645] : memref<32x1024xf32, #tpu.memory_space<vmem>>[vector<16xi32>, vector<16xi32>], vector<16xf32>,
        %mul3A_847 = arith.constant 16 : i32
        %mul3A_848 = arith.muli %scan3A_638, %mul3A_847 : i32
        %swap3A_849 = arith.constant 22 : i32
        %swap3A_850 = arith.index_cast %swap3A_849 : i32 to index
        %swap3A_851 = arith.index_cast %mul3A_848 : i32 to index
        %swap3A_852 = tpu.vector_load %arg7[%swap3A_850, %swap3A_851] {strides = array<i32>} : memref<32x512xf32, #tpu.memory_space<vmem>>, vector<16xf32>,
        tpu.vector_store %arg7[%swap3A_850, %swap3A_851], %gather3A_846 {strides = array<i32>} : memref<32x512xf32, #tpu.memory_space<vmem>>, vector<16xf32>,
        %broadcast_in_dim3A_853 = arith.constant 23 : i32
        %broadcast_in_dim3A_854 = vector.broadcast %broadcast_in_dim3A_853 : i32 to vector<16xi32>
        %gather3A_855 = tpu.vector_load_idx %arg6[%broadcast_in_dim3A_854, %get3A_645] : memref<32x1024xf32, #tpu.memory_space<vmem>>[vector<16xi32>, vector<16xi32>], vector<16xf32>,
        %mul3A_856 = arith.constant 16 : i32
        %mul3A_857 = arith.muli %scan3A_638, %mul3A_856 : i32
        %swap3A_858 = arith.constant 23 : i32
        %swap3A_859 = arith.index_cast %swap3A_858 : i32 to index
        %swap3A_860 = arith.index_cast %mul3A_857 : i32 to index
        %swap3A_861 = tpu.vector_load %arg7[%swap3A_859, %swap3A_860] {strides = array<i32>} : memref<32x512xf32, #tpu.memory_space<vmem>>, vector<16xf32>,
        tpu.vector_store %arg7[%swap3A_859, %swap3A_860], %gather3A_855 {strides = array<i32>} : memref<32x512xf32, #tpu.memory_space<vmem>>, vector<16xf32>,
        %broadcast_in_dim3A_862 = arith.constant 24 : i32
        %broadcast_in_dim3A_863 = vector.broadcast %broadcast_in_dim3A_862 : i32 to vector<16xi32>
        %gather3A_864 = tpu.vector_load_idx %arg6[%broadcast_in_dim3A_863, %get3A_645] : memref<32x1024xf32, #tpu.memory_space<vmem>>[vector<16xi32>, vector<16xi32>], vector<16xf32>,
        %mul3A_865 = arith.constant 16 : i32
        %mul3A_866 = arith.muli %scan3A_638, %mul3A_865 : i32
        %swap3A_867 = arith.constant 24 : i32
        %swap3A_868 = arith.index_cast %swap3A_867 : i32 to index
        %swap3A_869 = arith.index_cast %mul3A_866 : i32 to index
        %swap3A_870 = tpu.vector_load %arg7[%swap3A_868, %swap3A_869] {strides = array<i32>} : memref<32x512xf32, #tpu.memory_space<vmem>>, vector<16xf32>,
        tpu.vector_store %arg7[%swap3A_868, %swap3A_869], %gather3A_864 {strides = array<i32>} : memref<32x512xf32, #tpu.memory_space<vmem>>, vector<16xf32>,
        %broadcast_in_dim3A_871 = arith.constant 25 : i32
        %broadcast_in_dim3A_872 = vector.broadcast %broadcast_in_dim3A_871 : i32 to vector<16xi32>
        %gather3A_873 = tpu.vector_load_idx %arg6[%broadcast_in_dim3A_872, %get3A_645] : memref<32x1024xf32, #tpu.memory_space<vmem>>[vector<16xi32>, vector<16xi32>], vector<16xf32>,
        %mul3A_874 = arith.constant 16 : i32
        %mul3A_875 = arith.muli %scan3A_638, %mul3A_874 : i32
        %swap3A_876 = arith.constant 25 : i32
        %swap3A_877 = arith.index_cast %swap3A_876 : i32 to index
        %swap3A_878 = arith.index_cast %mul3A_875 : i32 to index
        %swap3A_879 = tpu.vector_load %arg7[%swap3A_877, %swap3A_878] {strides = array<i32>} : memref<32x512xf32, #tpu.memory_space<vmem>>, vector<16xf32>,
        tpu.vector_store %arg7[%swap3A_877, %swap3A_878], %gather3A_873 {strides = array<i32>} : memref<32x512xf32, #tpu.memory_space<vmem>>, vector<16xf32>,
        %broadcast_in_dim3A_880 = arith.constant 26 : i32
        %broadcast_in_dim3A_881 = vector.broadcast %broadcast_in_dim3A_880 : i32 to vector<16xi32>
        %gather3A_882 = tpu.vector_load_idx %arg6[%broadcast_in_dim3A_881, %get3A_645] : memref<32x1024xf32, #tpu.memory_space<vmem>>[vector<16xi32>, vector<16xi32>], vector<16xf32>,
        %mul3A_883 = arith.constant 16 : i32
        %mul3A_884 = arith.muli %scan3A_638, %mul3A_883 : i32
        %swap3A_885 = arith.constant 26 : i32
        %swap3A_886 = arith.index_cast %swap3A_885 : i32 to index
        %swap3A_887 = arith.index_cast %mul3A_884 : i32 to index
        %swap3A_888 = tpu.vector_load %arg7[%swap3A_886, %swap3A_887] {strides = array<i32>} : memref<32x512xf32, #tpu.memory_space<vmem>>, vector<16xf32>,
        tpu.vector_store %arg7[%swap3A_886, %swap3A_887], %gather3A_882 {strides = array<i32>} : memref<32x512xf32, #tpu.memory_space<vmem>>, vector<16xf32>,
        %broadcast_in_dim3A_889 = arith.constant 27 : i32
        %broadcast_in_dim3A_890 = vector.broadcast %broadcast_in_dim3A_889 : i32 to vector<16xi32>
        %gather3A_891 = tpu.vector_load_idx %arg6[%broadcast_in_dim3A_890, %get3A_645] : memref<32x1024xf32, #tpu.memory_space<vmem>>[vector<16xi32>, vector<16xi32>], vector<16xf32>,
        %mul3A_892 = arith.constant 16 : i32
        %mul3A_893 = arith.muli %scan3A_638, %mul3A_892 : i32
        %swap3A_894 = arith.constant 27 : i32
        %swap3A_895 = arith.index_cast %swap3A_894 : i32 to index
        %swap3A_896 = arith.index_cast %mul3A_893 : i32 to index
        %swap3A_897 = tpu.vector_load %arg7[%swap3A_895, %swap3A_896] {strides = array<i32>} : memref<32x512xf32, #tpu.memory_space<vmem>>, vector<16xf32>,
        tpu.vector_store %arg7[%swap3A_895, %swap3A_896], %gather3A_891 {strides = array<i32>} : memref<32x512xf32, #tpu.memory_space<vmem>>, vector<16xf32>,
        %broadcast_in_dim3A_898 = arith.constant 28 : i32
        %broadcast_in_dim3A_899 = vector.broadcast %broadcast_in_dim3A_898 : i32 to vector<16xi32>
        %gather3A_900 = tpu.vector_load_idx %arg6[%broadcast_in_dim3A_899, %get3A_645] : memref<32x1024xf32, #tpu.memory_space<vmem>>[vector<16xi32>, vector<16xi32>], vector<16xf32>,
        %mul3A_901 = arith.constant 16 : i32
        %mul3A_902 = arith.muli %scan3A_638, %mul3A_901 : i32
        %swap3A_903 = arith.constant 28 : i32
        %swap3A_904 = arith.index_cast %swap3A_903 : i32 to index
        %swap3A_905 = arith.index_cast %mul3A_902 : i32 to index
        %swap3A_906 = tpu.vector_load %arg7[%swap3A_904, %swap3A_905] {strides = array<i32>} : memref<32x512xf32, #tpu.memory_space<vmem>>, vector<16xf32>,
        tpu.vector_store %arg7[%swap3A_904, %swap3A_905], %gather3A_900 {strides = array<i32>} : memref<32x512xf32, #tpu.memory_space<vmem>>, vector<16xf32>,
        %broadcast_in_dim3A_907 = arith.constant 29 : i32
        %broadcast_in_dim3A_908 = vector.broadcast %broadcast_in_dim3A_907 : i32 to vector<16xi32>
        %gather3A_909 = tpu.vector_load_idx %arg6[%broadcast_in_dim3A_908, %get3A_645] : memref<32x1024xf32, #tpu.memory_space<vmem>>[vector<16xi32>, vector<16xi32>], vector<16xf32>,
        %mul3A_910 = arith.constant 16 : i32
        %mul3A_911 = arith.muli %scan3A_638, %mul3A_910 : i32
        %swap3A_912 = arith.constant 29 : i32
        %swap3A_913 = arith.index_cast %swap3A_912 : i32 to index
        %swap3A_914 = arith.index_cast %mul3A_911 : i32 to index
        %swap3A_915 = tpu.vector_load %arg7[%swap3A_913, %swap3A_914] {strides = array<i32>} : memref<32x512xf32, #tpu.memory_space<vmem>>, vector<16xf32>,
        tpu.vector_store %arg7[%swap3A_913, %swap3A_914], %gather3A_909 {strides = array<i32>} : memref<32x512xf32, #tpu.memory_space<vmem>>, vector<16xf32>,
        %broadcast_in_dim3A_916 = arith.constant 30 : i32
        %broadcast_in_dim3A_917 = vector.broadcast %broadcast_in_dim3A_916 : i32 to vector<16xi32>
        %gather3A_918 = tpu.vector_load_idx %arg6[%broadcast_in_dim3A_917, %get3A_645] : memref<32x1024xf32, #tpu.memory_space<vmem>>[vector<16xi32>, vector<16xi32>], vector<16xf32>,
        %mul3A_919 = arith.constant 16 : i32
        %mul3A_920 = arith.muli %scan3A_638, %mul3A_919 : i32
        %swap3A_921 = arith.constant 30 : i32
        %swap3A_922 = arith.index_cast %swap3A_921 : i32 to index
        %swap3A_923 = arith.index_cast %mul3A_920 : i32 to index
        %swap3A_924 = tpu.vector_load %arg7[%swap3A_922, %swap3A_923] {strides = array<i32>} : memref<32x512xf32, #tpu.memory_space<vmem>>, vector<16xf32>,
        tpu.vector_store %arg7[%swap3A_922, %swap3A_923], %gather3A_918 {strides = array<i32>} : memref<32x512xf32, #tpu.memory_space<vmem>>, vector<16xf32>,
        %broadcast_in_dim3A_925 = arith.constant 31 : i32
        %broadcast_in_dim3A_926 = vector.broadcast %broadcast_in_dim3A_925 : i32 to vector<16xi32>
        %gather3A_927 = tpu.vector_load_idx %arg6[%broadcast_in_dim3A_926, %get3A_645] : memref<32x1024xf32, #tpu.memory_space<vmem>>[vector<16xi32>, vector<16xi32>], vector<16xf32>,
        %mul3A_928 = arith.constant 16 : i32
        %mul3A_929 = arith.muli %scan3A_638, %mul3A_928 : i32
        %swap3A_930 = arith.constant 31 : i32
        %swap3A_931 = arith.index_cast %swap3A_930 : i32 to index
        %swap3A_932 = arith.index_cast %mul3A_929 : i32 to index
        %swap3A_933 = tpu.vector_load %arg7[%swap3A_931, %swap3A_932] {strides = array<i32>} : memref<32x512xf32, #tpu.memory_space<vmem>>, vector<16xf32>,
        tpu.vector_store %arg7[%swap3A_931, %swap3A_932], %gather3A_927 {strides = array<i32>} : memref<32x512xf32, #tpu.memory_space<vmem>>, vector<16xf32>,
        %scan3A_934 = arith.constant 3 : i32
        %scan3A_935 = arith.addi %scan3A_48, %scan3A_934 : i32
        %mul3A_936 = arith.constant 512 : i32
        %mul3A_937 = arith.muli %scan3A_38, %mul3A_936 : i32
        %mul3A_938 = arith.constant 16 : i32
        %mul3A_939 = arith.muli %scan3A_935, %mul3A_938 : i32
        %add3A_940 = arith.addi %mul3A_937, %mul3A_939 : i32
        %get3A_941 = arith.index_cast %add3A_940 : i32 to index
        %get3A_942 = tpu.vector_load %arg5[%get3A_941] {strides = array<i32>} : memref<1024xi32, #tpu.memory_space<vmem>>, vector<16xi32>,
        %broadcast_in_dim3A_943 = arith.constant 0 : i32
        %broadcast_in_dim3A_944 = vector.broadcast %broadcast_in_dim3A_943 : i32 to vector<16xi32>
        %gather3A_945 = tpu.vector_load_idx %arg6[%broadcast_in_dim3A_944, %get3A_942] : memref<32x1024xf32, #tpu.memory_space<vmem>>[vector<16xi32>, vector<16xi32>], vector<16xf32>,
        %mul3A_946 = arith.constant 16 : i32
        %mul3A_947 = arith.muli %scan3A_935, %mul3A_946 : i32
        %swap3A_948 = arith.constant 0 : i32
        %swap3A_949 = arith.index_cast %swap3A_948 : i32 to index
        %swap3A_950 = arith.index_cast %mul3A_947 : i32 to index
        %swap3A_951 = tpu.vector_load %arg7[%swap3A_949, %swap3A_950] {strides = array<i32>} : memref<32x512xf32, #tpu.memory_space<vmem>>, vector<16xf32>,
        tpu.vector_store %arg7[%swap3A_949, %swap3A_950], %gather3A_945 {strides = array<i32>} : memref<32x512xf32, #tpu.memory_space<vmem>>, vector<16xf32>,
        %broadcast_in_dim3A_952 = arith.constant 1 : i32
        %broadcast_in_dim3A_953 = vector.broadcast %broadcast_in_dim3A_952 : i32 to vector<16xi32>
        %gather3A_954 = tpu.vector_load_idx %arg6[%broadcast_in_dim3A_953, %get3A_942] : memref<32x1024xf32, #tpu.memory_space<vmem>>[vector<16xi32>, vector<16xi32>], vector<16xf32>,
        %mul3A_955 = arith.constant 16 : i32
        %mul3A_956 = arith.muli %scan3A_935, %mul3A_955 : i32
        %swap3A_957 = arith.constant 1 : i32
        %swap3A_958 = arith.index_cast %swap3A_957 : i32 to index
        %swap3A_959 = arith.index_cast %mul3A_956 : i32 to index
        %swap3A_960 = tpu.vector_load %arg7[%swap3A_958, %swap3A_959] {strides = array<i32>} : memref<32x512xf32, #tpu.memory_space<vmem>>, vector<16xf32>,
        tpu.vector_store %arg7[%swap3A_958, %swap3A_959], %gather3A_954 {strides = array<i32>} : memref<32x512xf32, #tpu.memory_space<vmem>>, vector<16xf32>,
        %broadcast_in_dim3A_961 = arith.constant 2 : i32
        %broadcast_in_dim3A_962 = vector.broadcast %broadcast_in_dim3A_961 : i32 to vector<16xi32>
        %gather3A_963 = tpu.vector_load_idx %arg6[%broadcast_in_dim3A_962, %get3A_942] : memref<32x1024xf32, #tpu.memory_space<vmem>>[vector<16xi32>, vector<16xi32>], vector<16xf32>,
        %mul3A_964 = arith.constant 16 : i32
        %mul3A_965 = arith.muli %scan3A_935, %mul3A_964 : i32
        %swap3A_966 = arith.constant 2 : i32
        %swap3A_967 = arith.index_cast %swap3A_966 : i32 to index
        %swap3A_968 = arith.index_cast %mul3A_965 : i32 to index
        %swap3A_969 = tpu.vector_load %arg7[%swap3A_967, %swap3A_968] {strides = array<i32>} : memref<32x512xf32, #tpu.memory_space<vmem>>, vector<16xf32>,
        tpu.vector_store %arg7[%swap3A_967, %swap3A_968], %gather3A_963 {strides = array<i32>} : memref<32x512xf32, #tpu.memory_space<vmem>>, vector<16xf32>,
        %broadcast_in_dim3A_970 = arith.constant 3 : i32
        %broadcast_in_dim3A_971 = vector.broadcast %broadcast_in_dim3A_970 : i32 to vector<16xi32>
        %gather3A_972 = tpu.vector_load_idx %arg6[%broadcast_in_dim3A_971, %get3A_942] : memref<32x1024xf32, #tpu.memory_space<vmem>>[vector<16xi32>, vector<16xi32>], vector<16xf32>,
        %mul3A_973 = arith.constant 16 : i32
        %mul3A_974 = arith.muli %scan3A_935, %mul3A_973 : i32
        %swap3A_975 = arith.constant 3 : i32
        %swap3A_976 = arith.index_cast %swap3A_975 : i32 to index
        %swap3A_977 = arith.index_cast %mul3A_974 : i32 to index
        %swap3A_978 = tpu.vector_load %arg7[%swap3A_976, %swap3A_977] {strides = array<i32>} : memref<32x512xf32, #tpu.memory_space<vmem>>, vector<16xf32>,
        tpu.vector_store %arg7[%swap3A_976, %swap3A_977], %gather3A_972 {strides = array<i32>} : memref<32x512xf32, #tpu.memory_space<vmem>>, vector<16xf32>,
        %broadcast_in_dim3A_979 = arith.constant 4 : i32
        %broadcast_in_dim3A_980 = vector.broadcast %broadcast_in_dim3A_979 : i32 to vector<16xi32>
        %gather3A_981 = tpu.vector_load_idx %arg6[%broadcast_in_dim3A_980, %get3A_942] : memref<32x1024xf32, #tpu.memory_space<vmem>>[vector<16xi32>, vector<16xi32>], vector<16xf32>,
        %mul3A_982 = arith.constant 16 : i32
        %mul3A_983 = arith.muli %scan3A_935, %mul3A_982 : i32
        %swap3A_984 = arith.constant 4 : i32
        %swap3A_985 = arith.index_cast %swap3A_984 : i32 to index
        %swap3A_986 = arith.index_cast %mul3A_983 : i32 to index
        %swap3A_987 = tpu.vector_load %arg7[%swap3A_985, %swap3A_986] {strides = array<i32>} : memref<32x512xf32, #tpu.memory_space<vmem>>, vector<16xf32>,
        tpu.vector_store %arg7[%swap3A_985, %swap3A_986], %gather3A_981 {strides = array<i32>} : memref<32x512xf32, #tpu.memory_space<vmem>>, vector<16xf32>,
        %broadcast_in_dim3A_988 = arith.constant 5 : i32
        %broadcast_in_dim3A_989 = vector.broadcast %broadcast_in_dim3A_988 : i32 to vector<16xi32>
        %gather3A_990 = tpu.vector_load_idx %arg6[%broadcast_in_dim3A_989, %get3A_942] : memref<32x1024xf32, #tpu.memory_space<vmem>>[vector<16xi32>, vector<16xi32>], vector<16xf32>,
        %mul3A_991 = arith.constant 16 : i32
        %mul3A_992 = arith.muli %scan3A_935, %mul3A_991 : i32
        %swap3A_993 = arith.constant 5 : i32
        %swap3A_994 = arith.index_cast %swap3A_993 : i32 to index
        %swap3A_995 = arith.index_cast %mul3A_992 : i32 to index
        %swap3A_996 = tpu.vector_load %arg7[%swap3A_994, %swap3A_995] {strides = array<i32>} : memref<32x512xf32, #tpu.memory_space<vmem>>, vector<16xf32>,
        tpu.vector_store %arg7[%swap3A_994, %swap3A_995], %gather3A_990 {strides = array<i32>} : memref<32x512xf32, #tpu.memory_space<vmem>>, vector<16xf32>,
        %broadcast_in_dim3A_997 = arith.constant 6 : i32
        %broadcast_in_dim3A_998 = vector.broadcast %broadcast_in_dim3A_997 : i32 to vector<16xi32>
        %gather3A_999 = tpu.vector_load_idx %arg6[%broadcast_in_dim3A_998, %get3A_942] : memref<32x1024xf32, #tpu.memory_space<vmem>>[vector<16xi32>, vector<16xi32>], vector<16xf32>,
        %mul3A_1000 = arith.constant 16 : i32
        %mul3A_1001 = arith.muli %scan3A_935, %mul3A_1000 : i32
        %swap3A_1002 = arith.constant 6 : i32
        %swap3A_1003 = arith.index_cast %swap3A_1002 : i32 to index
        %swap3A_1004 = arith.index_cast %mul3A_1001 : i32 to index
        %swap3A_1005 = tpu.vector_load %arg7[%swap3A_1003, %swap3A_1004] {strides = array<i32>} : memref<32x512xf32, #tpu.memory_space<vmem>>, vector<16xf32>,
        tpu.vector_store %arg7[%swap3A_1003, %swap3A_1004], %gather3A_999 {strides = array<i32>} : memref<32x512xf32, #tpu.memory_space<vmem>>, vector<16xf32>,
        %broadcast_in_dim3A_1006 = arith.constant 7 : i32
        %broadcast_in_dim3A_1007 = vector.broadcast %broadcast_in_dim3A_1006 : i32 to vector<16xi32>
        %gather3A_1008 = tpu.vector_load_idx %arg6[%broadcast_in_dim3A_1007, %get3A_942] : memref<32x1024xf32, #tpu.memory_space<vmem>>[vector<16xi32>, vector<16xi32>], vector<16xf32>,
        %mul3A_1009 = arith.constant 16 : i32
        %mul3A_1010 = arith.muli %scan3A_935, %mul3A_1009 : i32
        %swap3A_1011 = arith.constant 7 : i32
        %swap3A_1012 = arith.index_cast %swap3A_1011 : i32 to index
        %swap3A_1013 = arith.index_cast %mul3A_1010 : i32 to index
        %swap3A_1014 = tpu.vector_load %arg7[%swap3A_1012, %swap3A_1013] {strides = array<i32>} : memref<32x512xf32, #tpu.memory_space<vmem>>, vector<16xf32>,
        tpu.vector_store %arg7[%swap3A_1012, %swap3A_1013], %gather3A_1008 {strides = array<i32>} : memref<32x512xf32, #tpu.memory_space<vmem>>, vector<16xf32>,
        %broadcast_in_dim3A_1015 = arith.constant 8 : i32
        %broadcast_in_dim3A_1016 = vector.broadcast %broadcast_in_dim3A_1015 : i32 to vector<16xi32>
        %gather3A_1017 = tpu.vector_load_idx %arg6[%broadcast_in_dim3A_1016, %get3A_942] : memref<32x1024xf32, #tpu.memory_space<vmem>>[vector<16xi32>, vector<16xi32>], vector<16xf32>,
        %mul3A_1018 = arith.constant 16 : i32
        %mul3A_1019 = arith.muli %scan3A_935, %mul3A_1018 : i32
        %swap3A_1020 = arith.constant 8 : i32
        %swap3A_1021 = arith.index_cast %swap3A_1020 : i32 to index
        %swap3A_1022 = arith.index_cast %mul3A_1019 : i32 to index
        %swap3A_1023 = tpu.vector_load %arg7[%swap3A_1021, %swap3A_1022] {strides = array<i32>} : memref<32x512xf32, #tpu.memory_space<vmem>>, vector<16xf32>,
        tpu.vector_store %arg7[%swap3A_1021, %swap3A_1022], %gather3A_1017 {strides = array<i32>} : memref<32x512xf32, #tpu.memory_space<vmem>>, vector<16xf32>,
        %broadcast_in_dim3A_1024 = arith.constant 9 : i32
        %broadcast_in_dim3A_1025 = vector.broadcast %broadcast_in_dim3A_1024 : i32 to vector<16xi32>
        %gather3A_1026 = tpu.vector_load_idx %arg6[%broadcast_in_dim3A_1025, %get3A_942] : memref<32x1024xf32, #tpu.memory_space<vmem>>[vector<16xi32>, vector<16xi32>], vector<16xf32>,
        %mul3A_1027 = arith.constant 16 : i32
        %mul3A_1028 = arith.muli %scan3A_935, %mul3A_1027 : i32
        %swap3A_1029 = arith.constant 9 : i32
        %swap3A_1030 = arith.index_cast %swap3A_1029 : i32 to index
        %swap3A_1031 = arith.index_cast %mul3A_1028 : i32 to index
        %swap3A_1032 = tpu.vector_load %arg7[%swap3A_1030, %swap3A_1031] {strides = array<i32>} : memref<32x512xf32, #tpu.memory_space<vmem>>, vector<16xf32>,
        tpu.vector_store %arg7[%swap3A_1030, %swap3A_1031], %gather3A_1026 {strides = array<i32>} : memref<32x512xf32, #tpu.memory_space<vmem>>, vector<16xf32>,
        %broadcast_in_dim3A_1033 = arith.constant 10 : i32
        %broadcast_in_dim3A_1034 = vector.broadcast %broadcast_in_dim3A_1033 : i32 to vector<16xi32>
        %gather3A_1035 = tpu.vector_load_idx %arg6[%broadcast_in_dim3A_1034, %get3A_942] : memref<32x1024xf32, #tpu.memory_space<vmem>>[vector<16xi32>, vector<16xi32>], vector<16xf32>,
        %mul3A_1036 = arith.constant 16 : i32
        %mul3A_1037 = arith.muli %scan3A_935, %mul3A_1036 : i32
        %swap3A_1038 = arith.constant 10 : i32
        %swap3A_1039 = arith.index_cast %swap3A_1038 : i32 to index
        %swap3A_1040 = arith.index_cast %mul3A_1037 : i32 to index
        %swap3A_1041 = tpu.vector_load %arg7[%swap3A_1039, %swap3A_1040] {strides = array<i32>} : memref<32x512xf32, #tpu.memory_space<vmem>>, vector<16xf32>,
        tpu.vector_store %arg7[%swap3A_1039, %swap3A_1040], %gather3A_1035 {strides = array<i32>} : memref<32x512xf32, #tpu.memory_space<vmem>>, vector<16xf32>,
        %broadcast_in_dim3A_1042 = arith.constant 11 : i32
        %broadcast_in_dim3A_1043 = vector.broadcast %broadcast_in_dim3A_1042 : i32 to vector<16xi32>
        %gather3A_1044 = tpu.vector_load_idx %arg6[%broadcast_in_dim3A_1043, %get3A_942] : memref<32x1024xf32, #tpu.memory_space<vmem>>[vector<16xi32>, vector<16xi32>], vector<16xf32>,
        %mul3A_1045 = arith.constant 16 : i32
        %mul3A_1046 = arith.muli %scan3A_935, %mul3A_1045 : i32
        %swap3A_1047 = arith.constant 11 : i32
        %swap3A_1048 = arith.index_cast %swap3A_1047 : i32 to index
        %swap3A_1049 = arith.index_cast %mul3A_1046 : i32 to index
        %swap3A_1050 = tpu.vector_load %arg7[%swap3A_1048, %swap3A_1049] {strides = array<i32>} : memref<32x512xf32, #tpu.memory_space<vmem>>, vector<16xf32>,
        tpu.vector_store %arg7[%swap3A_1048, %swap3A_1049], %gather3A_1044 {strides = array<i32>} : memref<32x512xf32, #tpu.memory_space<vmem>>, vector<16xf32>,
        %broadcast_in_dim3A_1051 = arith.constant 12 : i32
        %broadcast_in_dim3A_1052 = vector.broadcast %broadcast_in_dim3A_1051 : i32 to vector<16xi32>
        %gather3A_1053 = tpu.vector_load_idx %arg6[%broadcast_in_dim3A_1052, %get3A_942] : memref<32x1024xf32, #tpu.memory_space<vmem>>[vector<16xi32>, vector<16xi32>], vector<16xf32>,
        %mul3A_1054 = arith.constant 16 : i32
        %mul3A_1055 = arith.muli %scan3A_935, %mul3A_1054 : i32
        %swap3A_1056 = arith.constant 12 : i32
        %swap3A_1057 = arith.index_cast %swap3A_1056 : i32 to index
        %swap3A_1058 = arith.index_cast %mul3A_1055 : i32 to index
        %swap3A_1059 = tpu.vector_load %arg7[%swap3A_1057, %swap3A_1058] {strides = array<i32>} : memref<32x512xf32, #tpu.memory_space<vmem>>, vector<16xf32>,
        tpu.vector_store %arg7[%swap3A_1057, %swap3A_1058], %gather3A_1053 {strides = array<i32>} : memref<32x512xf32, #tpu.memory_space<vmem>>, vector<16xf32>,
        %broadcast_in_dim3A_1060 = arith.constant 13 : i32
        %broadcast_in_dim3A_1061 = vector.broadcast %broadcast_in_dim3A_1060 : i32 to vector<16xi32>
        %gather3A_1062 = tpu.vector_load_idx %arg6[%broadcast_in_dim3A_1061, %get3A_942] : memref<32x1024xf32, #tpu.memory_space<vmem>>[vector<16xi32>, vector<16xi32>], vector<16xf32>,
        %mul3A_1063 = arith.constant 16 : i32
        %mul3A_1064 = arith.muli %scan3A_935, %mul3A_1063 : i32
        %swap3A_1065 = arith.constant 13 : i32
        %swap3A_1066 = arith.index_cast %swap3A_1065 : i32 to index
        %swap3A_1067 = arith.index_cast %mul3A_1064 : i32 to index
        %swap3A_1068 = tpu.vector_load %arg7[%swap3A_1066, %swap3A_1067] {strides = array<i32>} : memref<32x512xf32, #tpu.memory_space<vmem>>, vector<16xf32>,
        tpu.vector_store %arg7[%swap3A_1066, %swap3A_1067], %gather3A_1062 {strides = array<i32>} : memref<32x512xf32, #tpu.memory_space<vmem>>, vector<16xf32>,
        %broadcast_in_dim3A_1069 = arith.constant 14 : i32
        %broadcast_in_dim3A_1070 = vector.broadcast %broadcast_in_dim3A_1069 : i32 to vector<16xi32>
        %gather3A_1071 = tpu.vector_load_idx %arg6[%broadcast_in_dim3A_1070, %get3A_942] : memref<32x1024xf32, #tpu.memory_space<vmem>>[vector<16xi32>, vector<16xi32>], vector<16xf32>,
        %mul3A_1072 = arith.constant 16 : i32
        %mul3A_1073 = arith.muli %scan3A_935, %mul3A_1072 : i32
        %swap3A_1074 = arith.constant 14 : i32
        %swap3A_1075 = arith.index_cast %swap3A_1074 : i32 to index
        %swap3A_1076 = arith.index_cast %mul3A_1073 : i32 to index
        %swap3A_1077 = tpu.vector_load %arg7[%swap3A_1075, %swap3A_1076] {strides = array<i32>} : memref<32x512xf32, #tpu.memory_space<vmem>>, vector<16xf32>,
        tpu.vector_store %arg7[%swap3A_1075, %swap3A_1076], %gather3A_1071 {strides = array<i32>} : memref<32x512xf32, #tpu.memory_space<vmem>>, vector<16xf32>,
        %broadcast_in_dim3A_1078 = arith.constant 15 : i32
        %broadcast_in_dim3A_1079 = vector.broadcast %broadcast_in_dim3A_1078 : i32 to vector<16xi32>
        %gather3A_1080 = tpu.vector_load_idx %arg6[%broadcast_in_dim3A_1079, %get3A_942] : memref<32x1024xf32, #tpu.memory_space<vmem>>[vector<16xi32>, vector<16xi32>], vector<16xf32>,
        %mul3A_1081 = arith.constant 16 : i32
        %mul3A_1082 = arith.muli %scan3A_935, %mul3A_1081 : i32
        %swap3A_1083 = arith.constant 15 : i32
        %swap3A_1084 = arith.index_cast %swap3A_1083 : i32 to index
        %swap3A_1085 = arith.index_cast %mul3A_1082 : i32 to index
        %swap3A_1086 = tpu.vector_load %arg7[%swap3A_1084, %swap3A_1085] {strides = array<i32>} : memref<32x512xf32, #tpu.memory_space<vmem>>, vector<16xf32>,
        tpu.vector_store %arg7[%swap3A_1084, %swap3A_1085], %gather3A_1080 {strides = array<i32>} : memref<32x512xf32, #tpu.memory_space<vmem>>, vector<16xf32>,
        %broadcast_in_dim3A_1087 = arith.constant 16 : i32
        %broadcast_in_dim3A_1088 = vector.broadcast %broadcast_in_dim3A_1087 : i32 to vector<16xi32>
        %gather3A_1089 = tpu.vector_load_idx %arg6[%broadcast_in_dim3A_1088, %get3A_942] : memref<32x1024xf32, #tpu.memory_space<vmem>>[vector<16xi32>, vector<16xi32>], vector<16xf32>,
        %mul3A_1090 = arith.constant 16 : i32
        %mul3A_1091 = arith.muli %scan3A_935, %mul3A_1090 : i32
        %swap3A_1092 = arith.constant 16 : i32
        %swap3A_1093 = arith.index_cast %swap3A_1092 : i32 to index
        %swap3A_1094 = arith.index_cast %mul3A_1091 : i32 to index
        %swap3A_1095 = tpu.vector_load %arg7[%swap3A_1093, %swap3A_1094] {strides = array<i32>} : memref<32x512xf32, #tpu.memory_space<vmem>>, vector<16xf32>,
        tpu.vector_store %arg7[%swap3A_1093, %swap3A_1094], %gather3A_1089 {strides = array<i32>} : memref<32x512xf32, #tpu.memory_space<vmem>>, vector<16xf32>,
        %broadcast_in_dim3A_1096 = arith.constant 17 : i32
        %broadcast_in_dim3A_1097 = vector.broadcast %broadcast_in_dim3A_1096 : i32 to vector<16xi32>
        %gather3A_1098 = tpu.vector_load_idx %arg6[%broadcast_in_dim3A_1097, %get3A_942] : memref<32x1024xf32, #tpu.memory_space<vmem>>[vector<16xi32>, vector<16xi32>], vector<16xf32>,
        %mul3A_1099 = arith.constant 16 : i32
        %mul3A_1100 = arith.muli %scan3A_935, %mul3A_1099 : i32
        %swap3A_1101 = arith.constant 17 : i32
        %swap3A_1102 = arith.index_cast %swap3A_1101 : i32 to index
        %swap3A_1103 = arith.index_cast %mul3A_1100 : i32 to index
        %swap3A_1104 = tpu.vector_load %arg7[%swap3A_1102, %swap3A_1103] {strides = array<i32>} : memref<32x512xf32, #tpu.memory_space<vmem>>, vector<16xf32>,
        tpu.vector_store %arg7[%swap3A_1102, %swap3A_1103], %gather3A_1098 {strides = array<i32>} : memref<32x512xf32, #tpu.memory_space<vmem>>, vector<16xf32>,
        %broadcast_in_dim3A_1105 = arith.constant 18 : i32
        %broadcast_in_dim3A_1106 = vector.broadcast %broadcast_in_dim3A_1105 : i32 to vector<16xi32>
        %gather3A_1107 = tpu.vector_load_idx %arg6[%broadcast_in_dim3A_1106, %get3A_942] : memref<32x1024xf32, #tpu.memory_space<vmem>>[vector<16xi32>, vector<16xi32>], vector<16xf32>,
        %mul3A_1108 = arith.constant 16 : i32
        %mul3A_1109 = arith.muli %scan3A_935, %mul3A_1108 : i32
        %swap3A_1110 = arith.constant 18 : i32
        %swap3A_1111 = arith.index_cast %swap3A_1110 : i32 to index
        %swap3A_1112 = arith.index_cast %mul3A_1109 : i32 to index
        %swap3A_1113 = tpu.vector_load %arg7[%swap3A_1111, %swap3A_1112] {strides = array<i32>} : memref<32x512xf32, #tpu.memory_space<vmem>>, vector<16xf32>,
        tpu.vector_store %arg7[%swap3A_1111, %swap3A_1112], %gather3A_1107 {strides = array<i32>} : memref<32x512xf32, #tpu.memory_space<vmem>>, vector<16xf32>,
        %broadcast_in_dim3A_1114 = arith.constant 19 : i32
        %broadcast_in_dim3A_1115 = vector.broadcast %broadcast_in_dim3A_1114 : i32 to vector<16xi32>
        %gather3A_1116 = tpu.vector_load_idx %arg6[%broadcast_in_dim3A_1115, %get3A_942] : memref<32x1024xf32, #tpu.memory_space<vmem>>[vector<16xi32>, vector<16xi32>], vector<16xf32>,
        %mul3A_1117 = arith.constant 16 : i32
        %mul3A_1118 = arith.muli %scan3A_935, %mul3A_1117 : i32
        %swap3A_1119 = arith.constant 19 : i32
        %swap3A_1120 = arith.index_cast %swap3A_1119 : i32 to index
        %swap3A_1121 = arith.index_cast %mul3A_1118 : i32 to index
        %swap3A_1122 = tpu.vector_load %arg7[%swap3A_1120, %swap3A_1121] {strides = array<i32>} : memref<32x512xf32, #tpu.memory_space<vmem>>, vector<16xf32>,
        tpu.vector_store %arg7[%swap3A_1120, %swap3A_1121], %gather3A_1116 {strides = array<i32>} : memref<32x512xf32, #tpu.memory_space<vmem>>, vector<16xf32>,
        %broadcast_in_dim3A_1123 = arith.constant 20 : i32
        %broadcast_in_dim3A_1124 = vector.broadcast %broadcast_in_dim3A_1123 : i32 to vector<16xi32>
        %gather3A_1125 = tpu.vector_load_idx %arg6[%broadcast_in_dim3A_1124, %get3A_942] : memref<32x1024xf32, #tpu.memory_space<vmem>>[vector<16xi32>, vector<16xi32>], vector<16xf32>,
        %mul3A_1126 = arith.constant 16 : i32
        %mul3A_1127 = arith.muli %scan3A_935, %mul3A_1126 : i32
        %swap3A_1128 = arith.constant 20 : i32
        %swap3A_1129 = arith.index_cast %swap3A_1128 : i32 to index
        %swap3A_1130 = arith.index_cast %mul3A_1127 : i32 to index
        %swap3A_1131 = tpu.vector_load %arg7[%swap3A_1129, %swap3A_1130] {strides = array<i32>} : memref<32x512xf32, #tpu.memory_space<vmem>>, vector<16xf32>,
        tpu.vector_store %arg7[%swap3A_1129, %swap3A_1130], %gather3A_1125 {strides = array<i32>} : memref<32x512xf32, #tpu.memory_space<vmem>>, vector<16xf32>,
        %broadcast_in_dim3A_1132 = arith.constant 21 : i32
        %broadcast_in_dim3A_1133 = vector.broadcast %broadcast_in_dim3A_1132 : i32 to vector<16xi32>
        %gather3A_1134 = tpu.vector_load_idx %arg6[%broadcast_in_dim3A_1133, %get3A_942] : memref<32x1024xf32, #tpu.memory_space<vmem>>[vector<16xi32>, vector<16xi32>], vector<16xf32>,
        %mul3A_1135 = arith.constant 16 : i32
        %mul3A_1136 = arith.muli %scan3A_935, %mul3A_1135 : i32
        %swap3A_1137 = arith.constant 21 : i32
        %swap3A_1138 = arith.index_cast %swap3A_1137 : i32 to index
        %swap3A_1139 = arith.index_cast %mul3A_1136 : i32 to index
        %swap3A_1140 = tpu.vector_load %arg7[%swap3A_1138, %swap3A_1139] {strides = array<i32>} : memref<32x512xf32, #tpu.memory_space<vmem>>, vector<16xf32>,
        tpu.vector_store %arg7[%swap3A_1138, %swap3A_1139], %gather3A_1134 {strides = array<i32>} : memref<32x512xf32, #tpu.memory_space<vmem>>, vector<16xf32>,
        %broadcast_in_dim3A_1141 = arith.constant 22 : i32
        %broadcast_in_dim3A_1142 = vector.broadcast %broadcast_in_dim3A_1141 : i32 to vector<16xi32>
        %gather3A_1143 = tpu.vector_load_idx %arg6[%broadcast_in_dim3A_1142, %get3A_942] : memref<32x1024xf32, #tpu.memory_space<vmem>>[vector<16xi32>, vector<16xi32>], vector<16xf32>,
        %mul3A_1144 = arith.constant 16 : i32
        %mul3A_1145 = arith.muli %scan3A_935, %mul3A_1144 : i32
        %swap3A_1146 = arith.constant 22 : i32
        %swap3A_1147 = arith.index_cast %swap3A_1146 : i32 to index
        %swap3A_1148 = arith.index_cast %mul3A_1145 : i32 to index
        %swap3A_1149 = tpu.vector_load %arg7[%swap3A_1147, %swap3A_1148] {strides = array<i32>} : memref<32x512xf32, #tpu.memory_space<vmem>>, vector<16xf32>,
        tpu.vector_store %arg7[%swap3A_1147, %swap3A_1148], %gather3A_1143 {strides = array<i32>} : memref<32x512xf32, #tpu.memory_space<vmem>>, vector<16xf32>,
        %broadcast_in_dim3A_1150 = arith.constant 23 : i32
        %broadcast_in_dim3A_1151 = vector.broadcast %broadcast_in_dim3A_1150 : i32 to vector<16xi32>
        %gather3A_1152 = tpu.vector_load_idx %arg6[%broadcast_in_dim3A_1151, %get3A_942] : memref<32x1024xf32, #tpu.memory_space<vmem>>[vector<16xi32>, vector<16xi32>], vector<16xf32>,
        %mul3A_1153 = arith.constant 16 : i32
        %mul3A_1154 = arith.muli %scan3A_935, %mul3A_1153 : i32
        %swap3A_1155 = arith.constant 23 : i32
        %swap3A_1156 = arith.index_cast %swap3A_1155 : i32 to index
        %swap3A_1157 = arith.index_cast %mul3A_1154 : i32 to index
        %swap3A_1158 = tpu.vector_load %arg7[%swap3A_1156, %swap3A_1157] {strides = array<i32>} : memref<32x512xf32, #tpu.memory_space<vmem>>, vector<16xf32>,
        tpu.vector_store %arg7[%swap3A_1156, %swap3A_1157], %gather3A_1152 {strides = array<i32>} : memref<32x512xf32, #tpu.memory_space<vmem>>, vector<16xf32>,
        %broadcast_in_dim3A_1159 = arith.constant 24 : i32
        %broadcast_in_dim3A_1160 = vector.broadcast %broadcast_in_dim3A_1159 : i32 to vector<16xi32>
        %gather3A_1161 = tpu.vector_load_idx %arg6[%broadcast_in_dim3A_1160, %get3A_942] : memref<32x1024xf32, #tpu.memory_space<vmem>>[vector<16xi32>, vector<16xi32>], vector<16xf32>,
        %mul3A_1162 = arith.constant 16 : i32
        %mul3A_1163 = arith.muli %scan3A_935, %mul3A_1162 : i32
        %swap3A_1164 = arith.constant 24 : i32
        %swap3A_1165 = arith.index_cast %swap3A_1164 : i32 to index
        %swap3A_1166 = arith.index_cast %mul3A_1163 : i32 to index
        %swap3A_1167 = tpu.vector_load %arg7[%swap3A_1165, %swap3A_1166] {strides = array<i32>} : memref<32x512xf32, #tpu.memory_space<vmem>>, vector<16xf32>,
        tpu.vector_store %arg7[%swap3A_1165, %swap3A_1166], %gather3A_1161 {strides = array<i32>} : memref<32x512xf32, #tpu.memory_space<vmem>>, vector<16xf32>,
        %broadcast_in_dim3A_1168 = arith.constant 25 : i32
        %broadcast_in_dim3A_1169 = vector.broadcast %broadcast_in_dim3A_1168 : i32 to vector<16xi32>
        %gather3A_1170 = tpu.vector_load_idx %arg6[%broadcast_in_dim3A_1169, %get3A_942] : memref<32x1024xf32, #tpu.memory_space<vmem>>[vector<16xi32>, vector<16xi32>], vector<16xf32>,
        %mul3A_1171 = arith.constant 16 : i32
        %mul3A_1172 = arith.muli %scan3A_935, %mul3A_1171 : i32
        %swap3A_1173 = arith.constant 25 : i32
        %swap3A_1174 = arith.index_cast %swap3A_1173 : i32 to index
        %swap3A_1175 = arith.index_cast %mul3A_1172 : i32 to index
        %swap3A_1176 = tpu.vector_load %arg7[%swap3A_1174, %swap3A_1175] {strides = array<i32>} : memref<32x512xf32, #tpu.memory_space<vmem>>, vector<16xf32>,
        tpu.vector_store %arg7[%swap3A_1174, %swap3A_1175], %gather3A_1170 {strides = array<i32>} : memref<32x512xf32, #tpu.memory_space<vmem>>, vector<16xf32>,
        %broadcast_in_dim3A_1177 = arith.constant 26 : i32
        %broadcast_in_dim3A_1178 = vector.broadcast %broadcast_in_dim3A_1177 : i32 to vector<16xi32>
        %gather3A_1179 = tpu.vector_load_idx %arg6[%broadcast_in_dim3A_1178, %get3A_942] : memref<32x1024xf32, #tpu.memory_space<vmem>>[vector<16xi32>, vector<16xi32>], vector<16xf32>,
        %mul3A_1180 = arith.constant 16 : i32
        %mul3A_1181 = arith.muli %scan3A_935, %mul3A_1180 : i32
        %swap3A_1182 = arith.constant 26 : i32
        %swap3A_1183 = arith.index_cast %swap3A_1182 : i32 to index
        %swap3A_1184 = arith.index_cast %mul3A_1181 : i32 to index
        %swap3A_1185 = tpu.vector_load %arg7[%swap3A_1183, %swap3A_1184] {strides = array<i32>} : memref<32x512xf32, #tpu.memory_space<vmem>>, vector<16xf32>,
        tpu.vector_store %arg7[%swap3A_1183, %swap3A_1184], %gather3A_1179 {strides = array<i32>} : memref<32x512xf32, #tpu.memory_space<vmem>>, vector<16xf32>,
        %broadcast_in_dim3A_1186 = arith.constant 27 : i32
        %broadcast_in_dim3A_1187 = vector.broadcast %broadcast_in_dim3A_1186 : i32 to vector<16xi32>
        %gather3A_1188 = tpu.vector_load_idx %arg6[%broadcast_in_dim3A_1187, %get3A_942] : memref<32x1024xf32, #tpu.memory_space<vmem>>[vector<16xi32>, vector<16xi32>], vector<16xf32>,
        %mul3A_1189 = arith.constant 16 : i32
        %mul3A_1190 = arith.muli %scan3A_935, %mul3A_1189 : i32
        %swap3A_1191 = arith.constant 27 : i32
        %swap3A_1192 = arith.index_cast %swap3A_1191 : i32 to index
        %swap3A_1193 = arith.index_cast %mul3A_1190 : i32 to index
        %swap3A_1194 = tpu.vector_load %arg7[%swap3A_1192, %swap3A_1193] {strides = array<i32>} : memref<32x512xf32, #tpu.memory_space<vmem>>, vector<16xf32>,
        tpu.vector_store %arg7[%swap3A_1192, %swap3A_1193], %gather3A_1188 {strides = array<i32>} : memref<32x512xf32, #tpu.memory_space<vmem>>, vector<16xf32>,
        %broadcast_in_dim3A_1195 = arith.constant 28 : i32
        %broadcast_in_dim3A_1196 = vector.broadcast %broadcast_in_dim3A_1195 : i32 to vector<16xi32>
        %gather3A_1197 = tpu.vector_load_idx %arg6[%broadcast_in_dim3A_1196, %get3A_942] : memref<32x1024xf32, #tpu.memory_space<vmem>>[vector<16xi32>, vector<16xi32>], vector<16xf32>,
        %mul3A_1198 = arith.constant 16 : i32
        %mul3A_1199 = arith.muli %scan3A_935, %mul3A_1198 : i32
        %swap3A_1200 = arith.constant 28 : i32
        %swap3A_1201 = arith.index_cast %swap3A_1200 : i32 to index
        %swap3A_1202 = arith.index_cast %mul3A_1199 : i32 to index
        %swap3A_1203 = tpu.vector_load %arg7[%swap3A_1201, %swap3A_1202] {strides = array<i32>} : memref<32x512xf32, #tpu.memory_space<vmem>>, vector<16xf32>,
        tpu.vector_store %arg7[%swap3A_1201, %swap3A_1202], %gather3A_1197 {strides = array<i32>} : memref<32x512xf32, #tpu.memory_space<vmem>>, vector<16xf32>,
        %broadcast_in_dim3A_1204 = arith.constant 29 : i32
        %broadcast_in_dim3A_1205 = vector.broadcast %broadcast_in_dim3A_1204 : i32 to vector<16xi32>
        %gather3A_1206 = tpu.vector_load_idx %arg6[%broadcast_in_dim3A_1205, %get3A_942] : memref<32x1024xf32, #tpu.memory_space<vmem>>[vector<16xi32>, vector<16xi32>], vector<16xf32>,
        %mul3A_1207 = arith.constant 16 : i32
        %mul3A_1208 = arith.muli %scan3A_935, %mul3A_1207 : i32
        %swap3A_1209 = arith.constant 29 : i32
        %swap3A_1210 = arith.index_cast %swap3A_1209 : i32 to index
        %swap3A_1211 = arith.index_cast %mul3A_1208 : i32 to index
        %swap3A_1212 = tpu.vector_load %arg7[%swap3A_1210, %swap3A_1211] {strides = array<i32>} : memref<32x512xf32, #tpu.memory_space<vmem>>, vector<16xf32>,
        tpu.vector_store %arg7[%swap3A_1210, %swap3A_1211], %gather3A_1206 {strides = array<i32>} : memref<32x512xf32, #tpu.memory_space<vmem>>, vector<16xf32>,
        %broadcast_in_dim3A_1213 = arith.constant 30 : i32
        %broadcast_in_dim3A_1214 = vector.broadcast %broadcast_in_dim3A_1213 : i32 to vector<16xi32>
        %gather3A_1215 = tpu.vector_load_idx %arg6[%broadcast_in_dim3A_1214, %get3A_942] : memref<32x1024xf32, #tpu.memory_space<vmem>>[vector<16xi32>, vector<16xi32>], vector<16xf32>,
        %mul3A_1216 = arith.constant 16 : i32
        %mul3A_1217 = arith.muli %scan3A_935, %mul3A_1216 : i32
        %swap3A_1218 = arith.constant 30 : i32
        %swap3A_1219 = arith.index_cast %swap3A_1218 : i32 to index
        %swap3A_1220 = arith.index_cast %mul3A_1217 : i32 to index
        %swap3A_1221 = tpu.vector_load %arg7[%swap3A_1219, %swap3A_1220] {strides = array<i32>} : memref<32x512xf32, #tpu.memory_space<vmem>>, vector<16xf32>,
        tpu.vector_store %arg7[%swap3A_1219, %swap3A_1220], %gather3A_1215 {strides = array<i32>} : memref<32x512xf32, #tpu.memory_space<vmem>>, vector<16xf32>,
        %broadcast_in_dim3A_1222 = arith.constant 31 : i32
        %broadcast_in_dim3A_1223 = vector.broadcast %broadcast_in_dim3A_1222 : i32 to vector<16xi32>
        %gather3A_1224 = tpu.vector_load_idx %arg6[%broadcast_in_dim3A_1223, %get3A_942] : memref<32x1024xf32, #tpu.memory_space<vmem>>[vector<16xi32>, vector<16xi32>], vector<16xf32>,
        %mul3A_1225 = arith.constant 16 : i32
        %mul3A_1226 = arith.muli %scan3A_935, %mul3A_1225 : i32
        %swap3A_1227 = arith.constant 31 : i32
        %swap3A_1228 = arith.index_cast %swap3A_1227 : i32 to index
        %swap3A_1229 = arith.index_cast %mul3A_1226 : i32 to index
        %swap3A_1230 = tpu.vector_load %arg7[%swap3A_1228, %swap3A_1229] {strides = array<i32>} : memref<32x512xf32, #tpu.memory_space<vmem>>, vector<16xf32>,
        tpu.vector_store %arg7[%swap3A_1228, %swap3A_1229], %gather3A_1224 {strides = array<i32>} : memref<32x512xf32, #tpu.memory_space<vmem>>, vector<16xf32>,
      }
      %scan3A_44 = arith.constant 32 : i32
      %mul3A_45 = arith.constant 512 : i32
      %mul3A_46 = arith.muli %scan3A_38, %mul3A_45 : i32
      %add3A_47 = arith.addi %select_n3A_32, %mul3A_46 : i32
      %multiple_of3A = tpu.assume_multiple %add3A_47, 512 : i32
      "tpu.region"() ({
        %run_scoped3A = tpu.sem_alloc : memref<!tpu.dma_semaphore, #tpu.memory_space<semaphore_mem>>
        %dma_start3A = arith.constant 0 : i32
        %dma_start3A_48 = tpu.memref_slice %arg4[%select_n3A, %dma_start3A, %multiple_of3A] : memref<2x32x16384xf32, #tpu.memory_space<hbm>> -> memref<1x32x512xf32, #tpu.memory_space<hbm>>
        %dma_start3A_49 = tpu.memref_squeeze %dma_start3A_48 : memref<1x32x512xf32, #tpu.memory_space<hbm>> -> memref<32x512xf32, #tpu.memory_space<hbm>>
        %dma_start3A_50 = arith.constant 0 : i32
        %dma_start3A_51 = tpu.memref_slice %arg4[%select_n3A, %dma_start3A_50, %multiple_of3A] : memref<2x32x16384xf32, #tpu.memory_space<hbm>> -> memref<1x32x512xf32, #tpu.memory_space<hbm>>
        %dma_start3A_52 = tpu.memref_squeeze %dma_start3A_51 : memref<1x32x512xf32, #tpu.memory_space<hbm>> -> memref<32x512xf32, #tpu.memory_space<hbm>>
        tpu.enqueue_dma source(%arg7 : memref<32x512xf32, #tpu.memory_space<vmem>>) target(%dma_start3A_52 : memref<32x512xf32, #tpu.memory_space<hbm>>) target_semaphore(%run_scoped3A : memref<!tpu.dma_semaphore, #tpu.memory_space<semaphore_mem>>)
        %dma_wait3A = arith.constant 0 : i32
        %dma_wait3A_53 = tpu.memref_slice %arg4[%select_n3A, %dma_wait3A, %multiple_of3A] : memref<2x32x16384xf32, #tpu.memory_space<hbm>> -> memref<1x32x512xf32, #tpu.memory_space<hbm>>
        %dma_wait3A_54 = tpu.memref_squeeze %dma_wait3A_53 : memref<1x32x512xf32, #tpu.memory_space<hbm>> -> memref<32x512xf32, #tpu.memory_space<hbm>>
        %dma_wait3A_55 = arith.constant 0 : i32
        %dma_wait3A_56 = tpu.memref_slice %arg4[%select_n3A, %dma_wait3A_55, %multiple_of3A] : memref<2x32x16384xf32, #tpu.memory_space<hbm>> -> memref<1x32x512xf32, #tpu.memory_space<hbm>>
        %dma_wait3A_57 = tpu.memref_squeeze %dma_wait3A_56 : memref<1x32x512xf32, #tpu.memory_space<hbm>> -> memref<32x512xf32, #tpu.memory_space<hbm>>
        tpu.wait_dma2 semaphore(%run_scoped3A : memref<!tpu.dma_semaphore, #tpu.memory_space<semaphore_mem>>) src(%arg7 : memref<32x512xf32, #tpu.memory_space<vmem>>) dst(%dma_wait3A_57 : memref<32x512xf32, #tpu.memory_space<hbm>>)
        tpu.yield
      }) : () -> ()
    }
    %scan3A_37 = arith.constant 2 : i32
    return
  }
}

#map = affine_map<(d0, d1) -> (0)>
#map1 = affine_map<(d0, d1) -> (0, 0)>
#map2 = affine_map<(d0, d1) -> (0, 0, 0)>
module attributes {stable_mosaic.version = 14 : i64} {
  func.func @_sc_gather_body(%arg0: i32, %arg1: i32, %arg2: memref<32768xi32, #tpu.memory_space<hbm>>, %arg3: memref<32x1024xf32, #tpu.memory_space<hbm>>, %arg4: memref<2x32x16384xf32, #tpu.memory_space<hbm>>, %arg5: memref<1024xi32, #tpu.memory_space<vmem>>, %arg6: memref<32x1024xf32, #tpu.memory_space<vmem>>, %arg7: memref<32x512xf32, #tpu.memory_space<vmem>>) attributes {dimension_semantics = [#tpu.dimension_semantics<core_parallel>, #tpu.dimension_semantics<subcore_parallel>], iteration_bounds = array<i64: 2, 16>, scalar_prefetch = 0 : i64, scratch_operands = 3 : i64, tpu.core_type = #tpu.core_type<sc_vector_subcore>, window_params = [{transform_indices = #map}, {transform_indices = #map1}, {transform_indices = #map2}]} {
    %mul3A = arith.constant 2 : i32
    %mul3A_0 = arith.muli %arg1, %mul3A : i32
    %add3A = arith.addi %mul3A_0, %arg0 : i32
    %mul3A_1 = arith.constant 1024 : i32
    %mul3A_2 = arith.muli %add3A, %mul3A_1 : i32
    %jit3A = arith.constant 16384 : i32
    %div3A = arith.divsi %mul3A_2, %jit3A : i32
    %sign3A = arith.constant 0 : i32
    %sign3A_3 = arith.cmpi sgt, %mul3A_2, %sign3A : i32
    %sign3A_4 = arith.extui %sign3A_3 : i1 to i32
    %sign3A_5 = arith.constant 0 : i32
    %sign3A_6 = arith.cmpi slt, %mul3A_2, %sign3A_5 : i32
    %sign3A_7 = arith.extui %sign3A_6 : i1 to i32
    %sign3A_8 = arith.subi %sign3A_4, %sign3A_7 : i32
    %sign3A_9 = arith.constant 0 : i32
    %sign3A_10 = arith.cmpi sgt, %jit3A, %sign3A_9 : i32
    %sign3A_11 = arith.extui %sign3A_10 : i1 to i32
    %sign3A_12 = arith.constant 0 : i32
    %sign3A_13 = arith.cmpi slt, %jit3A, %sign3A_12 : i32
    %sign3A_14 = arith.extui %sign3A_13 : i1 to i32
    %sign3A_15 = arith.subi %sign3A_11, %sign3A_14 : i32
    %ne3A = arith.cmpi ne, %sign3A_8, %sign3A_15 : i32
    %rem3A = arith.remsi %mul3A_2, %jit3A : i32
    %ne3A_16 = arith.constant 0 : i32
    %ne3A_17 = arith.cmpi ne, %rem3A, %ne3A_16 : i32
    %and3A = arith.andi %ne3A, %ne3A_17 : i1
    %sub3A = arith.constant 1 : i32
    %sub3A_18 = arith.subi %div3A, %sub3A : i32
    %select_n3A = arith.select %and3A, %sub3A_18, %div3A : i32
    %jit3A_19 = arith.constant 16384 : i32
    %eq3A = arith.constant 0 : i32
    %eq3A_20 = arith.cmpi eq, %jit3A_19, %eq3A : i32
    %jit3A_21 = arith.constant 1 : i32
    %select_n3A_22 = arith.select %eq3A_20, %jit3A_21, %jit3A_19 : i32
    %rem3A_23 = arith.remsi %mul3A_2, %select_n3A_22 : i32
    %ne3A_24 = arith.constant 0 : i32
    %ne3A_25 = arith.cmpi ne, %rem3A_23, %ne3A_24 : i32
    %lt3A = arith.constant 0 : i32
    %lt3A_26 = arith.cmpi slt, %rem3A_23, %lt3A : i32
    %lt3A_27 = arith.constant 0 : i32
    %lt3A_28 = arith.cmpi slt, %select_n3A_22, %lt3A_27 : i32
    %ne3A_29 = arith.xori %lt3A_26, %lt3A_28 : i1
    %and3A_30 = arith.andi %ne3A_29, %ne3A_25 : i1
    %add3A_31 = arith.addi %rem3A_23, %select_n3A_22 : i32
    %select_n3A_32 = arith.select %and3A_30, %add3A_31, %rem3A_23 : i32
    "tpu.region"() ({
      %run_scoped3A = tpu.sem_alloc : memref<!tpu.dma_semaphore, #tpu.memory_space<semaphore_mem>>
      %dma_start3A = tpu.memref_slice %arg2[%mul3A_2] : memref<32768xi32, #tpu.memory_space<hbm>> -> memref<1024xi32, #tpu.memory_space<hbm>>
      %dma_start3A_38 = tpu.memref_slice %arg2[%mul3A_2] : memref<32768xi32, #tpu.memory_space<hbm>> -> memref<1024xi32, #tpu.memory_space<hbm>>
      tpu.enqueue_dma source(%dma_start3A_38 : memref<1024xi32, #tpu.memory_space<hbm>>) target(%arg5 : memref<1024xi32, #tpu.memory_space<vmem>>) target_semaphore(%run_scoped3A : memref<!tpu.dma_semaphore, #tpu.memory_space<semaphore_mem>>)
      %dma_wait3A = tpu.memref_slice %arg2[%mul3A_2] : memref<32768xi32, #tpu.memory_space<hbm>> -> memref<1024xi32, #tpu.memory_space<hbm>>
      %dma_wait3A_39 = tpu.memref_slice %arg2[%mul3A_2] : memref<32768xi32, #tpu.memory_space<hbm>> -> memref<1024xi32, #tpu.memory_space<hbm>>
      tpu.wait_dma2 semaphore(%run_scoped3A : memref<!tpu.dma_semaphore, #tpu.memory_space<semaphore_mem>>) src(%dma_wait3A_39 : memref<1024xi32, #tpu.memory_space<hbm>>) dst(%arg5 : memref<1024xi32, #tpu.memory_space<vmem>>)
      tpu.yield
    }) : () -> ()
    "tpu.region"() ({
      %run_scoped3A = tpu.sem_alloc : memref<!tpu.dma_semaphore, #tpu.memory_space<semaphore_mem>>
      tpu.enqueue_dma source(%arg3 : memref<32x1024xf32, #tpu.memory_space<hbm>>) target(%arg6 : memref<32x1024xf32, #tpu.memory_space<vmem>>) target_semaphore(%run_scoped3A : memref<!tpu.dma_semaphore, #tpu.memory_space<semaphore_mem>>)
      tpu.wait_dma2 semaphore(%run_scoped3A : memref<!tpu.dma_semaphore, #tpu.memory_space<semaphore_mem>>) src(%arg3 : memref<32x1024xf32, #tpu.memory_space<hbm>>) dst(%arg6 : memref<32x1024xf32, #tpu.memory_space<vmem>>)
      tpu.yield
    }) : () -> ()
    %scan3A = arith.constant 0 : i32
    %scan3A_33 = arith.constant 0 : i32
    %scan3A_34 = arith.constant 2 : i32
    %scan3A_35 = arith.addi %scan3A_33, %scan3A_34 : i32
    %scan3A_36 = arith.constant 1 : i32
    scf.for %scan3A_38 = %scan3A_33 to %scan3A_35 step %scan3A_36  : i32 {
      %scan3A_39 = arith.constant 0 : i32
      %scan3A_40 = arith.constant 0 : i32
      %scan3A_41 = arith.constant 32 : i32
      %scan3A_42 = arith.addi %scan3A_40, %scan3A_41 : i32
      %scan3A_43 = arith.constant 4 : i32
      scf.for %scan3A_48 = %scan3A_40 to %scan3A_42 step %scan3A_43  : i32 {
        %mul3A_49 = arith.constant 512 : i32
        %mul3A_50 = arith.muli %scan3A_38, %mul3A_49 : i32
        %mul3A_51 = arith.constant 16 : i32
        %mul3A_52 = arith.muli %scan3A_48, %mul3A_51 : i32
        %add3A_53 = arith.addi %mul3A_50, %mul3A_52 : i32
        %get3A = arith.index_cast %add3A_53 : i32 to index
        %get3A_54 = tpu.vector_load %arg5[%get3A] {strides = array<i32>} : memref<1024xi32, #tpu.memory_space<vmem>>, vector<16xi32>,
        %broadcast_in_dim3A = arith.constant 0 : i32
        %broadcast_in_dim3A_55 = vector.broadcast %broadcast_in_dim3A : i32 to vector<16xi32>
        %gather3A = tpu.vector_load_idx %arg6[%broadcast_in_dim3A_55, %get3A_54] : memref<32x1024xf32, #tpu.memory_space<vmem>>[vector<16xi32>, vector<16xi32>], vector<16xf32>,
        %mul3A_56 = arith.constant 16 : i32
        %mul3A_57 = arith.muli %scan3A_48, %mul3A_56 : i32
        %swap3A = arith.constant 0 : i32
        %swap3A_58 = arith.index_cast %swap3A : i32 to index
        %swap3A_59 = arith.index_cast %mul3A_57 : i32 to index
        %swap3A_60 = tpu.vector_load %arg7[%swap3A_58, %swap3A_59] {strides = array<i32>} : memref<32x512xf32, #tpu.memory_space<vmem>>, vector<16xf32>,
        tpu.vector_store %arg7[%swap3A_58, %swap3A_59], %gather3A {strides = array<i32>} : memref<32x512xf32, #tpu.memory_space<vmem>>, vector<16xf32>,
        %broadcast_in_dim3A_61 = arith.constant 1 : i32
        %broadcast_in_dim3A_62 = vector.broadcast %broadcast_in_dim3A_61 : i32 to vector<16xi32>
        %gather3A_63 = tpu.vector_load_idx %arg6[%broadcast_in_dim3A_62, %get3A_54] : memref<32x1024xf32, #tpu.memory_space<vmem>>[vector<16xi32>, vector<16xi32>], vector<16xf32>,
        %mul3A_64 = arith.constant 16 : i32
        %mul3A_65 = arith.muli %scan3A_48, %mul3A_64 : i32
        %swap3A_66 = arith.constant 1 : i32
        %swap3A_67 = arith.index_cast %swap3A_66 : i32 to index
        %swap3A_68 = arith.index_cast %mul3A_65 : i32 to index
        %swap3A_69 = tpu.vector_load %arg7[%swap3A_67, %swap3A_68] {strides = array<i32>} : memref<32x512xf32, #tpu.memory_space<vmem>>, vector<16xf32>,
        tpu.vector_store %arg7[%swap3A_67, %swap3A_68], %gather3A_63 {strides = array<i32>} : memref<32x512xf32, #tpu.memory_space<vmem>>, vector<16xf32>,
        %broadcast_in_dim3A_70 = arith.constant 2 : i32
        %broadcast_in_dim3A_71 = vector.broadcast %broadcast_in_dim3A_70 : i32 to vector<16xi32>
        %gather3A_72 = tpu.vector_load_idx %arg6[%broadcast_in_dim3A_71, %get3A_54] : memref<32x1024xf32, #tpu.memory_space<vmem>>[vector<16xi32>, vector<16xi32>], vector<16xf32>,
        %mul3A_73 = arith.constant 16 : i32
        %mul3A_74 = arith.muli %scan3A_48, %mul3A_73 : i32
        %swap3A_75 = arith.constant 2 : i32
        %swap3A_76 = arith.index_cast %swap3A_75 : i32 to index
        %swap3A_77 = arith.index_cast %mul3A_74 : i32 to index
        %swap3A_78 = tpu.vector_load %arg7[%swap3A_76, %swap3A_77] {strides = array<i32>} : memref<32x512xf32, #tpu.memory_space<vmem>>, vector<16xf32>,
        tpu.vector_store %arg7[%swap3A_76, %swap3A_77], %gather3A_72 {strides = array<i32>} : memref<32x512xf32, #tpu.memory_space<vmem>>, vector<16xf32>,
        %broadcast_in_dim3A_79 = arith.constant 3 : i32
        %broadcast_in_dim3A_80 = vector.broadcast %broadcast_in_dim3A_79 : i32 to vector<16xi32>
        %gather3A_81 = tpu.vector_load_idx %arg6[%broadcast_in_dim3A_80, %get3A_54] : memref<32x1024xf32, #tpu.memory_space<vmem>>[vector<16xi32>, vector<16xi32>], vector<16xf32>,
        %mul3A_82 = arith.constant 16 : i32
        %mul3A_83 = arith.muli %scan3A_48, %mul3A_82 : i32
        %swap3A_84 = arith.constant 3 : i32
        %swap3A_85 = arith.index_cast %swap3A_84 : i32 to index
        %swap3A_86 = arith.index_cast %mul3A_83 : i32 to index
        %swap3A_87 = tpu.vector_load %arg7[%swap3A_85, %swap3A_86] {strides = array<i32>} : memref<32x512xf32, #tpu.memory_space<vmem>>, vector<16xf32>,
        tpu.vector_store %arg7[%swap3A_85, %swap3A_86], %gather3A_81 {strides = array<i32>} : memref<32x512xf32, #tpu.memory_space<vmem>>, vector<16xf32>,
        %broadcast_in_dim3A_88 = arith.constant 4 : i32
        %broadcast_in_dim3A_89 = vector.broadcast %broadcast_in_dim3A_88 : i32 to vector<16xi32>
        %gather3A_90 = tpu.vector_load_idx %arg6[%broadcast_in_dim3A_89, %get3A_54] : memref<32x1024xf32, #tpu.memory_space<vmem>>[vector<16xi32>, vector<16xi32>], vector<16xf32>,
        %mul3A_91 = arith.constant 16 : i32
        %mul3A_92 = arith.muli %scan3A_48, %mul3A_91 : i32
        %swap3A_93 = arith.constant 4 : i32
        %swap3A_94 = arith.index_cast %swap3A_93 : i32 to index
        %swap3A_95 = arith.index_cast %mul3A_92 : i32 to index
        %swap3A_96 = tpu.vector_load %arg7[%swap3A_94, %swap3A_95] {strides = array<i32>} : memref<32x512xf32, #tpu.memory_space<vmem>>, vector<16xf32>,
        tpu.vector_store %arg7[%swap3A_94, %swap3A_95], %gather3A_90 {strides = array<i32>} : memref<32x512xf32, #tpu.memory_space<vmem>>, vector<16xf32>,
        %broadcast_in_dim3A_97 = arith.constant 5 : i32
        %broadcast_in_dim3A_98 = vector.broadcast %broadcast_in_dim3A_97 : i32 to vector<16xi32>
        %gather3A_99 = tpu.vector_load_idx %arg6[%broadcast_in_dim3A_98, %get3A_54] : memref<32x1024xf32, #tpu.memory_space<vmem>>[vector<16xi32>, vector<16xi32>], vector<16xf32>,
        %mul3A_100 = arith.constant 16 : i32
        %mul3A_101 = arith.muli %scan3A_48, %mul3A_100 : i32
        %swap3A_102 = arith.constant 5 : i32
        %swap3A_103 = arith.index_cast %swap3A_102 : i32 to index
        %swap3A_104 = arith.index_cast %mul3A_101 : i32 to index
        %swap3A_105 = tpu.vector_load %arg7[%swap3A_103, %swap3A_104] {strides = array<i32>} : memref<32x512xf32, #tpu.memory_space<vmem>>, vector<16xf32>,
        tpu.vector_store %arg7[%swap3A_103, %swap3A_104], %gather3A_99 {strides = array<i32>} : memref<32x512xf32, #tpu.memory_space<vmem>>, vector<16xf32>,
        %broadcast_in_dim3A_106 = arith.constant 6 : i32
        %broadcast_in_dim3A_107 = vector.broadcast %broadcast_in_dim3A_106 : i32 to vector<16xi32>
        %gather3A_108 = tpu.vector_load_idx %arg6[%broadcast_in_dim3A_107, %get3A_54] : memref<32x1024xf32, #tpu.memory_space<vmem>>[vector<16xi32>, vector<16xi32>], vector<16xf32>,
        %mul3A_109 = arith.constant 16 : i32
        %mul3A_110 = arith.muli %scan3A_48, %mul3A_109 : i32
        %swap3A_111 = arith.constant 6 : i32
        %swap3A_112 = arith.index_cast %swap3A_111 : i32 to index
        %swap3A_113 = arith.index_cast %mul3A_110 : i32 to index
        %swap3A_114 = tpu.vector_load %arg7[%swap3A_112, %swap3A_113] {strides = array<i32>} : memref<32x512xf32, #tpu.memory_space<vmem>>, vector<16xf32>,
        tpu.vector_store %arg7[%swap3A_112, %swap3A_113], %gather3A_108 {strides = array<i32>} : memref<32x512xf32, #tpu.memory_space<vmem>>, vector<16xf32>,
        %broadcast_in_dim3A_115 = arith.constant 7 : i32
        %broadcast_in_dim3A_116 = vector.broadcast %broadcast_in_dim3A_115 : i32 to vector<16xi32>
        %gather3A_117 = tpu.vector_load_idx %arg6[%broadcast_in_dim3A_116, %get3A_54] : memref<32x1024xf32, #tpu.memory_space<vmem>>[vector<16xi32>, vector<16xi32>], vector<16xf32>,
        %mul3A_118 = arith.constant 16 : i32
        %mul3A_119 = arith.muli %scan3A_48, %mul3A_118 : i32
        %swap3A_120 = arith.constant 7 : i32
        %swap3A_121 = arith.index_cast %swap3A_120 : i32 to index
        %swap3A_122 = arith.index_cast %mul3A_119 : i32 to index
        %swap3A_123 = tpu.vector_load %arg7[%swap3A_121, %swap3A_122] {strides = array<i32>} : memref<32x512xf32, #tpu.memory_space<vmem>>, vector<16xf32>,
        tpu.vector_store %arg7[%swap3A_121, %swap3A_122], %gather3A_117 {strides = array<i32>} : memref<32x512xf32, #tpu.memory_space<vmem>>, vector<16xf32>,
        %broadcast_in_dim3A_124 = arith.constant 8 : i32
        %broadcast_in_dim3A_125 = vector.broadcast %broadcast_in_dim3A_124 : i32 to vector<16xi32>
        %gather3A_126 = tpu.vector_load_idx %arg6[%broadcast_in_dim3A_125, %get3A_54] : memref<32x1024xf32, #tpu.memory_space<vmem>>[vector<16xi32>, vector<16xi32>], vector<16xf32>,
        %mul3A_127 = arith.constant 16 : i32
        %mul3A_128 = arith.muli %scan3A_48, %mul3A_127 : i32
        %swap3A_129 = arith.constant 8 : i32
        %swap3A_130 = arith.index_cast %swap3A_129 : i32 to index
        %swap3A_131 = arith.index_cast %mul3A_128 : i32 to index
        %swap3A_132 = tpu.vector_load %arg7[%swap3A_130, %swap3A_131] {strides = array<i32>} : memref<32x512xf32, #tpu.memory_space<vmem>>, vector<16xf32>,
        tpu.vector_store %arg7[%swap3A_130, %swap3A_131], %gather3A_126 {strides = array<i32>} : memref<32x512xf32, #tpu.memory_space<vmem>>, vector<16xf32>,
        %broadcast_in_dim3A_133 = arith.constant 9 : i32
        %broadcast_in_dim3A_134 = vector.broadcast %broadcast_in_dim3A_133 : i32 to vector<16xi32>
        %gather3A_135 = tpu.vector_load_idx %arg6[%broadcast_in_dim3A_134, %get3A_54] : memref<32x1024xf32, #tpu.memory_space<vmem>>[vector<16xi32>, vector<16xi32>], vector<16xf32>,
        %mul3A_136 = arith.constant 16 : i32
        %mul3A_137 = arith.muli %scan3A_48, %mul3A_136 : i32
        %swap3A_138 = arith.constant 9 : i32
        %swap3A_139 = arith.index_cast %swap3A_138 : i32 to index
        %swap3A_140 = arith.index_cast %mul3A_137 : i32 to index
        %swap3A_141 = tpu.vector_load %arg7[%swap3A_139, %swap3A_140] {strides = array<i32>} : memref<32x512xf32, #tpu.memory_space<vmem>>, vector<16xf32>,
        tpu.vector_store %arg7[%swap3A_139, %swap3A_140], %gather3A_135 {strides = array<i32>} : memref<32x512xf32, #tpu.memory_space<vmem>>, vector<16xf32>,
        %broadcast_in_dim3A_142 = arith.constant 10 : i32
        %broadcast_in_dim3A_143 = vector.broadcast %broadcast_in_dim3A_142 : i32 to vector<16xi32>
        %gather3A_144 = tpu.vector_load_idx %arg6[%broadcast_in_dim3A_143, %get3A_54] : memref<32x1024xf32, #tpu.memory_space<vmem>>[vector<16xi32>, vector<16xi32>], vector<16xf32>,
        %mul3A_145 = arith.constant 16 : i32
        %mul3A_146 = arith.muli %scan3A_48, %mul3A_145 : i32
        %swap3A_147 = arith.constant 10 : i32
        %swap3A_148 = arith.index_cast %swap3A_147 : i32 to index
        %swap3A_149 = arith.index_cast %mul3A_146 : i32 to index
        %swap3A_150 = tpu.vector_load %arg7[%swap3A_148, %swap3A_149] {strides = array<i32>} : memref<32x512xf32, #tpu.memory_space<vmem>>, vector<16xf32>,
        tpu.vector_store %arg7[%swap3A_148, %swap3A_149], %gather3A_144 {strides = array<i32>} : memref<32x512xf32, #tpu.memory_space<vmem>>, vector<16xf32>,
        %broadcast_in_dim3A_151 = arith.constant 11 : i32
        %broadcast_in_dim3A_152 = vector.broadcast %broadcast_in_dim3A_151 : i32 to vector<16xi32>
        %gather3A_153 = tpu.vector_load_idx %arg6[%broadcast_in_dim3A_152, %get3A_54] : memref<32x1024xf32, #tpu.memory_space<vmem>>[vector<16xi32>, vector<16xi32>], vector<16xf32>,
        %mul3A_154 = arith.constant 16 : i32
        %mul3A_155 = arith.muli %scan3A_48, %mul3A_154 : i32
        %swap3A_156 = arith.constant 11 : i32
        %swap3A_157 = arith.index_cast %swap3A_156 : i32 to index
        %swap3A_158 = arith.index_cast %mul3A_155 : i32 to index
        %swap3A_159 = tpu.vector_load %arg7[%swap3A_157, %swap3A_158] {strides = array<i32>} : memref<32x512xf32, #tpu.memory_space<vmem>>, vector<16xf32>,
        tpu.vector_store %arg7[%swap3A_157, %swap3A_158], %gather3A_153 {strides = array<i32>} : memref<32x512xf32, #tpu.memory_space<vmem>>, vector<16xf32>,
        %broadcast_in_dim3A_160 = arith.constant 12 : i32
        %broadcast_in_dim3A_161 = vector.broadcast %broadcast_in_dim3A_160 : i32 to vector<16xi32>
        %gather3A_162 = tpu.vector_load_idx %arg6[%broadcast_in_dim3A_161, %get3A_54] : memref<32x1024xf32, #tpu.memory_space<vmem>>[vector<16xi32>, vector<16xi32>], vector<16xf32>,
        %mul3A_163 = arith.constant 16 : i32
        %mul3A_164 = arith.muli %scan3A_48, %mul3A_163 : i32
        %swap3A_165 = arith.constant 12 : i32
        %swap3A_166 = arith.index_cast %swap3A_165 : i32 to index
        %swap3A_167 = arith.index_cast %mul3A_164 : i32 to index
        %swap3A_168 = tpu.vector_load %arg7[%swap3A_166, %swap3A_167] {strides = array<i32>} : memref<32x512xf32, #tpu.memory_space<vmem>>, vector<16xf32>,
        tpu.vector_store %arg7[%swap3A_166, %swap3A_167], %gather3A_162 {strides = array<i32>} : memref<32x512xf32, #tpu.memory_space<vmem>>, vector<16xf32>,
        %broadcast_in_dim3A_169 = arith.constant 13 : i32
        %broadcast_in_dim3A_170 = vector.broadcast %broadcast_in_dim3A_169 : i32 to vector<16xi32>
        %gather3A_171 = tpu.vector_load_idx %arg6[%broadcast_in_dim3A_170, %get3A_54] : memref<32x1024xf32, #tpu.memory_space<vmem>>[vector<16xi32>, vector<16xi32>], vector<16xf32>,
        %mul3A_172 = arith.constant 16 : i32
        %mul3A_173 = arith.muli %scan3A_48, %mul3A_172 : i32
        %swap3A_174 = arith.constant 13 : i32
        %swap3A_175 = arith.index_cast %swap3A_174 : i32 to index
        %swap3A_176 = arith.index_cast %mul3A_173 : i32 to index
        %swap3A_177 = tpu.vector_load %arg7[%swap3A_175, %swap3A_176] {strides = array<i32>} : memref<32x512xf32, #tpu.memory_space<vmem>>, vector<16xf32>,
        tpu.vector_store %arg7[%swap3A_175, %swap3A_176], %gather3A_171 {strides = array<i32>} : memref<32x512xf32, #tpu.memory_space<vmem>>, vector<16xf32>,
        %broadcast_in_dim3A_178 = arith.constant 14 : i32
        %broadcast_in_dim3A_179 = vector.broadcast %broadcast_in_dim3A_178 : i32 to vector<16xi32>
        %gather3A_180 = tpu.vector_load_idx %arg6[%broadcast_in_dim3A_179, %get3A_54] : memref<32x1024xf32, #tpu.memory_space<vmem>>[vector<16xi32>, vector<16xi32>], vector<16xf32>,
        %mul3A_181 = arith.constant 16 : i32
        %mul3A_182 = arith.muli %scan3A_48, %mul3A_181 : i32
        %swap3A_183 = arith.constant 14 : i32
        %swap3A_184 = arith.index_cast %swap3A_183 : i32 to index
        %swap3A_185 = arith.index_cast %mul3A_182 : i32 to index
        %swap3A_186 = tpu.vector_load %arg7[%swap3A_184, %swap3A_185] {strides = array<i32>} : memref<32x512xf32, #tpu.memory_space<vmem>>, vector<16xf32>,
        tpu.vector_store %arg7[%swap3A_184, %swap3A_185], %gather3A_180 {strides = array<i32>} : memref<32x512xf32, #tpu.memory_space<vmem>>, vector<16xf32>,
        %broadcast_in_dim3A_187 = arith.constant 15 : i32
        %broadcast_in_dim3A_188 = vector.broadcast %broadcast_in_dim3A_187 : i32 to vector<16xi32>
        %gather3A_189 = tpu.vector_load_idx %arg6[%broadcast_in_dim3A_188, %get3A_54] : memref<32x1024xf32, #tpu.memory_space<vmem>>[vector<16xi32>, vector<16xi32>], vector<16xf32>,
        %mul3A_190 = arith.constant 16 : i32
        %mul3A_191 = arith.muli %scan3A_48, %mul3A_190 : i32
        %swap3A_192 = arith.constant 15 : i32
        %swap3A_193 = arith.index_cast %swap3A_192 : i32 to index
        %swap3A_194 = arith.index_cast %mul3A_191 : i32 to index
        %swap3A_195 = tpu.vector_load %arg7[%swap3A_193, %swap3A_194] {strides = array<i32>} : memref<32x512xf32, #tpu.memory_space<vmem>>, vector<16xf32>,
        tpu.vector_store %arg7[%swap3A_193, %swap3A_194], %gather3A_189 {strides = array<i32>} : memref<32x512xf32, #tpu.memory_space<vmem>>, vector<16xf32>,
        %broadcast_in_dim3A_196 = arith.constant 16 : i32
        %broadcast_in_dim3A_197 = vector.broadcast %broadcast_in_dim3A_196 : i32 to vector<16xi32>
        %gather3A_198 = tpu.vector_load_idx %arg6[%broadcast_in_dim3A_197, %get3A_54] : memref<32x1024xf32, #tpu.memory_space<vmem>>[vector<16xi32>, vector<16xi32>], vector<16xf32>,
        %mul3A_199 = arith.constant 16 : i32
        %mul3A_200 = arith.muli %scan3A_48, %mul3A_199 : i32
        %swap3A_201 = arith.constant 16 : i32
        %swap3A_202 = arith.index_cast %swap3A_201 : i32 to index
        %swap3A_203 = arith.index_cast %mul3A_200 : i32 to index
        %swap3A_204 = tpu.vector_load %arg7[%swap3A_202, %swap3A_203] {strides = array<i32>} : memref<32x512xf32, #tpu.memory_space<vmem>>, vector<16xf32>,
        tpu.vector_store %arg7[%swap3A_202, %swap3A_203], %gather3A_198 {strides = array<i32>} : memref<32x512xf32, #tpu.memory_space<vmem>>, vector<16xf32>,
        %broadcast_in_dim3A_205 = arith.constant 17 : i32
        %broadcast_in_dim3A_206 = vector.broadcast %broadcast_in_dim3A_205 : i32 to vector<16xi32>
        %gather3A_207 = tpu.vector_load_idx %arg6[%broadcast_in_dim3A_206, %get3A_54] : memref<32x1024xf32, #tpu.memory_space<vmem>>[vector<16xi32>, vector<16xi32>], vector<16xf32>,
        %mul3A_208 = arith.constant 16 : i32
        %mul3A_209 = arith.muli %scan3A_48, %mul3A_208 : i32
        %swap3A_210 = arith.constant 17 : i32
        %swap3A_211 = arith.index_cast %swap3A_210 : i32 to index
        %swap3A_212 = arith.index_cast %mul3A_209 : i32 to index
        %swap3A_213 = tpu.vector_load %arg7[%swap3A_211, %swap3A_212] {strides = array<i32>} : memref<32x512xf32, #tpu.memory_space<vmem>>, vector<16xf32>,
        tpu.vector_store %arg7[%swap3A_211, %swap3A_212], %gather3A_207 {strides = array<i32>} : memref<32x512xf32, #tpu.memory_space<vmem>>, vector<16xf32>,
        %broadcast_in_dim3A_214 = arith.constant 18 : i32
        %broadcast_in_dim3A_215 = vector.broadcast %broadcast_in_dim3A_214 : i32 to vector<16xi32>
        %gather3A_216 = tpu.vector_load_idx %arg6[%broadcast_in_dim3A_215, %get3A_54] : memref<32x1024xf32, #tpu.memory_space<vmem>>[vector<16xi32>, vector<16xi32>], vector<16xf32>,
        %mul3A_217 = arith.constant 16 : i32
        %mul3A_218 = arith.muli %scan3A_48, %mul3A_217 : i32
        %swap3A_219 = arith.constant 18 : i32
        %swap3A_220 = arith.index_cast %swap3A_219 : i32 to index
        %swap3A_221 = arith.index_cast %mul3A_218 : i32 to index
        %swap3A_222 = tpu.vector_load %arg7[%swap3A_220, %swap3A_221] {strides = array<i32>} : memref<32x512xf32, #tpu.memory_space<vmem>>, vector<16xf32>,
        tpu.vector_store %arg7[%swap3A_220, %swap3A_221], %gather3A_216 {strides = array<i32>} : memref<32x512xf32, #tpu.memory_space<vmem>>, vector<16xf32>,
        %broadcast_in_dim3A_223 = arith.constant 19 : i32
        %broadcast_in_dim3A_224 = vector.broadcast %broadcast_in_dim3A_223 : i32 to vector<16xi32>
        %gather3A_225 = tpu.vector_load_idx %arg6[%broadcast_in_dim3A_224, %get3A_54] : memref<32x1024xf32, #tpu.memory_space<vmem>>[vector<16xi32>, vector<16xi32>], vector<16xf32>,
        %mul3A_226 = arith.constant 16 : i32
        %mul3A_227 = arith.muli %scan3A_48, %mul3A_226 : i32
        %swap3A_228 = arith.constant 19 : i32
        %swap3A_229 = arith.index_cast %swap3A_228 : i32 to index
        %swap3A_230 = arith.index_cast %mul3A_227 : i32 to index
        %swap3A_231 = tpu.vector_load %arg7[%swap3A_229, %swap3A_230] {strides = array<i32>} : memref<32x512xf32, #tpu.memory_space<vmem>>, vector<16xf32>,
        tpu.vector_store %arg7[%swap3A_229, %swap3A_230], %gather3A_225 {strides = array<i32>} : memref<32x512xf32, #tpu.memory_space<vmem>>, vector<16xf32>,
        %broadcast_in_dim3A_232 = arith.constant 20 : i32
        %broadcast_in_dim3A_233 = vector.broadcast %broadcast_in_dim3A_232 : i32 to vector<16xi32>
        %gather3A_234 = tpu.vector_load_idx %arg6[%broadcast_in_dim3A_233, %get3A_54] : memref<32x1024xf32, #tpu.memory_space<vmem>>[vector<16xi32>, vector<16xi32>], vector<16xf32>,
        %mul3A_235 = arith.constant 16 : i32
        %mul3A_236 = arith.muli %scan3A_48, %mul3A_235 : i32
        %swap3A_237 = arith.constant 20 : i32
        %swap3A_238 = arith.index_cast %swap3A_237 : i32 to index
        %swap3A_239 = arith.index_cast %mul3A_236 : i32 to index
        %swap3A_240 = tpu.vector_load %arg7[%swap3A_238, %swap3A_239] {strides = array<i32>} : memref<32x512xf32, #tpu.memory_space<vmem>>, vector<16xf32>,
        tpu.vector_store %arg7[%swap3A_238, %swap3A_239], %gather3A_234 {strides = array<i32>} : memref<32x512xf32, #tpu.memory_space<vmem>>, vector<16xf32>,
        %broadcast_in_dim3A_241 = arith.constant 21 : i32
        %broadcast_in_dim3A_242 = vector.broadcast %broadcast_in_dim3A_241 : i32 to vector<16xi32>
        %gather3A_243 = tpu.vector_load_idx %arg6[%broadcast_in_dim3A_242, %get3A_54] : memref<32x1024xf32, #tpu.memory_space<vmem>>[vector<16xi32>, vector<16xi32>], vector<16xf32>,
        %mul3A_244 = arith.constant 16 : i32
        %mul3A_245 = arith.muli %scan3A_48, %mul3A_244 : i32
        %swap3A_246 = arith.constant 21 : i32
        %swap3A_247 = arith.index_cast %swap3A_246 : i32 to index
        %swap3A_248 = arith.index_cast %mul3A_245 : i32 to index
        %swap3A_249 = tpu.vector_load %arg7[%swap3A_247, %swap3A_248] {strides = array<i32>} : memref<32x512xf32, #tpu.memory_space<vmem>>, vector<16xf32>,
        tpu.vector_store %arg7[%swap3A_247, %swap3A_248], %gather3A_243 {strides = array<i32>} : memref<32x512xf32, #tpu.memory_space<vmem>>, vector<16xf32>,
        %broadcast_in_dim3A_250 = arith.constant 22 : i32
        %broadcast_in_dim3A_251 = vector.broadcast %broadcast_in_dim3A_250 : i32 to vector<16xi32>
        %gather3A_252 = tpu.vector_load_idx %arg6[%broadcast_in_dim3A_251, %get3A_54] : memref<32x1024xf32, #tpu.memory_space<vmem>>[vector<16xi32>, vector<16xi32>], vector<16xf32>,
        %mul3A_253 = arith.constant 16 : i32
        %mul3A_254 = arith.muli %scan3A_48, %mul3A_253 : i32
        %swap3A_255 = arith.constant 22 : i32
        %swap3A_256 = arith.index_cast %swap3A_255 : i32 to index
        %swap3A_257 = arith.index_cast %mul3A_254 : i32 to index
        %swap3A_258 = tpu.vector_load %arg7[%swap3A_256, %swap3A_257] {strides = array<i32>} : memref<32x512xf32, #tpu.memory_space<vmem>>, vector<16xf32>,
        tpu.vector_store %arg7[%swap3A_256, %swap3A_257], %gather3A_252 {strides = array<i32>} : memref<32x512xf32, #tpu.memory_space<vmem>>, vector<16xf32>,
        %broadcast_in_dim3A_259 = arith.constant 23 : i32
        %broadcast_in_dim3A_260 = vector.broadcast %broadcast_in_dim3A_259 : i32 to vector<16xi32>
        %gather3A_261 = tpu.vector_load_idx %arg6[%broadcast_in_dim3A_260, %get3A_54] : memref<32x1024xf32, #tpu.memory_space<vmem>>[vector<16xi32>, vector<16xi32>], vector<16xf32>,
        %mul3A_262 = arith.constant 16 : i32
        %mul3A_263 = arith.muli %scan3A_48, %mul3A_262 : i32
        %swap3A_264 = arith.constant 23 : i32
        %swap3A_265 = arith.index_cast %swap3A_264 : i32 to index
        %swap3A_266 = arith.index_cast %mul3A_263 : i32 to index
        %swap3A_267 = tpu.vector_load %arg7[%swap3A_265, %swap3A_266] {strides = array<i32>} : memref<32x512xf32, #tpu.memory_space<vmem>>, vector<16xf32>,
        tpu.vector_store %arg7[%swap3A_265, %swap3A_266], %gather3A_261 {strides = array<i32>} : memref<32x512xf32, #tpu.memory_space<vmem>>, vector<16xf32>,
        %broadcast_in_dim3A_268 = arith.constant 24 : i32
        %broadcast_in_dim3A_269 = vector.broadcast %broadcast_in_dim3A_268 : i32 to vector<16xi32>
        %gather3A_270 = tpu.vector_load_idx %arg6[%broadcast_in_dim3A_269, %get3A_54] : memref<32x1024xf32, #tpu.memory_space<vmem>>[vector<16xi32>, vector<16xi32>], vector<16xf32>,
        %mul3A_271 = arith.constant 16 : i32
        %mul3A_272 = arith.muli %scan3A_48, %mul3A_271 : i32
        %swap3A_273 = arith.constant 24 : i32
        %swap3A_274 = arith.index_cast %swap3A_273 : i32 to index
        %swap3A_275 = arith.index_cast %mul3A_272 : i32 to index
        %swap3A_276 = tpu.vector_load %arg7[%swap3A_274, %swap3A_275] {strides = array<i32>} : memref<32x512xf32, #tpu.memory_space<vmem>>, vector<16xf32>,
        tpu.vector_store %arg7[%swap3A_274, %swap3A_275], %gather3A_270 {strides = array<i32>} : memref<32x512xf32, #tpu.memory_space<vmem>>, vector<16xf32>,
        %broadcast_in_dim3A_277 = arith.constant 25 : i32
        %broadcast_in_dim3A_278 = vector.broadcast %broadcast_in_dim3A_277 : i32 to vector<16xi32>
        %gather3A_279 = tpu.vector_load_idx %arg6[%broadcast_in_dim3A_278, %get3A_54] : memref<32x1024xf32, #tpu.memory_space<vmem>>[vector<16xi32>, vector<16xi32>], vector<16xf32>,
        %mul3A_280 = arith.constant 16 : i32
        %mul3A_281 = arith.muli %scan3A_48, %mul3A_280 : i32
        %swap3A_282 = arith.constant 25 : i32
        %swap3A_283 = arith.index_cast %swap3A_282 : i32 to index
        %swap3A_284 = arith.index_cast %mul3A_281 : i32 to index
        %swap3A_285 = tpu.vector_load %arg7[%swap3A_283, %swap3A_284] {strides = array<i32>} : memref<32x512xf32, #tpu.memory_space<vmem>>, vector<16xf32>,
        tpu.vector_store %arg7[%swap3A_283, %swap3A_284], %gather3A_279 {strides = array<i32>} : memref<32x512xf32, #tpu.memory_space<vmem>>, vector<16xf32>,
        %broadcast_in_dim3A_286 = arith.constant 26 : i32
        %broadcast_in_dim3A_287 = vector.broadcast %broadcast_in_dim3A_286 : i32 to vector<16xi32>
        %gather3A_288 = tpu.vector_load_idx %arg6[%broadcast_in_dim3A_287, %get3A_54] : memref<32x1024xf32, #tpu.memory_space<vmem>>[vector<16xi32>, vector<16xi32>], vector<16xf32>,
        %mul3A_289 = arith.constant 16 : i32
        %mul3A_290 = arith.muli %scan3A_48, %mul3A_289 : i32
        %swap3A_291 = arith.constant 26 : i32
        %swap3A_292 = arith.index_cast %swap3A_291 : i32 to index
        %swap3A_293 = arith.index_cast %mul3A_290 : i32 to index
        %swap3A_294 = tpu.vector_load %arg7[%swap3A_292, %swap3A_293] {strides = array<i32>} : memref<32x512xf32, #tpu.memory_space<vmem>>, vector<16xf32>,
        tpu.vector_store %arg7[%swap3A_292, %swap3A_293], %gather3A_288 {strides = array<i32>} : memref<32x512xf32, #tpu.memory_space<vmem>>, vector<16xf32>,
        %broadcast_in_dim3A_295 = arith.constant 27 : i32
        %broadcast_in_dim3A_296 = vector.broadcast %broadcast_in_dim3A_295 : i32 to vector<16xi32>
        %gather3A_297 = tpu.vector_load_idx %arg6[%broadcast_in_dim3A_296, %get3A_54] : memref<32x1024xf32, #tpu.memory_space<vmem>>[vector<16xi32>, vector<16xi32>], vector<16xf32>,
        %mul3A_298 = arith.constant 16 : i32
        %mul3A_299 = arith.muli %scan3A_48, %mul3A_298 : i32
        %swap3A_300 = arith.constant 27 : i32
        %swap3A_301 = arith.index_cast %swap3A_300 : i32 to index
        %swap3A_302 = arith.index_cast %mul3A_299 : i32 to index
        %swap3A_303 = tpu.vector_load %arg7[%swap3A_301, %swap3A_302] {strides = array<i32>} : memref<32x512xf32, #tpu.memory_space<vmem>>, vector<16xf32>,
        tpu.vector_store %arg7[%swap3A_301, %swap3A_302], %gather3A_297 {strides = array<i32>} : memref<32x512xf32, #tpu.memory_space<vmem>>, vector<16xf32>,
        %broadcast_in_dim3A_304 = arith.constant 28 : i32
        %broadcast_in_dim3A_305 = vector.broadcast %broadcast_in_dim3A_304 : i32 to vector<16xi32>
        %gather3A_306 = tpu.vector_load_idx %arg6[%broadcast_in_dim3A_305, %get3A_54] : memref<32x1024xf32, #tpu.memory_space<vmem>>[vector<16xi32>, vector<16xi32>], vector<16xf32>,
        %mul3A_307 = arith.constant 16 : i32
        %mul3A_308 = arith.muli %scan3A_48, %mul3A_307 : i32
        %swap3A_309 = arith.constant 28 : i32
        %swap3A_310 = arith.index_cast %swap3A_309 : i32 to index
        %swap3A_311 = arith.index_cast %mul3A_308 : i32 to index
        %swap3A_312 = tpu.vector_load %arg7[%swap3A_310, %swap3A_311] {strides = array<i32>} : memref<32x512xf32, #tpu.memory_space<vmem>>, vector<16xf32>,
        tpu.vector_store %arg7[%swap3A_310, %swap3A_311], %gather3A_306 {strides = array<i32>} : memref<32x512xf32, #tpu.memory_space<vmem>>, vector<16xf32>,
        %broadcast_in_dim3A_313 = arith.constant 29 : i32
        %broadcast_in_dim3A_314 = vector.broadcast %broadcast_in_dim3A_313 : i32 to vector<16xi32>
        %gather3A_315 = tpu.vector_load_idx %arg6[%broadcast_in_dim3A_314, %get3A_54] : memref<32x1024xf32, #tpu.memory_space<vmem>>[vector<16xi32>, vector<16xi32>], vector<16xf32>,
        %mul3A_316 = arith.constant 16 : i32
        %mul3A_317 = arith.muli %scan3A_48, %mul3A_316 : i32
        %swap3A_318 = arith.constant 29 : i32
        %swap3A_319 = arith.index_cast %swap3A_318 : i32 to index
        %swap3A_320 = arith.index_cast %mul3A_317 : i32 to index
        %swap3A_321 = tpu.vector_load %arg7[%swap3A_319, %swap3A_320] {strides = array<i32>} : memref<32x512xf32, #tpu.memory_space<vmem>>, vector<16xf32>,
        tpu.vector_store %arg7[%swap3A_319, %swap3A_320], %gather3A_315 {strides = array<i32>} : memref<32x512xf32, #tpu.memory_space<vmem>>, vector<16xf32>,
        %broadcast_in_dim3A_322 = arith.constant 30 : i32
        %broadcast_in_dim3A_323 = vector.broadcast %broadcast_in_dim3A_322 : i32 to vector<16xi32>
        %gather3A_324 = tpu.vector_load_idx %arg6[%broadcast_in_dim3A_323, %get3A_54] : memref<32x1024xf32, #tpu.memory_space<vmem>>[vector<16xi32>, vector<16xi32>], vector<16xf32>,
        %mul3A_325 = arith.constant 16 : i32
        %mul3A_326 = arith.muli %scan3A_48, %mul3A_325 : i32
        %swap3A_327 = arith.constant 30 : i32
        %swap3A_328 = arith.index_cast %swap3A_327 : i32 to index
        %swap3A_329 = arith.index_cast %mul3A_326 : i32 to index
        %swap3A_330 = tpu.vector_load %arg7[%swap3A_328, %swap3A_329] {strides = array<i32>} : memref<32x512xf32, #tpu.memory_space<vmem>>, vector<16xf32>,
        tpu.vector_store %arg7[%swap3A_328, %swap3A_329], %gather3A_324 {strides = array<i32>} : memref<32x512xf32, #tpu.memory_space<vmem>>, vector<16xf32>,
        %broadcast_in_dim3A_331 = arith.constant 31 : i32
        %broadcast_in_dim3A_332 = vector.broadcast %broadcast_in_dim3A_331 : i32 to vector<16xi32>
        %gather3A_333 = tpu.vector_load_idx %arg6[%broadcast_in_dim3A_332, %get3A_54] : memref<32x1024xf32, #tpu.memory_space<vmem>>[vector<16xi32>, vector<16xi32>], vector<16xf32>,
        %mul3A_334 = arith.constant 16 : i32
        %mul3A_335 = arith.muli %scan3A_48, %mul3A_334 : i32
        %swap3A_336 = arith.constant 31 : i32
        %swap3A_337 = arith.index_cast %swap3A_336 : i32 to index
        %swap3A_338 = arith.index_cast %mul3A_335 : i32 to index
        %swap3A_339 = tpu.vector_load %arg7[%swap3A_337, %swap3A_338] {strides = array<i32>} : memref<32x512xf32, #tpu.memory_space<vmem>>, vector<16xf32>,
        tpu.vector_store %arg7[%swap3A_337, %swap3A_338], %gather3A_333 {strides = array<i32>} : memref<32x512xf32, #tpu.memory_space<vmem>>, vector<16xf32>,
        %scan3A_340 = arith.constant 1 : i32
        %scan3A_341 = arith.addi %scan3A_48, %scan3A_340 : i32
        %mul3A_342 = arith.constant 512 : i32
        %mul3A_343 = arith.muli %scan3A_38, %mul3A_342 : i32
        %mul3A_344 = arith.constant 16 : i32
        %mul3A_345 = arith.muli %scan3A_341, %mul3A_344 : i32
        %add3A_346 = arith.addi %mul3A_343, %mul3A_345 : i32
        %get3A_347 = arith.index_cast %add3A_346 : i32 to index
        %get3A_348 = tpu.vector_load %arg5[%get3A_347] {strides = array<i32>} : memref<1024xi32, #tpu.memory_space<vmem>>, vector<16xi32>,
        %broadcast_in_dim3A_349 = arith.constant 0 : i32
        %broadcast_in_dim3A_350 = vector.broadcast %broadcast_in_dim3A_349 : i32 to vector<16xi32>
        %gather3A_351 = tpu.vector_load_idx %arg6[%broadcast_in_dim3A_350, %get3A_348] : memref<32x1024xf32, #tpu.memory_space<vmem>>[vector<16xi32>, vector<16xi32>], vector<16xf32>,
        %mul3A_352 = arith.constant 16 : i32
        %mul3A_353 = arith.muli %scan3A_341, %mul3A_352 : i32
        %swap3A_354 = arith.constant 0 : i32
        %swap3A_355 = arith.index_cast %swap3A_354 : i32 to index
        %swap3A_356 = arith.index_cast %mul3A_353 : i32 to index
        %swap3A_357 = tpu.vector_load %arg7[%swap3A_355, %swap3A_356] {strides = array<i32>} : memref<32x512xf32, #tpu.memory_space<vmem>>, vector<16xf32>,
        tpu.vector_store %arg7[%swap3A_355, %swap3A_356], %gather3A_351 {strides = array<i32>} : memref<32x512xf32, #tpu.memory_space<vmem>>, vector<16xf32>,
        %broadcast_in_dim3A_358 = arith.constant 1 : i32
        %broadcast_in_dim3A_359 = vector.broadcast %broadcast_in_dim3A_358 : i32 to vector<16xi32>
        %gather3A_360 = tpu.vector_load_idx %arg6[%broadcast_in_dim3A_359, %get3A_348] : memref<32x1024xf32, #tpu.memory_space<vmem>>[vector<16xi32>, vector<16xi32>], vector<16xf32>,
        %mul3A_361 = arith.constant 16 : i32
        %mul3A_362 = arith.muli %scan3A_341, %mul3A_361 : i32
        %swap3A_363 = arith.constant 1 : i32
        %swap3A_364 = arith.index_cast %swap3A_363 : i32 to index
        %swap3A_365 = arith.index_cast %mul3A_362 : i32 to index
        %swap3A_366 = tpu.vector_load %arg7[%swap3A_364, %swap3A_365] {strides = array<i32>} : memref<32x512xf32, #tpu.memory_space<vmem>>, vector<16xf32>,
        tpu.vector_store %arg7[%swap3A_364, %swap3A_365], %gather3A_360 {strides = array<i32>} : memref<32x512xf32, #tpu.memory_space<vmem>>, vector<16xf32>,
        %broadcast_in_dim3A_367 = arith.constant 2 : i32
        %broadcast_in_dim3A_368 = vector.broadcast %broadcast_in_dim3A_367 : i32 to vector<16xi32>
        %gather3A_369 = tpu.vector_load_idx %arg6[%broadcast_in_dim3A_368, %get3A_348] : memref<32x1024xf32, #tpu.memory_space<vmem>>[vector<16xi32>, vector<16xi32>], vector<16xf32>,
        %mul3A_370 = arith.constant 16 : i32
        %mul3A_371 = arith.muli %scan3A_341, %mul3A_370 : i32
        %swap3A_372 = arith.constant 2 : i32
        %swap3A_373 = arith.index_cast %swap3A_372 : i32 to index
        %swap3A_374 = arith.index_cast %mul3A_371 : i32 to index
        %swap3A_375 = tpu.vector_load %arg7[%swap3A_373, %swap3A_374] {strides = array<i32>} : memref<32x512xf32, #tpu.memory_space<vmem>>, vector<16xf32>,
        tpu.vector_store %arg7[%swap3A_373, %swap3A_374], %gather3A_369 {strides = array<i32>} : memref<32x512xf32, #tpu.memory_space<vmem>>, vector<16xf32>,
        %broadcast_in_dim3A_376 = arith.constant 3 : i32
        %broadcast_in_dim3A_377 = vector.broadcast %broadcast_in_dim3A_376 : i32 to vector<16xi32>
        %gather3A_378 = tpu.vector_load_idx %arg6[%broadcast_in_dim3A_377, %get3A_348] : memref<32x1024xf32, #tpu.memory_space<vmem>>[vector<16xi32>, vector<16xi32>], vector<16xf32>,
        %mul3A_379 = arith.constant 16 : i32
        %mul3A_380 = arith.muli %scan3A_341, %mul3A_379 : i32
        %swap3A_381 = arith.constant 3 : i32
        %swap3A_382 = arith.index_cast %swap3A_381 : i32 to index
        %swap3A_383 = arith.index_cast %mul3A_380 : i32 to index
        %swap3A_384 = tpu.vector_load %arg7[%swap3A_382, %swap3A_383] {strides = array<i32>} : memref<32x512xf32, #tpu.memory_space<vmem>>, vector<16xf32>,
        tpu.vector_store %arg7[%swap3A_382, %swap3A_383], %gather3A_378 {strides = array<i32>} : memref<32x512xf32, #tpu.memory_space<vmem>>, vector<16xf32>,
        %broadcast_in_dim3A_385 = arith.constant 4 : i32
        %broadcast_in_dim3A_386 = vector.broadcast %broadcast_in_dim3A_385 : i32 to vector<16xi32>
        %gather3A_387 = tpu.vector_load_idx %arg6[%broadcast_in_dim3A_386, %get3A_348] : memref<32x1024xf32, #tpu.memory_space<vmem>>[vector<16xi32>, vector<16xi32>], vector<16xf32>,
        %mul3A_388 = arith.constant 16 : i32
        %mul3A_389 = arith.muli %scan3A_341, %mul3A_388 : i32
        %swap3A_390 = arith.constant 4 : i32
        %swap3A_391 = arith.index_cast %swap3A_390 : i32 to index
        %swap3A_392 = arith.index_cast %mul3A_389 : i32 to index
        %swap3A_393 = tpu.vector_load %arg7[%swap3A_391, %swap3A_392] {strides = array<i32>} : memref<32x512xf32, #tpu.memory_space<vmem>>, vector<16xf32>,
        tpu.vector_store %arg7[%swap3A_391, %swap3A_392], %gather3A_387 {strides = array<i32>} : memref<32x512xf32, #tpu.memory_space<vmem>>, vector<16xf32>,
        %broadcast_in_dim3A_394 = arith.constant 5 : i32
        %broadcast_in_dim3A_395 = vector.broadcast %broadcast_in_dim3A_394 : i32 to vector<16xi32>
        %gather3A_396 = tpu.vector_load_idx %arg6[%broadcast_in_dim3A_395, %get3A_348] : memref<32x1024xf32, #tpu.memory_space<vmem>>[vector<16xi32>, vector<16xi32>], vector<16xf32>,
        %mul3A_397 = arith.constant 16 : i32
        %mul3A_398 = arith.muli %scan3A_341, %mul3A_397 : i32
        %swap3A_399 = arith.constant 5 : i32
        %swap3A_400 = arith.index_cast %swap3A_399 : i32 to index
        %swap3A_401 = arith.index_cast %mul3A_398 : i32 to index
        %swap3A_402 = tpu.vector_load %arg7[%swap3A_400, %swap3A_401] {strides = array<i32>} : memref<32x512xf32, #tpu.memory_space<vmem>>, vector<16xf32>,
        tpu.vector_store %arg7[%swap3A_400, %swap3A_401], %gather3A_396 {strides = array<i32>} : memref<32x512xf32, #tpu.memory_space<vmem>>, vector<16xf32>,
        %broadcast_in_dim3A_403 = arith.constant 6 : i32
        %broadcast_in_dim3A_404 = vector.broadcast %broadcast_in_dim3A_403 : i32 to vector<16xi32>
        %gather3A_405 = tpu.vector_load_idx %arg6[%broadcast_in_dim3A_404, %get3A_348] : memref<32x1024xf32, #tpu.memory_space<vmem>>[vector<16xi32>, vector<16xi32>], vector<16xf32>,
        %mul3A_406 = arith.constant 16 : i32
        %mul3A_407 = arith.muli %scan3A_341, %mul3A_406 : i32
        %swap3A_408 = arith.constant 6 : i32
        %swap3A_409 = arith.index_cast %swap3A_408 : i32 to index
        %swap3A_410 = arith.index_cast %mul3A_407 : i32 to index
        %swap3A_411 = tpu.vector_load %arg7[%swap3A_409, %swap3A_410] {strides = array<i32>} : memref<32x512xf32, #tpu.memory_space<vmem>>, vector<16xf32>,
        tpu.vector_store %arg7[%swap3A_409, %swap3A_410], %gather3A_405 {strides = array<i32>} : memref<32x512xf32, #tpu.memory_space<vmem>>, vector<16xf32>,
        %broadcast_in_dim3A_412 = arith.constant 7 : i32
        %broadcast_in_dim3A_413 = vector.broadcast %broadcast_in_dim3A_412 : i32 to vector<16xi32>
        %gather3A_414 = tpu.vector_load_idx %arg6[%broadcast_in_dim3A_413, %get3A_348] : memref<32x1024xf32, #tpu.memory_space<vmem>>[vector<16xi32>, vector<16xi32>], vector<16xf32>,
        %mul3A_415 = arith.constant 16 : i32
        %mul3A_416 = arith.muli %scan3A_341, %mul3A_415 : i32
        %swap3A_417 = arith.constant 7 : i32
        %swap3A_418 = arith.index_cast %swap3A_417 : i32 to index
        %swap3A_419 = arith.index_cast %mul3A_416 : i32 to index
        %swap3A_420 = tpu.vector_load %arg7[%swap3A_418, %swap3A_419] {strides = array<i32>} : memref<32x512xf32, #tpu.memory_space<vmem>>, vector<16xf32>,
        tpu.vector_store %arg7[%swap3A_418, %swap3A_419], %gather3A_414 {strides = array<i32>} : memref<32x512xf32, #tpu.memory_space<vmem>>, vector<16xf32>,
        %broadcast_in_dim3A_421 = arith.constant 8 : i32
        %broadcast_in_dim3A_422 = vector.broadcast %broadcast_in_dim3A_421 : i32 to vector<16xi32>
        %gather3A_423 = tpu.vector_load_idx %arg6[%broadcast_in_dim3A_422, %get3A_348] : memref<32x1024xf32, #tpu.memory_space<vmem>>[vector<16xi32>, vector<16xi32>], vector<16xf32>,
        %mul3A_424 = arith.constant 16 : i32
        %mul3A_425 = arith.muli %scan3A_341, %mul3A_424 : i32
        %swap3A_426 = arith.constant 8 : i32
        %swap3A_427 = arith.index_cast %swap3A_426 : i32 to index
        %swap3A_428 = arith.index_cast %mul3A_425 : i32 to index
        %swap3A_429 = tpu.vector_load %arg7[%swap3A_427, %swap3A_428] {strides = array<i32>} : memref<32x512xf32, #tpu.memory_space<vmem>>, vector<16xf32>,
        tpu.vector_store %arg7[%swap3A_427, %swap3A_428], %gather3A_423 {strides = array<i32>} : memref<32x512xf32, #tpu.memory_space<vmem>>, vector<16xf32>,
        %broadcast_in_dim3A_430 = arith.constant 9 : i32
        %broadcast_in_dim3A_431 = vector.broadcast %broadcast_in_dim3A_430 : i32 to vector<16xi32>
        %gather3A_432 = tpu.vector_load_idx %arg6[%broadcast_in_dim3A_431, %get3A_348] : memref<32x1024xf32, #tpu.memory_space<vmem>>[vector<16xi32>, vector<16xi32>], vector<16xf32>,
        %mul3A_433 = arith.constant 16 : i32
        %mul3A_434 = arith.muli %scan3A_341, %mul3A_433 : i32
        %swap3A_435 = arith.constant 9 : i32
        %swap3A_436 = arith.index_cast %swap3A_435 : i32 to index
        %swap3A_437 = arith.index_cast %mul3A_434 : i32 to index
        %swap3A_438 = tpu.vector_load %arg7[%swap3A_436, %swap3A_437] {strides = array<i32>} : memref<32x512xf32, #tpu.memory_space<vmem>>, vector<16xf32>,
        tpu.vector_store %arg7[%swap3A_436, %swap3A_437], %gather3A_432 {strides = array<i32>} : memref<32x512xf32, #tpu.memory_space<vmem>>, vector<16xf32>,
        %broadcast_in_dim3A_439 = arith.constant 10 : i32
        %broadcast_in_dim3A_440 = vector.broadcast %broadcast_in_dim3A_439 : i32 to vector<16xi32>
        %gather3A_441 = tpu.vector_load_idx %arg6[%broadcast_in_dim3A_440, %get3A_348] : memref<32x1024xf32, #tpu.memory_space<vmem>>[vector<16xi32>, vector<16xi32>], vector<16xf32>,
        %mul3A_442 = arith.constant 16 : i32
        %mul3A_443 = arith.muli %scan3A_341, %mul3A_442 : i32
        %swap3A_444 = arith.constant 10 : i32
        %swap3A_445 = arith.index_cast %swap3A_444 : i32 to index
        %swap3A_446 = arith.index_cast %mul3A_443 : i32 to index
        %swap3A_447 = tpu.vector_load %arg7[%swap3A_445, %swap3A_446] {strides = array<i32>} : memref<32x512xf32, #tpu.memory_space<vmem>>, vector<16xf32>,
        tpu.vector_store %arg7[%swap3A_445, %swap3A_446], %gather3A_441 {strides = array<i32>} : memref<32x512xf32, #tpu.memory_space<vmem>>, vector<16xf32>,
        %broadcast_in_dim3A_448 = arith.constant 11 : i32
        %broadcast_in_dim3A_449 = vector.broadcast %broadcast_in_dim3A_448 : i32 to vector<16xi32>
        %gather3A_450 = tpu.vector_load_idx %arg6[%broadcast_in_dim3A_449, %get3A_348] : memref<32x1024xf32, #tpu.memory_space<vmem>>[vector<16xi32>, vector<16xi32>], vector<16xf32>,
        %mul3A_451 = arith.constant 16 : i32
        %mul3A_452 = arith.muli %scan3A_341, %mul3A_451 : i32
        %swap3A_453 = arith.constant 11 : i32
        %swap3A_454 = arith.index_cast %swap3A_453 : i32 to index
        %swap3A_455 = arith.index_cast %mul3A_452 : i32 to index
        %swap3A_456 = tpu.vector_load %arg7[%swap3A_454, %swap3A_455] {strides = array<i32>} : memref<32x512xf32, #tpu.memory_space<vmem>>, vector<16xf32>,
        tpu.vector_store %arg7[%swap3A_454, %swap3A_455], %gather3A_450 {strides = array<i32>} : memref<32x512xf32, #tpu.memory_space<vmem>>, vector<16xf32>,
        %broadcast_in_dim3A_457 = arith.constant 12 : i32
        %broadcast_in_dim3A_458 = vector.broadcast %broadcast_in_dim3A_457 : i32 to vector<16xi32>
        %gather3A_459 = tpu.vector_load_idx %arg6[%broadcast_in_dim3A_458, %get3A_348] : memref<32x1024xf32, #tpu.memory_space<vmem>>[vector<16xi32>, vector<16xi32>], vector<16xf32>,
        %mul3A_460 = arith.constant 16 : i32
        %mul3A_461 = arith.muli %scan3A_341, %mul3A_460 : i32
        %swap3A_462 = arith.constant 12 : i32
        %swap3A_463 = arith.index_cast %swap3A_462 : i32 to index
        %swap3A_464 = arith.index_cast %mul3A_461 : i32 to index
        %swap3A_465 = tpu.vector_load %arg7[%swap3A_463, %swap3A_464] {strides = array<i32>} : memref<32x512xf32, #tpu.memory_space<vmem>>, vector<16xf32>,
        tpu.vector_store %arg7[%swap3A_463, %swap3A_464], %gather3A_459 {strides = array<i32>} : memref<32x512xf32, #tpu.memory_space<vmem>>, vector<16xf32>,
        %broadcast_in_dim3A_466 = arith.constant 13 : i32
        %broadcast_in_dim3A_467 = vector.broadcast %broadcast_in_dim3A_466 : i32 to vector<16xi32>
        %gather3A_468 = tpu.vector_load_idx %arg6[%broadcast_in_dim3A_467, %get3A_348] : memref<32x1024xf32, #tpu.memory_space<vmem>>[vector<16xi32>, vector<16xi32>], vector<16xf32>,
        %mul3A_469 = arith.constant 16 : i32
        %mul3A_470 = arith.muli %scan3A_341, %mul3A_469 : i32
        %swap3A_471 = arith.constant 13 : i32
        %swap3A_472 = arith.index_cast %swap3A_471 : i32 to index
        %swap3A_473 = arith.index_cast %mul3A_470 : i32 to index
        %swap3A_474 = tpu.vector_load %arg7[%swap3A_472, %swap3A_473] {strides = array<i32>} : memref<32x512xf32, #tpu.memory_space<vmem>>, vector<16xf32>,
        tpu.vector_store %arg7[%swap3A_472, %swap3A_473], %gather3A_468 {strides = array<i32>} : memref<32x512xf32, #tpu.memory_space<vmem>>, vector<16xf32>,
        %broadcast_in_dim3A_475 = arith.constant 14 : i32
        %broadcast_in_dim3A_476 = vector.broadcast %broadcast_in_dim3A_475 : i32 to vector<16xi32>
        %gather3A_477 = tpu.vector_load_idx %arg6[%broadcast_in_dim3A_476, %get3A_348] : memref<32x1024xf32, #tpu.memory_space<vmem>>[vector<16xi32>, vector<16xi32>], vector<16xf32>,
        %mul3A_478 = arith.constant 16 : i32
        %mul3A_479 = arith.muli %scan3A_341, %mul3A_478 : i32
        %swap3A_480 = arith.constant 14 : i32
        %swap3A_481 = arith.index_cast %swap3A_480 : i32 to index
        %swap3A_482 = arith.index_cast %mul3A_479 : i32 to index
        %swap3A_483 = tpu.vector_load %arg7[%swap3A_481, %swap3A_482] {strides = array<i32>} : memref<32x512xf32, #tpu.memory_space<vmem>>, vector<16xf32>,
        tpu.vector_store %arg7[%swap3A_481, %swap3A_482], %gather3A_477 {strides = array<i32>} : memref<32x512xf32, #tpu.memory_space<vmem>>, vector<16xf32>,
        %broadcast_in_dim3A_484 = arith.constant 15 : i32
        %broadcast_in_dim3A_485 = vector.broadcast %broadcast_in_dim3A_484 : i32 to vector<16xi32>
        %gather3A_486 = tpu.vector_load_idx %arg6[%broadcast_in_dim3A_485, %get3A_348] : memref<32x1024xf32, #tpu.memory_space<vmem>>[vector<16xi32>, vector<16xi32>], vector<16xf32>,
        %mul3A_487 = arith.constant 16 : i32
        %mul3A_488 = arith.muli %scan3A_341, %mul3A_487 : i32
        %swap3A_489 = arith.constant 15 : i32
        %swap3A_490 = arith.index_cast %swap3A_489 : i32 to index
        %swap3A_491 = arith.index_cast %mul3A_488 : i32 to index
        %swap3A_492 = tpu.vector_load %arg7[%swap3A_490, %swap3A_491] {strides = array<i32>} : memref<32x512xf32, #tpu.memory_space<vmem>>, vector<16xf32>,
        tpu.vector_store %arg7[%swap3A_490, %swap3A_491], %gather3A_486 {strides = array<i32>} : memref<32x512xf32, #tpu.memory_space<vmem>>, vector<16xf32>,
        %broadcast_in_dim3A_493 = arith.constant 16 : i32
        %broadcast_in_dim3A_494 = vector.broadcast %broadcast_in_dim3A_493 : i32 to vector<16xi32>
        %gather3A_495 = tpu.vector_load_idx %arg6[%broadcast_in_dim3A_494, %get3A_348] : memref<32x1024xf32, #tpu.memory_space<vmem>>[vector<16xi32>, vector<16xi32>], vector<16xf32>,
        %mul3A_496 = arith.constant 16 : i32
        %mul3A_497 = arith.muli %scan3A_341, %mul3A_496 : i32
        %swap3A_498 = arith.constant 16 : i32
        %swap3A_499 = arith.index_cast %swap3A_498 : i32 to index
        %swap3A_500 = arith.index_cast %mul3A_497 : i32 to index
        %swap3A_501 = tpu.vector_load %arg7[%swap3A_499, %swap3A_500] {strides = array<i32>} : memref<32x512xf32, #tpu.memory_space<vmem>>, vector<16xf32>,
        tpu.vector_store %arg7[%swap3A_499, %swap3A_500], %gather3A_495 {strides = array<i32>} : memref<32x512xf32, #tpu.memory_space<vmem>>, vector<16xf32>,
        %broadcast_in_dim3A_502 = arith.constant 17 : i32
        %broadcast_in_dim3A_503 = vector.broadcast %broadcast_in_dim3A_502 : i32 to vector<16xi32>
        %gather3A_504 = tpu.vector_load_idx %arg6[%broadcast_in_dim3A_503, %get3A_348] : memref<32x1024xf32, #tpu.memory_space<vmem>>[vector<16xi32>, vector<16xi32>], vector<16xf32>,
        %mul3A_505 = arith.constant 16 : i32
        %mul3A_506 = arith.muli %scan3A_341, %mul3A_505 : i32
        %swap3A_507 = arith.constant 17 : i32
        %swap3A_508 = arith.index_cast %swap3A_507 : i32 to index
        %swap3A_509 = arith.index_cast %mul3A_506 : i32 to index
        %swap3A_510 = tpu.vector_load %arg7[%swap3A_508, %swap3A_509] {strides = array<i32>} : memref<32x512xf32, #tpu.memory_space<vmem>>, vector<16xf32>,
        tpu.vector_store %arg7[%swap3A_508, %swap3A_509], %gather3A_504 {strides = array<i32>} : memref<32x512xf32, #tpu.memory_space<vmem>>, vector<16xf32>,
        %broadcast_in_dim3A_511 = arith.constant 18 : i32
        %broadcast_in_dim3A_512 = vector.broadcast %broadcast_in_dim3A_511 : i32 to vector<16xi32>
        %gather3A_513 = tpu.vector_load_idx %arg6[%broadcast_in_dim3A_512, %get3A_348] : memref<32x1024xf32, #tpu.memory_space<vmem>>[vector<16xi32>, vector<16xi32>], vector<16xf32>,
        %mul3A_514 = arith.constant 16 : i32
        %mul3A_515 = arith.muli %scan3A_341, %mul3A_514 : i32
        %swap3A_516 = arith.constant 18 : i32
        %swap3A_517 = arith.index_cast %swap3A_516 : i32 to index
        %swap3A_518 = arith.index_cast %mul3A_515 : i32 to index
        %swap3A_519 = tpu.vector_load %arg7[%swap3A_517, %swap3A_518] {strides = array<i32>} : memref<32x512xf32, #tpu.memory_space<vmem>>, vector<16xf32>,
        tpu.vector_store %arg7[%swap3A_517, %swap3A_518], %gather3A_513 {strides = array<i32>} : memref<32x512xf32, #tpu.memory_space<vmem>>, vector<16xf32>,
        %broadcast_in_dim3A_520 = arith.constant 19 : i32
        %broadcast_in_dim3A_521 = vector.broadcast %broadcast_in_dim3A_520 : i32 to vector<16xi32>
        %gather3A_522 = tpu.vector_load_idx %arg6[%broadcast_in_dim3A_521, %get3A_348] : memref<32x1024xf32, #tpu.memory_space<vmem>>[vector<16xi32>, vector<16xi32>], vector<16xf32>,
        %mul3A_523 = arith.constant 16 : i32
        %mul3A_524 = arith.muli %scan3A_341, %mul3A_523 : i32
        %swap3A_525 = arith.constant 19 : i32
        %swap3A_526 = arith.index_cast %swap3A_525 : i32 to index
        %swap3A_527 = arith.index_cast %mul3A_524 : i32 to index
        %swap3A_528 = tpu.vector_load %arg7[%swap3A_526, %swap3A_527] {strides = array<i32>} : memref<32x512xf32, #tpu.memory_space<vmem>>, vector<16xf32>,
        tpu.vector_store %arg7[%swap3A_526, %swap3A_527], %gather3A_522 {strides = array<i32>} : memref<32x512xf32, #tpu.memory_space<vmem>>, vector<16xf32>,
        %broadcast_in_dim3A_529 = arith.constant 20 : i32
        %broadcast_in_dim3A_530 = vector.broadcast %broadcast_in_dim3A_529 : i32 to vector<16xi32>
        %gather3A_531 = tpu.vector_load_idx %arg6[%broadcast_in_dim3A_530, %get3A_348] : memref<32x1024xf32, #tpu.memory_space<vmem>>[vector<16xi32>, vector<16xi32>], vector<16xf32>,
        %mul3A_532 = arith.constant 16 : i32
        %mul3A_533 = arith.muli %scan3A_341, %mul3A_532 : i32
        %swap3A_534 = arith.constant 20 : i32
        %swap3A_535 = arith.index_cast %swap3A_534 : i32 to index
        %swap3A_536 = arith.index_cast %mul3A_533 : i32 to index
        %swap3A_537 = tpu.vector_load %arg7[%swap3A_535, %swap3A_536] {strides = array<i32>} : memref<32x512xf32, #tpu.memory_space<vmem>>, vector<16xf32>,
        tpu.vector_store %arg7[%swap3A_535, %swap3A_536], %gather3A_531 {strides = array<i32>} : memref<32x512xf32, #tpu.memory_space<vmem>>, vector<16xf32>,
        %broadcast_in_dim3A_538 = arith.constant 21 : i32
        %broadcast_in_dim3A_539 = vector.broadcast %broadcast_in_dim3A_538 : i32 to vector<16xi32>
        %gather3A_540 = tpu.vector_load_idx %arg6[%broadcast_in_dim3A_539, %get3A_348] : memref<32x1024xf32, #tpu.memory_space<vmem>>[vector<16xi32>, vector<16xi32>], vector<16xf32>,
        %mul3A_541 = arith.constant 16 : i32
        %mul3A_542 = arith.muli %scan3A_341, %mul3A_541 : i32
        %swap3A_543 = arith.constant 21 : i32
        %swap3A_544 = arith.index_cast %swap3A_543 : i32 to index
        %swap3A_545 = arith.index_cast %mul3A_542 : i32 to index
        %swap3A_546 = tpu.vector_load %arg7[%swap3A_544, %swap3A_545] {strides = array<i32>} : memref<32x512xf32, #tpu.memory_space<vmem>>, vector<16xf32>,
        tpu.vector_store %arg7[%swap3A_544, %swap3A_545], %gather3A_540 {strides = array<i32>} : memref<32x512xf32, #tpu.memory_space<vmem>>, vector<16xf32>,
        %broadcast_in_dim3A_547 = arith.constant 22 : i32
        %broadcast_in_dim3A_548 = vector.broadcast %broadcast_in_dim3A_547 : i32 to vector<16xi32>
        %gather3A_549 = tpu.vector_load_idx %arg6[%broadcast_in_dim3A_548, %get3A_348] : memref<32x1024xf32, #tpu.memory_space<vmem>>[vector<16xi32>, vector<16xi32>], vector<16xf32>,
        %mul3A_550 = arith.constant 16 : i32
        %mul3A_551 = arith.muli %scan3A_341, %mul3A_550 : i32
        %swap3A_552 = arith.constant 22 : i32
        %swap3A_553 = arith.index_cast %swap3A_552 : i32 to index
        %swap3A_554 = arith.index_cast %mul3A_551 : i32 to index
        %swap3A_555 = tpu.vector_load %arg7[%swap3A_553, %swap3A_554] {strides = array<i32>} : memref<32x512xf32, #tpu.memory_space<vmem>>, vector<16xf32>,
        tpu.vector_store %arg7[%swap3A_553, %swap3A_554], %gather3A_549 {strides = array<i32>} : memref<32x512xf32, #tpu.memory_space<vmem>>, vector<16xf32>,
        %broadcast_in_dim3A_556 = arith.constant 23 : i32
        %broadcast_in_dim3A_557 = vector.broadcast %broadcast_in_dim3A_556 : i32 to vector<16xi32>
        %gather3A_558 = tpu.vector_load_idx %arg6[%broadcast_in_dim3A_557, %get3A_348] : memref<32x1024xf32, #tpu.memory_space<vmem>>[vector<16xi32>, vector<16xi32>], vector<16xf32>,
        %mul3A_559 = arith.constant 16 : i32
        %mul3A_560 = arith.muli %scan3A_341, %mul3A_559 : i32
        %swap3A_561 = arith.constant 23 : i32
        %swap3A_562 = arith.index_cast %swap3A_561 : i32 to index
        %swap3A_563 = arith.index_cast %mul3A_560 : i32 to index
        %swap3A_564 = tpu.vector_load %arg7[%swap3A_562, %swap3A_563] {strides = array<i32>} : memref<32x512xf32, #tpu.memory_space<vmem>>, vector<16xf32>,
        tpu.vector_store %arg7[%swap3A_562, %swap3A_563], %gather3A_558 {strides = array<i32>} : memref<32x512xf32, #tpu.memory_space<vmem>>, vector<16xf32>,
        %broadcast_in_dim3A_565 = arith.constant 24 : i32
        %broadcast_in_dim3A_566 = vector.broadcast %broadcast_in_dim3A_565 : i32 to vector<16xi32>
        %gather3A_567 = tpu.vector_load_idx %arg6[%broadcast_in_dim3A_566, %get3A_348] : memref<32x1024xf32, #tpu.memory_space<vmem>>[vector<16xi32>, vector<16xi32>], vector<16xf32>,
        %mul3A_568 = arith.constant 16 : i32
        %mul3A_569 = arith.muli %scan3A_341, %mul3A_568 : i32
        %swap3A_570 = arith.constant 24 : i32
        %swap3A_571 = arith.index_cast %swap3A_570 : i32 to index
        %swap3A_572 = arith.index_cast %mul3A_569 : i32 to index
        %swap3A_573 = tpu.vector_load %arg7[%swap3A_571, %swap3A_572] {strides = array<i32>} : memref<32x512xf32, #tpu.memory_space<vmem>>, vector<16xf32>,
        tpu.vector_store %arg7[%swap3A_571, %swap3A_572], %gather3A_567 {strides = array<i32>} : memref<32x512xf32, #tpu.memory_space<vmem>>, vector<16xf32>,
        %broadcast_in_dim3A_574 = arith.constant 25 : i32
        %broadcast_in_dim3A_575 = vector.broadcast %broadcast_in_dim3A_574 : i32 to vector<16xi32>
        %gather3A_576 = tpu.vector_load_idx %arg6[%broadcast_in_dim3A_575, %get3A_348] : memref<32x1024xf32, #tpu.memory_space<vmem>>[vector<16xi32>, vector<16xi32>], vector<16xf32>,
        %mul3A_577 = arith.constant 16 : i32
        %mul3A_578 = arith.muli %scan3A_341, %mul3A_577 : i32
        %swap3A_579 = arith.constant 25 : i32
        %swap3A_580 = arith.index_cast %swap3A_579 : i32 to index
        %swap3A_581 = arith.index_cast %mul3A_578 : i32 to index
        %swap3A_582 = tpu.vector_load %arg7[%swap3A_580, %swap3A_581] {strides = array<i32>} : memref<32x512xf32, #tpu.memory_space<vmem>>, vector<16xf32>,
        tpu.vector_store %arg7[%swap3A_580, %swap3A_581], %gather3A_576 {strides = array<i32>} : memref<32x512xf32, #tpu.memory_space<vmem>>, vector<16xf32>,
        %broadcast_in_dim3A_583 = arith.constant 26 : i32
        %broadcast_in_dim3A_584 = vector.broadcast %broadcast_in_dim3A_583 : i32 to vector<16xi32>
        %gather3A_585 = tpu.vector_load_idx %arg6[%broadcast_in_dim3A_584, %get3A_348] : memref<32x1024xf32, #tpu.memory_space<vmem>>[vector<16xi32>, vector<16xi32>], vector<16xf32>,
        %mul3A_586 = arith.constant 16 : i32
        %mul3A_587 = arith.muli %scan3A_341, %mul3A_586 : i32
        %swap3A_588 = arith.constant 26 : i32
        %swap3A_589 = arith.index_cast %swap3A_588 : i32 to index
        %swap3A_590 = arith.index_cast %mul3A_587 : i32 to index
        %swap3A_591 = tpu.vector_load %arg7[%swap3A_589, %swap3A_590] {strides = array<i32>} : memref<32x512xf32, #tpu.memory_space<vmem>>, vector<16xf32>,
        tpu.vector_store %arg7[%swap3A_589, %swap3A_590], %gather3A_585 {strides = array<i32>} : memref<32x512xf32, #tpu.memory_space<vmem>>, vector<16xf32>,
        %broadcast_in_dim3A_592 = arith.constant 27 : i32
        %broadcast_in_dim3A_593 = vector.broadcast %broadcast_in_dim3A_592 : i32 to vector<16xi32>
        %gather3A_594 = tpu.vector_load_idx %arg6[%broadcast_in_dim3A_593, %get3A_348] : memref<32x1024xf32, #tpu.memory_space<vmem>>[vector<16xi32>, vector<16xi32>], vector<16xf32>,
        %mul3A_595 = arith.constant 16 : i32
        %mul3A_596 = arith.muli %scan3A_341, %mul3A_595 : i32
        %swap3A_597 = arith.constant 27 : i32
        %swap3A_598 = arith.index_cast %swap3A_597 : i32 to index
        %swap3A_599 = arith.index_cast %mul3A_596 : i32 to index
        %swap3A_600 = tpu.vector_load %arg7[%swap3A_598, %swap3A_599] {strides = array<i32>} : memref<32x512xf32, #tpu.memory_space<vmem>>, vector<16xf32>,
        tpu.vector_store %arg7[%swap3A_598, %swap3A_599], %gather3A_594 {strides = array<i32>} : memref<32x512xf32, #tpu.memory_space<vmem>>, vector<16xf32>,
        %broadcast_in_dim3A_601 = arith.constant 28 : i32
        %broadcast_in_dim3A_602 = vector.broadcast %broadcast_in_dim3A_601 : i32 to vector<16xi32>
        %gather3A_603 = tpu.vector_load_idx %arg6[%broadcast_in_dim3A_602, %get3A_348] : memref<32x1024xf32, #tpu.memory_space<vmem>>[vector<16xi32>, vector<16xi32>], vector<16xf32>,
        %mul3A_604 = arith.constant 16 : i32
        %mul3A_605 = arith.muli %scan3A_341, %mul3A_604 : i32
        %swap3A_606 = arith.constant 28 : i32
        %swap3A_607 = arith.index_cast %swap3A_606 : i32 to index
        %swap3A_608 = arith.index_cast %mul3A_605 : i32 to index
        %swap3A_609 = tpu.vector_load %arg7[%swap3A_607, %swap3A_608] {strides = array<i32>} : memref<32x512xf32, #tpu.memory_space<vmem>>, vector<16xf32>,
        tpu.vector_store %arg7[%swap3A_607, %swap3A_608], %gather3A_603 {strides = array<i32>} : memref<32x512xf32, #tpu.memory_space<vmem>>, vector<16xf32>,
        %broadcast_in_dim3A_610 = arith.constant 29 : i32
        %broadcast_in_dim3A_611 = vector.broadcast %broadcast_in_dim3A_610 : i32 to vector<16xi32>
        %gather3A_612 = tpu.vector_load_idx %arg6[%broadcast_in_dim3A_611, %get3A_348] : memref<32x1024xf32, #tpu.memory_space<vmem>>[vector<16xi32>, vector<16xi32>], vector<16xf32>,
        %mul3A_613 = arith.constant 16 : i32
        %mul3A_614 = arith.muli %scan3A_341, %mul3A_613 : i32
        %swap3A_615 = arith.constant 29 : i32
        %swap3A_616 = arith.index_cast %swap3A_615 : i32 to index
        %swap3A_617 = arith.index_cast %mul3A_614 : i32 to index
        %swap3A_618 = tpu.vector_load %arg7[%swap3A_616, %swap3A_617] {strides = array<i32>} : memref<32x512xf32, #tpu.memory_space<vmem>>, vector<16xf32>,
        tpu.vector_store %arg7[%swap3A_616, %swap3A_617], %gather3A_612 {strides = array<i32>} : memref<32x512xf32, #tpu.memory_space<vmem>>, vector<16xf32>,
        %broadcast_in_dim3A_619 = arith.constant 30 : i32
        %broadcast_in_dim3A_620 = vector.broadcast %broadcast_in_dim3A_619 : i32 to vector<16xi32>
        %gather3A_621 = tpu.vector_load_idx %arg6[%broadcast_in_dim3A_620, %get3A_348] : memref<32x1024xf32, #tpu.memory_space<vmem>>[vector<16xi32>, vector<16xi32>], vector<16xf32>,
        %mul3A_622 = arith.constant 16 : i32
        %mul3A_623 = arith.muli %scan3A_341, %mul3A_622 : i32
        %swap3A_624 = arith.constant 30 : i32
        %swap3A_625 = arith.index_cast %swap3A_624 : i32 to index
        %swap3A_626 = arith.index_cast %mul3A_623 : i32 to index
        %swap3A_627 = tpu.vector_load %arg7[%swap3A_625, %swap3A_626] {strides = array<i32>} : memref<32x512xf32, #tpu.memory_space<vmem>>, vector<16xf32>,
        tpu.vector_store %arg7[%swap3A_625, %swap3A_626], %gather3A_621 {strides = array<i32>} : memref<32x512xf32, #tpu.memory_space<vmem>>, vector<16xf32>,
        %broadcast_in_dim3A_628 = arith.constant 31 : i32
        %broadcast_in_dim3A_629 = vector.broadcast %broadcast_in_dim3A_628 : i32 to vector<16xi32>
        %gather3A_630 = tpu.vector_load_idx %arg6[%broadcast_in_dim3A_629, %get3A_348] : memref<32x1024xf32, #tpu.memory_space<vmem>>[vector<16xi32>, vector<16xi32>], vector<16xf32>,
        %mul3A_631 = arith.constant 16 : i32
        %mul3A_632 = arith.muli %scan3A_341, %mul3A_631 : i32
        %swap3A_633 = arith.constant 31 : i32
        %swap3A_634 = arith.index_cast %swap3A_633 : i32 to index
        %swap3A_635 = arith.index_cast %mul3A_632 : i32 to index
        %swap3A_636 = tpu.vector_load %arg7[%swap3A_634, %swap3A_635] {strides = array<i32>} : memref<32x512xf32, #tpu.memory_space<vmem>>, vector<16xf32>,
        tpu.vector_store %arg7[%swap3A_634, %swap3A_635], %gather3A_630 {strides = array<i32>} : memref<32x512xf32, #tpu.memory_space<vmem>>, vector<16xf32>,
        %scan3A_637 = arith.constant 2 : i32
        %scan3A_638 = arith.addi %scan3A_48, %scan3A_637 : i32
        %mul3A_639 = arith.constant 512 : i32
        %mul3A_640 = arith.muli %scan3A_38, %mul3A_639 : i32
        %mul3A_641 = arith.constant 16 : i32
        %mul3A_642 = arith.muli %scan3A_638, %mul3A_641 : i32
        %add3A_643 = arith.addi %mul3A_640, %mul3A_642 : i32
        %get3A_644 = arith.index_cast %add3A_643 : i32 to index
        %get3A_645 = tpu.vector_load %arg5[%get3A_644] {strides = array<i32>} : memref<1024xi32, #tpu.memory_space<vmem>>, vector<16xi32>,
        %broadcast_in_dim3A_646 = arith.constant 0 : i32
        %broadcast_in_dim3A_647 = vector.broadcast %broadcast_in_dim3A_646 : i32 to vector<16xi32>
        %gather3A_648 = tpu.vector_load_idx %arg6[%broadcast_in_dim3A_647, %get3A_645] : memref<32x1024xf32, #tpu.memory_space<vmem>>[vector<16xi32>, vector<16xi32>], vector<16xf32>,
        %mul3A_649 = arith.constant 16 : i32
        %mul3A_650 = arith.muli %scan3A_638, %mul3A_649 : i32
        %swap3A_651 = arith.constant 0 : i32
        %swap3A_652 = arith.index_cast %swap3A_651 : i32 to index
        %swap3A_653 = arith.index_cast %mul3A_650 : i32 to index
        %swap3A_654 = tpu.vector_load %arg7[%swap3A_652, %swap3A_653] {strides = array<i32>} : memref<32x512xf32, #tpu.memory_space<vmem>>, vector<16xf32>,
        tpu.vector_store %arg7[%swap3A_652, %swap3A_653], %gather3A_648 {strides = array<i32>} : memref<32x512xf32, #tpu.memory_space<vmem>>, vector<16xf32>,
        %broadcast_in_dim3A_655 = arith.constant 1 : i32
        %broadcast_in_dim3A_656 = vector.broadcast %broadcast_in_dim3A_655 : i32 to vector<16xi32>
        %gather3A_657 = tpu.vector_load_idx %arg6[%broadcast_in_dim3A_656, %get3A_645] : memref<32x1024xf32, #tpu.memory_space<vmem>>[vector<16xi32>, vector<16xi32>], vector<16xf32>,
        %mul3A_658 = arith.constant 16 : i32
        %mul3A_659 = arith.muli %scan3A_638, %mul3A_658 : i32
        %swap3A_660 = arith.constant 1 : i32
        %swap3A_661 = arith.index_cast %swap3A_660 : i32 to index
        %swap3A_662 = arith.index_cast %mul3A_659 : i32 to index
        %swap3A_663 = tpu.vector_load %arg7[%swap3A_661, %swap3A_662] {strides = array<i32>} : memref<32x512xf32, #tpu.memory_space<vmem>>, vector<16xf32>,
        tpu.vector_store %arg7[%swap3A_661, %swap3A_662], %gather3A_657 {strides = array<i32>} : memref<32x512xf32, #tpu.memory_space<vmem>>, vector<16xf32>,
        %broadcast_in_dim3A_664 = arith.constant 2 : i32
        %broadcast_in_dim3A_665 = vector.broadcast %broadcast_in_dim3A_664 : i32 to vector<16xi32>
        %gather3A_666 = tpu.vector_load_idx %arg6[%broadcast_in_dim3A_665, %get3A_645] : memref<32x1024xf32, #tpu.memory_space<vmem>>[vector<16xi32>, vector<16xi32>], vector<16xf32>,
        %mul3A_667 = arith.constant 16 : i32
        %mul3A_668 = arith.muli %scan3A_638, %mul3A_667 : i32
        %swap3A_669 = arith.constant 2 : i32
        %swap3A_670 = arith.index_cast %swap3A_669 : i32 to index
        %swap3A_671 = arith.index_cast %mul3A_668 : i32 to index
        %swap3A_672 = tpu.vector_load %arg7[%swap3A_670, %swap3A_671] {strides = array<i32>} : memref<32x512xf32, #tpu.memory_space<vmem>>, vector<16xf32>,
        tpu.vector_store %arg7[%swap3A_670, %swap3A_671], %gather3A_666 {strides = array<i32>} : memref<32x512xf32, #tpu.memory_space<vmem>>, vector<16xf32>,
        %broadcast_in_dim3A_673 = arith.constant 3 : i32
        %broadcast_in_dim3A_674 = vector.broadcast %broadcast_in_dim3A_673 : i32 to vector<16xi32>
        %gather3A_675 = tpu.vector_load_idx %arg6[%broadcast_in_dim3A_674, %get3A_645] : memref<32x1024xf32, #tpu.memory_space<vmem>>[vector<16xi32>, vector<16xi32>], vector<16xf32>,
        %mul3A_676 = arith.constant 16 : i32
        %mul3A_677 = arith.muli %scan3A_638, %mul3A_676 : i32
        %swap3A_678 = arith.constant 3 : i32
        %swap3A_679 = arith.index_cast %swap3A_678 : i32 to index
        %swap3A_680 = arith.index_cast %mul3A_677 : i32 to index
        %swap3A_681 = tpu.vector_load %arg7[%swap3A_679, %swap3A_680] {strides = array<i32>} : memref<32x512xf32, #tpu.memory_space<vmem>>, vector<16xf32>,
        tpu.vector_store %arg7[%swap3A_679, %swap3A_680], %gather3A_675 {strides = array<i32>} : memref<32x512xf32, #tpu.memory_space<vmem>>, vector<16xf32>,
        %broadcast_in_dim3A_682 = arith.constant 4 : i32
        %broadcast_in_dim3A_683 = vector.broadcast %broadcast_in_dim3A_682 : i32 to vector<16xi32>
        %gather3A_684 = tpu.vector_load_idx %arg6[%broadcast_in_dim3A_683, %get3A_645] : memref<32x1024xf32, #tpu.memory_space<vmem>>[vector<16xi32>, vector<16xi32>], vector<16xf32>,
        %mul3A_685 = arith.constant 16 : i32
        %mul3A_686 = arith.muli %scan3A_638, %mul3A_685 : i32
        %swap3A_687 = arith.constant 4 : i32
        %swap3A_688 = arith.index_cast %swap3A_687 : i32 to index
        %swap3A_689 = arith.index_cast %mul3A_686 : i32 to index
        %swap3A_690 = tpu.vector_load %arg7[%swap3A_688, %swap3A_689] {strides = array<i32>} : memref<32x512xf32, #tpu.memory_space<vmem>>, vector<16xf32>,
        tpu.vector_store %arg7[%swap3A_688, %swap3A_689], %gather3A_684 {strides = array<i32>} : memref<32x512xf32, #tpu.memory_space<vmem>>, vector<16xf32>,
        %broadcast_in_dim3A_691 = arith.constant 5 : i32
        %broadcast_in_dim3A_692 = vector.broadcast %broadcast_in_dim3A_691 : i32 to vector<16xi32>
        %gather3A_693 = tpu.vector_load_idx %arg6[%broadcast_in_dim3A_692, %get3A_645] : memref<32x1024xf32, #tpu.memory_space<vmem>>[vector<16xi32>, vector<16xi32>], vector<16xf32>,
        %mul3A_694 = arith.constant 16 : i32
        %mul3A_695 = arith.muli %scan3A_638, %mul3A_694 : i32
        %swap3A_696 = arith.constant 5 : i32
        %swap3A_697 = arith.index_cast %swap3A_696 : i32 to index
        %swap3A_698 = arith.index_cast %mul3A_695 : i32 to index
        %swap3A_699 = tpu.vector_load %arg7[%swap3A_697, %swap3A_698] {strides = array<i32>} : memref<32x512xf32, #tpu.memory_space<vmem>>, vector<16xf32>,
        tpu.vector_store %arg7[%swap3A_697, %swap3A_698], %gather3A_693 {strides = array<i32>} : memref<32x512xf32, #tpu.memory_space<vmem>>, vector<16xf32>,
        %broadcast_in_dim3A_700 = arith.constant 6 : i32
        %broadcast_in_dim3A_701 = vector.broadcast %broadcast_in_dim3A_700 : i32 to vector<16xi32>
        %gather3A_702 = tpu.vector_load_idx %arg6[%broadcast_in_dim3A_701, %get3A_645] : memref<32x1024xf32, #tpu.memory_space<vmem>>[vector<16xi32>, vector<16xi32>], vector<16xf32>,
        %mul3A_703 = arith.constant 16 : i32
        %mul3A_704 = arith.muli %scan3A_638, %mul3A_703 : i32
        %swap3A_705 = arith.constant 6 : i32
        %swap3A_706 = arith.index_cast %swap3A_705 : i32 to index
        %swap3A_707 = arith.index_cast %mul3A_704 : i32 to index
        %swap3A_708 = tpu.vector_load %arg7[%swap3A_706, %swap3A_707] {strides = array<i32>} : memref<32x512xf32, #tpu.memory_space<vmem>>, vector<16xf32>,
        tpu.vector_store %arg7[%swap3A_706, %swap3A_707], %gather3A_702 {strides = array<i32>} : memref<32x512xf32, #tpu.memory_space<vmem>>, vector<16xf32>,
        %broadcast_in_dim3A_709 = arith.constant 7 : i32
        %broadcast_in_dim3A_710 = vector.broadcast %broadcast_in_dim3A_709 : i32 to vector<16xi32>
        %gather3A_711 = tpu.vector_load_idx %arg6[%broadcast_in_dim3A_710, %get3A_645] : memref<32x1024xf32, #tpu.memory_space<vmem>>[vector<16xi32>, vector<16xi32>], vector<16xf32>,
        %mul3A_712 = arith.constant 16 : i32
        %mul3A_713 = arith.muli %scan3A_638, %mul3A_712 : i32
        %swap3A_714 = arith.constant 7 : i32
        %swap3A_715 = arith.index_cast %swap3A_714 : i32 to index
        %swap3A_716 = arith.index_cast %mul3A_713 : i32 to index
        %swap3A_717 = tpu.vector_load %arg7[%swap3A_715, %swap3A_716] {strides = array<i32>} : memref<32x512xf32, #tpu.memory_space<vmem>>, vector<16xf32>,
        tpu.vector_store %arg7[%swap3A_715, %swap3A_716], %gather3A_711 {strides = array<i32>} : memref<32x512xf32, #tpu.memory_space<vmem>>, vector<16xf32>,
        %broadcast_in_dim3A_718 = arith.constant 8 : i32
        %broadcast_in_dim3A_719 = vector.broadcast %broadcast_in_dim3A_718 : i32 to vector<16xi32>
        %gather3A_720 = tpu.vector_load_idx %arg6[%broadcast_in_dim3A_719, %get3A_645] : memref<32x1024xf32, #tpu.memory_space<vmem>>[vector<16xi32>, vector<16xi32>], vector<16xf32>,
        %mul3A_721 = arith.constant 16 : i32
        %mul3A_722 = arith.muli %scan3A_638, %mul3A_721 : i32
        %swap3A_723 = arith.constant 8 : i32
        %swap3A_724 = arith.index_cast %swap3A_723 : i32 to index
        %swap3A_725 = arith.index_cast %mul3A_722 : i32 to index
        %swap3A_726 = tpu.vector_load %arg7[%swap3A_724, %swap3A_725] {strides = array<i32>} : memref<32x512xf32, #tpu.memory_space<vmem>>, vector<16xf32>,
        tpu.vector_store %arg7[%swap3A_724, %swap3A_725], %gather3A_720 {strides = array<i32>} : memref<32x512xf32, #tpu.memory_space<vmem>>, vector<16xf32>,
        %broadcast_in_dim3A_727 = arith.constant 9 : i32
        %broadcast_in_dim3A_728 = vector.broadcast %broadcast_in_dim3A_727 : i32 to vector<16xi32>
        %gather3A_729 = tpu.vector_load_idx %arg6[%broadcast_in_dim3A_728, %get3A_645] : memref<32x1024xf32, #tpu.memory_space<vmem>>[vector<16xi32>, vector<16xi32>], vector<16xf32>,
        %mul3A_730 = arith.constant 16 : i32
        %mul3A_731 = arith.muli %scan3A_638, %mul3A_730 : i32
        %swap3A_732 = arith.constant 9 : i32
        %swap3A_733 = arith.index_cast %swap3A_732 : i32 to index
        %swap3A_734 = arith.index_cast %mul3A_731 : i32 to index
        %swap3A_735 = tpu.vector_load %arg7[%swap3A_733, %swap3A_734] {strides = array<i32>} : memref<32x512xf32, #tpu.memory_space<vmem>>, vector<16xf32>,
        tpu.vector_store %arg7[%swap3A_733, %swap3A_734], %gather3A_729 {strides = array<i32>} : memref<32x512xf32, #tpu.memory_space<vmem>>, vector<16xf32>,
        %broadcast_in_dim3A_736 = arith.constant 10 : i32
        %broadcast_in_dim3A_737 = vector.broadcast %broadcast_in_dim3A_736 : i32 to vector<16xi32>
        %gather3A_738 = tpu.vector_load_idx %arg6[%broadcast_in_dim3A_737, %get3A_645] : memref<32x1024xf32, #tpu.memory_space<vmem>>[vector<16xi32>, vector<16xi32>], vector<16xf32>,
        %mul3A_739 = arith.constant 16 : i32
        %mul3A_740 = arith.muli %scan3A_638, %mul3A_739 : i32
        %swap3A_741 = arith.constant 10 : i32
        %swap3A_742 = arith.index_cast %swap3A_741 : i32 to index
        %swap3A_743 = arith.index_cast %mul3A_740 : i32 to index
        %swap3A_744 = tpu.vector_load %arg7[%swap3A_742, %swap3A_743] {strides = array<i32>} : memref<32x512xf32, #tpu.memory_space<vmem>>, vector<16xf32>,
        tpu.vector_store %arg7[%swap3A_742, %swap3A_743], %gather3A_738 {strides = array<i32>} : memref<32x512xf32, #tpu.memory_space<vmem>>, vector<16xf32>,
        %broadcast_in_dim3A_745 = arith.constant 11 : i32
        %broadcast_in_dim3A_746 = vector.broadcast %broadcast_in_dim3A_745 : i32 to vector<16xi32>
        %gather3A_747 = tpu.vector_load_idx %arg6[%broadcast_in_dim3A_746, %get3A_645] : memref<32x1024xf32, #tpu.memory_space<vmem>>[vector<16xi32>, vector<16xi32>], vector<16xf32>,
        %mul3A_748 = arith.constant 16 : i32
        %mul3A_749 = arith.muli %scan3A_638, %mul3A_748 : i32
        %swap3A_750 = arith.constant 11 : i32
        %swap3A_751 = arith.index_cast %swap3A_750 : i32 to index
        %swap3A_752 = arith.index_cast %mul3A_749 : i32 to index
        %swap3A_753 = tpu.vector_load %arg7[%swap3A_751, %swap3A_752] {strides = array<i32>} : memref<32x512xf32, #tpu.memory_space<vmem>>, vector<16xf32>,
        tpu.vector_store %arg7[%swap3A_751, %swap3A_752], %gather3A_747 {strides = array<i32>} : memref<32x512xf32, #tpu.memory_space<vmem>>, vector<16xf32>,
        %broadcast_in_dim3A_754 = arith.constant 12 : i32
        %broadcast_in_dim3A_755 = vector.broadcast %broadcast_in_dim3A_754 : i32 to vector<16xi32>
        %gather3A_756 = tpu.vector_load_idx %arg6[%broadcast_in_dim3A_755, %get3A_645] : memref<32x1024xf32, #tpu.memory_space<vmem>>[vector<16xi32>, vector<16xi32>], vector<16xf32>,
        %mul3A_757 = arith.constant 16 : i32
        %mul3A_758 = arith.muli %scan3A_638, %mul3A_757 : i32
        %swap3A_759 = arith.constant 12 : i32
        %swap3A_760 = arith.index_cast %swap3A_759 : i32 to index
        %swap3A_761 = arith.index_cast %mul3A_758 : i32 to index
        %swap3A_762 = tpu.vector_load %arg7[%swap3A_760, %swap3A_761] {strides = array<i32>} : memref<32x512xf32, #tpu.memory_space<vmem>>, vector<16xf32>,
        tpu.vector_store %arg7[%swap3A_760, %swap3A_761], %gather3A_756 {strides = array<i32>} : memref<32x512xf32, #tpu.memory_space<vmem>>, vector<16xf32>,
        %broadcast_in_dim3A_763 = arith.constant 13 : i32
        %broadcast_in_dim3A_764 = vector.broadcast %broadcast_in_dim3A_763 : i32 to vector<16xi32>
        %gather3A_765 = tpu.vector_load_idx %arg6[%broadcast_in_dim3A_764, %get3A_645] : memref<32x1024xf32, #tpu.memory_space<vmem>>[vector<16xi32>, vector<16xi32>], vector<16xf32>,
        %mul3A_766 = arith.constant 16 : i32
        %mul3A_767 = arith.muli %scan3A_638, %mul3A_766 : i32
        %swap3A_768 = arith.constant 13 : i32
        %swap3A_769 = arith.index_cast %swap3A_768 : i32 to index
        %swap3A_770 = arith.index_cast %mul3A_767 : i32 to index
        %swap3A_771 = tpu.vector_load %arg7[%swap3A_769, %swap3A_770] {strides = array<i32>} : memref<32x512xf32, #tpu.memory_space<vmem>>, vector<16xf32>,
        tpu.vector_store %arg7[%swap3A_769, %swap3A_770], %gather3A_765 {strides = array<i32>} : memref<32x512xf32, #tpu.memory_space<vmem>>, vector<16xf32>,
        %broadcast_in_dim3A_772 = arith.constant 14 : i32
        %broadcast_in_dim3A_773 = vector.broadcast %broadcast_in_dim3A_772 : i32 to vector<16xi32>
        %gather3A_774 = tpu.vector_load_idx %arg6[%broadcast_in_dim3A_773, %get3A_645] : memref<32x1024xf32, #tpu.memory_space<vmem>>[vector<16xi32>, vector<16xi32>], vector<16xf32>,
        %mul3A_775 = arith.constant 16 : i32
        %mul3A_776 = arith.muli %scan3A_638, %mul3A_775 : i32
        %swap3A_777 = arith.constant 14 : i32
        %swap3A_778 = arith.index_cast %swap3A_777 : i32 to index
        %swap3A_779 = arith.index_cast %mul3A_776 : i32 to index
        %swap3A_780 = tpu.vector_load %arg7[%swap3A_778, %swap3A_779] {strides = array<i32>} : memref<32x512xf32, #tpu.memory_space<vmem>>, vector<16xf32>,
        tpu.vector_store %arg7[%swap3A_778, %swap3A_779], %gather3A_774 {strides = array<i32>} : memref<32x512xf32, #tpu.memory_space<vmem>>, vector<16xf32>,
        %broadcast_in_dim3A_781 = arith.constant 15 : i32
        %broadcast_in_dim3A_782 = vector.broadcast %broadcast_in_dim3A_781 : i32 to vector<16xi32>
        %gather3A_783 = tpu.vector_load_idx %arg6[%broadcast_in_dim3A_782, %get3A_645] : memref<32x1024xf32, #tpu.memory_space<vmem>>[vector<16xi32>, vector<16xi32>], vector<16xf32>,
        %mul3A_784 = arith.constant 16 : i32
        %mul3A_785 = arith.muli %scan3A_638, %mul3A_784 : i32
        %swap3A_786 = arith.constant 15 : i32
        %swap3A_787 = arith.index_cast %swap3A_786 : i32 to index
        %swap3A_788 = arith.index_cast %mul3A_785 : i32 to index
        %swap3A_789 = tpu.vector_load %arg7[%swap3A_787, %swap3A_788] {strides = array<i32>} : memref<32x512xf32, #tpu.memory_space<vmem>>, vector<16xf32>,
        tpu.vector_store %arg7[%swap3A_787, %swap3A_788], %gather3A_783 {strides = array<i32>} : memref<32x512xf32, #tpu.memory_space<vmem>>, vector<16xf32>,
        %broadcast_in_dim3A_790 = arith.constant 16 : i32
        %broadcast_in_dim3A_791 = vector.broadcast %broadcast_in_dim3A_790 : i32 to vector<16xi32>
        %gather3A_792 = tpu.vector_load_idx %arg6[%broadcast_in_dim3A_791, %get3A_645] : memref<32x1024xf32, #tpu.memory_space<vmem>>[vector<16xi32>, vector<16xi32>], vector<16xf32>,
        %mul3A_793 = arith.constant 16 : i32
        %mul3A_794 = arith.muli %scan3A_638, %mul3A_793 : i32
        %swap3A_795 = arith.constant 16 : i32
        %swap3A_796 = arith.index_cast %swap3A_795 : i32 to index
        %swap3A_797 = arith.index_cast %mul3A_794 : i32 to index
        %swap3A_798 = tpu.vector_load %arg7[%swap3A_796, %swap3A_797] {strides = array<i32>} : memref<32x512xf32, #tpu.memory_space<vmem>>, vector<16xf32>,
        tpu.vector_store %arg7[%swap3A_796, %swap3A_797], %gather3A_792 {strides = array<i32>} : memref<32x512xf32, #tpu.memory_space<vmem>>, vector<16xf32>,
        %broadcast_in_dim3A_799 = arith.constant 17 : i32
        %broadcast_in_dim3A_800 = vector.broadcast %broadcast_in_dim3A_799 : i32 to vector<16xi32>
        %gather3A_801 = tpu.vector_load_idx %arg6[%broadcast_in_dim3A_800, %get3A_645] : memref<32x1024xf32, #tpu.memory_space<vmem>>[vector<16xi32>, vector<16xi32>], vector<16xf32>,
        %mul3A_802 = arith.constant 16 : i32
        %mul3A_803 = arith.muli %scan3A_638, %mul3A_802 : i32
        %swap3A_804 = arith.constant 17 : i32
        %swap3A_805 = arith.index_cast %swap3A_804 : i32 to index
        %swap3A_806 = arith.index_cast %mul3A_803 : i32 to index
        %swap3A_807 = tpu.vector_load %arg7[%swap3A_805, %swap3A_806] {strides = array<i32>} : memref<32x512xf32, #tpu.memory_space<vmem>>, vector<16xf32>,
        tpu.vector_store %arg7[%swap3A_805, %swap3A_806], %gather3A_801 {strides = array<i32>} : memref<32x512xf32, #tpu.memory_space<vmem>>, vector<16xf32>,
        %broadcast_in_dim3A_808 = arith.constant 18 : i32
        %broadcast_in_dim3A_809 = vector.broadcast %broadcast_in_dim3A_808 : i32 to vector<16xi32>
        %gather3A_810 = tpu.vector_load_idx %arg6[%broadcast_in_dim3A_809, %get3A_645] : memref<32x1024xf32, #tpu.memory_space<vmem>>[vector<16xi32>, vector<16xi32>], vector<16xf32>,
        %mul3A_811 = arith.constant 16 : i32
        %mul3A_812 = arith.muli %scan3A_638, %mul3A_811 : i32
        %swap3A_813 = arith.constant 18 : i32
        %swap3A_814 = arith.index_cast %swap3A_813 : i32 to index
        %swap3A_815 = arith.index_cast %mul3A_812 : i32 to index
        %swap3A_816 = tpu.vector_load %arg7[%swap3A_814, %swap3A_815] {strides = array<i32>} : memref<32x512xf32, #tpu.memory_space<vmem>>, vector<16xf32>,
        tpu.vector_store %arg7[%swap3A_814, %swap3A_815], %gather3A_810 {strides = array<i32>} : memref<32x512xf32, #tpu.memory_space<vmem>>, vector<16xf32>,
        %broadcast_in_dim3A_817 = arith.constant 19 : i32
        %broadcast_in_dim3A_818 = vector.broadcast %broadcast_in_dim3A_817 : i32 to vector<16xi32>
        %gather3A_819 = tpu.vector_load_idx %arg6[%broadcast_in_dim3A_818, %get3A_645] : memref<32x1024xf32, #tpu.memory_space<vmem>>[vector<16xi32>, vector<16xi32>], vector<16xf32>,
        %mul3A_820 = arith.constant 16 : i32
        %mul3A_821 = arith.muli %scan3A_638, %mul3A_820 : i32
        %swap3A_822 = arith.constant 19 : i32
        %swap3A_823 = arith.index_cast %swap3A_822 : i32 to index
        %swap3A_824 = arith.index_cast %mul3A_821 : i32 to index
        %swap3A_825 = tpu.vector_load %arg7[%swap3A_823, %swap3A_824] {strides = array<i32>} : memref<32x512xf32, #tpu.memory_space<vmem>>, vector<16xf32>,
        tpu.vector_store %arg7[%swap3A_823, %swap3A_824], %gather3A_819 {strides = array<i32>} : memref<32x512xf32, #tpu.memory_space<vmem>>, vector<16xf32>,
        %broadcast_in_dim3A_826 = arith.constant 20 : i32
        %broadcast_in_dim3A_827 = vector.broadcast %broadcast_in_dim3A_826 : i32 to vector<16xi32>
        %gather3A_828 = tpu.vector_load_idx %arg6[%broadcast_in_dim3A_827, %get3A_645] : memref<32x1024xf32, #tpu.memory_space<vmem>>[vector<16xi32>, vector<16xi32>], vector<16xf32>,
        %mul3A_829 = arith.constant 16 : i32
        %mul3A_830 = arith.muli %scan3A_638, %mul3A_829 : i32
        %swap3A_831 = arith.constant 20 : i32
        %swap3A_832 = arith.index_cast %swap3A_831 : i32 to index
        %swap3A_833 = arith.index_cast %mul3A_830 : i32 to index
        %swap3A_834 = tpu.vector_load %arg7[%swap3A_832, %swap3A_833] {strides = array<i32>} : memref<32x512xf32, #tpu.memory_space<vmem>>, vector<16xf32>,
        tpu.vector_store %arg7[%swap3A_832, %swap3A_833], %gather3A_828 {strides = array<i32>} : memref<32x512xf32, #tpu.memory_space<vmem>>, vector<16xf32>,
        %broadcast_in_dim3A_835 = arith.constant 21 : i32
        %broadcast_in_dim3A_836 = vector.broadcast %broadcast_in_dim3A_835 : i32 to vector<16xi32>
        %gather3A_837 = tpu.vector_load_idx %arg6[%broadcast_in_dim3A_836, %get3A_645] : memref<32x1024xf32, #tpu.memory_space<vmem>>[vector<16xi32>, vector<16xi32>], vector<16xf32>,
        %mul3A_838 = arith.constant 16 : i32
        %mul3A_839 = arith.muli %scan3A_638, %mul3A_838 : i32
        %swap3A_840 = arith.constant 21 : i32
        %swap3A_841 = arith.index_cast %swap3A_840 : i32 to index
        %swap3A_842 = arith.index_cast %mul3A_839 : i32 to index
        %swap3A_843 = tpu.vector_load %arg7[%swap3A_841, %swap3A_842] {strides = array<i32>} : memref<32x512xf32, #tpu.memory_space<vmem>>, vector<16xf32>,
        tpu.vector_store %arg7[%swap3A_841, %swap3A_842], %gather3A_837 {strides = array<i32>} : memref<32x512xf32, #tpu.memory_space<vmem>>, vector<16xf32>,
        %broadcast_in_dim3A_844 = arith.constant 22 : i32
        %broadcast_in_dim3A_845 = vector.broadcast %broadcast_in_dim3A_844 : i32 to vector<16xi32>
        %gather3A_846 = tpu.vector_load_idx %arg6[%broadcast_in_dim3A_845, %get3A_645] : memref<32x1024xf32, #tpu.memory_space<vmem>>[vector<16xi32>, vector<16xi32>], vector<16xf32>,
        %mul3A_847 = arith.constant 16 : i32
        %mul3A_848 = arith.muli %scan3A_638, %mul3A_847 : i32
        %swap3A_849 = arith.constant 22 : i32
        %swap3A_850 = arith.index_cast %swap3A_849 : i32 to index
        %swap3A_851 = arith.index_cast %mul3A_848 : i32 to index
        %swap3A_852 = tpu.vector_load %arg7[%swap3A_850, %swap3A_851] {strides = array<i32>} : memref<32x512xf32, #tpu.memory_space<vmem>>, vector<16xf32>,
        tpu.vector_store %arg7[%swap3A_850, %swap3A_851], %gather3A_846 {strides = array<i32>} : memref<32x512xf32, #tpu.memory_space<vmem>>, vector<16xf32>,
        %broadcast_in_dim3A_853 = arith.constant 23 : i32
        %broadcast_in_dim3A_854 = vector.broadcast %broadcast_in_dim3A_853 : i32 to vector<16xi32>
        %gather3A_855 = tpu.vector_load_idx %arg6[%broadcast_in_dim3A_854, %get3A_645] : memref<32x1024xf32, #tpu.memory_space<vmem>>[vector<16xi32>, vector<16xi32>], vector<16xf32>,
        %mul3A_856 = arith.constant 16 : i32
        %mul3A_857 = arith.muli %scan3A_638, %mul3A_856 : i32
        %swap3A_858 = arith.constant 23 : i32
        %swap3A_859 = arith.index_cast %swap3A_858 : i32 to index
        %swap3A_860 = arith.index_cast %mul3A_857 : i32 to index
        %swap3A_861 = tpu.vector_load %arg7[%swap3A_859, %swap3A_860] {strides = array<i32>} : memref<32x512xf32, #tpu.memory_space<vmem>>, vector<16xf32>,
        tpu.vector_store %arg7[%swap3A_859, %swap3A_860], %gather3A_855 {strides = array<i32>} : memref<32x512xf32, #tpu.memory_space<vmem>>, vector<16xf32>,
        %broadcast_in_dim3A_862 = arith.constant 24 : i32
        %broadcast_in_dim3A_863 = vector.broadcast %broadcast_in_dim3A_862 : i32 to vector<16xi32>
        %gather3A_864 = tpu.vector_load_idx %arg6[%broadcast_in_dim3A_863, %get3A_645] : memref<32x1024xf32, #tpu.memory_space<vmem>>[vector<16xi32>, vector<16xi32>], vector<16xf32>,
        %mul3A_865 = arith.constant 16 : i32
        %mul3A_866 = arith.muli %scan3A_638, %mul3A_865 : i32
        %swap3A_867 = arith.constant 24 : i32
        %swap3A_868 = arith.index_cast %swap3A_867 : i32 to index
        %swap3A_869 = arith.index_cast %mul3A_866 : i32 to index
        %swap3A_870 = tpu.vector_load %arg7[%swap3A_868, %swap3A_869] {strides = array<i32>} : memref<32x512xf32, #tpu.memory_space<vmem>>, vector<16xf32>,
        tpu.vector_store %arg7[%swap3A_868, %swap3A_869], %gather3A_864 {strides = array<i32>} : memref<32x512xf32, #tpu.memory_space<vmem>>, vector<16xf32>,
        %broadcast_in_dim3A_871 = arith.constant 25 : i32
        %broadcast_in_dim3A_872 = vector.broadcast %broadcast_in_dim3A_871 : i32 to vector<16xi32>
        %gather3A_873 = tpu.vector_load_idx %arg6[%broadcast_in_dim3A_872, %get3A_645] : memref<32x1024xf32, #tpu.memory_space<vmem>>[vector<16xi32>, vector<16xi32>], vector<16xf32>,
        %mul3A_874 = arith.constant 16 : i32
        %mul3A_875 = arith.muli %scan3A_638, %mul3A_874 : i32
        %swap3A_876 = arith.constant 25 : i32
        %swap3A_877 = arith.index_cast %swap3A_876 : i32 to index
        %swap3A_878 = arith.index_cast %mul3A_875 : i32 to index
        %swap3A_879 = tpu.vector_load %arg7[%swap3A_877, %swap3A_878] {strides = array<i32>} : memref<32x512xf32, #tpu.memory_space<vmem>>, vector<16xf32>,
        tpu.vector_store %arg7[%swap3A_877, %swap3A_878], %gather3A_873 {strides = array<i32>} : memref<32x512xf32, #tpu.memory_space<vmem>>, vector<16xf32>,
        %broadcast_in_dim3A_880 = arith.constant 26 : i32
        %broadcast_in_dim3A_881 = vector.broadcast %broadcast_in_dim3A_880 : i32 to vector<16xi32>
        %gather3A_882 = tpu.vector_load_idx %arg6[%broadcast_in_dim3A_881, %get3A_645] : memref<32x1024xf32, #tpu.memory_space<vmem>>[vector<16xi32>, vector<16xi32>], vector<16xf32>,
        %mul3A_883 = arith.constant 16 : i32
        %mul3A_884 = arith.muli %scan3A_638, %mul3A_883 : i32
        %swap3A_885 = arith.constant 26 : i32
        %swap3A_886 = arith.index_cast %swap3A_885 : i32 to index
        %swap3A_887 = arith.index_cast %mul3A_884 : i32 to index
        %swap3A_888 = tpu.vector_load %arg7[%swap3A_886, %swap3A_887] {strides = array<i32>} : memref<32x512xf32, #tpu.memory_space<vmem>>, vector<16xf32>,
        tpu.vector_store %arg7[%swap3A_886, %swap3A_887], %gather3A_882 {strides = array<i32>} : memref<32x512xf32, #tpu.memory_space<vmem>>, vector<16xf32>,
        %broadcast_in_dim3A_889 = arith.constant 27 : i32
        %broadcast_in_dim3A_890 = vector.broadcast %broadcast_in_dim3A_889 : i32 to vector<16xi32>
        %gather3A_891 = tpu.vector_load_idx %arg6[%broadcast_in_dim3A_890, %get3A_645] : memref<32x1024xf32, #tpu.memory_space<vmem>>[vector<16xi32>, vector<16xi32>], vector<16xf32>,
        %mul3A_892 = arith.constant 16 : i32
        %mul3A_893 = arith.muli %scan3A_638, %mul3A_892 : i32
        %swap3A_894 = arith.constant 27 : i32
        %swap3A_895 = arith.index_cast %swap3A_894 : i32 to index
        %swap3A_896 = arith.index_cast %mul3A_893 : i32 to index
        %swap3A_897 = tpu.vector_load %arg7[%swap3A_895, %swap3A_896] {strides = array<i32>} : memref<32x512xf32, #tpu.memory_space<vmem>>, vector<16xf32>,
        tpu.vector_store %arg7[%swap3A_895, %swap3A_896], %gather3A_891 {strides = array<i32>} : memref<32x512xf32, #tpu.memory_space<vmem>>, vector<16xf32>,
        %broadcast_in_dim3A_898 = arith.constant 28 : i32
        %broadcast_in_dim3A_899 = vector.broadcast %broadcast_in_dim3A_898 : i32 to vector<16xi32>
        %gather3A_900 = tpu.vector_load_idx %arg6[%broadcast_in_dim3A_899, %get3A_645] : memref<32x1024xf32, #tpu.memory_space<vmem>>[vector<16xi32>, vector<16xi32>], vector<16xf32>,
        %mul3A_901 = arith.constant 16 : i32
        %mul3A_902 = arith.muli %scan3A_638, %mul3A_901 : i32
        %swap3A_903 = arith.constant 28 : i32
        %swap3A_904 = arith.index_cast %swap3A_903 : i32 to index
        %swap3A_905 = arith.index_cast %mul3A_902 : i32 to index
        %swap3A_906 = tpu.vector_load %arg7[%swap3A_904, %swap3A_905] {strides = array<i32>} : memref<32x512xf32, #tpu.memory_space<vmem>>, vector<16xf32>,
        tpu.vector_store %arg7[%swap3A_904, %swap3A_905], %gather3A_900 {strides = array<i32>} : memref<32x512xf32, #tpu.memory_space<vmem>>, vector<16xf32>,
        %broadcast_in_dim3A_907 = arith.constant 29 : i32
        %broadcast_in_dim3A_908 = vector.broadcast %broadcast_in_dim3A_907 : i32 to vector<16xi32>
        %gather3A_909 = tpu.vector_load_idx %arg6[%broadcast_in_dim3A_908, %get3A_645] : memref<32x1024xf32, #tpu.memory_space<vmem>>[vector<16xi32>, vector<16xi32>], vector<16xf32>,
        %mul3A_910 = arith.constant 16 : i32
        %mul3A_911 = arith.muli %scan3A_638, %mul3A_910 : i32
        %swap3A_912 = arith.constant 29 : i32
        %swap3A_913 = arith.index_cast %swap3A_912 : i32 to index
        %swap3A_914 = arith.index_cast %mul3A_911 : i32 to index
        %swap3A_915 = tpu.vector_load %arg7[%swap3A_913, %swap3A_914] {strides = array<i32>} : memref<32x512xf32, #tpu.memory_space<vmem>>, vector<16xf32>,
        tpu.vector_store %arg7[%swap3A_913, %swap3A_914], %gather3A_909 {strides = array<i32>} : memref<32x512xf32, #tpu.memory_space<vmem>>, vector<16xf32>,
        %broadcast_in_dim3A_916 = arith.constant 30 : i32
        %broadcast_in_dim3A_917 = vector.broadcast %broadcast_in_dim3A_916 : i32 to vector<16xi32>
        %gather3A_918 = tpu.vector_load_idx %arg6[%broadcast_in_dim3A_917, %get3A_645] : memref<32x1024xf32, #tpu.memory_space<vmem>>[vector<16xi32>, vector<16xi32>], vector<16xf32>,
        %mul3A_919 = arith.constant 16 : i32
        %mul3A_920 = arith.muli %scan3A_638, %mul3A_919 : i32
        %swap3A_921 = arith.constant 30 : i32
        %swap3A_922 = arith.index_cast %swap3A_921 : i32 to index
        %swap3A_923 = arith.index_cast %mul3A_920 : i32 to index
        %swap3A_924 = tpu.vector_load %arg7[%swap3A_922, %swap3A_923] {strides = array<i32>} : memref<32x512xf32, #tpu.memory_space<vmem>>, vector<16xf32>,
        tpu.vector_store %arg7[%swap3A_922, %swap3A_923], %gather3A_918 {strides = array<i32>} : memref<32x512xf32, #tpu.memory_space<vmem>>, vector<16xf32>,
        %broadcast_in_dim3A_925 = arith.constant 31 : i32
        %broadcast_in_dim3A_926 = vector.broadcast %broadcast_in_dim3A_925 : i32 to vector<16xi32>
        %gather3A_927 = tpu.vector_load_idx %arg6[%broadcast_in_dim3A_926, %get3A_645] : memref<32x1024xf32, #tpu.memory_space<vmem>>[vector<16xi32>, vector<16xi32>], vector<16xf32>,
        %mul3A_928 = arith.constant 16 : i32
        %mul3A_929 = arith.muli %scan3A_638, %mul3A_928 : i32
        %swap3A_930 = arith.constant 31 : i32
        %swap3A_931 = arith.index_cast %swap3A_930 : i32 to index
        %swap3A_932 = arith.index_cast %mul3A_929 : i32 to index
        %swap3A_933 = tpu.vector_load %arg7[%swap3A_931, %swap3A_932] {strides = array<i32>} : memref<32x512xf32, #tpu.memory_space<vmem>>, vector<16xf32>,
        tpu.vector_store %arg7[%swap3A_931, %swap3A_932], %gather3A_927 {strides = array<i32>} : memref<32x512xf32, #tpu.memory_space<vmem>>, vector<16xf32>,
        %scan3A_934 = arith.constant 3 : i32
        %scan3A_935 = arith.addi %scan3A_48, %scan3A_934 : i32
        %mul3A_936 = arith.constant 512 : i32
        %mul3A_937 = arith.muli %scan3A_38, %mul3A_936 : i32
        %mul3A_938 = arith.constant 16 : i32
        %mul3A_939 = arith.muli %scan3A_935, %mul3A_938 : i32
        %add3A_940 = arith.addi %mul3A_937, %mul3A_939 : i32
        %get3A_941 = arith.index_cast %add3A_940 : i32 to index
        %get3A_942 = tpu.vector_load %arg5[%get3A_941] {strides = array<i32>} : memref<1024xi32, #tpu.memory_space<vmem>>, vector<16xi32>,
        %broadcast_in_dim3A_943 = arith.constant 0 : i32
        %broadcast_in_dim3A_944 = vector.broadcast %broadcast_in_dim3A_943 : i32 to vector<16xi32>
        %gather3A_945 = tpu.vector_load_idx %arg6[%broadcast_in_dim3A_944, %get3A_942] : memref<32x1024xf32, #tpu.memory_space<vmem>>[vector<16xi32>, vector<16xi32>], vector<16xf32>,
        %mul3A_946 = arith.constant 16 : i32
        %mul3A_947 = arith.muli %scan3A_935, %mul3A_946 : i32
        %swap3A_948 = arith.constant 0 : i32
        %swap3A_949 = arith.index_cast %swap3A_948 : i32 to index
        %swap3A_950 = arith.index_cast %mul3A_947 : i32 to index
        %swap3A_951 = tpu.vector_load %arg7[%swap3A_949, %swap3A_950] {strides = array<i32>} : memref<32x512xf32, #tpu.memory_space<vmem>>, vector<16xf32>,
        tpu.vector_store %arg7[%swap3A_949, %swap3A_950], %gather3A_945 {strides = array<i32>} : memref<32x512xf32, #tpu.memory_space<vmem>>, vector<16xf32>,
        %broadcast_in_dim3A_952 = arith.constant 1 : i32
        %broadcast_in_dim3A_953 = vector.broadcast %broadcast_in_dim3A_952 : i32 to vector<16xi32>
        %gather3A_954 = tpu.vector_load_idx %arg6[%broadcast_in_dim3A_953, %get3A_942] : memref<32x1024xf32, #tpu.memory_space<vmem>>[vector<16xi32>, vector<16xi32>], vector<16xf32>,
        %mul3A_955 = arith.constant 16 : i32
        %mul3A_956 = arith.muli %scan3A_935, %mul3A_955 : i32
        %swap3A_957 = arith.constant 1 : i32
        %swap3A_958 = arith.index_cast %swap3A_957 : i32 to index
        %swap3A_959 = arith.index_cast %mul3A_956 : i32 to index
        %swap3A_960 = tpu.vector_load %arg7[%swap3A_958, %swap3A_959] {strides = array<i32>} : memref<32x512xf32, #tpu.memory_space<vmem>>, vector<16xf32>,
        tpu.vector_store %arg7[%swap3A_958, %swap3A_959], %gather3A_954 {strides = array<i32>} : memref<32x512xf32, #tpu.memory_space<vmem>>, vector<16xf32>,
        %broadcast_in_dim3A_961 = arith.constant 2 : i32
        %broadcast_in_dim3A_962 = vector.broadcast %broadcast_in_dim3A_961 : i32 to vector<16xi32>
        %gather3A_963 = tpu.vector_load_idx %arg6[%broadcast_in_dim3A_962, %get3A_942] : memref<32x1024xf32, #tpu.memory_space<vmem>>[vector<16xi32>, vector<16xi32>], vector<16xf32>,
        %mul3A_964 = arith.constant 16 : i32
        %mul3A_965 = arith.muli %scan3A_935, %mul3A_964 : i32
        %swap3A_966 = arith.constant 2 : i32
        %swap3A_967 = arith.index_cast %swap3A_966 : i32 to index
        %swap3A_968 = arith.index_cast %mul3A_965 : i32 to index
        %swap3A_969 = tpu.vector_load %arg7[%swap3A_967, %swap3A_968] {strides = array<i32>} : memref<32x512xf32, #tpu.memory_space<vmem>>, vector<16xf32>,
        tpu.vector_store %arg7[%swap3A_967, %swap3A_968], %gather3A_963 {strides = array<i32>} : memref<32x512xf32, #tpu.memory_space<vmem>>, vector<16xf32>,
        %broadcast_in_dim3A_970 = arith.constant 3 : i32
        %broadcast_in_dim3A_971 = vector.broadcast %broadcast_in_dim3A_970 : i32 to vector<16xi32>
        %gather3A_972 = tpu.vector_load_idx %arg6[%broadcast_in_dim3A_971, %get3A_942] : memref<32x1024xf32, #tpu.memory_space<vmem>>[vector<16xi32>, vector<16xi32>], vector<16xf32>,
        %mul3A_973 = arith.constant 16 : i32
        %mul3A_974 = arith.muli %scan3A_935, %mul3A_973 : i32
        %swap3A_975 = arith.constant 3 : i32
        %swap3A_976 = arith.index_cast %swap3A_975 : i32 to index
        %swap3A_977 = arith.index_cast %mul3A_974 : i32 to index
        %swap3A_978 = tpu.vector_load %arg7[%swap3A_976, %swap3A_977] {strides = array<i32>} : memref<32x512xf32, #tpu.memory_space<vmem>>, vector<16xf32>,
        tpu.vector_store %arg7[%swap3A_976, %swap3A_977], %gather3A_972 {strides = array<i32>} : memref<32x512xf32, #tpu.memory_space<vmem>>, vector<16xf32>,
        %broadcast_in_dim3A_979 = arith.constant 4 : i32
        %broadcast_in_dim3A_980 = vector.broadcast %broadcast_in_dim3A_979 : i32 to vector<16xi32>
        %gather3A_981 = tpu.vector_load_idx %arg6[%broadcast_in_dim3A_980, %get3A_942] : memref<32x1024xf32, #tpu.memory_space<vmem>>[vector<16xi32>, vector<16xi32>], vector<16xf32>,
        %mul3A_982 = arith.constant 16 : i32
        %mul3A_983 = arith.muli %scan3A_935, %mul3A_982 : i32
        %swap3A_984 = arith.constant 4 : i32
        %swap3A_985 = arith.index_cast %swap3A_984 : i32 to index
        %swap3A_986 = arith.index_cast %mul3A_983 : i32 to index
        %swap3A_987 = tpu.vector_load %arg7[%swap3A_985, %swap3A_986] {strides = array<i32>} : memref<32x512xf32, #tpu.memory_space<vmem>>, vector<16xf32>,
        tpu.vector_store %arg7[%swap3A_985, %swap3A_986], %gather3A_981 {strides = array<i32>} : memref<32x512xf32, #tpu.memory_space<vmem>>, vector<16xf32>,
        %broadcast_in_dim3A_988 = arith.constant 5 : i32
        %broadcast_in_dim3A_989 = vector.broadcast %broadcast_in_dim3A_988 : i32 to vector<16xi32>
        %gather3A_990 = tpu.vector_load_idx %arg6[%broadcast_in_dim3A_989, %get3A_942] : memref<32x1024xf32, #tpu.memory_space<vmem>>[vector<16xi32>, vector<16xi32>], vector<16xf32>,
        %mul3A_991 = arith.constant 16 : i32
        %mul3A_992 = arith.muli %scan3A_935, %mul3A_991 : i32
        %swap3A_993 = arith.constant 5 : i32
        %swap3A_994 = arith.index_cast %swap3A_993 : i32 to index
        %swap3A_995 = arith.index_cast %mul3A_992 : i32 to index
        %swap3A_996 = tpu.vector_load %arg7[%swap3A_994, %swap3A_995] {strides = array<i32>} : memref<32x512xf32, #tpu.memory_space<vmem>>, vector<16xf32>,
        tpu.vector_store %arg7[%swap3A_994, %swap3A_995], %gather3A_990 {strides = array<i32>} : memref<32x512xf32, #tpu.memory_space<vmem>>, vector<16xf32>,
        %broadcast_in_dim3A_997 = arith.constant 6 : i32
        %broadcast_in_dim3A_998 = vector.broadcast %broadcast_in_dim3A_997 : i32 to vector<16xi32>
        %gather3A_999 = tpu.vector_load_idx %arg6[%broadcast_in_dim3A_998, %get3A_942] : memref<32x1024xf32, #tpu.memory_space<vmem>>[vector<16xi32>, vector<16xi32>], vector<16xf32>,
        %mul3A_1000 = arith.constant 16 : i32
        %mul3A_1001 = arith.muli %scan3A_935, %mul3A_1000 : i32
        %swap3A_1002 = arith.constant 6 : i32
        %swap3A_1003 = arith.index_cast %swap3A_1002 : i32 to index
        %swap3A_1004 = arith.index_cast %mul3A_1001 : i32 to index
        %swap3A_1005 = tpu.vector_load %arg7[%swap3A_1003, %swap3A_1004] {strides = array<i32>} : memref<32x512xf32, #tpu.memory_space<vmem>>, vector<16xf32>,
        tpu.vector_store %arg7[%swap3A_1003, %swap3A_1004], %gather3A_999 {strides = array<i32>} : memref<32x512xf32, #tpu.memory_space<vmem>>, vector<16xf32>,
        %broadcast_in_dim3A_1006 = arith.constant 7 : i32
        %broadcast_in_dim3A_1007 = vector.broadcast %broadcast_in_dim3A_1006 : i32 to vector<16xi32>
        %gather3A_1008 = tpu.vector_load_idx %arg6[%broadcast_in_dim3A_1007, %get3A_942] : memref<32x1024xf32, #tpu.memory_space<vmem>>[vector<16xi32>, vector<16xi32>], vector<16xf32>,
        %mul3A_1009 = arith.constant 16 : i32
        %mul3A_1010 = arith.muli %scan3A_935, %mul3A_1009 : i32
        %swap3A_1011 = arith.constant 7 : i32
        %swap3A_1012 = arith.index_cast %swap3A_1011 : i32 to index
        %swap3A_1013 = arith.index_cast %mul3A_1010 : i32 to index
        %swap3A_1014 = tpu.vector_load %arg7[%swap3A_1012, %swap3A_1013] {strides = array<i32>} : memref<32x512xf32, #tpu.memory_space<vmem>>, vector<16xf32>,
        tpu.vector_store %arg7[%swap3A_1012, %swap3A_1013], %gather3A_1008 {strides = array<i32>} : memref<32x512xf32, #tpu.memory_space<vmem>>, vector<16xf32>,
        %broadcast_in_dim3A_1015 = arith.constant 8 : i32
        %broadcast_in_dim3A_1016 = vector.broadcast %broadcast_in_dim3A_1015 : i32 to vector<16xi32>
        %gather3A_1017 = tpu.vector_load_idx %arg6[%broadcast_in_dim3A_1016, %get3A_942] : memref<32x1024xf32, #tpu.memory_space<vmem>>[vector<16xi32>, vector<16xi32>], vector<16xf32>,
        %mul3A_1018 = arith.constant 16 : i32
        %mul3A_1019 = arith.muli %scan3A_935, %mul3A_1018 : i32
        %swap3A_1020 = arith.constant 8 : i32
        %swap3A_1021 = arith.index_cast %swap3A_1020 : i32 to index
        %swap3A_1022 = arith.index_cast %mul3A_1019 : i32 to index
        %swap3A_1023 = tpu.vector_load %arg7[%swap3A_1021, %swap3A_1022] {strides = array<i32>} : memref<32x512xf32, #tpu.memory_space<vmem>>, vector<16xf32>,
        tpu.vector_store %arg7[%swap3A_1021, %swap3A_1022], %gather3A_1017 {strides = array<i32>} : memref<32x512xf32, #tpu.memory_space<vmem>>, vector<16xf32>,
        %broadcast_in_dim3A_1024 = arith.constant 9 : i32
        %broadcast_in_dim3A_1025 = vector.broadcast %broadcast_in_dim3A_1024 : i32 to vector<16xi32>
        %gather3A_1026 = tpu.vector_load_idx %arg6[%broadcast_in_dim3A_1025, %get3A_942] : memref<32x1024xf32, #tpu.memory_space<vmem>>[vector<16xi32>, vector<16xi32>], vector<16xf32>,
        %mul3A_1027 = arith.constant 16 : i32
        %mul3A_1028 = arith.muli %scan3A_935, %mul3A_1027 : i32
        %swap3A_1029 = arith.constant 9 : i32
        %swap3A_1030 = arith.index_cast %swap3A_1029 : i32 to index
        %swap3A_1031 = arith.index_cast %mul3A_1028 : i32 to index
        %swap3A_1032 = tpu.vector_load %arg7[%swap3A_1030, %swap3A_1031] {strides = array<i32>} : memref<32x512xf32, #tpu.memory_space<vmem>>, vector<16xf32>,
        tpu.vector_store %arg7[%swap3A_1030, %swap3A_1031], %gather3A_1026 {strides = array<i32>} : memref<32x512xf32, #tpu.memory_space<vmem>>, vector<16xf32>,
        %broadcast_in_dim3A_1033 = arith.constant 10 : i32
        %broadcast_in_dim3A_1034 = vector.broadcast %broadcast_in_dim3A_1033 : i32 to vector<16xi32>
        %gather3A_1035 = tpu.vector_load_idx %arg6[%broadcast_in_dim3A_1034, %get3A_942] : memref<32x1024xf32, #tpu.memory_space<vmem>>[vector<16xi32>, vector<16xi32>], vector<16xf32>,
        %mul3A_1036 = arith.constant 16 : i32
        %mul3A_1037 = arith.muli %scan3A_935, %mul3A_1036 : i32
        %swap3A_1038 = arith.constant 10 : i32
        %swap3A_1039 = arith.index_cast %swap3A_1038 : i32 to index
        %swap3A_1040 = arith.index_cast %mul3A_1037 : i32 to index
        %swap3A_1041 = tpu.vector_load %arg7[%swap3A_1039, %swap3A_1040] {strides = array<i32>} : memref<32x512xf32, #tpu.memory_space<vmem>>, vector<16xf32>,
        tpu.vector_store %arg7[%swap3A_1039, %swap3A_1040], %gather3A_1035 {strides = array<i32>} : memref<32x512xf32, #tpu.memory_space<vmem>>, vector<16xf32>,
        %broadcast_in_dim3A_1042 = arith.constant 11 : i32
        %broadcast_in_dim3A_1043 = vector.broadcast %broadcast_in_dim3A_1042 : i32 to vector<16xi32>
        %gather3A_1044 = tpu.vector_load_idx %arg6[%broadcast_in_dim3A_1043, %get3A_942] : memref<32x1024xf32, #tpu.memory_space<vmem>>[vector<16xi32>, vector<16xi32>], vector<16xf32>,
        %mul3A_1045 = arith.constant 16 : i32
        %mul3A_1046 = arith.muli %scan3A_935, %mul3A_1045 : i32
        %swap3A_1047 = arith.constant 11 : i32
        %swap3A_1048 = arith.index_cast %swap3A_1047 : i32 to index
        %swap3A_1049 = arith.index_cast %mul3A_1046 : i32 to index
        %swap3A_1050 = tpu.vector_load %arg7[%swap3A_1048, %swap3A_1049] {strides = array<i32>} : memref<32x512xf32, #tpu.memory_space<vmem>>, vector<16xf32>,
        tpu.vector_store %arg7[%swap3A_1048, %swap3A_1049], %gather3A_1044 {strides = array<i32>} : memref<32x512xf32, #tpu.memory_space<vmem>>, vector<16xf32>,
        %broadcast_in_dim3A_1051 = arith.constant 12 : i32
        %broadcast_in_dim3A_1052 = vector.broadcast %broadcast_in_dim3A_1051 : i32 to vector<16xi32>
        %gather3A_1053 = tpu.vector_load_idx %arg6[%broadcast_in_dim3A_1052, %get3A_942] : memref<32x1024xf32, #tpu.memory_space<vmem>>[vector<16xi32>, vector<16xi32>], vector<16xf32>,
        %mul3A_1054 = arith.constant 16 : i32
        %mul3A_1055 = arith.muli %scan3A_935, %mul3A_1054 : i32
        %swap3A_1056 = arith.constant 12 : i32
        %swap3A_1057 = arith.index_cast %swap3A_1056 : i32 to index
        %swap3A_1058 = arith.index_cast %mul3A_1055 : i32 to index
        %swap3A_1059 = tpu.vector_load %arg7[%swap3A_1057, %swap3A_1058] {strides = array<i32>} : memref<32x512xf32, #tpu.memory_space<vmem>>, vector<16xf32>,
        tpu.vector_store %arg7[%swap3A_1057, %swap3A_1058], %gather3A_1053 {strides = array<i32>} : memref<32x512xf32, #tpu.memory_space<vmem>>, vector<16xf32>,
        %broadcast_in_dim3A_1060 = arith.constant 13 : i32
        %broadcast_in_dim3A_1061 = vector.broadcast %broadcast_in_dim3A_1060 : i32 to vector<16xi32>
        %gather3A_1062 = tpu.vector_load_idx %arg6[%broadcast_in_dim3A_1061, %get3A_942] : memref<32x1024xf32, #tpu.memory_space<vmem>>[vector<16xi32>, vector<16xi32>], vector<16xf32>,
        %mul3A_1063 = arith.constant 16 : i32
        %mul3A_1064 = arith.muli %scan3A_935, %mul3A_1063 : i32
        %swap3A_1065 = arith.constant 13 : i32
        %swap3A_1066 = arith.index_cast %swap3A_1065 : i32 to index
        %swap3A_1067 = arith.index_cast %mul3A_1064 : i32 to index
        %swap3A_1068 = tpu.vector_load %arg7[%swap3A_1066, %swap3A_1067] {strides = array<i32>} : memref<32x512xf32, #tpu.memory_space<vmem>>, vector<16xf32>,
        tpu.vector_store %arg7[%swap3A_1066, %swap3A_1067], %gather3A_1062 {strides = array<i32>} : memref<32x512xf32, #tpu.memory_space<vmem>>, vector<16xf32>,
        %broadcast_in_dim3A_1069 = arith.constant 14 : i32
        %broadcast_in_dim3A_1070 = vector.broadcast %broadcast_in_dim3A_1069 : i32 to vector<16xi32>
        %gather3A_1071 = tpu.vector_load_idx %arg6[%broadcast_in_dim3A_1070, %get3A_942] : memref<32x1024xf32, #tpu.memory_space<vmem>>[vector<16xi32>, vector<16xi32>], vector<16xf32>,
        %mul3A_1072 = arith.constant 16 : i32
        %mul3A_1073 = arith.muli %scan3A_935, %mul3A_1072 : i32
        %swap3A_1074 = arith.constant 14 : i32
        %swap3A_1075 = arith.index_cast %swap3A_1074 : i32 to index
        %swap3A_1076 = arith.index_cast %mul3A_1073 : i32 to index
        %swap3A_1077 = tpu.vector_load %arg7[%swap3A_1075, %swap3A_1076] {strides = array<i32>} : memref<32x512xf32, #tpu.memory_space<vmem>>, vector<16xf32>,
        tpu.vector_store %arg7[%swap3A_1075, %swap3A_1076], %gather3A_1071 {strides = array<i32>} : memref<32x512xf32, #tpu.memory_space<vmem>>, vector<16xf32>,
        %broadcast_in_dim3A_1078 = arith.constant 15 : i32
        %broadcast_in_dim3A_1079 = vector.broadcast %broadcast_in_dim3A_1078 : i32 to vector<16xi32>
        %gather3A_1080 = tpu.vector_load_idx %arg6[%broadcast_in_dim3A_1079, %get3A_942] : memref<32x1024xf32, #tpu.memory_space<vmem>>[vector<16xi32>, vector<16xi32>], vector<16xf32>,
        %mul3A_1081 = arith.constant 16 : i32
        %mul3A_1082 = arith.muli %scan3A_935, %mul3A_1081 : i32
        %swap3A_1083 = arith.constant 15 : i32
        %swap3A_1084 = arith.index_cast %swap3A_1083 : i32 to index
        %swap3A_1085 = arith.index_cast %mul3A_1082 : i32 to index
        %swap3A_1086 = tpu.vector_load %arg7[%swap3A_1084, %swap3A_1085] {strides = array<i32>} : memref<32x512xf32, #tpu.memory_space<vmem>>, vector<16xf32>,
        tpu.vector_store %arg7[%swap3A_1084, %swap3A_1085], %gather3A_1080 {strides = array<i32>} : memref<32x512xf32, #tpu.memory_space<vmem>>, vector<16xf32>,
        %broadcast_in_dim3A_1087 = arith.constant 16 : i32
        %broadcast_in_dim3A_1088 = vector.broadcast %broadcast_in_dim3A_1087 : i32 to vector<16xi32>
        %gather3A_1089 = tpu.vector_load_idx %arg6[%broadcast_in_dim3A_1088, %get3A_942] : memref<32x1024xf32, #tpu.memory_space<vmem>>[vector<16xi32>, vector<16xi32>], vector<16xf32>,
        %mul3A_1090 = arith.constant 16 : i32
        %mul3A_1091 = arith.muli %scan3A_935, %mul3A_1090 : i32
        %swap3A_1092 = arith.constant 16 : i32
        %swap3A_1093 = arith.index_cast %swap3A_1092 : i32 to index
        %swap3A_1094 = arith.index_cast %mul3A_1091 : i32 to index
        %swap3A_1095 = tpu.vector_load %arg7[%swap3A_1093, %swap3A_1094] {strides = array<i32>} : memref<32x512xf32, #tpu.memory_space<vmem>>, vector<16xf32>,
        tpu.vector_store %arg7[%swap3A_1093, %swap3A_1094], %gather3A_1089 {strides = array<i32>} : memref<32x512xf32, #tpu.memory_space<vmem>>, vector<16xf32>,
        %broadcast_in_dim3A_1096 = arith.constant 17 : i32
        %broadcast_in_dim3A_1097 = vector.broadcast %broadcast_in_dim3A_1096 : i32 to vector<16xi32>
        %gather3A_1098 = tpu.vector_load_idx %arg6[%broadcast_in_dim3A_1097, %get3A_942] : memref<32x1024xf32, #tpu.memory_space<vmem>>[vector<16xi32>, vector<16xi32>], vector<16xf32>,
        %mul3A_1099 = arith.constant 16 : i32
        %mul3A_1100 = arith.muli %scan3A_935, %mul3A_1099 : i32
        %swap3A_1101 = arith.constant 17 : i32
        %swap3A_1102 = arith.index_cast %swap3A_1101 : i32 to index
        %swap3A_1103 = arith.index_cast %mul3A_1100 : i32 to index
        %swap3A_1104 = tpu.vector_load %arg7[%swap3A_1102, %swap3A_1103] {strides = array<i32>} : memref<32x512xf32, #tpu.memory_space<vmem>>, vector<16xf32>,
        tpu.vector_store %arg7[%swap3A_1102, %swap3A_1103], %gather3A_1098 {strides = array<i32>} : memref<32x512xf32, #tpu.memory_space<vmem>>, vector<16xf32>,
        %broadcast_in_dim3A_1105 = arith.constant 18 : i32
        %broadcast_in_dim3A_1106 = vector.broadcast %broadcast_in_dim3A_1105 : i32 to vector<16xi32>
        %gather3A_1107 = tpu.vector_load_idx %arg6[%broadcast_in_dim3A_1106, %get3A_942] : memref<32x1024xf32, #tpu.memory_space<vmem>>[vector<16xi32>, vector<16xi32>], vector<16xf32>,
        %mul3A_1108 = arith.constant 16 : i32
        %mul3A_1109 = arith.muli %scan3A_935, %mul3A_1108 : i32
        %swap3A_1110 = arith.constant 18 : i32
        %swap3A_1111 = arith.index_cast %swap3A_1110 : i32 to index
        %swap3A_1112 = arith.index_cast %mul3A_1109 : i32 to index
        %swap3A_1113 = tpu.vector_load %arg7[%swap3A_1111, %swap3A_1112] {strides = array<i32>} : memref<32x512xf32, #tpu.memory_space<vmem>>, vector<16xf32>,
        tpu.vector_store %arg7[%swap3A_1111, %swap3A_1112], %gather3A_1107 {strides = array<i32>} : memref<32x512xf32, #tpu.memory_space<vmem>>, vector<16xf32>,
        %broadcast_in_dim3A_1114 = arith.constant 19 : i32
        %broadcast_in_dim3A_1115 = vector.broadcast %broadcast_in_dim3A_1114 : i32 to vector<16xi32>
        %gather3A_1116 = tpu.vector_load_idx %arg6[%broadcast_in_dim3A_1115, %get3A_942] : memref<32x1024xf32, #tpu.memory_space<vmem>>[vector<16xi32>, vector<16xi32>], vector<16xf32>,
        %mul3A_1117 = arith.constant 16 : i32
        %mul3A_1118 = arith.muli %scan3A_935, %mul3A_1117 : i32
        %swap3A_1119 = arith.constant 19 : i32
        %swap3A_1120 = arith.index_cast %swap3A_1119 : i32 to index
        %swap3A_1121 = arith.index_cast %mul3A_1118 : i32 to index
        %swap3A_1122 = tpu.vector_load %arg7[%swap3A_1120, %swap3A_1121] {strides = array<i32>} : memref<32x512xf32, #tpu.memory_space<vmem>>, vector<16xf32>,
        tpu.vector_store %arg7[%swap3A_1120, %swap3A_1121], %gather3A_1116 {strides = array<i32>} : memref<32x512xf32, #tpu.memory_space<vmem>>, vector<16xf32>,
        %broadcast_in_dim3A_1123 = arith.constant 20 : i32
        %broadcast_in_dim3A_1124 = vector.broadcast %broadcast_in_dim3A_1123 : i32 to vector<16xi32>
        %gather3A_1125 = tpu.vector_load_idx %arg6[%broadcast_in_dim3A_1124, %get3A_942] : memref<32x1024xf32, #tpu.memory_space<vmem>>[vector<16xi32>, vector<16xi32>], vector<16xf32>,
        %mul3A_1126 = arith.constant 16 : i32
        %mul3A_1127 = arith.muli %scan3A_935, %mul3A_1126 : i32
        %swap3A_1128 = arith.constant 20 : i32
        %swap3A_1129 = arith.index_cast %swap3A_1128 : i32 to index
        %swap3A_1130 = arith.index_cast %mul3A_1127 : i32 to index
        %swap3A_1131 = tpu.vector_load %arg7[%swap3A_1129, %swap3A_1130] {strides = array<i32>} : memref<32x512xf32, #tpu.memory_space<vmem>>, vector<16xf32>,
        tpu.vector_store %arg7[%swap3A_1129, %swap3A_1130], %gather3A_1125 {strides = array<i32>} : memref<32x512xf32, #tpu.memory_space<vmem>>, vector<16xf32>,
        %broadcast_in_dim3A_1132 = arith.constant 21 : i32
        %broadcast_in_dim3A_1133 = vector.broadcast %broadcast_in_dim3A_1132 : i32 to vector<16xi32>
        %gather3A_1134 = tpu.vector_load_idx %arg6[%broadcast_in_dim3A_1133, %get3A_942] : memref<32x1024xf32, #tpu.memory_space<vmem>>[vector<16xi32>, vector<16xi32>], vector<16xf32>,
        %mul3A_1135 = arith.constant 16 : i32
        %mul3A_1136 = arith.muli %scan3A_935, %mul3A_1135 : i32
        %swap3A_1137 = arith.constant 21 : i32
        %swap3A_1138 = arith.index_cast %swap3A_1137 : i32 to index
        %swap3A_1139 = arith.index_cast %mul3A_1136 : i32 to index
        %swap3A_1140 = tpu.vector_load %arg7[%swap3A_1138, %swap3A_1139] {strides = array<i32>} : memref<32x512xf32, #tpu.memory_space<vmem>>, vector<16xf32>,
        tpu.vector_store %arg7[%swap3A_1138, %swap3A_1139], %gather3A_1134 {strides = array<i32>} : memref<32x512xf32, #tpu.memory_space<vmem>>, vector<16xf32>,
        %broadcast_in_dim3A_1141 = arith.constant 22 : i32
        %broadcast_in_dim3A_1142 = vector.broadcast %broadcast_in_dim3A_1141 : i32 to vector<16xi32>
        %gather3A_1143 = tpu.vector_load_idx %arg6[%broadcast_in_dim3A_1142, %get3A_942] : memref<32x1024xf32, #tpu.memory_space<vmem>>[vector<16xi32>, vector<16xi32>], vector<16xf32>,
        %mul3A_1144 = arith.constant 16 : i32
        %mul3A_1145 = arith.muli %scan3A_935, %mul3A_1144 : i32
        %swap3A_1146 = arith.constant 22 : i32
        %swap3A_1147 = arith.index_cast %swap3A_1146 : i32 to index
        %swap3A_1148 = arith.index_cast %mul3A_1145 : i32 to index
        %swap3A_1149 = tpu.vector_load %arg7[%swap3A_1147, %swap3A_1148] {strides = array<i32>} : memref<32x512xf32, #tpu.memory_space<vmem>>, vector<16xf32>,
        tpu.vector_store %arg7[%swap3A_1147, %swap3A_1148], %gather3A_1143 {strides = array<i32>} : memref<32x512xf32, #tpu.memory_space<vmem>>, vector<16xf32>,
        %broadcast_in_dim3A_1150 = arith.constant 23 : i32
        %broadcast_in_dim3A_1151 = vector.broadcast %broadcast_in_dim3A_1150 : i32 to vector<16xi32>
        %gather3A_1152 = tpu.vector_load_idx %arg6[%broadcast_in_dim3A_1151, %get3A_942] : memref<32x1024xf32, #tpu.memory_space<vmem>>[vector<16xi32>, vector<16xi32>], vector<16xf32>,
        %mul3A_1153 = arith.constant 16 : i32
        %mul3A_1154 = arith.muli %scan3A_935, %mul3A_1153 : i32
        %swap3A_1155 = arith.constant 23 : i32
        %swap3A_1156 = arith.index_cast %swap3A_1155 : i32 to index
        %swap3A_1157 = arith.index_cast %mul3A_1154 : i32 to index
        %swap3A_1158 = tpu.vector_load %arg7[%swap3A_1156, %swap3A_1157] {strides = array<i32>} : memref<32x512xf32, #tpu.memory_space<vmem>>, vector<16xf32>,
        tpu.vector_store %arg7[%swap3A_1156, %swap3A_1157], %gather3A_1152 {strides = array<i32>} : memref<32x512xf32, #tpu.memory_space<vmem>>, vector<16xf32>,
        %broadcast_in_dim3A_1159 = arith.constant 24 : i32
        %broadcast_in_dim3A_1160 = vector.broadcast %broadcast_in_dim3A_1159 : i32 to vector<16xi32>
        %gather3A_1161 = tpu.vector_load_idx %arg6[%broadcast_in_dim3A_1160, %get3A_942] : memref<32x1024xf32, #tpu.memory_space<vmem>>[vector<16xi32>, vector<16xi32>], vector<16xf32>,
        %mul3A_1162 = arith.constant 16 : i32
        %mul3A_1163 = arith.muli %scan3A_935, %mul3A_1162 : i32
        %swap3A_1164 = arith.constant 24 : i32
        %swap3A_1165 = arith.index_cast %swap3A_1164 : i32 to index
        %swap3A_1166 = arith.index_cast %mul3A_1163 : i32 to index
        %swap3A_1167 = tpu.vector_load %arg7[%swap3A_1165, %swap3A_1166] {strides = array<i32>} : memref<32x512xf32, #tpu.memory_space<vmem>>, vector<16xf32>,
        tpu.vector_store %arg7[%swap3A_1165, %swap3A_1166], %gather3A_1161 {strides = array<i32>} : memref<32x512xf32, #tpu.memory_space<vmem>>, vector<16xf32>,
        %broadcast_in_dim3A_1168 = arith.constant 25 : i32
        %broadcast_in_dim3A_1169 = vector.broadcast %broadcast_in_dim3A_1168 : i32 to vector<16xi32>
        %gather3A_1170 = tpu.vector_load_idx %arg6[%broadcast_in_dim3A_1169, %get3A_942] : memref<32x1024xf32, #tpu.memory_space<vmem>>[vector<16xi32>, vector<16xi32>], vector<16xf32>,
        %mul3A_1171 = arith.constant 16 : i32
        %mul3A_1172 = arith.muli %scan3A_935, %mul3A_1171 : i32
        %swap3A_1173 = arith.constant 25 : i32
        %swap3A_1174 = arith.index_cast %swap3A_1173 : i32 to index
        %swap3A_1175 = arith.index_cast %mul3A_1172 : i32 to index
        %swap3A_1176 = tpu.vector_load %arg7[%swap3A_1174, %swap3A_1175] {strides = array<i32>} : memref<32x512xf32, #tpu.memory_space<vmem>>, vector<16xf32>,
        tpu.vector_store %arg7[%swap3A_1174, %swap3A_1175], %gather3A_1170 {strides = array<i32>} : memref<32x512xf32, #tpu.memory_space<vmem>>, vector<16xf32>,
        %broadcast_in_dim3A_1177 = arith.constant 26 : i32
        %broadcast_in_dim3A_1178 = vector.broadcast %broadcast_in_dim3A_1177 : i32 to vector<16xi32>
        %gather3A_1179 = tpu.vector_load_idx %arg6[%broadcast_in_dim3A_1178, %get3A_942] : memref<32x1024xf32, #tpu.memory_space<vmem>>[vector<16xi32>, vector<16xi32>], vector<16xf32>,
        %mul3A_1180 = arith.constant 16 : i32
        %mul3A_1181 = arith.muli %scan3A_935, %mul3A_1180 : i32
        %swap3A_1182 = arith.constant 26 : i32
        %swap3A_1183 = arith.index_cast %swap3A_1182 : i32 to index
        %swap3A_1184 = arith.index_cast %mul3A_1181 : i32 to index
        %swap3A_1185 = tpu.vector_load %arg7[%swap3A_1183, %swap3A_1184] {strides = array<i32>} : memref<32x512xf32, #tpu.memory_space<vmem>>, vector<16xf32>,
        tpu.vector_store %arg7[%swap3A_1183, %swap3A_1184], %gather3A_1179 {strides = array<i32>} : memref<32x512xf32, #tpu.memory_space<vmem>>, vector<16xf32>,
        %broadcast_in_dim3A_1186 = arith.constant 27 : i32
        %broadcast_in_dim3A_1187 = vector.broadcast %broadcast_in_dim3A_1186 : i32 to vector<16xi32>
        %gather3A_1188 = tpu.vector_load_idx %arg6[%broadcast_in_dim3A_1187, %get3A_942] : memref<32x1024xf32, #tpu.memory_space<vmem>>[vector<16xi32>, vector<16xi32>], vector<16xf32>,
        %mul3A_1189 = arith.constant 16 : i32
        %mul3A_1190 = arith.muli %scan3A_935, %mul3A_1189 : i32
        %swap3A_1191 = arith.constant 27 : i32
        %swap3A_1192 = arith.index_cast %swap3A_1191 : i32 to index
        %swap3A_1193 = arith.index_cast %mul3A_1190 : i32 to index
        %swap3A_1194 = tpu.vector_load %arg7[%swap3A_1192, %swap3A_1193] {strides = array<i32>} : memref<32x512xf32, #tpu.memory_space<vmem>>, vector<16xf32>,
        tpu.vector_store %arg7[%swap3A_1192, %swap3A_1193], %gather3A_1188 {strides = array<i32>} : memref<32x512xf32, #tpu.memory_space<vmem>>, vector<16xf32>,
        %broadcast_in_dim3A_1195 = arith.constant 28 : i32
        %broadcast_in_dim3A_1196 = vector.broadcast %broadcast_in_dim3A_1195 : i32 to vector<16xi32>
        %gather3A_1197 = tpu.vector_load_idx %arg6[%broadcast_in_dim3A_1196, %get3A_942] : memref<32x1024xf32, #tpu.memory_space<vmem>>[vector<16xi32>, vector<16xi32>], vector<16xf32>,
        %mul3A_1198 = arith.constant 16 : i32
        %mul3A_1199 = arith.muli %scan3A_935, %mul3A_1198 : i32
        %swap3A_1200 = arith.constant 28 : i32
        %swap3A_1201 = arith.index_cast %swap3A_1200 : i32 to index
        %swap3A_1202 = arith.index_cast %mul3A_1199 : i32 to index
        %swap3A_1203 = tpu.vector_load %arg7[%swap3A_1201, %swap3A_1202] {strides = array<i32>} : memref<32x512xf32, #tpu.memory_space<vmem>>, vector<16xf32>,
        tpu.vector_store %arg7[%swap3A_1201, %swap3A_1202], %gather3A_1197 {strides = array<i32>} : memref<32x512xf32, #tpu.memory_space<vmem>>, vector<16xf32>,
        %broadcast_in_dim3A_1204 = arith.constant 29 : i32
        %broadcast_in_dim3A_1205 = vector.broadcast %broadcast_in_dim3A_1204 : i32 to vector<16xi32>
        %gather3A_1206 = tpu.vector_load_idx %arg6[%broadcast_in_dim3A_1205, %get3A_942] : memref<32x1024xf32, #tpu.memory_space<vmem>>[vector<16xi32>, vector<16xi32>], vector<16xf32>,
        %mul3A_1207 = arith.constant 16 : i32
        %mul3A_1208 = arith.muli %scan3A_935, %mul3A_1207 : i32
        %swap3A_1209 = arith.constant 29 : i32
        %swap3A_1210 = arith.index_cast %swap3A_1209 : i32 to index
        %swap3A_1211 = arith.index_cast %mul3A_1208 : i32 to index
        %swap3A_1212 = tpu.vector_load %arg7[%swap3A_1210, %swap3A_1211] {strides = array<i32>} : memref<32x512xf32, #tpu.memory_space<vmem>>, vector<16xf32>,
        tpu.vector_store %arg7[%swap3A_1210, %swap3A_1211], %gather3A_1206 {strides = array<i32>} : memref<32x512xf32, #tpu.memory_space<vmem>>, vector<16xf32>,
        %broadcast_in_dim3A_1213 = arith.constant 30 : i32
        %broadcast_in_dim3A_1214 = vector.broadcast %broadcast_in_dim3A_1213 : i32 to vector<16xi32>
        %gather3A_1215 = tpu.vector_load_idx %arg6[%broadcast_in_dim3A_1214, %get3A_942] : memref<32x1024xf32, #tpu.memory_space<vmem>>[vector<16xi32>, vector<16xi32>], vector<16xf32>,
        %mul3A_1216 = arith.constant 16 : i32
        %mul3A_1217 = arith.muli %scan3A_935, %mul3A_1216 : i32
        %swap3A_1218 = arith.constant 30 : i32
        %swap3A_1219 = arith.index_cast %swap3A_1218 : i32 to index
        %swap3A_1220 = arith.index_cast %mul3A_1217 : i32 to index
        %swap3A_1221 = tpu.vector_load %arg7[%swap3A_1219, %swap3A_1220] {strides = array<i32>} : memref<32x512xf32, #tpu.memory_space<vmem>>, vector<16xf32>,
        tpu.vector_store %arg7[%swap3A_1219, %swap3A_1220], %gather3A_1215 {strides = array<i32>} : memref<32x512xf32, #tpu.memory_space<vmem>>, vector<16xf32>,
        %broadcast_in_dim3A_1222 = arith.constant 31 : i32
        %broadcast_in_dim3A_1223 = vector.broadcast %broadcast_in_dim3A_1222 : i32 to vector<16xi32>
        %gather3A_1224 = tpu.vector_load_idx %arg6[%broadcast_in_dim3A_1223, %get3A_942] : memref<32x1024xf32, #tpu.memory_space<vmem>>[vector<16xi32>, vector<16xi32>], vector<16xf32>,
        %mul3A_1225 = arith.constant 16 : i32
        %mul3A_1226 = arith.muli %scan3A_935, %mul3A_1225 : i32
        %swap3A_1227 = arith.constant 31 : i32
        %swap3A_1228 = arith.index_cast %swap3A_1227 : i32 to index
        %swap3A_1229 = arith.index_cast %mul3A_1226 : i32 to index
        %swap3A_1230 = tpu.vector_load %arg7[%swap3A_1228, %swap3A_1229] {strides = array<i32>} : memref<32x512xf32, #tpu.memory_space<vmem>>, vector<16xf32>,
        tpu.vector_store %arg7[%swap3A_1228, %swap3A_1229], %gather3A_1224 {strides = array<i32>} : memref<32x512xf32, #tpu.memory_space<vmem>>, vector<16xf32>,
      }
      %scan3A_44 = arith.constant 32 : i32
      %mul3A_45 = arith.constant 512 : i32
      %mul3A_46 = arith.muli %scan3A_38, %mul3A_45 : i32
      %add3A_47 = arith.addi %select_n3A_32, %mul3A_46 : i32
      %multiple_of3A = tpu.assume_multiple %add3A_47, 512 : i32
      "tpu.region"() ({
        %run_scoped3A = tpu.sem_alloc : memref<!tpu.dma_semaphore, #tpu.memory_space<semaphore_mem>>
        %dma_start3A = arith.constant 0 : i32
        %dma_start3A_48 = tpu.memref_slice %arg4[%select_n3A, %dma_start3A, %multiple_of3A] : memref<2x32x16384xf32, #tpu.memory_space<hbm>> -> memref<1x32x512xf32, #tpu.memory_space<hbm>>
        %dma_start3A_49 = tpu.memref_squeeze %dma_start3A_48 : memref<1x32x512xf32, #tpu.memory_space<hbm>> -> memref<32x512xf32, #tpu.memory_space<hbm>>
        %dma_start3A_50 = arith.constant 0 : i32
        %dma_start3A_51 = tpu.memref_slice %arg4[%select_n3A, %dma_start3A_50, %multiple_of3A] : memref<2x32x16384xf32, #tpu.memory_space<hbm>> -> memref<1x32x512xf32, #tpu.memory_space<hbm>>
        %dma_start3A_52 = tpu.memref_squeeze %dma_start3A_51 : memref<1x32x512xf32, #tpu.memory_space<hbm>> -> memref<32x512xf32, #tpu.memory_space<hbm>>
        tpu.enqueue_dma source(%arg7 : memref<32x512xf32, #tpu.memory_space<vmem>>) target(%dma_start3A_52 : memref<32x512xf32, #tpu.memory_space<hbm>>) target_semaphore(%run_scoped3A : memref<!tpu.dma_semaphore, #tpu.memory_space<semaphore_mem>>)
        %dma_wait3A = arith.constant 0 : i32
        %dma_wait3A_53 = tpu.memref_slice %arg4[%select_n3A, %dma_wait3A, %multiple_of3A] : memref<2x32x16384xf32, #tpu.memory_space<hbm>> -> memref<1x32x512xf32, #tpu.memory_space<hbm>>
        %dma_wait3A_54 = tpu.memref_squeeze %dma_wait3A_53 : memref<1x32x512xf32, #tpu.memory_space<hbm>> -> memref<32x512xf32, #tpu.memory_space<hbm>>
        %dma_wait3A_55 = arith.constant 0 : i32
        %dma_wait3A_56 = tpu.memref_slice %arg4[%select_n3A, %dma_wait3A_55, %multiple_of3A] : memref<2x32x16384xf32, #tpu.memory_space<hbm>> -> memref<1x32x512xf32, #tpu.memory_space<hbm>>
        %dma_wait3A_57 = tpu.memref_squeeze %dma_wait3A_56 : memref<1x32x512xf32, #tpu.memory_space<hbm>> -> memref<32x512xf32, #tpu.memory_space<hbm>>
        tpu.wait_dma2 semaphore(%run_scoped3A : memref<!tpu.dma_semaphore, #tpu.memory_space<semaphore_mem>>) src(%arg7 : memref<32x512xf32, #tpu.memory_space<vmem>>) dst(%dma_wait3A_57 : memref<32x512xf32, #tpu.memory_space<hbm>>)
        tpu.yield
      }) : () -> ()
    }
    %scan3A_37 = arith.constant 2 : i32
    return
  }
}

module attributes {stable_mosaic.version = 14 : i64} {
  func.func @_vq_tc_body(%arg0: i32, %arg1: i32, %arg2: memref<1x32x8192xf32, #tpu.memory_space<vmem>>, %arg3: memref<1024x32xf32, #tpu.memory_space<vmem>>, %arg4: memref<1x1x8192xi32, #tpu.memory_space<vmem>>, %arg5: memref<1x1xf32, #tpu.memory_space<vmem>>) attributes {dimension_semantics = [#tpu.dimension_semantics<arbitrary>, #tpu.dimension_semantics<arbitrary>], iteration_bounds = array<i64: 2, 2>, scalar_prefetch = 0 : i64, scratch_operands = 0 : i64, tpu.core_type = #tpu.core_type<tc>, window_params = [{transform_indices = @transform_0, window_bounds = array<i64: 1, 32, 8192>}, {pipeline_mode = #tpu.pipeline_mode<synchronous>, transform_indices = @transform_1, window_bounds = array<i64: 1024, 32>}, {transform_indices = @transform_2, window_bounds = array<i64: 1, 1, 8192>}, {pipeline_mode = #tpu.pipeline_mode<synchronous>, transform_indices = @transform_3, window_bounds = array<i64: 1, 1>}]} {
    %eq3A = arith.constant 0 : i32
    %eq3A_0 = arith.cmpi eq, %arg0, %eq3A : i32
    %eq3A_1 = arith.constant 0 : i32
    %eq3A_2 = arith.cmpi eq, %arg1, %eq3A_1 : i32
    %and3A = arith.andi %eq3A_0, %eq3A_2 : i1
    %convert_element_type3A = arith.extui %and3A : i1 to i32
    %cond3A = arith.constant 0 : i32
    %cond3A_3 = arith.cmpi ne, %convert_element_type3A, %cond3A : i32
    scf.if %cond3A_3 {
      %broadcast_in_dim3A_43 = arith.constant 0.000000e+00 : f32
      %broadcast_in_dim3A_44 = vector.broadcast %broadcast_in_dim3A_43 : f32 to vector<1x1xf32>
      %swap3A_45 = arith.constant 0 : index
      %swap3A_46 = arith.constant 0 : index
      %swap3A_47 = vector.load %arg5[%swap3A_45, %swap3A_46] : memref<1x1xf32, #tpu.memory_space<vmem>>, vector<1x1xf32>
      tpu.vector_store %arg5[%swap3A_45, %swap3A_46], %broadcast_in_dim3A_44 {strides = array<i32>} : memref<1x1xf32, #tpu.memory_space<vmem>>, vector<1x1xf32>,
    } else {
    }
    %get3A = arith.constant 0 : index
    %get3A_4 = arith.constant 0 : index
    %get3A_5 = arith.constant 0 : index
    %get3A_6 = vector.load %arg2[%get3A, %get3A_4, %get3A_5] : memref<1x32x8192xf32, #tpu.memory_space<vmem>>, vector<1x32x8192xf32>
    %get3A_7 = vector.shape_cast %get3A_6 : vector<1x32x8192xf32> to vector<32x8192xf32>
    %get3A_8 = arith.constant 0 : index
    %get3A_9 = arith.constant 0 : index
    %get3A_10 = vector.load %arg3[%get3A_8, %get3A_9] : memref<1024x32xf32, #tpu.memory_space<vmem>>, vector<1024x32xf32>
    %mul3A = arith.constant -2.000000e+00 : f32
    %mul3A_11 = vector.broadcast %mul3A : f32 to vector<32x8192xf32>
    %mul3A_12 = arith.mulf %mul3A_11, %get3A_7 : vector<32x8192xf32>
    %dot_general3A = arith.constant dense<0.000000e+00> : vector<1024x8192xf32>
    %dot_general3A_13 = tpu.matmul %get3A_10, %mul3A_12, %dot_general3A {dimension_numbers = #tpu.dot_dimension_numbers<[1], [0], [0], [1], [0, 0, 1, 1], [], []>, transpose_lhs_hint = false} : vector<1024x32xf32>, vector<32x8192xf32>, vector<1024x8192xf32> -> vector<1024x8192xf32>
    %mul3A_14 = arith.mulf %get3A_10, %get3A_10 : vector<1024x32xf32>
    %reduce_sum3A = arith.constant dense<0.000000e+00> : vector<1024xf32>
    %reduce_sum3A_15 = vector.multi_reduction <add>, %mul3A_14, %reduce_sum3A [1] : vector<1024x32xf32> to vector<1024xf32>
    %broadcast_in_dim3A = vector.shape_cast %reduce_sum3A_15 : vector<1024xf32> to vector<1024x1xf32>
    %add3A = vector.broadcast %broadcast_in_dim3A : vector<1024x1xf32> to vector<1024x8192xf32>
    %add3A_16 = arith.addf %dot_general3A_13, %add3A : vector<1024x8192xf32>
    %reduce_min3A = arith.constant dense<0x7F800000> : vector<8192xf32>
    %reduce_min3A_17 = vector.multi_reduction <minimumf>, %add3A_16, %reduce_min3A [0] : vector<1024x8192xf32> to vector<8192xf32>
    %broadcast_in_dim3A_18 = vector.shape_cast %reduce_min3A_17 : vector<8192xf32> to vector<1x8192xf32>
    %argmin3A = tpu.reduce_index %add3A_16 {axis = 0 : i32, kind = #tpu.reduction_kind<arg_min>} : vector<1024x8192xf32> -> vector<8192xi32>
    %get3A_19 = arith.constant 0 : index
    %get3A_20 = arith.constant 0 : index
    %get3A_21 = vector.load %arg5[%get3A_19, %get3A_20] : memref<1x1xf32, #tpu.memory_space<vmem>>, vector<1x1xf32>
    %reduce_sum3A_22 = vector.shape_cast %broadcast_in_dim3A_18 : vector<1x8192xf32> to vector<1x1x8192xf32>
    %reduce_sum3A_23 = arith.constant dense<0.000000e+00> : vector<1xf32>
    %reduce_sum3A_24 = vector.multi_reduction <add>, %reduce_sum3A_22, %reduce_sum3A_23 [1, 2] : vector<1x1x8192xf32> to vector<1xf32>
    %reduce_sum3A_25 = vector.shape_cast %reduce_sum3A_24 : vector<1xf32> to vector<1x1x1xf32>
    %reduce_sum3A_26 = vector.extract %reduce_sum3A_25[0, 0, 0] : f32 from vector<1x1x1xf32>
    %mul3A_27 = arith.mulf %get3A_7, %get3A_7 : vector<32x8192xf32>
    %reduce_sum3A_28 = vector.shape_cast %mul3A_27 : vector<32x8192xf32> to vector<1x32x8192xf32>
    %reduce_sum3A_29 = arith.constant dense<0.000000e+00> : vector<1xf32>
    %reduce_sum3A_30 = vector.multi_reduction <add>, %reduce_sum3A_28, %reduce_sum3A_29 [1, 2] : vector<1x32x8192xf32> to vector<1xf32>
    %reduce_sum3A_31 = vector.shape_cast %reduce_sum3A_30 : vector<1xf32> to vector<1x1x1xf32>
    %reduce_sum3A_32 = vector.extract %reduce_sum3A_31[0, 0, 0] : f32 from vector<1x1x1xf32>
    %add3A_33 = arith.addf %reduce_sum3A_26, %reduce_sum3A_32 : f32
    %reshape3A = vector.broadcast %add3A_33 : f32 to vector<1x1xf32>
    %add3A_34 = arith.addf %get3A_21, %reshape3A : vector<1x1xf32>
    %swap3A = arith.constant 0 : index
    %swap3A_35 = arith.constant 0 : index
    %swap3A_36 = vector.load %arg5[%swap3A, %swap3A_35] : memref<1x1xf32, #tpu.memory_space<vmem>>, vector<1x1xf32>
    tpu.vector_store %arg5[%swap3A, %swap3A_35], %add3A_34 {strides = array<i32>} : memref<1x1xf32, #tpu.memory_space<vmem>>, vector<1x1xf32>,
    %swap3A_37 = arith.constant 0 : index
    %swap3A_38 = arith.constant 0 : index
    %swap3A_39 = arith.constant 0 : index
    %swap3A_40 = vector.load %arg4[%swap3A_37, %swap3A_38, %swap3A_39] : memref<1x1x8192xi32, #tpu.memory_space<vmem>>, vector<1x1x8192xi32>
    %swap3A_41 = vector.shape_cast %swap3A_40 : vector<1x1x8192xi32> to vector<8192xi32>
    %swap3A_42 = vector.shape_cast %argmin3A : vector<8192xi32> to vector<1x1x8192xi32>
    tpu.vector_store %arg4[%swap3A_37, %swap3A_38, %swap3A_39], %swap3A_42 {strides = array<i32>} : memref<1x1x8192xi32, #tpu.memory_space<vmem>>, vector<1x1x8192xi32>,
    return
  }
  func.func @transform_0(%arg0: i32, %arg1: i32) -> (i32, i32, i32) {
    %add3A = arith.constant 0 : i32
    %add3A_0 = arith.addi %arg0, %add3A : i32
    %c0_i32 = arith.constant 0 : i32
    %c0_i32_1 = arith.constant 0 : i32
    return %add3A_0, %c0_i32, %arg1 : i32, i32, i32
  }
  func.func @transform_1(%arg0: i32, %arg1: i32) -> (i32, i32) {
    %c0_i32 = arith.constant 0 : i32
    %c0_i32_0 = arith.constant 0 : i32
    %c0_i32_1 = arith.constant 0 : i32
    return %c0_i32, %c0_i32_0 : i32, i32
  }
  func.func @transform_2(%arg0: i32, %arg1: i32) -> (i32, i32, i32) {
    %mul3A = arith.constant 2 : i32
    %mul3A_0 = arith.muli %arg0, %mul3A : i32
    %add3A = arith.addi %mul3A_0, %arg1 : i32
    %c0_i32 = arith.constant 0 : i32
    %c0_i32_1 = arith.constant 0 : i32
    %c0_i32_2 = arith.constant 0 : i32
    return %add3A, %c0_i32, %c0_i32_1 : i32, i32, i32
  }
  func.func @transform_3(%arg0: i32, %arg1: i32) -> (i32, i32) {
    %c0_i32 = arith.constant 0 : i32
    %c0_i32_0 = arith.constant 0 : i32
    %c0_i32_1 = arith.constant 0 : i32
    return %c0_i32, %c0_i32_0 : i32, i32
  }
}

module attributes {stable_mosaic.version = 14 : i64} {
  func.func @_vq_tc_body(%arg0: i32, %arg1: i32, %arg2: memref<1x32x8192xf32, #tpu.memory_space<vmem>>, %arg3: memref<1024x32xf32, #tpu.memory_space<vmem>>, %arg4: memref<1x1x8192xi32, #tpu.memory_space<vmem>>, %arg5: memref<1x1xf32, #tpu.memory_space<vmem>>) attributes {dimension_semantics = [#tpu.dimension_semantics<arbitrary>, #tpu.dimension_semantics<arbitrary>], iteration_bounds = array<i64: 2, 2>, scalar_prefetch = 0 : i64, scratch_operands = 0 : i64, tpu.core_type = #tpu.core_type<tc>, window_params = [{transform_indices = @transform_0, window_bounds = array<i64: 1, 32, 8192>}, {pipeline_mode = #tpu.pipeline_mode<synchronous>, transform_indices = @transform_1, window_bounds = array<i64: 1024, 32>}, {transform_indices = @transform_2, window_bounds = array<i64: 1, 1, 8192>}, {pipeline_mode = #tpu.pipeline_mode<synchronous>, transform_indices = @transform_3, window_bounds = array<i64: 1, 1>}]} {
    %eq3A = arith.constant 0 : i32
    %eq3A_0 = arith.cmpi eq, %arg0, %eq3A : i32
    %eq3A_1 = arith.constant 0 : i32
    %eq3A_2 = arith.cmpi eq, %arg1, %eq3A_1 : i32
    %and3A = arith.andi %eq3A_0, %eq3A_2 : i1
    %convert_element_type3A = arith.extui %and3A : i1 to i32
    %cond3A = arith.constant 0 : i32
    %cond3A_3 = arith.cmpi ne, %convert_element_type3A, %cond3A : i32
    scf.if %cond3A_3 {
      %broadcast_in_dim3A_43 = arith.constant 0.000000e+00 : f32
      %broadcast_in_dim3A_44 = vector.broadcast %broadcast_in_dim3A_43 : f32 to vector<1x1xf32>
      %swap3A_45 = arith.constant 0 : index
      %swap3A_46 = arith.constant 0 : index
      %swap3A_47 = vector.load %arg5[%swap3A_45, %swap3A_46] : memref<1x1xf32, #tpu.memory_space<vmem>>, vector<1x1xf32>
      tpu.vector_store %arg5[%swap3A_45, %swap3A_46], %broadcast_in_dim3A_44 {strides = array<i32>} : memref<1x1xf32, #tpu.memory_space<vmem>>, vector<1x1xf32>,
    } else {
    }
    %get3A = arith.constant 0 : index
    %get3A_4 = arith.constant 0 : index
    %get3A_5 = arith.constant 0 : index
    %get3A_6 = vector.load %arg2[%get3A, %get3A_4, %get3A_5] : memref<1x32x8192xf32, #tpu.memory_space<vmem>>, vector<1x32x8192xf32>
    %get3A_7 = vector.shape_cast %get3A_6 : vector<1x32x8192xf32> to vector<32x8192xf32>
    %get3A_8 = arith.constant 0 : index
    %get3A_9 = arith.constant 0 : index
    %get3A_10 = vector.load %arg3[%get3A_8, %get3A_9] : memref<1024x32xf32, #tpu.memory_space<vmem>>, vector<1024x32xf32>
    %mul3A = arith.constant -2.000000e+00 : f32
    %mul3A_11 = vector.broadcast %mul3A : f32 to vector<32x8192xf32>
    %mul3A_12 = arith.mulf %mul3A_11, %get3A_7 : vector<32x8192xf32>
    %dot_general3A = arith.constant dense<0.000000e+00> : vector<1024x8192xf32>
    %dot_general3A_13 = tpu.matmul %get3A_10, %mul3A_12, %dot_general3A {dimension_numbers = #tpu.dot_dimension_numbers<[1], [0], [0], [1], [0, 0, 1, 1], [], []>, transpose_lhs_hint = false} : vector<1024x32xf32>, vector<32x8192xf32>, vector<1024x8192xf32> -> vector<1024x8192xf32>
    %mul3A_14 = arith.mulf %get3A_10, %get3A_10 : vector<1024x32xf32>
    %reduce_sum3A = arith.constant dense<0.000000e+00> : vector<1024xf32>
    %reduce_sum3A_15 = vector.multi_reduction <add>, %mul3A_14, %reduce_sum3A [1] : vector<1024x32xf32> to vector<1024xf32>
    %broadcast_in_dim3A = vector.shape_cast %reduce_sum3A_15 : vector<1024xf32> to vector<1024x1xf32>
    %add3A = vector.broadcast %broadcast_in_dim3A : vector<1024x1xf32> to vector<1024x8192xf32>
    %add3A_16 = arith.addf %dot_general3A_13, %add3A : vector<1024x8192xf32>
    %reduce_min3A = arith.constant dense<0x7F800000> : vector<8192xf32>
    %reduce_min3A_17 = vector.multi_reduction <minimumf>, %add3A_16, %reduce_min3A [0] : vector<1024x8192xf32> to vector<8192xf32>
    %broadcast_in_dim3A_18 = vector.shape_cast %reduce_min3A_17 : vector<8192xf32> to vector<1x8192xf32>
    %argmin3A = tpu.reduce_index %add3A_16 {axis = 0 : i32, kind = #tpu.reduction_kind<arg_min>} : vector<1024x8192xf32> -> vector<8192xi32>
    %get3A_19 = arith.constant 0 : index
    %get3A_20 = arith.constant 0 : index
    %get3A_21 = vector.load %arg5[%get3A_19, %get3A_20] : memref<1x1xf32, #tpu.memory_space<vmem>>, vector<1x1xf32>
    %reduce_sum3A_22 = vector.shape_cast %broadcast_in_dim3A_18 : vector<1x8192xf32> to vector<1x1x8192xf32>
    %reduce_sum3A_23 = arith.constant dense<0.000000e+00> : vector<1xf32>
    %reduce_sum3A_24 = vector.multi_reduction <add>, %reduce_sum3A_22, %reduce_sum3A_23 [1, 2] : vector<1x1x8192xf32> to vector<1xf32>
    %reduce_sum3A_25 = vector.shape_cast %reduce_sum3A_24 : vector<1xf32> to vector<1x1x1xf32>
    %reduce_sum3A_26 = vector.extract %reduce_sum3A_25[0, 0, 0] : f32 from vector<1x1x1xf32>
    %mul3A_27 = arith.mulf %get3A_7, %get3A_7 : vector<32x8192xf32>
    %reduce_sum3A_28 = vector.shape_cast %mul3A_27 : vector<32x8192xf32> to vector<1x32x8192xf32>
    %reduce_sum3A_29 = arith.constant dense<0.000000e+00> : vector<1xf32>
    %reduce_sum3A_30 = vector.multi_reduction <add>, %reduce_sum3A_28, %reduce_sum3A_29 [1, 2] : vector<1x32x8192xf32> to vector<1xf32>
    %reduce_sum3A_31 = vector.shape_cast %reduce_sum3A_30 : vector<1xf32> to vector<1x1x1xf32>
    %reduce_sum3A_32 = vector.extract %reduce_sum3A_31[0, 0, 0] : f32 from vector<1x1x1xf32>
    %add3A_33 = arith.addf %reduce_sum3A_26, %reduce_sum3A_32 : f32
    %reshape3A = vector.broadcast %add3A_33 : f32 to vector<1x1xf32>
    %add3A_34 = arith.addf %get3A_21, %reshape3A : vector<1x1xf32>
    %swap3A = arith.constant 0 : index
    %swap3A_35 = arith.constant 0 : index
    %swap3A_36 = vector.load %arg5[%swap3A, %swap3A_35] : memref<1x1xf32, #tpu.memory_space<vmem>>, vector<1x1xf32>
    tpu.vector_store %arg5[%swap3A, %swap3A_35], %add3A_34 {strides = array<i32>} : memref<1x1xf32, #tpu.memory_space<vmem>>, vector<1x1xf32>,
    %swap3A_37 = arith.constant 0 : index
    %swap3A_38 = arith.constant 0 : index
    %swap3A_39 = arith.constant 0 : index
    %swap3A_40 = vector.load %arg4[%swap3A_37, %swap3A_38, %swap3A_39] : memref<1x1x8192xi32, #tpu.memory_space<vmem>>, vector<1x1x8192xi32>
    %swap3A_41 = vector.shape_cast %swap3A_40 : vector<1x1x8192xi32> to vector<8192xi32>
    %swap3A_42 = vector.shape_cast %argmin3A : vector<8192xi32> to vector<1x1x8192xi32>
    tpu.vector_store %arg4[%swap3A_37, %swap3A_38, %swap3A_39], %swap3A_42 {strides = array<i32>} : memref<1x1x8192xi32, #tpu.memory_space<vmem>>, vector<1x1x8192xi32>,
    return
  }
  func.func @transform_0(%arg0: i32, %arg1: i32) -> (i32, i32, i32) {
    %add3A = arith.constant 2 : i32
    %add3A_0 = arith.addi %arg0, %add3A : i32
    %c0_i32 = arith.constant 0 : i32
    %c0_i32_1 = arith.constant 0 : i32
    return %add3A_0, %c0_i32, %arg1 : i32, i32, i32
  }
  func.func @transform_1(%arg0: i32, %arg1: i32) -> (i32, i32) {
    %c0_i32 = arith.constant 0 : i32
    %c0_i32_0 = arith.constant 0 : i32
    %c0_i32_1 = arith.constant 0 : i32
    return %c0_i32, %c0_i32_0 : i32, i32
  }
  func.func @transform_2(%arg0: i32, %arg1: i32) -> (i32, i32, i32) {
    %mul3A = arith.constant 2 : i32
    %mul3A_0 = arith.muli %arg0, %mul3A : i32
    %add3A = arith.addi %mul3A_0, %arg1 : i32
    %c0_i32 = arith.constant 0 : i32
    %c0_i32_1 = arith.constant 0 : i32
    %c0_i32_2 = arith.constant 0 : i32
    return %add3A, %c0_i32, %c0_i32_1 : i32, i32, i32
  }
  func.func @transform_3(%arg0: i32, %arg1: i32) -> (i32, i32) {
    %c0_i32 = arith.constant 0 : i32
    %c0_i32_0 = arith.constant 0 : i32
    %c0_i32_1 = arith.constant 0 : i32
    return %c0_i32, %c0_i32_0 : i32, i32
  }
}

</mosaic_0001>

<sc_bundles>
// kernel: kernel.6.cloned.1.call-start
scs
__scs_entry_jumppad:
0x0: {  	(pc) =	sbr.rel $0x88, $3  }
0x1: {  	(tag) =	ssettag $0x0;
	lr =	simm.s32 $0x1  }
0x2: {  	[smem:$0x3F9F] =	sst lr;
	_ =	strace $0xD0000000  }
0x3: {  	_ = 	snop  }
0x4: {  	_ = 	snop  }
0x5: {  	_ = 	snop  }
0x6: {  	_ = 	snop  }
0x7: {  	_ = 	snop  }
__scs_overlays_trampoline_lowered:
0x8: {  	[smem:$0x3FAE] =	sst s0  }
0x9: {  	[smem:$0x3FAF] =	sst s1  }
0xa: {  	[smem:$0x3FB0] =	sst s2  }
0xb: {  	[smem:$0x3FB1] =	sst s3  }
0xc: {  	[smem:$0x3FB2] =	sst s4  }
0xd: {  	[smem:$0x3FB3] =	sst s5  }
0xe: {  	[smem:$0x3FB4] =	sst s6  }
0xf: {  	[smem:$0x3FB5] =	sst s7  }
0x10: {  	[smem:$0x3FB6] =	sst s8  }
0x11: {  	[smem:$0x3FB7] =	sst s9;
	s0 =	simm.s32 @!p0 $0x0  }
0x12: {  	s1 =	sld [smem:$0x3F9D];
	s0 =	simm.s32 @p0 $0x1  }
0x13: {  	[smem:$0x3FB8] =	sst s0;
	s0 =	simm.s32 @!p1 $0x0  }
0x14: {  	s2 =	sld [smem:$0x3F9C];
	s0 =	simm.s32 @p1 $0x1  }
0x15: {  	[smem:$0x3FB9] =	sst s0;
	s0 =	simm.s32 @!p2 $0x0  }
0x16: {  	s3 =	sld [smem:$0x3FDB];
	s0 =	simm.s32 @p2 $0x1  }
0x17: {  	s4 =	simm.s32 $0x1BF5;
	[smem:$0x3FBB] =	sst s0  }
0x18: {  	s0 =	sld [smem:$0x3F9E];
	_ =	swait.ge [sflag:s4], $0x0  }
0x19: {  	s7 =	sld [smem:$0x3F9F]  }
0x1a: {  	s8 =	sadd.s32 $0xFFFFE003, lr  }
0x1b: {  	s9 =	sadd.s32 $0xFFFFFEF7, lr;
	s5 =	simm.s32 $0xFFFFFFFF;
	p2 =	slt.u32 s8, $0xFFFFF086  }
0x1c: {  	p1 =	slt.u32 s9, $0xF7A;
	s5 =	simm.s32 @!p2 $0x0  }
0x1d: {  	s5 =	simm.s32 @p1 $0x1;
	p0 =	seq.s32 s7, s2  }
0x1e: {  	s7 =	smul.u32 @!p0 $0xF7A, s2;
	p2 =	seq.s32 @!p0 s5, $0x0  }
0x1f: {  	s9 =	smul.u32 $0xF7A, s1;
	s8 =	simm.s32 @!p0 $0x1BF5;
	p2 =	por !p2, p0  }
0x20: {  	[sflag:s8] =	ssyncset.s32 @!p0 $0xFFFFF086;
	s6 =	sadd.s32 @!p0 s3, s7;
	s7 =	simm.s32 @!p0 $0x108  }
0x21: {  	s3 =	sadd.s32 s3, s9;
	s6 =	sadd.s32 @!p0 $0x88, s6;
	s7 =	simm.s32 @p2 $0x1082  }
0x22: {  	[simem:s7], [sflag:s8] =	dma.local @!p0 [hbm:s6], $0xF7A  }
0x23: {  	s9 =	sor.u32 $0xD0000000, s2;
	s6 =	simm.s32 $0x108;
	_ =	swait.ge @!p0 [sflag:s8], $0x0  }
0x24: {  	s3 =	sadd.s32 $0x88, s3;
	s6 =	simm.s32 @!p1 $0x1082;
	[sflag:s4] =	ssyncset.s32 $0xFFFFF086  }
0x25: {  	[simem:s6], [sflag:s4] =	dma.local [hbm:s3], $0xF7A  }
0x26: {  	[smem:$0x3F9F] =	sst s1;
	(tag) =	ssettag s2;
	_ =	strace s9  }
0x27: {  	s1 =	sld [smem:$0x3FAF]  }
0x28: {  	s2 =	sld [smem:$0x3FB0]  }
0x29: {  	s4 =	sld [smem:$0x3FB2]  }
0x2a: {  	p0 =	seq.s32 s5, $0x0;
	s5 =	sld [smem:$0x3FB3]  }
0x2b: {  	s6 =	sld [smem:$0x3FB4]  }
0x2c: {  	s7 =	sld [smem:$0x3FB5]  }
0x2d: {  	s3 =	simm.s32 $0x108;
	s8 =	sld [smem:$0x3FB6]  }
0x2e: {  	s3 =	simm.s32 @!p0 $0x1082;
	s9 =	sld [smem:$0x3FB7]  }
0x2f: {  	lr =	sadd.s32 s0, s3;
	s0 =	sld [smem:$0x3FAE]  }
0x30: {  	s3 =	sld [smem:$0x3FB1]  }
0x31: {  	[smem:$0x3FBA] =	sst s10  }
0x32: {  	s10 =	sld [smem:$0x3FB8];
	_ =	sdelay $0x3  }
0x33: {  	p0 =	seq.s32 s10, $0x1;
	s10 =	sld [smem:$0x3FBA];
	_ =	sdelay $0x3  }
0x34: {  	[smem:$0x3FBA] =	sst s10  }
0x35: {  	s10 =	sld [smem:$0x3FB9];
	_ =	sdelay $0x3  }
0x36: {  	p1 =	seq.s32 s10, $0x1;
	s10 =	sld [smem:$0x3FBA];
	_ =	sdelay $0x3  }
0x37: {  	[smem:$0x3FBA] =	sst s10  }
0x38: {  	s10 =	sld [smem:$0x3FBB]  }
0x39: {  	_ = 	snop;
	(pc) =	sbr.ind lr, $3  }
0x3a: {  	_ = 	snop  }
0x3b: {  	_ = 	snop  }
0x3c: {  	p2 =	seq.s32 s10, $0x1;
	s10 =	sld [smem:$0x3FBA]  }
0x3d: {  	_ =	shalt  }
0x3e: {  	_ =	shalt  }
0x3f: {  	_ =	shalt  }
0x40: {  	_ =	shalt  }
0x41: {  	_ =	shalt  }
0x42: {  	_ =	shalt  }
0x43: {  	_ =	shalt  }
0x44: {  	_ =	shalt  }
0x45: {  	_ =	shalt  }
0x46: {  	_ =	shalt  }
0x47: {  	_ =	shalt  }
0x48: {  	_ =	shalt  }
0x49: {  	_ =	shalt  }
0x4a: {  	_ =	shalt  }
0x4b: {  	_ =	shalt  }
0x4c: {  	_ =	shalt  }
0x4d: {  	_ =	shalt  }
0x4e: {  	_ =	shalt  }
0x4f: {  	_ =	shalt  }
0x50: {  	_ =	shalt  }
0x51: {  	_ =	shalt  }
0x52: {  	_ =	shalt  }
0x53: {  	_ =	shalt  }
0x54: {  	_ =	shalt  }
0x55: {  	_ =	shalt  }
0x56: {  	_ =	shalt  }
0x57: {  	_ =	shalt  }
0x58: {  	_ =	shalt  }
0x59: {  	_ =	shalt  }
0x5a: {  	_ =	shalt  }
0x5b: {  	_ =	shalt  }
0x5c: {  	_ =	shalt  }
0x5d: {  	_ =	shalt  }
0x5e: {  	_ =	shalt  }
0x5f: {  	_ =	shalt  }
0x60: {  	_ =	shalt  }
0x61: {  	_ =	shalt  }
0x62: {  	_ =	shalt  }
0x63: {  	_ =	shalt  }
0x64: {  	_ =	shalt  }
0x65: {  	_ =	shalt  }
0x66: {  	_ =	shalt  }
0x67: {  	_ =	shalt  }
0x68: {  	_ =	shalt  }
0x69: {  	_ =	shalt  }
0x6a: {  	_ =	shalt  }
0x6b: {  	_ =	shalt  }
0x6c: {  	_ =	shalt  }
0x6d: {  	_ =	shalt  }
0x6e: {  	_ =	shalt  }
0x6f: {  	_ =	shalt  }
0x70: {  	_ =	shalt  }
0x71: {  	_ =	shalt  }
0x72: {  	_ =	shalt  }
0x73: {  	_ =	shalt  }
0x74: {  	_ =	shalt  }
0x75: {  	_ =	shalt  }
0x76: {  	_ =	shalt  }
0x77: {  	_ =	shalt  }
0x78: {  	_ =	shalt  }
0x79: {  	_ =	shalt  }
0x7a: {  	_ =	shalt  }
0x7b: {  	_ =	shalt  }
0x7c: {  	_ =	shalt  }
0x7d: {  	_ =	shalt  }
0x7e: {  	_ =	shalt  }
0x7f: {  	_ =	shalt  }
0x80: {  	_ =	shalt  }
0x81: {  	_ =	shalt  }
0x82: {  	_ =	shalt  }
0x83: {  	_ =	shalt  }
0x84: {  	_ =	shalt  }
0x85: {  	_ =	shalt  }
0x86: {  	_ =	shalt  }
0x87: {  	_ =	shalt  }
.Lfunc_end0:
.L_simem_size_0:
called_computation_lowered:
.L_overlay_start_0:
0x88: {  	s2 =	sld [smem:$0x3FD9]  }
0x89: {  	s3 =	sld [smem:$0x3FFE];
	_ =	sdelay $0x1  }
0x8a: {  	s1 =	srdreg.scid  }
0x8b: {  	s0 =	sand.u32 $0x1, s1  }
0x8c: {  	s17 =	sshll.u32 s0, $0xA;
	s2 =	sadd.s32 s3, s2  }
0x8d: {  	s2 =	sadd.s32 s2, s17  }
0x8e: {  	[smem:$0x3FC6] =	sst s2  }
0x8f: {  	_ = 	snop  }
0x90: {  	s2 =	sld [smem:$0x3FC8];
	(tm) =	ssettm $0x1  }
0x91: {  	s18 =	sld [smem:$0x3FFB];
	_ =	sdelay $0x3  }
0x92: {  	_ =	strace s18  }
0x93: {  	s3 =	sld [smem:$0x3FFC];
	_ =	sdelay $0x3  }
0x94: {  	_ =	strace s3  }
0x95: {  	s3 =	sld [smem:$0x3FFD];
	_ =	sdelay $0x3  }
0x96: {  	_ =	strace s3  }
0x97: {  	_ =	strace $0x8FFFFFFF  }
0x98: {  	s19 =	sld [smem:$0x3FDB];
	_ =	sdelay $0x1  }
0x99: {  	s4 =	simm.s32 $_scs_section_size  }
0x9a: {  	s5 =	simm.s32 $_size__tile_overlayer_lowered;
	s6 =	simm.s32 $_tile_overlayer_lowered  }
0x9b: {  	s22 =	simm.s32 $0x1BFF;
	s21 =	sshll.u32 s6, $0x1;
	s3 =	sadd.s32 s4, s19  }
0x9c: {  	s7 =	simm.s32 $0x0;
	s20 =	sshll.u32 s5, $0x1;
	s5 =	sadd.s32 s21, s3  }
0x9d: {  	[timem:s7], [sflag:s22] =	dma.local [hbm:s5], s20  }
0x9e: {  	_ =	swait.ge [sflag:s22], s20  }
0x9f: {  	s4 =	ssub.s32 $0x0, s20;
	[sflag:s22] =	ssyncset.done $0x0  }
0xa0: {  	[sflag:s22] =	ssyncadd.s32 s4;
	_ =	sdelay $0x1  }
0xa1: {  	s23 =	simm.s32 $0x1B8B  }
0xa2: {  	_ =	swait.ge [sflag:s23], $0x1  }
0xa3: {  	[sflag:s23] =	ssyncset.done $0x0  }
0xa4: {  	s25 =	simm.s32 $0x1B8E;
	s24 =	sld [smem:$0x3FFE];
	[sflag:s23] =	ssyncadd.s32 $0xFFFFFFFF  }
0xa5: {  	s26 =	simm.s32 $execute0_lowered;
	[smem:$0x3FD2] =	sst s25  }
0xa6: {  	s5 =	sshll.u32 s26, $0x1;
	_ =	strace $0x80000046;
	[dreg:$0x1] =	wrdreg $0xFFFFFFFF  }
0xa7: {  	s28 =	simm.s32 $_size_execute0_lowered;
	s3 =	sadd.s32 s3, s5;
	[dreg:$0x0] =	wrdreg $0x0  }
0xa8: {  	s5 =	sshll.u32 s28, $0x1;
	[dreg:$0x2] =	wrdreg s3  }
0xa9: {  	[dreg:$0x3] =	wrdreg s5  }
0xaa: {  	[dreg:$0x4] =	wrdreg $0xC0  }
0xab: {  	_ =	task [dreg:s7], $0x5FFFF  }
0xac: {  	[dreg:$0x1] =	wrdreg $0xFFFFFFFF  }
0xad: {  	[dreg:$0x0] =	wrdreg $0x60  }
0xae: {  	[dreg:$0x2] =	wrdreg s24  }
0xaf: {  	[dreg:$0x3] =	wrdreg s2  }
0xb0: {  	[dreg:$0x4] =	wrdreg $0x9  }
0xb1: {  	_ =	task.clear_ibuf [dreg:s7], $0x5FFFF;
	_ =	strace $0x90000046  }
0xb2: {  	s29 =	simm.s32 $0x9;
	_ =	strace $0x80000048  }
0xb3: {  	_ =	swait.ge [sflag:s29], $0x1  }
0xb4: {  	[sflag:s29] =	ssyncadd.s32 $0xFFFFFFFF  }
0xb5: {  	_ =	strace $0x90000048  }
0xb6: {  	_ =	sfence  }
0xb7: {  	s30 =	sld [smem:$0x0];
	_ =	sdelay $0x2  }
0xb8: {  	s31 =	sshll.u32 s1, $0xD;
	s1 =	sshrl.u32 s1, $0x2  }
0xb9: {  	s3 =	sand.u32 $0x4000, s31;
	s1 =	sadd.s32 s1, s30  }
0xba: {  	s0 =	sor.u32 s3, s0;
	s1 =	sshll.u32 s1, $0x11  }
0xbb: {  	s0 =	sor.u32 s1, s0  }
0xbc: {  	s0 =	sadd.s32 $0x8F2B, s0  }
0xbd: {  	[sflag:s0] =	ssyncadd.remote.s32 $0x1  }
0xbe: {  	_ =	sfence.sel $0xFFFF  }
0xbf: {  	[dreg:$0x0] =	wrdreg $0xFFFFFFFF;
	(pc) =	sbr.abs _section_cstart, $3  }
0xc0: {  	[dreg:$0x1] =	wrdreg $0xFFFFFFFF  }
0xc1: {  	_ =	task.clear_ibuf [dreg:s7], $0x2FFFF;
	_ =	strace $0x9FFFFFFF  }
0xc2: {  	(tm) =	ssettm $0x7FFFFFFF  }
0xc3: {  	_ =	shalt  }
tec
execute0_lowered:
.L_overlay_start_1:
0x0: {  	(tag) =	ssettag $0x1  }
0x1: {  	s0 =	rddreg [dreg:$0x0];
	s1 =	srdreg.scid  }
0x2: {  	s2 =	simm.s32 $0x0;
	s4 =	stileid.u32;
	s1 =	sand.u32 $0x1, s1  }
0x3: {  	[smem:$0x7FF] =	sst s2;
	s26 =	sshll.u32 s4, $0xB;
	s28 =	sshll.u32 s4, $0xD  }
0x4: {  	s3 =	sshll.u32 s1, $0xA;
	_ =	strace $0x80000047;
	s1 =	ssub.s32 $0x2, s1  }
0x5: {  	s2 =	sor.u32 s3, s26;
	s3 =	sand.u32 $0x10000, s28;
	s5 =	sshrl.u32 s1, $0x1  }
0x6: {  	s29 =	sshrl.u32 s2, $0x3;
	s3 =	sadd.s32 s3, s0;
	s1 =	ssub.s32 s1, s5  }
0x7: {  	s2 =	sand.u32 $0x3C00, s2;
	s0 =	sadd.s32 s29, s0;
	s31 =	smax.u32 s1, $0x1  }
0x8: {  	s2 =	sadd.s32 s2, s3;
	s0 =	sadd.s32 $0x1400, s0;
	[dreg:$0x6] =	wrdreg s31  }
0x9: {  	s30 =	sadd.s32 $0x2400, s2;
	[dreg:$0x4] =	wrdreg s0  }
0xa: {  	s8 =	simm.s32 $0x400;
	s1 =	simm.s32 $0x0;
	[dreg:$0x5] =	wrdreg s30  }
.LBB2_1:
0xb: {  	[dreg:$0x7] =	wrdreg s1  }
0xc: {  	s30 =	simm.s32 $0x0;
	s0 =	rddreg [dreg:$0x4];
	s2 =	simm.s32 $0x1  }
0xd: {  	[tilespmem:s30], [sflag:$0x1] =	stream.linear.gather [hbm4b:s0+s30], $0x400, $0x38;
	[tilespmem:$0xC400] =	vst v63  }
0xe: {  	_ =	swait.ge [sflag:s2], $0x400  }
0xf: {  	[sflag:s2] =	ssyncset.done $0x0  }
0x10: {  	[sflag:s2] =	ssyncadd.s32 $0xFFFFFC00  }
0x11: {  	s31 =	rddreg [dreg:$0x1]  }
0x12: {  	[tilespmem:s8], [sflag:$0x1] =	stream.linear.gather [hbm4b:s31+s30], $0x8000, $0x38;
	[tilespmem:$0xC400] =	vst v63  }
0x13: {  	_ =	swait.ge [sflag:s2], $0x8000  }
0x14: {  	[sflag:s2] =	ssyncset.done $0x0  }
0x15: {  	p2 =	por $0x1, $0x1;
	s0 =	simm.s32 $0x0;
	[sflag:s2] =	ssyncadd.s32 $0xFFFF8000  }
.LBB2_2:
0x16: {  	s0 =	sshll.u32 s0, $0x9;
	s1 =	simm.s32 $0xFFFFFFFC;
	s15 =	simm.s32 $0x0  }
0x17: {  	p1 =	por $0x0, $0x0;
	s31 =	simm.s32 $0x0;
	[dreg:$0x8] =	wrdreg s0  }
0x18: {  	p0 =	por p2, p2;
	s0 =	sand.u32 $0x3FFFFE00, s0;
	[dreg:$0xa] =	wrdreg s31  }
0x19: {  	s24 =	simm.s32 $0x0;
	s18 =	simm.s32 $0x0;
	[dreg:$0x3] =	wrdreg s0  }
.LBB2_3:
0x1a: {  	s0 =	rddreg [dreg:$0x3];
	s26 =	sand.u32 $0x180, s15  }
0x1b: {  	s14 =	sand.u32 $0x40, s15;
	s31 =	sadd.s32 s26, s0  }
0x1c: {  	s0 =	sadd.s32 s14, s31  }
0x1d: {  	v0 =	vld [tilespmem:s0+$0x0];
	_ =	sdelay $0x4  }
0x1e: {  	v1 =	vshll.u32 v0, $0x3  }
0x1f: {  	v0 =	vand.u32 $0x7F, v0;
	v1 =	vand.u32 $0xFFFFFC00, v1  }
0x20: {  	v0 =	vor.u32 v0, v1;
	_ =	sdelay $0x4  }
0x21: {  	v1 =	vld.idx.msk [tilespmem:v0+s8+$0x0], $0xffff  }
0x22: {  	v2 =	vor.u32 $0x80, v0  }
0x23: {  	s0 =	sand.u32 $0xC00, s18  }
0x24: {  	s22 =	sadd.s32 $0x8400, s0  }
0x25: {  	s28 =	sor.u32 s14, s22  }
0x26: {  	[tilespmem:s28+$0x0] =	vst v1  }
0x27: {  	v1 =	vld.idx.msk [tilespmem:v2+s8+$0x0], $0xffff  }
0x28: {  	v62 =	vor.u32 $0x100, v0;
	_ =	sdelay $0x3  }
0x29: {  	[tilespmem:s28+$0x80] =	vst v1  }
0x2a: {  	v1 =	vld.idx.msk [tilespmem:v62+s8+$0x0], $0xffff  }
0x2b: {  	v63 =	vor.u32 $0x180, v0;
	_ =	sdelay $0x3  }
0x2c: {  	[tilespmem:s28+$0x100] =	vst v1  }
0x2d: {  	v1 =	vld.idx.msk [tilespmem:v63+s8+$0x0], $0xffff  }
0x2e: {  	v4 =	vor.u32 $0x200, v0;
	_ =	sdelay $0x3  }
0x2f: {  	[tilespmem:s28+$0x180] =	vst v1  }
0x30: {  	[dreg:$0x9] =	wrdreg s1;
	s1 =	simm.s32 $0x1;
	v1 =	vld.idx.msk [tilespmem:v4+s8+$0x0], $0xffff  }
0x31: {  	s1 =	simm.s32 @!p1 $0x0;
	v5 =	vor.u32 $0x280, v0  }
0x32: {  	s1 =	sshll.u32 s1, $0x6  }
0x33: {  	s1 =	sadd.s32 s1, s18  }
0x34: {  	s2 =	sor.u32 $0x200, s1  }
0x35: {  	[tilespmem:s2+$0x8400] =	vst v1  }
0x36: {  	v1 =	vld.idx.msk [tilespmem:v5+s8+$0x0], $0xffff  }
0x37: {  	v6 =	vor.u32 $0x300, v0;
	_ =	sdelay $0x2  }
0x38: {  	s29 =	sor.u32 $0x280, s1  }
0x39: {  	[tilespmem:s29+$0x8400] =	vst v1  }
0x3a: {  	v1 =	vld.idx.msk [tilespmem:v6+s8+$0x0], $0xffff  }
0x3b: {  	v7 =	vor.u32 $0x380, v0;
	_ =	sdelay $0x2  }
0x3c: {  	s1 =	sor.u32 $0x300, s1  }
0x3d: {  	[tilespmem:s1+$0x8400] =	vst v1  }
0x3e: {  	v1 =	vld.idx.msk [tilespmem:v7+s8+$0x0], $0xffff  }
0x3f: {  	v8 =	vadd.s32 $0x2000, v0;
	_ =	sdelay $0x1  }
0x40: {  	s30 =	sor.u32 s15, s18  }
0x41: {  	s1 =	sor.u32 $0x380, s30  }
0x42: {  	[tilespmem:s1+$0x8400] =	vst v1  }
0x43: {  	v1 =	vld.idx.msk [tilespmem:v8+s8+$0x0], $0xffff  }
0x44: {  	v9 =	vadd.s32 $0x2080, v0;
	_ =	sdelay $0x1  }
0x45: {  	s25 =	sadd.s32 $0x9400, s0  }
0x46: {  	s2 =	sor.u32 s14, s25  }
0x47: {  	[tilespmem:s2+$0x0] =	vst v1  }
0x48: {  	v1 =	vld.idx.msk [tilespmem:v9+s8+$0x0], $0xffff  }
0x49: {  	v10 =	vadd.s32 $0x2100, v0;
	_ =	sdelay $0x1  }
0x4a: {  	s3 =	sadd.s32 $0x9480, s0  }
0x4b: {  	s1 =	sor.u32 s14, s3  }
0x4c: {  	[tilespmem:s1+$0x0] =	vst v1  }
0x4d: {  	v1 =	vld.idx.msk [tilespmem:v10+s8+$0x0], $0xffff  }
0x4e: {  	v11 =	vadd.s32 $0x2180, v0;
	_ =	sdelay $0x1  }
0x4f: {  	s28 =	sadd.s32 $0x9500, s0  }
0x50: {  	s4 =	sor.u32 s14, s28  }
0x51: {  	[tilespmem:s4+$0x0] =	vst v1  }
0x52: {  	v1 =	vld.idx.msk [tilespmem:v11+s8+$0x0], $0xffff  }
0x53: {  	v12 =	vadd.s32 $0x2200, v0;
	_ =	sdelay $0x1  }
0x54: {  	s29 =	sadd.s32 $0x9580, s0  }
0x55: {  	s5 =	sor.u32 s14, s29  }
0x56: {  	[tilespmem:s5+$0x0] =	vst v1  }
0x57: {  	v1 =	vld.idx.msk [tilespmem:v12+s8+$0x0], $0xffff  }
0x58: {  	v13 =	vadd.s32 $0x2280, v0;
	_ =	sdelay $0x1  }
0x59: {  	s19 =	sadd.s32 $0x9600, s0  }
0x5a: {  	s6 =	sor.u32 s14, s19  }
0x5b: {  	[tilespmem:s6+$0x0] =	vst v1  }
0x5c: {  	v1 =	vld.idx.msk [tilespmem:v13+s8+$0x0], $0xffff  }
0x5d: {  	v14 =	vadd.s32 $0x2300, v0;
	_ =	sdelay $0x1  }
0x5e: {  	s30 =	sadd.s32 $0x9680, s0  }
0x5f: {  	s7 =	sor.u32 s14, s30  }
0x60: {  	[tilespmem:s7+$0x0] =	vst v1  }
0x61: {  	v1 =	vld.idx.msk [tilespmem:v14+s8+$0x0], $0xffff  }
0x62: {  	v15 =	vadd.s32 $0x2380, v0;
	_ =	sdelay $0x1  }
0x63: {  	s6 =	sadd.s32 $0x9700, s0  }
0x64: {  	s9 =	sor.u32 s14, s6  }
0x65: {  	[tilespmem:s9+$0x0] =	vst v1  }
0x66: {  	v1 =	vld.idx.msk [tilespmem:v15+s8+$0x0], $0xffff  }
0x67: {  	v16 =	vadd.s32 $0x4000, v0;
	_ =	sdelay $0x1  }
0x68: {  	s7 =	sadd.s32 $0x9780, s0  }
0x69: {  	s10 =	sor.u32 s14, s7  }
0x6a: {  	[tilespmem:s10+$0x0] =	vst v1  }
0x6b: {  	v1 =	vld.idx.msk [tilespmem:v16+s8+$0x0], $0xffff  }
0x6c: {  	v17 =	vadd.s32 $0x4080, v0;
	_ =	sdelay $0x1  }
0x6d: {  	s9 =	sadd.s32 $0xA400, s0  }
0x6e: {  	s11 =	sor.u32 s14, s9  }
0x6f: {  	[tilespmem:s11+$0x0] =	vst v1  }
0x70: {  	v1 =	vld.idx.msk [tilespmem:v17+s8+$0x0], $0xffff  }
0x71: {  	v18 =	vadd.s32 $0x4100, v0;
	_ =	sdelay $0x1  }
0x72: {  	s10 =	sadd.s32 $0xA480, s0  }
0x73: {  	s12 =	sor.u32 s14, s10  }
0x74: {  	[tilespmem:s12+$0x0] =	vst v1  }
0x75: {  	v1 =	vld.idx.msk [tilespmem:v18+s8+$0x0], $0xffff  }
0x76: {  	v19 =	vadd.s32 $0x4180, v0;
	_ =	sdelay $0x1  }
0x77: {  	s26 =	sadd.s32 $0xA500, s0  }
0x78: {  	s13 =	sor.u32 s14, s26  }
0x79: {  	[tilespmem:s13+$0x0] =	vst v1  }
0x7a: {  	v1 =	vld.idx.msk [tilespmem:v19+s8+$0x0], $0xffff  }
0x7b: {  	v20 =	vadd.s32 $0x4200, v0;
	_ =	sdelay $0x1  }
0x7c: {  	s1 =	sadd.s32 $0xA580, s0  }
0x7d: {  	s16 =	sor.u32 s14, s1  }
0x7e: {  	[tilespmem:s16+$0x0] =	vst v1  }
0x7f: {  	v1 =	vld.idx.msk [tilespmem:v20+s8+$0x0], $0xffff  }
0x80: {  	v21 =	vadd.s32 $0x4280, v0;
	_ =	sdelay $0x1  }
0x81: {  	s17 =	sadd.s32 $0xA600, s0  }
0x82: {  	[dreg:$0xd] =	wrdreg s3;
	s3 =	sor.u32 s14, s17  }
0x83: {  	[tilespmem:s3+$0x0] =	vst v1  }
0x84: {  	v1 =	vld.idx.msk [tilespmem:v21+s8+$0x0], $0xffff  }
0x85: {  	v22 =	vadd.s32 $0x4300, v0;
	_ =	sdelay $0x1  }
0x86: {  	s3 =	sadd.s32 $0xA680, s0  }
0x87: {  	s4 =	sor.u32 s14, s3  }
0x88: {  	[tilespmem:s4+$0x0] =	vst v1  }
0x89: {  	v1 =	vld.idx.msk [tilespmem:v22+s8+$0x0], $0xffff  }
0x8a: {  	v23 =	vadd.s32 $0x4380, v0;
	_ =	sdelay $0x1  }
0x8b: {  	s4 =	sadd.s32 $0xA700, s0  }
0x8c: {  	s5 =	sor.u32 s14, s4  }
0x8d: {  	[tilespmem:s5+$0x0] =	vst v1  }
0x8e: {  	v1 =	vld.idx.msk [tilespmem:v23+s8+$0x0], $0xffff  }
0x8f: {  	v24 =	vadd.s32 $0x6000, v0;
	_ =	sdelay $0x1  }
0x90: {  	s12 =	sadd.s32 $0xA780, s0  }
0x91: {  	s20 =	sor.u32 s14, s12  }
0x92: {  	[tilespmem:s20+$0x0] =	vst v1  }
0x93: {  	v1 =	vld.idx.msk [tilespmem:v24+s8+$0x0], $0xffff  }
0x94: {  	v25 =	vadd.s32 $0x6080, v0;
	_ =	sdelay $0x1  }
0x95: {  	s11 =	sadd.s32 $0xB400, s0  }
0x96: {  	s21 =	sor.u32 s14, s11  }
0x97: {  	[tilespmem:s21+$0x0] =	vst v1  }
0x98: {  	v1 =	vld.idx.msk [tilespmem:v25+s8+$0x0], $0xffff  }
0x99: {  	v26 =	vadd.s32 $0x6100, v0;
	_ =	sdelay $0x1  }
0x9a: {  	s16 =	sadd.s32 $0xB480, s0  }
0x9b: {  	s23 =	sor.u32 s14, s16  }
0x9c: {  	[tilespmem:s23+$0x0] =	vst v1  }
0x9d: {  	v1 =	vld.idx.msk [tilespmem:v26+s8+$0x0], $0xffff  }
0x9e: {  	v27 =	vadd.s32 $0x6180, v0;
	_ =	sdelay $0x1  }
0x9f: {  	[dreg:$0xe] =	wrdreg s17;
	s17 =	sadd.s32 $0xB500, s0  }
0xa0: {  	s2 =	sor.u32 s14, s17  }
0xa1: {  	[tilespmem:s2+$0x0] =	vst v1  }
0xa2: {  	v1 =	vld.idx.msk [tilespmem:v27+s8+$0x0], $0xffff  }
0xa3: {  	v28 =	vadd.s32 $0x6200, v0;
	_ =	sdelay $0x1  }
0xa4: {  	s13 =	sadd.s32 $0xB580, s0  }
0xa5: {  	s20 =	sor.u32 s14, s13  }
0xa6: {  	[tilespmem:s20+$0x0] =	vst v1  }
0xa7: {  	v1 =	vld.idx.msk [tilespmem:v28+s8+$0x0], $0xffff  }
0xa8: {  	v29 =	vadd.s32 $0x6280, v0;
	_ =	sdelay $0x1  }
0xa9: {  	s21 =	sadd.s32 $0xB600, s0  }
0xaa: {  	s23 =	sor.u32 s14, s21  }
0xab: {  	[tilespmem:s23+$0x0] =	vst v1  }
0xac: {  	v1 =	vld.idx.msk [tilespmem:v29+s8+$0x0], $0xffff  }
0xad: {  	v30 =	vadd.s32 $0x6300, v0;
	_ =	sdelay $0x1  }
0xae: {  	s5 =	sadd.s32 $0xB680, s0  }
0xaf: {  	[dreg:$0xf] =	wrdreg s13;
	s13 =	sor.u32 s14, s5  }
0xb0: {  	[tilespmem:s13+$0x0] =	vst v1  }
0xb1: {  	v1 =	vld.idx.msk [tilespmem:v30+s8+$0x0], $0xffff  }
0xb2: {  	v0 =	vadd.s32 $0x6380, v0;
	_ =	sdelay $0x1  }
0xb3: {  	s13 =	sadd.s32 $0xB700, s0  }
0xb4: {  	[dreg:$0x10] =	wrdreg s21;
	s21 =	sor.u32 s14, s13  }
0xb5: {  	[tilespmem:s21+$0x0] =	vst v1  }
0xb6: {  	v0 =	vld.idx.msk [tilespmem:v0+s8+$0x0], $0xffff;
	_ =	sdelay $0x2  }
0xb7: {  	s0 =	sadd.s32 $0xB780, s0;
	s21 =	sadd.s32 $0x10, s15  }
0xb8: {  	s20 =	sor.u32 s14, s0;
	s14 =	sand.u32 $0x50, s21  }
0xb9: {  	[dreg:$0x13] =	wrdreg s0;
	s0 =	sadd.s32 s14, s31;
	[tilespmem:s20+$0x0] =	vst v0  }
0xba: {  	v0 =	vld [tilespmem:s0+$0x0];
	_ =	sdelay $0x4  }
0xbb: {  	v31 =	vshll.u32 v0, $0x3  }
0xbc: {  	v0 =	vand.u32 $0x7F, v0;
	v1 =	vand.u32 $0xFFFFFC00, v31  }
0xbd: {  	v0 =	vor.u32 v0, v1;
	_ =	sdelay $0x4  }
0xbe: {  	v1 =	vld.idx.msk [tilespmem:v0+s8+$0x0], $0xffff  }
0xbf: {  	v32 =	vor.u32 $0x80, v0;
	_ =	sdelay $0x2  }
0xc0: {  	s2 =	sor.u32 s14, s22  }
0xc1: {  	[tilespmem:s2+$0x0] =	vst v1  }
0xc2: {  	v1 =	vld.idx.msk [tilespmem:v32+s8+$0x0], $0xffff  }
0xc3: {  	v33 =	vor.u32 $0x100, v0;
	_ =	sdelay $0x3  }
0xc4: {  	[tilespmem:s2+$0x80] =	vst v1  }
0xc5: {  	v1 =	vld.idx.msk [tilespmem:v33+s8+$0x0], $0xffff  }
0xc6: {  	v34 =	vor.u32 $0x180, v0;
	_ =	sdelay $0x3  }
0xc7: {  	[tilespmem:s2+$0x100] =	vst v1  }
0xc8: {  	v1 =	vld.idx.msk [tilespmem:v34+s8+$0x0], $0xffff  }
0xc9: {  	v35 =	vor.u32 $0x200, v0;
	_ =	sdelay $0x3  }
0xca: {  	[tilespmem:s2+$0x180] =	vst v1  }
0xcb: {  	s23 =	sand.u32 $0x7, s24;
	v1 =	vld.idx.msk [tilespmem:v35+s8+$0x0], $0xffff  }
0xcc: {  	s20 =	sshll.u32 s23, $0x4;
	v36 =	vor.u32 $0x280, v0  }
0xcd: {  	[dreg:$0xb] =	wrdreg s24;
	s24 =	sadd.s32 s18, s20  }
0xce: {  	s20 =	sadd.s32 $0x10, s24  }
0xcf: {  	s23 =	sor.u32 $0x200, s20  }
0xd0: {  	[tilespmem:s23+$0x8400] =	vst v1  }
0xd1: {  	v1 =	vld.idx.msk [tilespmem:v36+s8+$0x0], $0xffff  }
0xd2: {  	v37 =	vor.u32 $0x300, v0;
	_ =	sdelay $0x2  }
0xd3: {  	s2 =	sor.u32 $0x280, s20  }
0xd4: {  	[tilespmem:s2+$0x8400] =	vst v1  }
0xd5: {  	v1 =	vld.idx.msk [tilespmem:v37+s8+$0x0], $0xffff  }
0xd6: {  	v38 =	vor.u32 $0x380, v0;
	_ =	sdelay $0x2  }
0xd7: {  	s20 =	sor.u32 $0x300, s20  }
0xd8: {  	[tilespmem:s20+$0x8400] =	vst v1  }
0xd9: {  	v1 =	vld.idx.msk [tilespmem:v38+s8+$0x0], $0xffff  }
0xda: {  	v39 =	vadd.s32 $0x2000, v0;
	_ =	sdelay $0x1  }
0xdb: {  	[dreg:$0xc] =	wrdreg s24;
	s24 =	sor.u32 s21, s18  }
0xdc: {  	s20 =	sor.u32 $0x380, s24  }
0xdd: {  	[tilespmem:s20+$0x8400] =	vst v1  }
0xde: {  	v1 =	vld.idx.msk [tilespmem:v39+s8+$0x0], $0xffff  }
0xdf: {  	v40 =	vadd.s32 $0x2080, v0;
	_ =	sdelay $0x2  }
0xe0: {  	s24 =	smov.u32 s25;
	s25 =	sor.u32 s14, s25  }
0xe1: {  	[tilespmem:s25+$0x0] =	vst v1  }
0xe2: {  	v1 =	vld.idx.msk [tilespmem:v40+s8+$0x0], $0xffff  }
0xe3: {  	v41 =	vadd.s32 $0x2100, v0;
	_ =	sdelay $0x1  }
0xe4: {  	s25 =	rddreg [dreg:$0xd]  }
0xe5: {  	s0 =	sor.u32 s14, s25  }
0xe6: {  	[tilespmem:s0+$0x0] =	vst v1  }
0xe7: {  	v1 =	vld.idx.msk [tilespmem:v41+s8+$0x0], $0xffff  }
0xe8: {  	v42 =	vadd.s32 $0x2180, v0;
	_ =	sdelay $0x2  }
0xe9: {  	s2 =	sor.u32 s14, s28  }
0xea: {  	[tilespmem:s2+$0x0] =	vst v1  }
0xeb: {  	v1 =	vld.idx.msk [tilespmem:v42+s8+$0x0], $0xffff  }
0xec: {  	v43 =	vadd.s32 $0x2200, v0;
	_ =	sdelay $0x2  }
0xed: {  	s21 =	sor.u32 s14, s29  }
0xee: {  	[tilespmem:s21+$0x0] =	vst v1  }
0xef: {  	v1 =	vld.idx.msk [tilespmem:v43+s8+$0x0], $0xffff  }
0xf0: {  	v44 =	vadd.s32 $0x2280, v0;
	_ =	sdelay $0x2  }
0xf1: {  	s23 =	sor.u32 s14, s19  }
0xf2: {  	[tilespmem:s23+$0x0] =	vst v1  }
0xf3: {  	v1 =	vld.idx.msk [tilespmem:v44+s8+$0x0], $0xffff  }
0xf4: {  	v45 =	vadd.s32 $0x2300, v0;
	_ =	sdelay $0x2  }
0xf5: {  	s0 =	sor.u32 s14, s30  }
0xf6: {  	[tilespmem:s0+$0x0] =	vst v1  }
0xf7: {  	v1 =	vld.idx.msk [tilespmem:v45+s8+$0x0], $0xffff  }
0xf8: {  	v46 =	vadd.s32 $0x2380, v0;
	_ =	sdelay $0x2  }
0xf9: {  	s2 =	sor.u32 s14, s6  }
0xfa: {  	[tilespmem:s2+$0x0] =	vst v1  }
0xfb: {  	v1 =	vld.idx.msk [tilespmem:v46+s8+$0x0], $0xffff  }
0xfc: {  	v47 =	vadd.s32 $0x4000, v0;
	_ =	sdelay $0x2  }
0xfd: {  	s21 =	sor.u32 s14, s7  }
0xfe: {  	[tilespmem:s21+$0x0] =	vst v1  }
0xff: {  	v1 =	vld.idx.msk [tilespmem:v47+s8+$0x0], $0xffff  }
0x100: {  	v48 =	vadd.s32 $0x4080, v0;
	_ =	sdelay $0x2  }
0x101: {  	s23 =	sor.u32 s14, s9  }
0x102: {  	[tilespmem:s23+$0x0] =	vst v1  }
0x103: {  	v1 =	vld.idx.msk [tilespmem:v48+s8+$0x0], $0xffff  }
0x104: {  	v49 =	vadd.s32 $0x4100, v0;
	_ =	sdelay $0x2  }
0x105: {  	s0 =	sor.u32 s14, s10  }
0x106: {  	[tilespmem:s0+$0x0] =	vst v1  }
0x107: {  	v1 =	vld.idx.msk [tilespmem:v49+s8+$0x0], $0xffff  }
0x108: {  	v50 =	vadd.s32 $0x4180, v0;
	_ =	sdelay $0x2  }
0x109: {  	s2 =	sor.u32 s14, s26  }
0x10a: {  	[tilespmem:s2+$0x0] =	vst v1  }
0x10b: {  	v1 =	vld.idx.msk [tilespmem:v50+s8+$0x0], $0xffff  }
0x10c: {  	v51 =	vadd.s32 $0x4200, v0;
	_ =	sdelay $0x2  }
0x10d: {  	s21 =	sor.u32 s14, s1  }
0x10e: {  	[tilespmem:s21+$0x0] =	vst v1  }
0x10f: {  	v1 =	vld.idx.msk [tilespmem:v51+s8+$0x0], $0xffff  }
0x110: {  	v52 =	vadd.s32 $0x4280, v0  }
0x111: {  	[dreg:$0x14] =	wrdreg s1  }
0x112: {  	s1 =	rddreg [dreg:$0xe]  }
0x113: {  	s23 =	sor.u32 s14, s1  }
0x114: {  	[tilespmem:s23+$0x0] =	vst v1  }
0x115: {  	v1 =	vld.idx.msk [tilespmem:v52+s8+$0x0], $0xffff  }
0x116: {  	v53 =	vadd.s32 $0x4300, v0;
	_ =	sdelay $0x2  }
0x117: {  	s0 =	sor.u32 s14, s3  }
0x118: {  	[tilespmem:s0+$0x0] =	vst v1  }
0x119: {  	v1 =	vld.idx.msk [tilespmem:v53+s8+$0x0], $0xffff  }
0x11a: {  	v54 =	vadd.s32 $0x4380, v0;
	_ =	sdelay $0x2  }
0x11b: {  	s2 =	sor.u32 s14, s4  }
0x11c: {  	[tilespmem:s2+$0x0] =	vst v1  }
0x11d: {  	v1 =	vld.idx.msk [tilespmem:v54+s8+$0x0], $0xffff  }
0x11e: {  	v55 =	vadd.s32 $0x6000, v0;
	_ =	sdelay $0x2  }
0x11f: {  	s21 =	sor.u32 s14, s12  }
0x120: {  	[tilespmem:s21+$0x0] =	vst v1  }
0x121: {  	v1 =	vld.idx.msk [tilespmem:v55+s8+$0x0], $0xffff  }
0x122: {  	v56 =	vadd.s32 $0x6080, v0;
	_ =	sdelay $0x2  }
0x123: {  	s23 =	sor.u32 s14, s11  }
0x124: {  	[tilespmem:s23+$0x0] =	vst v1  }
0x125: {  	v1 =	vld.idx.msk [tilespmem:v56+s8+$0x0], $0xffff  }
0x126: {  	v57 =	vadd.s32 $0x6100, v0;
	_ =	sdelay $0x2  }
0x127: {  	s0 =	sor.u32 s14, s16  }
0x128: {  	[tilespmem:s0+$0x0] =	vst v1  }
0x129: {  	v1 =	vld.idx.msk [tilespmem:v57+s8+$0x0], $0xffff  }
0x12a: {  	v58 =	vadd.s32 $0x6180, v0;
	_ =	sdelay $0x2  }
0x12b: {  	s2 =	sor.u32 s14, s17  }
0x12c: {  	[tilespmem:s2+$0x0] =	vst v1  }
0x12d: {  	v1 =	vld.idx.msk [tilespmem:v58+s8+$0x0], $0xffff  }
0x12e: {  	v59 =	vadd.s32 $0x6200, v0;
	_ =	sdelay $0x1  }
0x12f: {  	s0 =	rddreg [dreg:$0xf]  }
0x130: {  	s21 =	sor.u32 s14, s0  }
0x131: {  	[tilespmem:s21+$0x0] =	vst v1  }
0x132: {  	v1 =	vld.idx.msk [tilespmem:v59+s8+$0x0], $0xffff  }
0x133: {  	v60 =	vadd.s32 $0x6280, v0;
	_ =	sdelay $0x1  }
0x134: {  	s2 =	rddreg [dreg:$0x10]  }
0x135: {  	s23 =	sor.u32 s14, s2  }
0x136: {  	[tilespmem:s23+$0x0] =	vst v1  }
0x137: {  	v1 =	vld.idx.msk [tilespmem:v60+s8+$0x0], $0xffff  }
0x138: {  	v61 =	vadd.s32 $0x6300, v0;
	_ =	sdelay $0x2  }
0x139: {  	[dreg:$0x15] =	wrdreg s5;
	s5 =	sor.u32 s14, s5  }
0x13a: {  	[tilespmem:s5+$0x0] =	vst v1  }
0x13b: {  	v1 =	vld.idx.msk [tilespmem:v61+s8+$0x0], $0xffff  }
0x13c: {  	v0 =	vadd.s32 $0x6380, v0;
	_ =	sdelay $0x2  }
0x13d: {  	s21 =	sor.u32 s14, s13  }
0x13e: {  	[tilespmem:s21+$0x0] =	vst v1  }
0x13f: {  	v0 =	vld.idx.msk [tilespmem:v0+s8+$0x0], $0xffff;
	_ =	sdelay $0x2  }
0x140: {  	s20 =	sadd.s32 $0x20, s15;
	s5 =	rddreg [dreg:$0x13]  }
0x141: {  	s23 =	sor.u32 s14, s5;
	s14 =	sand.u32 $0x60, s20  }
0x142: {  	[dreg:$0x12] =	wrdreg s31;
	s31 =	sadd.s32 s14, s31;
	[tilespmem:s23+$0x0] =	vst v0  }
0x143: {  	v0 =	vld [tilespmem:s31+$0x0];
	_ =	sdelay $0x4  }
0x144: {  	v62 =	vshll.u32 v0, $0x3  }
0x145: {  	v0 =	vand.u32 $0x7F, v0;
	v1 =	vand.u32 $0xFFFFFC00, v62  }
0x146: {  	v0 =	vor.u32 v0, v1;
	_ =	sdelay $0x4  }
0x147: {  	v1 =	vld.idx.msk [tilespmem:v0+s8+$0x0], $0xffff  }
0x148: {  	v63 =	vor.u32 $0x80, v0;
	_ =	sdelay $0x2  }
0x149: {  	[dreg:$0x11] =	wrdreg s22;
	s22 =	sor.u32 s14, s22  }
0x14a: {  	[tilespmem:s22+$0x0] =	vst v1  }
0x14b: {  	v1 =	vld.idx.msk [tilespmem:v63+s8+$0x0], $0xffff  }
0x14c: {  	v4 =	vor.u32 $0x100, v0;
	_ =	sdelay $0x3  }
0x14d: {  	[tilespmem:s22+$0x80] =	vst v1  }
0x14e: {  	v1 =	vld.idx.msk [tilespmem:v4+s8+$0x0], $0xffff  }
0x14f: {  	v5 =	vor.u32 $0x180, v0;
	_ =	sdelay $0x3  }
0x150: {  	[tilespmem:s22+$0x100] =	vst v1  }
0x151: {  	v1 =	vld.idx.msk [tilespmem:v5+s8+$0x0], $0xffff  }
0x152: {  	v6 =	vor.u32 $0x200, v0;
	_ =	sdelay $0x3  }
0x153: {  	[tilespmem:s22+$0x180] =	vst v1;
	s22 =	rddreg [dreg:$0xa]  }
0x154: {  	v1 =	vld.idx.msk [tilespmem:v6+s8+$0x0], $0xffff;
	s23 =	sand.u32 $0x3, s22  }
0x155: {  	v7 =	vor.u32 $0x280, v0;
	s21 =	sshll.u32 s23, $0x5  }
0x156: {  	s21 =	sadd.s32 s18, s21  }
0x157: {  	s21 =	sadd.s32 $0x20, s21  }
0x158: {  	s31 =	sor.u32 $0x200, s21  }
0x159: {  	[tilespmem:s31+$0x8400] =	vst v1  }
0x15a: {  	v1 =	vld.idx.msk [tilespmem:v7+s8+$0x0], $0xffff  }
0x15b: {  	v8 =	vor.u32 $0x300, v0;
	_ =	sdelay $0x2  }
0x15c: {  	s31 =	sor.u32 $0x280, s21  }
0x15d: {  	[tilespmem:s31+$0x8400] =	vst v1  }
0x15e: {  	v1 =	vld.idx.msk [tilespmem:v8+s8+$0x0], $0xffff  }
0x15f: {  	v9 =	vor.u32 $0x380, v0;
	_ =	sdelay $0x2  }
0x160: {  	s21 =	sor.u32 $0x300, s21  }
0x161: {  	[tilespmem:s21+$0x8400] =	vst v1  }
0x162: {  	v1 =	vld.idx.msk [tilespmem:v9+s8+$0x0], $0xffff  }
0x163: {  	v10 =	vadd.s32 $0x2000, v0;
	_ =	sdelay $0x1  }
0x164: {  	s20 =	sor.u32 s20, s18  }
0x165: {  	s20 =	sor.u32 $0x380, s20  }
0x166: {  	[tilespmem:s20+$0x8400] =	vst v1  }
0x167: {  	v1 =	vld.idx.msk [tilespmem:v10+s8+$0x0], $0xffff  }
0x168: {  	v11 =	vadd.s32 $0x2080, v0;
	_ =	sdelay $0x2  }
0x169: {  	s21 =	sor.u32 s14, s24  }
0x16a: {  	[tilespmem:s21+$0x0] =	vst v1  }
0x16b: {  	v1 =	vld.idx.msk [tilespmem:v11+s8+$0x0], $0xffff  }
0x16c: {  	v12 =	vadd.s32 $0x2100, v0;
	_ =	sdelay $0x2  }
0x16d: {  	s23 =	sor.u32 s14, s25  }
0x16e: {  	[tilespmem:s23+$0x0] =	vst v1  }
0x16f: {  	v1 =	vld.idx.msk [tilespmem:v12+s8+$0x0], $0xffff  }
0x170: {  	v13 =	vadd.s32 $0x2180, v0;
	_ =	sdelay $0x2  }
0x171: {  	s31 =	sor.u32 s14, s28  }
0x172: {  	[tilespmem:s31+$0x0] =	vst v1  }
0x173: {  	v1 =	vld.idx.msk [tilespmem:v13+s8+$0x0], $0xffff  }
0x174: {  	v14 =	vadd.s32 $0x2200, v0;
	_ =	sdelay $0x2  }
0x175: {  	s21 =	sor.u32 s14, s29  }
0x176: {  	[tilespmem:s21+$0x0] =	vst v1  }
0x177: {  	v1 =	vld.idx.msk [tilespmem:v14+s8+$0x0], $0xffff  }
0x178: {  	v15 =	vadd.s32 $0x2280, v0;
	_ =	sdelay $0x2  }
0x179: {  	s23 =	sor.u32 s14, s19  }
0x17a: {  	[tilespmem:s23+$0x0] =	vst v1  }
0x17b: {  	v1 =	vld.idx.msk [tilespmem:v15+s8+$0x0], $0xffff  }
0x17c: {  	v16 =	vadd.s32 $0x2300, v0;
	_ =	sdelay $0x2  }
0x17d: {  	s31 =	sor.u32 s14, s30  }
0x17e: {  	[tilespmem:s31+$0x0] =	vst v1  }
0x17f: {  	v1 =	vld.idx.msk [tilespmem:v16+s8+$0x0], $0xffff  }
0x180: {  	v17 =	vadd.s32 $0x2380, v0;
	_ =	sdelay $0x2  }
0x181: {  	[dreg:$0x16] =	wrdreg s6;
	s6 =	sor.u32 s14, s6  }
0x182: {  	[tilespmem:s6+$0x0] =	vst v1  }
0x183: {  	v1 =	vld.idx.msk [tilespmem:v17+s8+$0x0], $0xffff  }
0x184: {  	v18 =	vadd.s32 $0x4000, v0;
	_ =	sdelay $0x2  }
0x185: {  	s21 =	sor.u32 s14, s7  }
0x186: {  	[tilespmem:s21+$0x0] =	vst v1  }
0x187: {  	v1 =	vld.idx.msk [tilespmem:v18+s8+$0x0], $0xffff  }
0x188: {  	v19 =	vadd.s32 $0x4080, v0;
	_ =	sdelay $0x2  }
0x189: {  	s23 =	sor.u32 s14, s9  }
0x18a: {  	[tilespmem:s23+$0x0] =	vst v1  }
0x18b: {  	v1 =	vld.idx.msk [tilespmem:v19+s8+$0x0], $0xffff  }
0x18c: {  	v20 =	vadd.s32 $0x4100, v0;
	_ =	sdelay $0x2  }
0x18d: {  	s31 =	sor.u32 s14, s10  }
0x18e: {  	[tilespmem:s31+$0x0] =	vst v1  }
0x18f: {  	v1 =	vld.idx.msk [tilespmem:v20+s8+$0x0], $0xffff  }
0x190: {  	v21 =	vadd.s32 $0x4180, v0;
	_ =	sdelay $0x2  }
0x191: {  	s6 =	sor.u32 s14, s26  }
0x192: {  	[tilespmem:s6+$0x0] =	vst v1  }
0x193: {  	v1 =	vld.idx.msk [tilespmem:v21+s8+$0x0], $0xffff  }
0x194: {  	v22 =	vadd.s32 $0x4200, v0;
	_ =	sdelay $0x1  }
0x195: {  	s6 =	rddreg [dreg:$0x14]  }
0x196: {  	s21 =	sor.u32 s14, s6  }
0x197: {  	[tilespmem:s21+$0x0] =	vst v1  }
0x198: {  	v1 =	vld.idx.msk [tilespmem:v22+s8+$0x0], $0xffff  }
0x199: {  	v23 =	vadd.s32 $0x4280, v0;
	_ =	sdelay $0x2  }
0x19a: {  	s23 =	sor.u32 s14, s1  }
0x19b: {  	[tilespmem:s23+$0x0] =	vst v1  }
0x19c: {  	v1 =	vld.idx.msk [tilespmem:v23+s8+$0x0], $0xffff  }
0x19d: {  	v24 =	vadd.s32 $0x4300, v0;
	_ =	sdelay $0x2  }
0x19e: {  	s31 =	smov.u32 s1;
	s1 =	sor.u32 s14, s3  }
0x19f: {  	[tilespmem:s1+$0x0] =	vst v1  }
0x1a0: {  	v1 =	vld.idx.msk [tilespmem:v24+s8+$0x0], $0xffff  }
0x1a1: {  	v25 =	vadd.s32 $0x4380, v0;
	_ =	sdelay $0x2  }
0x1a2: {  	s21 =	sor.u32 s14, s4  }
0x1a3: {  	[tilespmem:s21+$0x0] =	vst v1  }
0x1a4: {  	v1 =	vld.idx.msk [tilespmem:v25+s8+$0x0], $0xffff  }
0x1a5: {  	v26 =	vadd.s32 $0x6000, v0;
	_ =	sdelay $0x2  }
0x1a6: {  	s23 =	sor.u32 s14, s12  }
0x1a7: {  	[tilespmem:s23+$0x0] =	vst v1  }
0x1a8: {  	v1 =	vld.idx.msk [tilespmem:v26+s8+$0x0], $0xffff  }
0x1a9: {  	v27 =	vadd.s32 $0x6080, v0;
	_ =	sdelay $0x2  }
0x1aa: {  	s1 =	sor.u32 s14, s11  }
0x1ab: {  	[tilespmem:s1+$0x0] =	vst v1  }
0x1ac: {  	v1 =	vld.idx.msk [tilespmem:v27+s8+$0x0], $0xffff  }
0x1ad: {  	v28 =	vadd.s32 $0x6100, v0;
	_ =	sdelay $0x2  }
0x1ae: {  	s21 =	sor.u32 s14, s16  }
0x1af: {  	[tilespmem:s21+$0x0] =	vst v1  }
0x1b0: {  	v1 =	vld.idx.msk [tilespmem:v28+s8+$0x0], $0xffff  }
0x1b1: {  	v29 =	vadd.s32 $0x6180, v0;
	_ =	sdelay $0x2  }
0x1b2: {  	s23 =	sor.u32 s14, s17  }
0x1b3: {  	[tilespmem:s23+$0x0] =	vst v1  }
0x1b4: {  	v1 =	vld.idx.msk [tilespmem:v29+s8+$0x0], $0xffff  }
0x1b5: {  	v30 =	vadd.s32 $0x6200, v0;
	_ =	sdelay $0x2  }
0x1b6: {  	s0 =	sor.u32 s14, s0  }
0x1b7: {  	[tilespmem:s0+$0x0] =	vst v1  }
0x1b8: {  	v1 =	vld.idx.msk [tilespmem:v30+s8+$0x0], $0xffff  }
0x1b9: {  	v31 =	vadd.s32 $0x6280, v0;
	_ =	sdelay $0x2  }
0x1ba: {  	s1 =	sor.u32 s14, s2  }
0x1bb: {  	[tilespmem:s1+$0x0] =	vst v1  }
0x1bc: {  	v1 =	vld.idx.msk [tilespmem:v31+s8+$0x0], $0xffff  }
0x1bd: {  	v32 =	vadd.s32 $0x6300, v0;
	_ =	sdelay $0x1  }
0x1be: {  	s0 =	rddreg [dreg:$0x15]  }
0x1bf: {  	s21 =	sor.u32 s14, s0  }
0x1c0: {  	[tilespmem:s21+$0x0] =	vst v1  }
0x1c1: {  	v1 =	vld.idx.msk [tilespmem:v32+s8+$0x0], $0xffff  }
0x1c2: {  	v0 =	vadd.s32 $0x6380, v0;
	_ =	sdelay $0x2  }
0x1c3: {  	s23 =	sor.u32 s14, s13  }
0x1c4: {  	[tilespmem:s23+$0x0] =	vst v1  }
0x1c5: {  	v0 =	vld.idx.msk [tilespmem:v0+s8+$0x0], $0xffff;
	_ =	sdelay $0x2  }
0x1c6: {  	s20 =	sadd.s32 $0x30, s15  }
0x1c7: {  	s1 =	sor.u32 s14, s5;
	s14 =	sand.u32 $0x70, s20;
	s23 =	rddreg [dreg:$0x12]  }
0x1c8: {  	[tilespmem:s1+$0x0] =	vst v0;
	s1 =	sadd.s32 s14, s23  }
0x1c9: {  	v0 =	vld [tilespmem:s1+$0x0];
	_ =	sdelay $0x4  }
0x1ca: {  	v33 =	vshll.u32 v0, $0x3  }
0x1cb: {  	v0 =	vand.u32 $0x7F, v0;
	v1 =	vand.u32 $0xFFFFFC00, v33  }
0x1cc: {  	v0 =	vor.u32 v0, v1;
	_ =	sdelay $0x4  }
0x1cd: {  	v1 =	vld.idx.msk [tilespmem:v0+s8+$0x0], $0xffff  }
0x1ce: {  	v34 =	vor.u32 $0x80, v0;
	_ =	sdelay $0x1  }
0x1cf: {  	s23 =	rddreg [dreg:$0x11]  }
0x1d0: {  	s1 =	sor.u32 s14, s23  }
0x1d1: {  	[tilespmem:s1+$0x0] =	vst v1  }
0x1d2: {  	v1 =	vld.idx.msk [tilespmem:v34+s8+$0x0], $0xffff  }
0x1d3: {  	v35 =	vor.u32 $0x100, v0;
	_ =	sdelay $0x3  }
0x1d4: {  	[tilespmem:s1+$0x80] =	vst v1  }
0x1d5: {  	v1 =	vld.idx.msk [tilespmem:v35+s8+$0x0], $0xffff  }
0x1d6: {  	v36 =	vor.u32 $0x180, v0;
	_ =	sdelay $0x3  }
0x1d7: {  	[tilespmem:s1+$0x100] =	vst v1  }
0x1d8: {  	v1 =	vld.idx.msk [tilespmem:v36+s8+$0x0], $0xffff  }
0x1d9: {  	v37 =	vor.u32 $0x200, v0;
	_ =	sdelay $0x3  }
0x1da: {  	[tilespmem:s1+$0x180] =	vst v1  }
0x1db: {  	v1 =	vld.idx.msk [tilespmem:v37+s8+$0x0], $0xffff  }
0x1dc: {  	v38 =	vor.u32 $0x280, v0  }
0x1dd: {  	s23 =	rddreg [dreg:$0xc]  }
0x1de: {  	s21 =	sadd.s32 $0x30, s23  }
0x1df: {  	s1 =	sor.u32 $0x200, s21  }
0x1e0: {  	[tilespmem:s1+$0x8400] =	vst v1  }
0x1e1: {  	v1 =	vld.idx.msk [tilespmem:v38+s8+$0x0], $0xffff  }
0x1e2: {  	v39 =	vor.u32 $0x300, v0;
	_ =	sdelay $0x2  }
0x1e3: {  	s1 =	sor.u32 $0x280, s21  }
0x1e4: {  	[tilespmem:s1+$0x8400] =	vst v1  }
0x1e5: {  	v1 =	vld.idx.msk [tilespmem:v39+s8+$0x0], $0xffff  }
0x1e6: {  	v40 =	vor.u32 $0x380, v0;
	_ =	sdelay $0x2  }
0x1e7: {  	s21 =	sor.u32 $0x300, s21  }
0x1e8: {  	[tilespmem:s21+$0x8400] =	vst v1  }
0x1e9: {  	v1 =	vld.idx.msk [tilespmem:v40+s8+$0x0], $0xffff  }
0x1ea: {  	v41 =	vadd.s32 $0x2000, v0;
	_ =	sdelay $0x1  }
0x1eb: {  	s20 =	sor.u32 s20, s18  }
0x1ec: {  	s20 =	sor.u32 $0x380, s20  }
0x1ed: {  	[tilespmem:s20+$0x8400] =	vst v1  }
0x1ee: {  	v1 =	vld.idx.msk [tilespmem:v41+s8+$0x0], $0xffff  }
0x1ef: {  	v42 =	vadd.s32 $0x2080, v0;
	_ =	sdelay $0x2  }
0x1f0: {  	s23 =	sor.u32 s14, s24  }
0x1f1: {  	[tilespmem:s23+$0x0] =	vst v1  }
0x1f2: {  	v1 =	vld.idx.msk [tilespmem:v42+s8+$0x0], $0xffff  }
0x1f3: {  	v43 =	vadd.s32 $0x2100, v0;
	_ =	sdelay $0x2  }
0x1f4: {  	s25 =	sor.u32 s14, s25  }
0x1f5: {  	[tilespmem:s25+$0x0] =	vst v1  }
0x1f6: {  	v1 =	vld.idx.msk [tilespmem:v43+s8+$0x0], $0xffff  }
0x1f7: {  	v44 =	vadd.s32 $0x2180, v0;
	_ =	sdelay $0x2  }
0x1f8: {  	s28 =	sor.u32 s14, s28  }
0x1f9: {  	[tilespmem:s28+$0x0] =	vst v1  }
0x1fa: {  	v1 =	vld.idx.msk [tilespmem:v44+s8+$0x0], $0xffff  }
0x1fb: {  	v45 =	vadd.s32 $0x2200, v0;
	_ =	sdelay $0x2  }
0x1fc: {  	s1 =	sor.u32 s14, s29  }
0x1fd: {  	[tilespmem:s1+$0x0] =	vst v1  }
0x1fe: {  	v1 =	vld.idx.msk [tilespmem:v45+s8+$0x0], $0xffff  }
0x1ff: {  	v46 =	vadd.s32 $0x2280, v0;
	_ =	sdelay $0x2  }
0x200: {  	s19 =	sor.u32 s14, s19  }
0x201: {  	[tilespmem:s19+$0x0] =	vst v1  }
0x202: {  	v1 =	vld.idx.msk [tilespmem:v46+s8+$0x0], $0xffff  }
0x203: {  	v47 =	vadd.s32 $0x2300, v0;
	_ =	sdelay $0x2  }
0x204: {  	s21 =	sor.u32 s14, s30  }
0x205: {  	[tilespmem:s21+$0x0] =	vst v1  }
0x206: {  	v1 =	vld.idx.msk [tilespmem:v47+s8+$0x0], $0xffff  }
0x207: {  	v48 =	vadd.s32 $0x2380, v0;
	_ =	sdelay $0x1  }
0x208: {  	s23 =	rddreg [dreg:$0x16]  }
0x209: {  	s25 =	sor.u32 s14, s23  }
0x20a: {  	[tilespmem:s25+$0x0] =	vst v1  }
0x20b: {  	v1 =	vld.idx.msk [tilespmem:v48+s8+$0x0], $0xffff  }
0x20c: {  	v49 =	vadd.s32 $0x4000, v0;
	_ =	sdelay $0x2  }
0x20d: {  	s28 =	sor.u32 s14, s7  }
0x20e: {  	[tilespmem:s28+$0x0] =	vst v1  }
0x20f: {  	v1 =	vld.idx.msk [tilespmem:v49+s8+$0x0], $0xffff  }
0x210: {  	v50 =	vadd.s32 $0x4080, v0;
	_ =	sdelay $0x2  }
0x211: {  	s29 =	sor.u32 s14, s9  }
0x212: {  	[tilespmem:s29+$0x0] =	vst v1  }
0x213: {  	v1 =	vld.idx.msk [tilespmem:v50+s8+$0x0], $0xffff  }
0x214: {  	v51 =	vadd.s32 $0x4100, v0;
	_ =	sdelay $0x2  }
0x215: {  	s30 =	sor.u32 s14, s10  }
0x216: {  	[tilespmem:s30+$0x0] =	vst v1  }
0x217: {  	v1 =	vld.idx.msk [tilespmem:v51+s8+$0x0], $0xffff  }
0x218: {  	v52 =	vadd.s32 $0x4180, v0;
	_ =	sdelay $0x2  }
0x219: {  	s1 =	sor.u32 s14, s26  }
0x21a: {  	[tilespmem:s1+$0x0] =	vst v1  }
0x21b: {  	v1 =	vld.idx.msk [tilespmem:v52+s8+$0x0], $0xffff  }
0x21c: {  	v53 =	vadd.s32 $0x4200, v0;
	_ =	sdelay $0x2  }
0x21d: {  	s6 =	sor.u32 s14, s6  }
0x21e: {  	[tilespmem:s6+$0x0] =	vst v1  }
0x21f: {  	v1 =	vld.idx.msk [tilespmem:v53+s8+$0x0], $0xffff  }
0x220: {  	v54 =	vadd.s32 $0x4280, v0;
	_ =	sdelay $0x2  }
0x221: {  	s7 =	sor.u32 s14, s31  }
0x222: {  	[tilespmem:s7+$0x0] =	vst v1  }
0x223: {  	v1 =	vld.idx.msk [tilespmem:v54+s8+$0x0], $0xffff  }
0x224: {  	v55 =	vadd.s32 $0x4300, v0;
	_ =	sdelay $0x2  }
0x225: {  	s9 =	sor.u32 s14, s3  }
0x226: {  	[tilespmem:s9+$0x0] =	vst v1  }
0x227: {  	v1 =	vld.idx.msk [tilespmem:v55+s8+$0x0], $0xffff  }
0x228: {  	v56 =	vadd.s32 $0x4380, v0;
	_ =	sdelay $0x2  }
0x229: {  	s10 =	sor.u32 s14, s4  }
0x22a: {  	[tilespmem:s10+$0x0] =	vst v1  }
0x22b: {  	v1 =	vld.idx.msk [tilespmem:v56+s8+$0x0], $0xffff  }
0x22c: {  	v57 =	vadd.s32 $0x6000, v0;
	_ =	sdelay $0x2  }
0x22d: {  	s19 =	sor.u32 s14, s12  }
0x22e: {  	[tilespmem:s19+$0x0] =	vst v1  }
0x22f: {  	v1 =	vld.idx.msk [tilespmem:v57+s8+$0x0], $0xffff  }
0x230: {  	v58 =	vadd.s32 $0x6080, v0;
	_ =	sdelay $0x2  }
0x231: {  	s20 =	sor.u32 s14, s11  }
0x232: {  	[tilespmem:s20+$0x0] =	vst v1  }
0x233: {  	v1 =	vld.idx.msk [tilespmem:v58+s8+$0x0], $0xffff  }
0x234: {  	v59 =	vadd.s32 $0x6100, v0;
	_ =	sdelay $0x2  }
0x235: {  	s21 =	sor.u32 s14, s16  }
0x236: {  	[tilespmem:s21+$0x0] =	vst v1  }
0x237: {  	v1 =	vld.idx.msk [tilespmem:v59+s8+$0x0], $0xffff  }
0x238: {  	v60 =	vadd.s32 $0x6180, v0;
	_ =	sdelay $0x2  }
0x239: {  	s23 =	sor.u32 s14, s17  }
0x23a: {  	[tilespmem:s23+$0x0] =	vst v1  }
0x23b: {  	v1 =	vld.idx.msk [tilespmem:v60+s8+$0x0], $0xffff  }
0x23c: {  	v61 =	vadd.s32 $0x6200, v0;
	_ =	sdelay $0x1  }
0x23d: {  	s25 =	rddreg [dreg:$0xf]  }
0x23e: {  	s1 =	sor.u32 s14, s25  }
0x23f: {  	[tilespmem:s1+$0x0] =	vst v1  }
0x240: {  	v1 =	vld.idx.msk [tilespmem:v61+s8+$0x0], $0xffff  }
0x241: {  	v62 =	vadd.s32 $0x6280, v0;
	_ =	sdelay $0x2  }
0x242: {  	s26 =	sor.u32 s14, s2  }
0x243: {  	[tilespmem:s26+$0x0] =	vst v1  }
0x244: {  	v1 =	vld.idx.msk [tilespmem:v62+s8+$0x0], $0xffff  }
0x245: {  	v63 =	vadd.s32 $0x6300, v0;
	_ =	sdelay $0x2  }
0x246: {  	s28 =	sor.u32 s14, s0  }
0x247: {  	[tilespmem:s28+$0x0] =	vst v1  }
0x248: {  	v1 =	vld.idx.msk [tilespmem:v63+s8+$0x0], $0xffff  }
0x249: {  	v0 =	vadd.s32 $0x6380, v0;
	_ =	sdelay $0x2  }
0x24a: {  	s29 =	sor.u32 s14, s13;
	s30 =	rddreg [dreg:$0x9]  }
0x24b: {  	s1 =	sadd.s32 $0x4, s30;
	[tilespmem:s29+$0x0] =	vst v1  }
0x24c: {  	p2 =	slt.u32 s1, $0x1C;
	v0 =	vld.idx.msk [tilespmem:v0+s8+$0x0], $0xffff  }
.Ltmp0:
0x24d: {  	_ = 	snop;
	(pc) =	sbr.rel @p2 .LBB2_3-.Ltmp0, $4  }
0x24e: {  	s22 =	sadd.s32 $0x2, s22  }
0x24f: {  	[dreg:$0xa] =	wrdreg s22  }
0x250: {  	p1 =	por !p1, !p1;
	s24 =	rddreg [dreg:$0xb];
	s31 =	sor.u32 s14, s5  }
0x251: {  	s15 =	sadd.s32 $0x40, s15;
	s18 =	sadd.s32 $0x200, s18;
	s24 =	sadd.s32 $0x4, s24;
	[tilespmem:s31+$0x0] =	vst v0  }
0x252: {  	s0 =	rddreg [dreg:$0x5]  }
0x253: {  	s1 =	rddreg [dreg:$0x8];
	s31 =	simm.s32 $0x1000  }
0x254: {  	s2 =	simm.s32 $0x20000;
	s3 =	simm.s32 $0x8400;
	s0 =	sadd.s32 s1, s0  }
0x255: {  	[hbm4b:s0+s31] =	stream.strided.scatter [tilespmem:s3], [sflag:$0x1], $0x4000, s2, s31, $0x38;
	[tilespmem:$0xC400] =	vst v63  }
.Ltmp1:
0x256: {  	_ = 	snop;
	(pc) =	sbr.rel @p0 .LBB2_2-.Ltmp1, $4  }
0x257: {  	s0 =	simm.s32 $0x1  }
0x258: {  	_ =	swait.ge [sflag:s0], $0x4000  }
0x259: {  	[sflag:s0] =	ssyncset.done $0x0  }
0x25a: {  	p2 =	por $0x0, $0x0;
	[sflag:s0] =	ssyncadd.s32 $0xFFFFC000  }
0x25b: {  	s1 =	rddreg [dreg:$0x7]  }
0x25c: {  	s0 =	rddreg [dreg:$0x6];
	s1 =	sadd.s32 $0x1, s1  }
0x25d: {  	p0 =	sne.s32 s1, s0  }
.Ltmp2:
0x25e: {  	_ = 	snop;
	(pc) =	sbr.rel @p0 .LBB2_1-.Ltmp2, $1  }
0x25f: {  	_ =	sdelay $0x3  }
0x260: {  	_ =	sfence.sel $0x180000  }
0x261: {  	[bflag:$0x0] =	sbarrier.arrive $0xFFFF  }
0x262: {  	_ =	strace $0x90000047  }
0x263: {  	s0 =	stileid.u32;
	[bflag:$0x2] =	sbarrier.arrive $0xFFFF  }
0x264: {  	p0 =	sne.s32 s0, $0x0;
	s0 =	rddreg [dreg:$0x2]  }
0x265: {  	s0 =	sadd.s32 @!p0 $0x100000, s0  }
0x266: {  	[sflag:s0] =	ssyncadd.tile.s32 @!p0 $0x1;
	_ =	shalt  }
.Lfunc_end2:
_tile_overlayer_lowered:
.L_overlay_start_2:
0x267: {  	(tag) =	ssettag $0x2  }
0x268: {  	s0 =	rddreg [dreg:$0x0];
	s2 =	stileid.u32  }
0x269: {  	s1 =	rddreg [dreg:$0x1];
	p0 =	sne.s32 s2, $0x0  }
0x26a: {  	s3 =	rddreg [dreg:$0x2];
	[bflag:$0x3] =	sbarrier.arrive $0xFFFF;
	s2 =	simm.s32 @!p0 $0x1C01  }
0x26b: {  	[timem:s3], [sflag:s2] =	dma.local @!p0 [hbm:s0], s1  }
0x26c: {  	s0 =	simm.s32 @!p0 $0x1  }
0x26d: {  	_ =	swait.ge @!p0 [sflag:s0], s1  }
0x26e: {  	s1 =	ssub.s32 @!p0 $0x0, s1;
	[sflag:s0] =	ssyncset.done @!p0 $0x0  }
0x26f: {  	[sflag:s0] =	ssyncadd.s32 @!p0 s1  }
0x270: {  	[bflag:$0x3] =	sbarrier.arrive $0xFFFF  }
0x271: {  	_ =	shalt  }

// kernel: kernel.9.cloned.1.call-start
scs
__scs_entry_jumppad:
0x0: {  	(pc) =	sbr.rel $0x88, $3  }
0x1: {  	(tag) =	ssettag $0x0;
	lr =	simm.s32 $0x1  }
0x2: {  	[smem:$0x3F9F] =	sst lr;
	_ =	strace $0xD0000000  }
0x3: {  	_ = 	snop  }
0x4: {  	_ = 	snop  }
0x5: {  	_ = 	snop  }
0x6: {  	_ = 	snop  }
0x7: {  	_ = 	snop  }
__scs_overlays_trampoline_lowered:
0x8: {  	[smem:$0x3FAE] =	sst s0  }
0x9: {  	[smem:$0x3FAF] =	sst s1  }
0xa: {  	[smem:$0x3FB0] =	sst s2  }
0xb: {  	[smem:$0x3FB1] =	sst s3  }
0xc: {  	[smem:$0x3FB2] =	sst s4  }
0xd: {  	[smem:$0x3FB3] =	sst s5  }
0xe: {  	[smem:$0x3FB4] =	sst s6  }
0xf: {  	[smem:$0x3FB5] =	sst s7  }
0x10: {  	[smem:$0x3FB6] =	sst s8  }
0x11: {  	[smem:$0x3FB7] =	sst s9;
	s0 =	simm.s32 @!p0 $0x0  }
0x12: {  	s1 =	sld [smem:$0x3F9D];
	s0 =	simm.s32 @p0 $0x1  }
0x13: {  	[smem:$0x3FB8] =	sst s0;
	s0 =	simm.s32 @!p1 $0x0  }
0x14: {  	s2 =	sld [smem:$0x3F9C];
	s0 =	simm.s32 @p1 $0x1  }
0x15: {  	[smem:$0x3FB9] =	sst s0;
	s0 =	simm.s32 @!p2 $0x0  }
0x16: {  	s3 =	sld [smem:$0x3FDB];
	s0 =	simm.s32 @p2 $0x1  }
0x17: {  	s4 =	simm.s32 $0x1BF5;
	[smem:$0x3FBB] =	sst s0  }
0x18: {  	s0 =	sld [smem:$0x3F9E];
	_ =	swait.ge [sflag:s4], $0x0  }
0x19: {  	s7 =	sld [smem:$0x3F9F]  }
0x1a: {  	s8 =	sadd.s32 $0xFFFFE003, lr  }
0x1b: {  	s9 =	sadd.s32 $0xFFFFFEF7, lr;
	s5 =	simm.s32 $0xFFFFFFFF;
	p2 =	slt.u32 s8, $0xFFFFF086  }
0x1c: {  	p1 =	slt.u32 s9, $0xF7A;
	s5 =	simm.s32 @!p2 $0x0  }
0x1d: {  	s5 =	simm.s32 @p1 $0x1;
	p0 =	seq.s32 s7, s2  }
0x1e: {  	s7 =	smul.u32 @!p0 $0xF7A, s2;
	p2 =	seq.s32 @!p0 s5, $0x0  }
0x1f: {  	s9 =	smul.u32 $0xF7A, s1;
	s8 =	simm.s32 @!p0 $0x1BF5;
	p2 =	por !p2, p0  }
0x20: {  	[sflag:s8] =	ssyncset.s32 @!p0 $0xFFFFF086;
	s6 =	sadd.s32 @!p0 s3, s7;
	s7 =	simm.s32 @!p0 $0x108  }
0x21: {  	s3 =	sadd.s32 s3, s9;
	s6 =	sadd.s32 @!p0 $0x88, s6;
	s7 =	simm.s32 @p2 $0x1082  }
0x22: {  	[simem:s7], [sflag:s8] =	dma.local @!p0 [hbm:s6], $0xF7A  }
0x23: {  	s9 =	sor.u32 $0xD0000000, s2;
	s6 =	simm.s32 $0x108;
	_ =	swait.ge @!p0 [sflag:s8], $0x0  }
0x24: {  	s3 =	sadd.s32 $0x88, s3;
	s6 =	simm.s32 @!p1 $0x1082;
	[sflag:s4] =	ssyncset.s32 $0xFFFFF086  }
0x25: {  	[simem:s6], [sflag:s4] =	dma.local [hbm:s3], $0xF7A  }
0x26: {  	[smem:$0x3F9F] =	sst s1;
	(tag) =	ssettag s2;
	_ =	strace s9  }
0x27: {  	s1 =	sld [smem:$0x3FAF]  }
0x28: {  	s2 =	sld [smem:$0x3FB0]  }
0x29: {  	s4 =	sld [smem:$0x3FB2]  }
0x2a: {  	p0 =	seq.s32 s5, $0x0;
	s5 =	sld [smem:$0x3FB3]  }
0x2b: {  	s6 =	sld [smem:$0x3FB4]  }
0x2c: {  	s7 =	sld [smem:$0x3FB5]  }
0x2d: {  	s3 =	simm.s32 $0x108;
	s8 =	sld [smem:$0x3FB6]  }
0x2e: {  	s3 =	simm.s32 @!p0 $0x1082;
	s9 =	sld [smem:$0x3FB7]  }
0x2f: {  	lr =	sadd.s32 s0, s3;
	s0 =	sld [smem:$0x3FAE]  }
0x30: {  	s3 =	sld [smem:$0x3FB1]  }
0x31: {  	[smem:$0x3FBA] =	sst s10  }
0x32: {  	s10 =	sld [smem:$0x3FB8];
	_ =	sdelay $0x3  }
0x33: {  	p0 =	seq.s32 s10, $0x1;
	s10 =	sld [smem:$0x3FBA];
	_ =	sdelay $0x3  }
0x34: {  	[smem:$0x3FBA] =	sst s10  }
0x35: {  	s10 =	sld [smem:$0x3FB9];
	_ =	sdelay $0x3  }
0x36: {  	p1 =	seq.s32 s10, $0x1;
	s10 =	sld [smem:$0x3FBA];
	_ =	sdelay $0x3  }
0x37: {  	[smem:$0x3FBA] =	sst s10  }
0x38: {  	s10 =	sld [smem:$0x3FBB]  }
0x39: {  	_ = 	snop;
	(pc) =	sbr.ind lr, $3  }
0x3a: {  	_ = 	snop  }
0x3b: {  	_ = 	snop  }
0x3c: {  	p2 =	seq.s32 s10, $0x1;
	s10 =	sld [smem:$0x3FBA]  }
0x3d: {  	_ =	shalt  }
0x3e: {  	_ =	shalt  }
0x3f: {  	_ =	shalt  }
0x40: {  	_ =	shalt  }
0x41: {  	_ =	shalt  }
0x42: {  	_ =	shalt  }
0x43: {  	_ =	shalt  }
0x44: {  	_ =	shalt  }
0x45: {  	_ =	shalt  }
0x46: {  	_ =	shalt  }
0x47: {  	_ =	shalt  }
0x48: {  	_ =	shalt  }
0x49: {  	_ =	shalt  }
0x4a: {  	_ =	shalt  }
0x4b: {  	_ =	shalt  }
0x4c: {  	_ =	shalt  }
0x4d: {  	_ =	shalt  }
0x4e: {  	_ =	shalt  }
0x4f: {  	_ =	shalt  }
0x50: {  	_ =	shalt  }
0x51: {  	_ =	shalt  }
0x52: {  	_ =	shalt  }
0x53: {  	_ =	shalt  }
0x54: {  	_ =	shalt  }
0x55: {  	_ =	shalt  }
0x56: {  	_ =	shalt  }
0x57: {  	_ =	shalt  }
0x58: {  	_ =	shalt  }
0x59: {  	_ =	shalt  }
0x5a: {  	_ =	shalt  }
0x5b: {  	_ =	shalt  }
0x5c: {  	_ =	shalt  }
0x5d: {  	_ =	shalt  }
0x5e: {  	_ =	shalt  }
0x5f: {  	_ =	shalt  }
0x60: {  	_ =	shalt  }
0x61: {  	_ =	shalt  }
0x62: {  	_ =	shalt  }
0x63: {  	_ =	shalt  }
0x64: {  	_ =	shalt  }
0x65: {  	_ =	shalt  }
0x66: {  	_ =	shalt  }
0x67: {  	_ =	shalt  }
0x68: {  	_ =	shalt  }
0x69: {  	_ =	shalt  }
0x6a: {  	_ =	shalt  }
0x6b: {  	_ =	shalt  }
0x6c: {  	_ =	shalt  }
0x6d: {  	_ =	shalt  }
0x6e: {  	_ =	shalt  }
0x6f: {  	_ =	shalt  }
0x70: {  	_ =	shalt  }
0x71: {  	_ =	shalt  }
0x72: {  	_ =	shalt  }
0x73: {  	_ =	shalt  }
0x74: {  	_ =	shalt  }
0x75: {  	_ =	shalt  }
0x76: {  	_ =	shalt  }
0x77: {  	_ =	shalt  }
0x78: {  	_ =	shalt  }
0x79: {  	_ =	shalt  }
0x7a: {  	_ =	shalt  }
0x7b: {  	_ =	shalt  }
0x7c: {  	_ =	shalt  }
0x7d: {  	_ =	shalt  }
0x7e: {  	_ =	shalt  }
0x7f: {  	_ =	shalt  }
0x80: {  	_ =	shalt  }
0x81: {  	_ =	shalt  }
0x82: {  	_ =	shalt  }
0x83: {  	_ =	shalt  }
0x84: {  	_ =	shalt  }
0x85: {  	_ =	shalt  }
0x86: {  	_ =	shalt  }
0x87: {  	_ =	shalt  }
.Lfunc_end0:
.L_simem_size_0:
called_computation.1_lowered:
.L_overlay_start_0:
0x88: {  	s2 =	sld [smem:$0x3FD9]  }
0x89: {  	s3 =	sld [smem:$0x3FFE];
	_ =	sdelay $0x1  }
0x8a: {  	s1 =	srdreg.scid  }
0x8b: {  	s0 =	sand.u32 $0x1, s1  }
0x8c: {  	s15 =	sshll.u32 s0, $0xA;
	s2 =	sadd.s32 s3, s2  }
0x8d: {  	s2 =	sadd.s32 s2, s15  }
0x8e: {  	[smem:$0x3FC6] =	sst s2  }
0x8f: {  	_ = 	snop  }
0x90: {  	s16 =	sld [smem:$0x3FD0];
	_ =	sdelay $0x2  }
0x91: {  	s4 =	simm.s32 $0xB;
	s5 =	simm.s32 $0x10;
	s2 =	sld [smem:$0x3FC8]  }
0x92: {  	[smem:s5], [sflag:s4] =	dma.local [hbm:s16], $0x1  }
0x93: {  	_ =	swait.eq [sflag:s4], $0x1  }
0x94: {  	[sflag:s4] =	ssyncset.done $0x0  }
0x95: {  	[sflag:s4] =	ssyncadd.s32 $0xFFFFFFFF  }
0x96: {  	s17 =	sld [smem:$0x10];
	(tm) =	ssettm $0x1  }
0x97: {  	s18 =	sld [smem:$0x3FFB];
	_ =	sdelay $0x3  }
0x98: {  	_ =	strace s18  }
0x99: {  	s3 =	sld [smem:$0x3FFC];
	_ =	sdelay $0x3  }
0x9a: {  	_ =	strace s3  }
0x9b: {  	s3 =	sld [smem:$0x3FFD];
	_ =	sdelay $0x3  }
0x9c: {  	_ =	strace s3  }
0x9d: {  	_ =	strace $0x8FFFFFFF  }
0x9e: {  	s19 =	sld [smem:$0x3FDB];
	_ =	sdelay $0x1  }
0x9f: {  	s20 =	simm.s32 $_scs_section_size  }
0xa0: {  	s6 =	simm.s32 $_size__tile_overlayer_lowered;
	s7 =	simm.s32 $_tile_overlayer_lowered  }
0xa1: {  	s8 =	simm.s32 $0x1BFF;
	s21 =	sshll.u32 s7, $0x1;
	s5 =	sadd.s32 s20, s19  }
0xa2: {  	s22 =	simm.s32 $0x0;
	s6 =	sshll.u32 s6, $0x1;
	s7 =	sadd.s32 s21, s5  }
0xa3: {  	[timem:s22], [sflag:s8] =	dma.local [hbm:s7], s6  }
0xa4: {  	_ =	swait.ge [sflag:s8], s6  }
0xa5: {  	s6 =	ssub.s32 $0x0, s6;
	[sflag:s8] =	ssyncset.done $0x0  }
0xa6: {  	[sflag:s8] =	ssyncadd.s32 s6;
	_ =	sdelay $0x1  }
0xa7: {  	s23 =	simm.s32 $0x1B8B  }
0xa8: {  	_ =	swait.ge [sflag:s23], $0x1  }
0xa9: {  	[sflag:s23] =	ssyncset.done $0x0  }
0xaa: {  	[sflag:s23] =	ssyncadd.s32 $0xFFFFFFFF  }
0xab: {  	s6 =	sld [smem:$0x0]  }
0xac: {  	s7 =	sand.u32 $0xFFFFFFFE, s1  }
0xad: {  	p0 =	sne.s32 s1, s7  }
0xae: {  	s7 =	sshll.u32 @p0 s7, $0xE  }
0xaf: {  	s7 =	sadd.s32 @p0 $0x11B8D, s7;
	s8 =	sshll.u32 @p0 s6, $0x11  }
0xb0: {  	s7 =	sor.u32 @p0 s8, s7  }
0xb1: {  	[sflag:s7] =	ssyncadd.remote.s32 @p0 $0x1;
	_ =	sdelay $0x1  }
0xb2: {  	s7 =	simm.s32 @p0 $0x1B8D  }
0xb3: {  	_ =	swait.eq @p0 [sflag:s7], $0x1  }
0xb4: {  	[sflag:s7] =	ssyncadd.s32 @p0 $0xFFFFFFFF  }
0xb5: {  	s8 =	sshll.u32 @!p0 s1, $0xE  }
0xb6: {  	s8 =	sor.u32 @!p0 $0x4000, s8;
	s7 =	simm.s32 @!p0 $0x1B8D  }
0xb7: {  	s6 =	sshll.u32 @!p0 s6, $0x11;
	s8 =	sadd.s32 @!p0 $0x11B8D, s8;
	_ =	swait.eq @!p0 [sflag:s7], $0x1  }
0xb8: {  	s6 =	sor.u32 @!p0 s6, s8;
	[sflag:s7] =	ssyncadd.s32 @!p0 $0xFFFFFFFF  }
0xb9: {  	s25 =	simm.s32 $0x1B8E;
	s24 =	sld [smem:$0x3FFE];
	[sflag:s6] =	ssyncadd.remote.s32 @!p0 $0x1  }
0xba: {  	s26 =	simm.s32 $execute0_lowered;
	[smem:$0x3FD2] =	sst s25  }
0xbb: {  	s7 =	sshll.u32 s26, $0x1;
	_ =	strace $0x80000049;
	[dreg:$0x1] =	wrdreg $0xFFFFFFFF  }
0xbc: {  	s28 =	simm.s32 $_size_execute0_lowered;
	s5 =	sadd.s32 s5, s7;
	[dreg:$0x0] =	wrdreg $0x0  }
0xbd: {  	s7 =	sshll.u32 s28, $0x1;
	[dreg:$0x2] =	wrdreg s5  }
0xbe: {  	[dreg:$0x3] =	wrdreg s7  }
0xbf: {  	[dreg:$0x4] =	wrdreg $0xC0  }
0xc0: {  	_ =	task [dreg:s22], $0x5FFFF  }
0xc1: {  	[dreg:$0x1] =	wrdreg $0xFFFFFFFF  }
0xc2: {  	[dreg:$0x0] =	wrdreg $0x60  }
0xc3: {  	[dreg:$0x2] =	wrdreg s24  }
0xc4: {  	[dreg:$0x3] =	wrdreg s2  }
0xc5: {  	[dreg:$0x4] =	wrdreg s17  }
0xc6: {  	[dreg:$0x5] =	wrdreg $0xA  }
0xc7: {  	_ =	task.clear_ibuf [dreg:s22], $0x6FFFF;
	_ =	strace $0x90000049  }
0xc8: {  	s29 =	simm.s32 $0xA;
	_ =	strace $0x8000004B  }
0xc9: {  	_ =	swait.ge [sflag:s29], $0x1  }
0xca: {  	[sflag:s29] =	ssyncadd.s32 $0xFFFFFFFF  }
0xcb: {  	_ =	strace $0x9000004B  }
0xcc: {  	_ =	sfence  }
0xcd: {  	s30 =	sld [smem:$0x0];
	_ =	sdelay $0x2  }
0xce: {  	s31 =	sshll.u32 s1, $0xD;
	s1 =	sshrl.u32 s1, $0x2  }
0xcf: {  	s4 =	sand.u32 $0x4000, s31;
	s1 =	sadd.s32 s1, s30  }
0xd0: {  	s0 =	sor.u32 s4, s0;
	s1 =	sshll.u32 s1, $0x11  }
0xd1: {  	s0 =	sor.u32 s1, s0  }
0xd2: {  	s0 =	sadd.s32 $0x8F2B, s0  }
0xd3: {  	[sflag:s0] =	ssyncadd.remote.s32 $0x1  }
0xd4: {  	_ =	sfence.sel $0xFFFF  }
0xd5: {  	[dreg:$0x0] =	wrdreg $0xFFFFFFFF;
	(pc) =	sbr.abs _section_cstart, $3  }
0xd6: {  	[dreg:$0x1] =	wrdreg $0xFFFFFFFF  }
0xd7: {  	_ =	task.clear_ibuf [dreg:s22], $0x2FFFF;
	_ =	strace $0x9FFFFFFF  }
0xd8: {  	(tm) =	ssettm $0x7FFFFFFF  }
0xd9: {  	_ =	shalt  }
tec
execute0_lowered:
.L_overlay_start_1:
0x0: {  	(tag) =	ssettag $0x1  }
0x1: {  	s0 =	rddreg [dreg:$0x0]  }
0x2: {  	s1 =	rddreg [dreg:$0x2]  }
0x3: {  	s2 =	srdreg.scid;
	s3 =	simm.s32 $0x0;
	s5 =	stileid.u32  }
0x4: {  	s2 =	sand.u32 $0x1, s2;
	[smem:$0x7FF] =	sst s3;
	s28 =	sshll.u32 s5, $0xB  }
0x5: {  	s5 =	sshll.u32 s5, $0xD;
	s4 =	sshll.u32 s2, $0xA;
	s2 =	ssub.s32 $0x2, s2  }
0x6: {  	s5 =	sand.u32 $0x10000, s5;
	s3 =	sor.u32 s4, s28;
	s29 =	sshrl.u32 s2, $0x1  }
0x7: {  	s1 =	sadd.s32 s1, s5;
	s4 =	sshrl.u32 s3, $0x3;
	s3 =	sand.u32 $0x3C00, s3  }
0x8: {  	_ =	strace $0x8000004A;
	s2 =	ssub.s32 s2, s29;
	s30 =	sadd.s32 s3, s1  }
0x9: {  	s0 =	sadd.s32 s4, s0;
	s31 =	smax.u32 s2, $0x1;
	[dreg:$0x6] =	wrdreg s30  }
0xa: {  	s0 =	sadd.s32 $0x22400, s0;
	[dreg:$0x7] =	wrdreg s31  }
0xb: {  	s8 =	simm.s32 $0x400;
	s1 =	simm.s32 $0x0;
	[dreg:$0x5] =	wrdreg s0  }
.LBB2_1:
0xc: {  	[dreg:$0x8] =	wrdreg s1  }
0xd: {  	s30 =	simm.s32 $0x0;
	s0 =	rddreg [dreg:$0x5];
	s2 =	simm.s32 $0x1  }
0xe: {  	[tilespmem:s30], [sflag:$0x1] =	stream.linear.gather [hbm4b:s0+s30], $0x400, $0x38;
	[tilespmem:$0xC400] =	vst v63  }
0xf: {  	_ =	swait.ge [sflag:s2], $0x400  }
0x10: {  	[sflag:s2] =	ssyncset.done $0x0  }
0x11: {  	[sflag:s2] =	ssyncadd.s32 $0xFFFFFC00  }
0x12: {  	s31 =	rddreg [dreg:$0x1]  }
0x13: {  	[tilespmem:s8], [sflag:$0x1] =	stream.linear.gather [hbm4b:s31+s30], $0x8000, $0x38;
	[tilespmem:$0xC400] =	vst v63  }
0x14: {  	_ =	swait.ge [sflag:s2], $0x8000  }
0x15: {  	[sflag:s2] =	ssyncset.done $0x0  }
0x16: {  	p2 =	por $0x1, $0x1;
	s0 =	simm.s32 $0x0;
	[sflag:s2] =	ssyncadd.s32 $0xFFFF8000  }
.LBB2_2:
0x17: {  	s0 =	sshll.u32 s0, $0x9;
	s1 =	simm.s32 $0xFFFFFFFC;
	s15 =	simm.s32 $0x0  }
0x18: {  	p1 =	por $0x0, $0x0;
	s31 =	simm.s32 $0x0;
	[dreg:$0x9] =	wrdreg s0  }
0x19: {  	p0 =	por p2, p2;
	s0 =	sand.u32 $0x3FFFFE00, s0;
	[dreg:$0xb] =	wrdreg s31  }
0x1a: {  	s24 =	simm.s32 $0x0;
	s18 =	simm.s32 $0x0;
	[dreg:$0x4] =	wrdreg s0  }
.LBB2_3:
0x1b: {  	s0 =	rddreg [dreg:$0x4];
	s26 =	sand.u32 $0x180, s15  }
0x1c: {  	s14 =	sand.u32 $0x40, s15;
	s31 =	sadd.s32 s26, s0  }
0x1d: {  	s0 =	sadd.s32 s14, s31  }
0x1e: {  	v0 =	vld [tilespmem:s0+$0x0];
	_ =	sdelay $0x4  }
0x1f: {  	v1 =	vshll.u32 v0, $0x3  }
0x20: {  	v0 =	vand.u32 $0x7F, v0;
	v1 =	vand.u32 $0xFFFFFC00, v1  }
0x21: {  	v0 =	vor.u32 v0, v1;
	_ =	sdelay $0x4  }
0x22: {  	v1 =	vld.idx.msk [tilespmem:v0+s8+$0x0], $0xffff  }
0x23: {  	v2 =	vor.u32 $0x80, v0  }
0x24: {  	s0 =	sand.u32 $0xC00, s18  }
0x25: {  	s22 =	sadd.s32 $0x8400, s0  }
0x26: {  	s28 =	sor.u32 s14, s22  }
0x27: {  	[tilespmem:s28+$0x0] =	vst v1  }
0x28: {  	v1 =	vld.idx.msk [tilespmem:v2+s8+$0x0], $0xffff  }
0x29: {  	v62 =	vor.u32 $0x100, v0;
	_ =	sdelay $0x3  }
0x2a: {  	[tilespmem:s28+$0x80] =	vst v1  }
0x2b: {  	v1 =	vld.idx.msk [tilespmem:v62+s8+$0x0], $0xffff  }
0x2c: {  	v63 =	vor.u32 $0x180, v0;
	_ =	sdelay $0x3  }
0x2d: {  	[tilespmem:s28+$0x100] =	vst v1  }
0x2e: {  	v1 =	vld.idx.msk [tilespmem:v63+s8+$0x0], $0xffff  }
0x2f: {  	v4 =	vor.u32 $0x200, v0;
	_ =	sdelay $0x3  }
0x30: {  	[tilespmem:s28+$0x180] =	vst v1  }
0x31: {  	[dreg:$0xa] =	wrdreg s1;
	s1 =	simm.s32 $0x1;
	v1 =	vld.idx.msk [tilespmem:v4+s8+$0x0], $0xffff  }
0x32: {  	s1 =	simm.s32 @!p1 $0x0;
	v5 =	vor.u32 $0x280, v0  }
0x33: {  	s1 =	sshll.u32 s1, $0x6  }
0x34: {  	s1 =	sadd.s32 s1, s18  }
0x35: {  	s2 =	sor.u32 $0x200, s1  }
0x36: {  	[tilespmem:s2+$0x8400] =	vst v1  }
0x37: {  	v1 =	vld.idx.msk [tilespmem:v5+s8+$0x0], $0xffff  }
0x38: {  	v6 =	vor.u32 $0x300, v0;
	_ =	sdelay $0x2  }
0x39: {  	s29 =	sor.u32 $0x280, s1  }
0x3a: {  	[tilespmem:s29+$0x8400] =	vst v1  }
0x3b: {  	v1 =	vld.idx.msk [tilespmem:v6+s8+$0x0], $0xffff  }
0x3c: {  	v7 =	vor.u32 $0x380, v0;
	_ =	sdelay $0x2  }
0x3d: {  	s1 =	sor.u32 $0x300, s1  }
0x3e: {  	[tilespmem:s1+$0x8400] =	vst v1  }
0x3f: {  	v1 =	vld.idx.msk [tilespmem:v7+s8+$0x0], $0xffff  }
0x40: {  	v8 =	vadd.s32 $0x2000, v0;
	_ =	sdelay $0x1  }
0x41: {  	s30 =	sor.u32 s15, s18  }
0x42: {  	s1 =	sor.u32 $0x380, s30  }
0x43: {  	[tilespmem:s1+$0x8400] =	vst v1  }
0x44: {  	v1 =	vld.idx.msk [tilespmem:v8+s8+$0x0], $0xffff  }
0x45: {  	v9 =	vadd.s32 $0x2080, v0;
	_ =	sdelay $0x1  }
0x46: {  	s25 =	sadd.s32 $0x9400, s0  }
0x47: {  	s2 =	sor.u32 s14, s25  }
0x48: {  	[tilespmem:s2+$0x0] =	vst v1  }
0x49: {  	v1 =	vld.idx.msk [tilespmem:v9+s8+$0x0], $0xffff  }
0x4a: {  	v10 =	vadd.s32 $0x2100, v0;
	_ =	sdelay $0x1  }
0x4b: {  	s3 =	sadd.s32 $0x9480, s0  }
0x4c: {  	s1 =	sor.u32 s14, s3  }
0x4d: {  	[tilespmem:s1+$0x0] =	vst v1  }
0x4e: {  	v1 =	vld.idx.msk [tilespmem:v10+s8+$0x0], $0xffff  }
0x4f: {  	v11 =	vadd.s32 $0x2180, v0;
	_ =	sdelay $0x1  }
0x50: {  	s28 =	sadd.s32 $0x9500, s0  }
0x51: {  	s4 =	sor.u32 s14, s28  }
0x52: {  	[tilespmem:s4+$0x0] =	vst v1  }
0x53: {  	v1 =	vld.idx.msk [tilespmem:v11+s8+$0x0], $0xffff  }
0x54: {  	v12 =	vadd.s32 $0x2200, v0;
	_ =	sdelay $0x1  }
0x55: {  	s29 =	sadd.s32 $0x9580, s0  }
0x56: {  	s5 =	sor.u32 s14, s29  }
0x57: {  	[tilespmem:s5+$0x0] =	vst v1  }
0x58: {  	v1 =	vld.idx.msk [tilespmem:v12+s8+$0x0], $0xffff  }
0x59: {  	v13 =	vadd.s32 $0x2280, v0;
	_ =	sdelay $0x1  }
0x5a: {  	s19 =	sadd.s32 $0x9600, s0  }
0x5b: {  	s6 =	sor.u32 s14, s19  }
0x5c: {  	[tilespmem:s6+$0x0] =	vst v1  }
0x5d: {  	v1 =	vld.idx.msk [tilespmem:v13+s8+$0x0], $0xffff  }
0x5e: {  	v14 =	vadd.s32 $0x2300, v0;
	_ =	sdelay $0x1  }
0x5f: {  	s30 =	sadd.s32 $0x9680, s0  }
0x60: {  	s7 =	sor.u32 s14, s30  }
0x61: {  	[tilespmem:s7+$0x0] =	vst v1  }
0x62: {  	v1 =	vld.idx.msk [tilespmem:v14+s8+$0x0], $0xffff  }
0x63: {  	v15 =	vadd.s32 $0x2380, v0;
	_ =	sdelay $0x1  }
0x64: {  	s6 =	sadd.s32 $0x9700, s0  }
0x65: {  	s9 =	sor.u32 s14, s6  }
0x66: {  	[tilespmem:s9+$0x0] =	vst v1  }
0x67: {  	v1 =	vld.idx.msk [tilespmem:v15+s8+$0x0], $0xffff  }
0x68: {  	v16 =	vadd.s32 $0x4000, v0;
	_ =	sdelay $0x1  }
0x69: {  	s7 =	sadd.s32 $0x9780, s0  }
0x6a: {  	s10 =	sor.u32 s14, s7  }
0x6b: {  	[tilespmem:s10+$0x0] =	vst v1  }
0x6c: {  	v1 =	vld.idx.msk [tilespmem:v16+s8+$0x0], $0xffff  }
0x6d: {  	v17 =	vadd.s32 $0x4080, v0;
	_ =	sdelay $0x1  }
0x6e: {  	s9 =	sadd.s32 $0xA400, s0  }
0x6f: {  	s11 =	sor.u32 s14, s9  }
0x70: {  	[tilespmem:s11+$0x0] =	vst v1  }
0x71: {  	v1 =	vld.idx.msk [tilespmem:v17+s8+$0x0], $0xffff  }
0x72: {  	v18 =	vadd.s32 $0x4100, v0;
	_ =	sdelay $0x1  }
0x73: {  	s10 =	sadd.s32 $0xA480, s0  }
0x74: {  	s12 =	sor.u32 s14, s10  }
0x75: {  	[tilespmem:s12+$0x0] =	vst v1  }
0x76: {  	v1 =	vld.idx.msk [tilespmem:v18+s8+$0x0], $0xffff  }
0x77: {  	v19 =	vadd.s32 $0x4180, v0;
	_ =	sdelay $0x1  }
0x78: {  	s2 =	sadd.s32 $0xA500, s0  }
0x79: {  	s13 =	sor.u32 s14, s2  }
0x7a: {  	[tilespmem:s13+$0x0] =	vst v1  }
0x7b: {  	v1 =	vld.idx.msk [tilespmem:v19+s8+$0x0], $0xffff  }
0x7c: {  	v20 =	vadd.s32 $0x4200, v0;
	_ =	sdelay $0x1  }
0x7d: {  	s26 =	sadd.s32 $0xA580, s0  }
0x7e: {  	s16 =	sor.u32 s14, s26  }
0x7f: {  	[tilespmem:s16+$0x0] =	vst v1  }
0x80: {  	v1 =	vld.idx.msk [tilespmem:v20+s8+$0x0], $0xffff  }
0x81: {  	v21 =	vadd.s32 $0x4280, v0;
	_ =	sdelay $0x1  }
0x82: {  	s1 =	sadd.s32 $0xA600, s0  }
0x83: {  	[dreg:$0xe] =	wrdreg s3;
	s3 =	sor.u32 s14, s1  }
0x84: {  	[tilespmem:s3+$0x0] =	vst v1  }
0x85: {  	v1 =	vld.idx.msk [tilespmem:v21+s8+$0x0], $0xffff  }
0x86: {  	v22 =	vadd.s32 $0x4300, v0;
	_ =	sdelay $0x1  }
0x87: {  	s17 =	sadd.s32 $0xA680, s0  }
0x88: {  	s4 =	sor.u32 s14, s17  }
0x89: {  	[tilespmem:s4+$0x0] =	vst v1  }
0x8a: {  	v1 =	vld.idx.msk [tilespmem:v22+s8+$0x0], $0xffff  }
0x8b: {  	v23 =	vadd.s32 $0x4380, v0;
	_ =	sdelay $0x1  }
0x8c: {  	s4 =	sadd.s32 $0xA700, s0  }
0x8d: {  	s5 =	sor.u32 s14, s4  }
0x8e: {  	[tilespmem:s5+$0x0] =	vst v1  }
0x8f: {  	v1 =	vld.idx.msk [tilespmem:v23+s8+$0x0], $0xffff  }
0x90: {  	v24 =	vadd.s32 $0x6000, v0;
	_ =	sdelay $0x1  }
0x91: {  	s12 =	sadd.s32 $0xA780, s0  }
0x92: {  	s20 =	sor.u32 s14, s12  }
0x93: {  	[tilespmem:s20+$0x0] =	vst v1  }
0x94: {  	v1 =	vld.idx.msk [tilespmem:v24+s8+$0x0], $0xffff  }
0x95: {  	v25 =	vadd.s32 $0x6080, v0;
	_ =	sdelay $0x1  }
0x96: {  	s11 =	sadd.s32 $0xB400, s0  }
0x97: {  	s21 =	sor.u32 s14, s11  }
0x98: {  	[tilespmem:s21+$0x0] =	vst v1  }
0x99: {  	v1 =	vld.idx.msk [tilespmem:v25+s8+$0x0], $0xffff  }
0x9a: {  	v26 =	vadd.s32 $0x6100, v0;
	_ =	sdelay $0x1  }
0x9b: {  	s16 =	sadd.s32 $0xB480, s0  }
0x9c: {  	s23 =	sor.u32 s14, s16  }
0x9d: {  	[tilespmem:s23+$0x0] =	vst v1  }
0x9e: {  	v1 =	vld.idx.msk [tilespmem:v26+s8+$0x0], $0xffff  }
0x9f: {  	v27 =	vadd.s32 $0x6180, v0;
	_ =	sdelay $0x1  }
0xa0: {  	[dreg:$0xf] =	wrdreg s17;
	s17 =	sadd.s32 $0xB500, s0  }
0xa1: {  	s3 =	sor.u32 s14, s17  }
0xa2: {  	[tilespmem:s3+$0x0] =	vst v1  }
0xa3: {  	v1 =	vld.idx.msk [tilespmem:v27+s8+$0x0], $0xffff  }
0xa4: {  	v28 =	vadd.s32 $0x6200, v0;
	_ =	sdelay $0x1  }
0xa5: {  	s13 =	sadd.s32 $0xB580, s0  }
0xa6: {  	s20 =	sor.u32 s14, s13  }
0xa7: {  	[tilespmem:s20+$0x0] =	vst v1  }
0xa8: {  	v1 =	vld.idx.msk [tilespmem:v28+s8+$0x0], $0xffff  }
0xa9: {  	v29 =	vadd.s32 $0x6280, v0;
	_ =	sdelay $0x1  }
0xaa: {  	s21 =	sadd.s32 $0xB600, s0  }
0xab: {  	s23 =	sor.u32 s14, s21  }
0xac: {  	[tilespmem:s23+$0x0] =	vst v1  }
0xad: {  	v1 =	vld.idx.msk [tilespmem:v29+s8+$0x0], $0xffff  }
0xae: {  	v30 =	vadd.s32 $0x6300, v0;
	_ =	sdelay $0x1  }
0xaf: {  	s5 =	sadd.s32 $0xB680, s0  }
0xb0: {  	[dreg:$0x10] =	wrdreg s13;
	s13 =	sor.u32 s14, s5  }
0xb1: {  	[tilespmem:s13+$0x0] =	vst v1  }
0xb2: {  	v1 =	vld.idx.msk [tilespmem:v30+s8+$0x0], $0xffff  }
0xb3: {  	v0 =	vadd.s32 $0x6380, v0;
	_ =	sdelay $0x1  }
0xb4: {  	s13 =	sadd.s32 $0xB700, s0  }
0xb5: {  	[dreg:$0x11] =	wrdreg s21;
	s21 =	sor.u32 s14, s13  }
0xb6: {  	[tilespmem:s21+$0x0] =	vst v1  }
0xb7: {  	v0 =	vld.idx.msk [tilespmem:v0+s8+$0x0], $0xffff;
	_ =	sdelay $0x2  }
0xb8: {  	s0 =	sadd.s32 $0xB780, s0;
	s21 =	sadd.s32 $0x10, s15  }
0xb9: {  	s20 =	sor.u32 s14, s0;
	s14 =	sand.u32 $0x50, s21  }
0xba: {  	[dreg:$0x14] =	wrdreg s0;
	s0 =	sadd.s32 s14, s31;
	[tilespmem:s20+$0x0] =	vst v0  }
0xbb: {  	v0 =	vld [tilespmem:s0+$0x0];
	_ =	sdelay $0x4  }
0xbc: {  	v31 =	vshll.u32 v0, $0x3  }
0xbd: {  	v0 =	vand.u32 $0x7F, v0;
	v1 =	vand.u32 $0xFFFFFC00, v31  }
0xbe: {  	v0 =	vor.u32 v0, v1;
	_ =	sdelay $0x4  }
0xbf: {  	v1 =	vld.idx.msk [tilespmem:v0+s8+$0x0], $0xffff  }
0xc0: {  	v32 =	vor.u32 $0x80, v0;
	_ =	sdelay $0x2  }
0xc1: {  	s3 =	sor.u32 s14, s22  }
0xc2: {  	[tilespmem:s3+$0x0] =	vst v1  }
0xc3: {  	v1 =	vld.idx.msk [tilespmem:v32+s8+$0x0], $0xffff  }
0xc4: {  	v33 =	vor.u32 $0x100, v0;
	_ =	sdelay $0x3  }
0xc5: {  	[tilespmem:s3+$0x80] =	vst v1  }
0xc6: {  	v1 =	vld.idx.msk [tilespmem:v33+s8+$0x0], $0xffff  }
0xc7: {  	v34 =	vor.u32 $0x180, v0;
	_ =	sdelay $0x3  }
0xc8: {  	[tilespmem:s3+$0x100] =	vst v1  }
0xc9: {  	v1 =	vld.idx.msk [tilespmem:v34+s8+$0x0], $0xffff  }
0xca: {  	v35 =	vor.u32 $0x200, v0;
	_ =	sdelay $0x3  }
0xcb: {  	[tilespmem:s3+$0x180] =	vst v1  }
0xcc: {  	s23 =	sand.u32 $0x7, s24;
	v1 =	vld.idx.msk [tilespmem:v35+s8+$0x0], $0xffff  }
0xcd: {  	s20 =	sshll.u32 s23, $0x4;
	v36 =	vor.u32 $0x280, v0  }
0xce: {  	[dreg:$0xc] =	wrdreg s24;
	s24 =	sadd.s32 s18, s20  }
0xcf: {  	s20 =	sadd.s32 $0x10, s24  }
0xd0: {  	s23 =	sor.u32 $0x200, s20  }
0xd1: {  	[tilespmem:s23+$0x8400] =	vst v1  }
0xd2: {  	v1 =	vld.idx.msk [tilespmem:v36+s8+$0x0], $0xffff  }
0xd3: {  	v37 =	vor.u32 $0x300, v0;
	_ =	sdelay $0x2  }
0xd4: {  	s3 =	sor.u32 $0x280, s20  }
0xd5: {  	[tilespmem:s3+$0x8400] =	vst v1  }
0xd6: {  	v1 =	vld.idx.msk [tilespmem:v37+s8+$0x0], $0xffff  }
0xd7: {  	v38 =	vor.u32 $0x380, v0;
	_ =	sdelay $0x2  }
0xd8: {  	s20 =	sor.u32 $0x300, s20  }
0xd9: {  	[tilespmem:s20+$0x8400] =	vst v1  }
0xda: {  	v1 =	vld.idx.msk [tilespmem:v38+s8+$0x0], $0xffff  }
0xdb: {  	v39 =	vadd.s32 $0x2000, v0;
	_ =	sdelay $0x1  }
0xdc: {  	[dreg:$0xd] =	wrdreg s24;
	s24 =	sor.u32 s21, s18  }
0xdd: {  	s20 =	sor.u32 $0x380, s24  }
0xde: {  	[tilespmem:s20+$0x8400] =	vst v1  }
0xdf: {  	v1 =	vld.idx.msk [tilespmem:v39+s8+$0x0], $0xffff  }
0xe0: {  	v40 =	vadd.s32 $0x2080, v0;
	_ =	sdelay $0x2  }
0xe1: {  	s24 =	smov.u32 s25;
	s25 =	sor.u32 s14, s25  }
0xe2: {  	[tilespmem:s25+$0x0] =	vst v1  }
0xe3: {  	v1 =	vld.idx.msk [tilespmem:v40+s8+$0x0], $0xffff  }
0xe4: {  	v41 =	vadd.s32 $0x2100, v0;
	_ =	sdelay $0x1  }
0xe5: {  	s25 =	rddreg [dreg:$0xe]  }
0xe6: {  	s0 =	sor.u32 s14, s25  }
0xe7: {  	[tilespmem:s0+$0x0] =	vst v1  }
0xe8: {  	v1 =	vld.idx.msk [tilespmem:v41+s8+$0x0], $0xffff  }
0xe9: {  	v42 =	vadd.s32 $0x2180, v0;
	_ =	sdelay $0x2  }
0xea: {  	s3 =	sor.u32 s14, s28  }
0xeb: {  	[tilespmem:s3+$0x0] =	vst v1  }
0xec: {  	v1 =	vld.idx.msk [tilespmem:v42+s8+$0x0], $0xffff  }
0xed: {  	v43 =	vadd.s32 $0x2200, v0;
	_ =	sdelay $0x2  }
0xee: {  	s21 =	sor.u32 s14, s29  }
0xef: {  	[tilespmem:s21+$0x0] =	vst v1  }
0xf0: {  	v1 =	vld.idx.msk [tilespmem:v43+s8+$0x0], $0xffff  }
0xf1: {  	v44 =	vadd.s32 $0x2280, v0;
	_ =	sdelay $0x2  }
0xf2: {  	s23 =	sor.u32 s14, s19  }
0xf3: {  	[tilespmem:s23+$0x0] =	vst v1  }
0xf4: {  	v1 =	vld.idx.msk [tilespmem:v44+s8+$0x0], $0xffff  }
0xf5: {  	v45 =	vadd.s32 $0x2300, v0;
	_ =	sdelay $0x2  }
0xf6: {  	s0 =	sor.u32 s14, s30  }
0xf7: {  	[tilespmem:s0+$0x0] =	vst v1  }
0xf8: {  	v1 =	vld.idx.msk [tilespmem:v45+s8+$0x0], $0xffff  }
0xf9: {  	v46 =	vadd.s32 $0x2380, v0;
	_ =	sdelay $0x2  }
0xfa: {  	s3 =	sor.u32 s14, s6  }
0xfb: {  	[tilespmem:s3+$0x0] =	vst v1  }
0xfc: {  	v1 =	vld.idx.msk [tilespmem:v46+s8+$0x0], $0xffff  }
0xfd: {  	v47 =	vadd.s32 $0x4000, v0;
	_ =	sdelay $0x2  }
0xfe: {  	s21 =	sor.u32 s14, s7  }
0xff: {  	[tilespmem:s21+$0x0] =	vst v1  }
0x100: {  	v1 =	vld.idx.msk [tilespmem:v47+s8+$0x0], $0xffff  }
0x101: {  	v48 =	vadd.s32 $0x4080, v0;
	_ =	sdelay $0x2  }
0x102: {  	s23 =	sor.u32 s14, s9  }
0x103: {  	[tilespmem:s23+$0x0] =	vst v1  }
0x104: {  	v1 =	vld.idx.msk [tilespmem:v48+s8+$0x0], $0xffff  }
0x105: {  	v49 =	vadd.s32 $0x4100, v0;
	_ =	sdelay $0x2  }
0x106: {  	s0 =	sor.u32 s14, s10  }
0x107: {  	[tilespmem:s0+$0x0] =	vst v1  }
0x108: {  	v1 =	vld.idx.msk [tilespmem:v49+s8+$0x0], $0xffff  }
0x109: {  	v50 =	vadd.s32 $0x4180, v0;
	_ =	sdelay $0x2  }
0x10a: {  	s3 =	sor.u32 s14, s2  }
0x10b: {  	[tilespmem:s3+$0x0] =	vst v1  }
0x10c: {  	v1 =	vld.idx.msk [tilespmem:v50+s8+$0x0], $0xffff  }
0x10d: {  	v51 =	vadd.s32 $0x4200, v0;
	_ =	sdelay $0x2  }
0x10e: {  	s21 =	sor.u32 s14, s26  }
0x10f: {  	[tilespmem:s21+$0x0] =	vst v1  }
0x110: {  	v1 =	vld.idx.msk [tilespmem:v51+s8+$0x0], $0xffff  }
0x111: {  	v52 =	vadd.s32 $0x4280, v0;
	_ =	sdelay $0x2  }
0x112: {  	s23 =	sor.u32 s14, s1  }
0x113: {  	[tilespmem:s23+$0x0] =	vst v1  }
0x114: {  	v1 =	vld.idx.msk [tilespmem:v52+s8+$0x0], $0xffff  }
0x115: {  	v53 =	vadd.s32 $0x4300, v0  }
0x116: {  	[dreg:$0x15] =	wrdreg s1  }
0x117: {  	s1 =	rddreg [dreg:$0xf]  }
0x118: {  	s0 =	sor.u32 s14, s1  }
0x119: {  	[tilespmem:s0+$0x0] =	vst v1  }
0x11a: {  	v1 =	vld.idx.msk [tilespmem:v53+s8+$0x0], $0xffff  }
0x11b: {  	v54 =	vadd.s32 $0x4380, v0;
	_ =	sdelay $0x2  }
0x11c: {  	s3 =	sor.u32 s14, s4  }
0x11d: {  	[tilespmem:s3+$0x0] =	vst v1  }
0x11e: {  	v1 =	vld.idx.msk [tilespmem:v54+s8+$0x0], $0xffff  }
0x11f: {  	v55 =	vadd.s32 $0x6000, v0;
	_ =	sdelay $0x2  }
0x120: {  	s21 =	sor.u32 s14, s12  }
0x121: {  	[tilespmem:s21+$0x0] =	vst v1  }
0x122: {  	v1 =	vld.idx.msk [tilespmem:v55+s8+$0x0], $0xffff  }
0x123: {  	v56 =	vadd.s32 $0x6080, v0;
	_ =	sdelay $0x2  }
0x124: {  	s23 =	sor.u32 s14, s11  }
0x125: {  	[tilespmem:s23+$0x0] =	vst v1  }
0x126: {  	v1 =	vld.idx.msk [tilespmem:v56+s8+$0x0], $0xffff  }
0x127: {  	v57 =	vadd.s32 $0x6100, v0;
	_ =	sdelay $0x2  }
0x128: {  	s0 =	sor.u32 s14, s16  }
0x129: {  	[tilespmem:s0+$0x0] =	vst v1  }
0x12a: {  	v1 =	vld.idx.msk [tilespmem:v57+s8+$0x0], $0xffff  }
0x12b: {  	v58 =	vadd.s32 $0x6180, v0;
	_ =	sdelay $0x2  }
0x12c: {  	s3 =	sor.u32 s14, s17  }
0x12d: {  	[tilespmem:s3+$0x0] =	vst v1  }
0x12e: {  	v1 =	vld.idx.msk [tilespmem:v58+s8+$0x0], $0xffff  }
0x12f: {  	v59 =	vadd.s32 $0x6200, v0;
	_ =	sdelay $0x1  }
0x130: {  	s0 =	rddreg [dreg:$0x10]  }
0x131: {  	s21 =	sor.u32 s14, s0  }
0x132: {  	[tilespmem:s21+$0x0] =	vst v1  }
0x133: {  	v1 =	vld.idx.msk [tilespmem:v59+s8+$0x0], $0xffff  }
0x134: {  	v60 =	vadd.s32 $0x6280, v0;
	_ =	sdelay $0x1  }
0x135: {  	s3 =	rddreg [dreg:$0x11]  }
0x136: {  	s23 =	sor.u32 s14, s3  }
0x137: {  	[tilespmem:s23+$0x0] =	vst v1  }
0x138: {  	v1 =	vld.idx.msk [tilespmem:v60+s8+$0x0], $0xffff  }
0x139: {  	v61 =	vadd.s32 $0x6300, v0;
	_ =	sdelay $0x2  }
0x13a: {  	[dreg:$0x16] =	wrdreg s5;
	s5 =	sor.u32 s14, s5  }
0x13b: {  	[tilespmem:s5+$0x0] =	vst v1  }
0x13c: {  	v1 =	vld.idx.msk [tilespmem:v61+s8+$0x0], $0xffff  }
0x13d: {  	v0 =	vadd.s32 $0x6380, v0;
	_ =	sdelay $0x2  }
0x13e: {  	s21 =	sor.u32 s14, s13  }
0x13f: {  	[tilespmem:s21+$0x0] =	vst v1  }
0x140: {  	v0 =	vld.idx.msk [tilespmem:v0+s8+$0x0], $0xffff;
	_ =	sdelay $0x2  }
0x141: {  	s20 =	sadd.s32 $0x20, s15;
	s5 =	rddreg [dreg:$0x14]  }
0x142: {  	s23 =	sor.u32 s14, s5;
	s14 =	sand.u32 $0x60, s20  }
0x143: {  	[dreg:$0x13] =	wrdreg s31;
	s31 =	sadd.s32 s14, s31;
	[tilespmem:s23+$0x0] =	vst v0  }
0x144: {  	v0 =	vld [tilespmem:s31+$0x0];
	_ =	sdelay $0x4  }
0x145: {  	v62 =	vshll.u32 v0, $0x3  }
0x146: {  	v0 =	vand.u32 $0x7F, v0;
	v1 =	vand.u32 $0xFFFFFC00, v62  }
0x147: {  	v0 =	vor.u32 v0, v1;
	_ =	sdelay $0x4  }
0x148: {  	v1 =	vld.idx.msk [tilespmem:v0+s8+$0x0], $0xffff  }
0x149: {  	v63 =	vor.u32 $0x80, v0;
	_ =	sdelay $0x2  }
0x14a: {  	[dreg:$0x12] =	wrdreg s22;
	s22 =	sor.u32 s14, s22  }
0x14b: {  	[tilespmem:s22+$0x0] =	vst v1  }
0x14c: {  	v1 =	vld.idx.msk [tilespmem:v63+s8+$0x0], $0xffff  }
0x14d: {  	v4 =	vor.u32 $0x100, v0;
	_ =	sdelay $0x3  }
0x14e: {  	[tilespmem:s22+$0x80] =	vst v1  }
0x14f: {  	v1 =	vld.idx.msk [tilespmem:v4+s8+$0x0], $0xffff  }
0x150: {  	v5 =	vor.u32 $0x180, v0;
	_ =	sdelay $0x3  }
0x151: {  	[tilespmem:s22+$0x100] =	vst v1  }
0x152: {  	v1 =	vld.idx.msk [tilespmem:v5+s8+$0x0], $0xffff  }
0x153: {  	v6 =	vor.u32 $0x200, v0;
	_ =	sdelay $0x3  }
0x154: {  	[tilespmem:s22+$0x180] =	vst v1;
	s22 =	rddreg [dreg:$0xb]  }
0x155: {  	v1 =	vld.idx.msk [tilespmem:v6+s8+$0x0], $0xffff;
	s23 =	sand.u32 $0x3, s22  }
0x156: {  	v7 =	vor.u32 $0x280, v0;
	s21 =	sshll.u32 s23, $0x5  }
0x157: {  	s21 =	sadd.s32 s18, s21  }
0x158: {  	s21 =	sadd.s32 $0x20, s21  }
0x159: {  	s31 =	sor.u32 $0x200, s21  }
0x15a: {  	[tilespmem:s31+$0x8400] =	vst v1  }
0x15b: {  	v1 =	vld.idx.msk [tilespmem:v7+s8+$0x0], $0xffff  }
0x15c: {  	v8 =	vor.u32 $0x300, v0;
	_ =	sdelay $0x2  }
0x15d: {  	s31 =	sor.u32 $0x280, s21  }
0x15e: {  	[tilespmem:s31+$0x8400] =	vst v1  }
0x15f: {  	v1 =	vld.idx.msk [tilespmem:v8+s8+$0x0], $0xffff  }
0x160: {  	v9 =	vor.u32 $0x380, v0;
	_ =	sdelay $0x2  }
0x161: {  	s21 =	sor.u32 $0x300, s21  }
0x162: {  	[tilespmem:s21+$0x8400] =	vst v1  }
0x163: {  	v1 =	vld.idx.msk [tilespmem:v9+s8+$0x0], $0xffff  }
0x164: {  	v10 =	vadd.s32 $0x2000, v0;
	_ =	sdelay $0x1  }
0x165: {  	s20 =	sor.u32 s20, s18  }
0x166: {  	s20 =	sor.u32 $0x380, s20  }
0x167: {  	[tilespmem:s20+$0x8400] =	vst v1  }
0x168: {  	v1 =	vld.idx.msk [tilespmem:v10+s8+$0x0], $0xffff  }
0x169: {  	v11 =	vadd.s32 $0x2080, v0;
	_ =	sdelay $0x2  }
0x16a: {  	s31 =	sor.u32 s14, s24  }
0x16b: {  	[tilespmem:s31+$0x0] =	vst v1  }
0x16c: {  	v1 =	vld.idx.msk [tilespmem:v11+s8+$0x0], $0xffff  }
0x16d: {  	v12 =	vadd.s32 $0x2100, v0;
	_ =	sdelay $0x2  }
0x16e: {  	s21 =	sor.u32 s14, s25  }
0x16f: {  	[tilespmem:s21+$0x0] =	vst v1  }
0x170: {  	v1 =	vld.idx.msk [tilespmem:v12+s8+$0x0], $0xffff  }
0x171: {  	v13 =	vadd.s32 $0x2180, v0;
	_ =	sdelay $0x2  }
0x172: {  	s23 =	sor.u32 s14, s28  }
0x173: {  	[tilespmem:s23+$0x0] =	vst v1  }
0x174: {  	v1 =	vld.idx.msk [tilespmem:v13+s8+$0x0], $0xffff  }
0x175: {  	v14 =	vadd.s32 $0x2200, v0;
	_ =	sdelay $0x2  }
0x176: {  	s31 =	sor.u32 s14, s29  }
0x177: {  	[tilespmem:s31+$0x0] =	vst v1  }
0x178: {  	v1 =	vld.idx.msk [tilespmem:v14+s8+$0x0], $0xffff  }
0x179: {  	v15 =	vadd.s32 $0x2280, v0;
	_ =	sdelay $0x2  }
0x17a: {  	s21 =	sor.u32 s14, s19  }
0x17b: {  	[tilespmem:s21+$0x0] =	vst v1  }
0x17c: {  	v1 =	vld.idx.msk [tilespmem:v15+s8+$0x0], $0xffff  }
0x17d: {  	v16 =	vadd.s32 $0x2300, v0;
	_ =	sdelay $0x2  }
0x17e: {  	s23 =	sor.u32 s14, s30  }
0x17f: {  	[tilespmem:s23+$0x0] =	vst v1  }
0x180: {  	v1 =	vld.idx.msk [tilespmem:v16+s8+$0x0], $0xffff  }
0x181: {  	v17 =	vadd.s32 $0x2380, v0;
	_ =	sdelay $0x2  }
0x182: {  	s31 =	sor.u32 s14, s6  }
0x183: {  	[tilespmem:s31+$0x0] =	vst v1  }
0x184: {  	v1 =	vld.idx.msk [tilespmem:v17+s8+$0x0], $0xffff  }
0x185: {  	v18 =	vadd.s32 $0x4000, v0;
	_ =	sdelay $0x2  }
0x186: {  	[dreg:$0x17] =	wrdreg s6;
	s6 =	sor.u32 s14, s7  }
0x187: {  	[tilespmem:s6+$0x0] =	vst v1  }
0x188: {  	v1 =	vld.idx.msk [tilespmem:v18+s8+$0x0], $0xffff  }
0x189: {  	v19 =	vadd.s32 $0x4080, v0;
	_ =	sdelay $0x2  }
0x18a: {  	s21 =	sor.u32 s14, s9  }
0x18b: {  	[tilespmem:s21+$0x0] =	vst v1  }
0x18c: {  	v1 =	vld.idx.msk [tilespmem:v19+s8+$0x0], $0xffff  }
0x18d: {  	v20 =	vadd.s32 $0x4100, v0;
	_ =	sdelay $0x2  }
0x18e: {  	s23 =	sor.u32 s14, s10  }
0x18f: {  	[tilespmem:s23+$0x0] =	vst v1  }
0x190: {  	v1 =	vld.idx.msk [tilespmem:v20+s8+$0x0], $0xffff  }
0x191: {  	v21 =	vadd.s32 $0x4180, v0;
	_ =	sdelay $0x2  }
0x192: {  	s31 =	sor.u32 s14, s2  }
0x193: {  	[tilespmem:s31+$0x0] =	vst v1  }
0x194: {  	v1 =	vld.idx.msk [tilespmem:v21+s8+$0x0], $0xffff  }
0x195: {  	v22 =	vadd.s32 $0x4200, v0;
	_ =	sdelay $0x2  }
0x196: {  	s6 =	sor.u32 s14, s26  }
0x197: {  	[tilespmem:s6+$0x0] =	vst v1  }
0x198: {  	v1 =	vld.idx.msk [tilespmem:v22+s8+$0x0], $0xffff  }
0x199: {  	v23 =	vadd.s32 $0x4280, v0;
	_ =	sdelay $0x1  }
0x19a: {  	s6 =	rddreg [dreg:$0x15]  }
0x19b: {  	s21 =	sor.u32 s14, s6  }
0x19c: {  	[tilespmem:s21+$0x0] =	vst v1  }
0x19d: {  	v1 =	vld.idx.msk [tilespmem:v23+s8+$0x0], $0xffff  }
0x19e: {  	v24 =	vadd.s32 $0x4300, v0;
	_ =	sdelay $0x2  }
0x19f: {  	s23 =	sor.u32 s14, s1  }
0x1a0: {  	[tilespmem:s23+$0x0] =	vst v1  }
0x1a1: {  	v1 =	vld.idx.msk [tilespmem:v24+s8+$0x0], $0xffff  }
0x1a2: {  	v25 =	vadd.s32 $0x4380, v0;
	_ =	sdelay $0x2  }
0x1a3: {  	s21 =	sor.u32 s14, s4  }
0x1a4: {  	[tilespmem:s21+$0x0] =	vst v1  }
0x1a5: {  	v1 =	vld.idx.msk [tilespmem:v25+s8+$0x0], $0xffff  }
0x1a6: {  	v26 =	vadd.s32 $0x6000, v0;
	_ =	sdelay $0x2  }
0x1a7: {  	s23 =	sor.u32 s14, s12  }
0x1a8: {  	[tilespmem:s23+$0x0] =	vst v1  }
0x1a9: {  	v1 =	vld.idx.msk [tilespmem:v26+s8+$0x0], $0xffff  }
0x1aa: {  	v27 =	vadd.s32 $0x6080, v0;
	_ =	sdelay $0x2  }
0x1ab: {  	s31 =	smov.u32 s1;
	s1 =	sor.u32 s14, s11  }
0x1ac: {  	[tilespmem:s1+$0x0] =	vst v1  }
0x1ad: {  	v1 =	vld.idx.msk [tilespmem:v27+s8+$0x0], $0xffff  }
0x1ae: {  	v28 =	vadd.s32 $0x6100, v0;
	_ =	sdelay $0x2  }
0x1af: {  	s21 =	sor.u32 s14, s16  }
0x1b0: {  	[tilespmem:s21+$0x0] =	vst v1  }
0x1b1: {  	v1 =	vld.idx.msk [tilespmem:v28+s8+$0x0], $0xffff  }
0x1b2: {  	v29 =	vadd.s32 $0x6180, v0;
	_ =	sdelay $0x2  }
0x1b3: {  	s23 =	sor.u32 s14, s17  }
0x1b4: {  	[tilespmem:s23+$0x0] =	vst v1  }
0x1b5: {  	v1 =	vld.idx.msk [tilespmem:v29+s8+$0x0], $0xffff  }
0x1b6: {  	v30 =	vadd.s32 $0x6200, v0;
	_ =	sdelay $0x2  }
0x1b7: {  	s0 =	sor.u32 s14, s0  }
0x1b8: {  	[tilespmem:s0+$0x0] =	vst v1  }
0x1b9: {  	v1 =	vld.idx.msk [tilespmem:v30+s8+$0x0], $0xffff  }
0x1ba: {  	v31 =	vadd.s32 $0x6280, v0;
	_ =	sdelay $0x2  }
0x1bb: {  	s1 =	sor.u32 s14, s3  }
0x1bc: {  	[tilespmem:s1+$0x0] =	vst v1  }
0x1bd: {  	v1 =	vld.idx.msk [tilespmem:v31+s8+$0x0], $0xffff  }
0x1be: {  	v32 =	vadd.s32 $0x6300, v0;
	_ =	sdelay $0x1  }
0x1bf: {  	s0 =	rddreg [dreg:$0x16]  }
0x1c0: {  	s21 =	sor.u32 s14, s0  }
0x1c1: {  	[tilespmem:s21+$0x0] =	vst v1  }
0x1c2: {  	v1 =	vld.idx.msk [tilespmem:v32+s8+$0x0], $0xffff  }
0x1c3: {  	v0 =	vadd.s32 $0x6380, v0;
	_ =	sdelay $0x2  }
0x1c4: {  	s23 =	sor.u32 s14, s13  }
0x1c5: {  	[tilespmem:s23+$0x0] =	vst v1  }
0x1c6: {  	v0 =	vld.idx.msk [tilespmem:v0+s8+$0x0], $0xffff;
	_ =	sdelay $0x2  }
0x1c7: {  	s20 =	sadd.s32 $0x30, s15  }
0x1c8: {  	s1 =	sor.u32 s14, s5;
	s14 =	sand.u32 $0x70, s20;
	s23 =	rddreg [dreg:$0x13]  }
0x1c9: {  	[tilespmem:s1+$0x0] =	vst v0;
	s1 =	sadd.s32 s14, s23  }
0x1ca: {  	v0 =	vld [tilespmem:s1+$0x0];
	_ =	sdelay $0x4  }
0x1cb: {  	v33 =	vshll.u32 v0, $0x3  }
0x1cc: {  	v0 =	vand.u32 $0x7F, v0;
	v1 =	vand.u32 $0xFFFFFC00, v33  }
0x1cd: {  	v0 =	vor.u32 v0, v1;
	_ =	sdelay $0x4  }
0x1ce: {  	v1 =	vld.idx.msk [tilespmem:v0+s8+$0x0], $0xffff  }
0x1cf: {  	v34 =	vor.u32 $0x80, v0;
	_ =	sdelay $0x1  }
0x1d0: {  	s23 =	rddreg [dreg:$0x12]  }
0x1d1: {  	s1 =	sor.u32 s14, s23  }
0x1d2: {  	[tilespmem:s1+$0x0] =	vst v1  }
0x1d3: {  	v1 =	vld.idx.msk [tilespmem:v34+s8+$0x0], $0xffff  }
0x1d4: {  	v35 =	vor.u32 $0x100, v0;
	_ =	sdelay $0x3  }
0x1d5: {  	[tilespmem:s1+$0x80] =	vst v1  }
0x1d6: {  	v1 =	vld.idx.msk [tilespmem:v35+s8+$0x0], $0xffff  }
0x1d7: {  	v36 =	vor.u32 $0x180, v0;
	_ =	sdelay $0x3  }
0x1d8: {  	[tilespmem:s1+$0x100] =	vst v1  }
0x1d9: {  	v1 =	vld.idx.msk [tilespmem:v36+s8+$0x0], $0xffff  }
0x1da: {  	v37 =	vor.u32 $0x200, v0;
	_ =	sdelay $0x3  }
0x1db: {  	[tilespmem:s1+$0x180] =	vst v1  }
0x1dc: {  	v1 =	vld.idx.msk [tilespmem:v37+s8+$0x0], $0xffff  }
0x1dd: {  	v38 =	vor.u32 $0x280, v0  }
0x1de: {  	s23 =	rddreg [dreg:$0xd]  }
0x1df: {  	s21 =	sadd.s32 $0x30, s23  }
0x1e0: {  	s1 =	sor.u32 $0x200, s21  }
0x1e1: {  	[tilespmem:s1+$0x8400] =	vst v1  }
0x1e2: {  	v1 =	vld.idx.msk [tilespmem:v38+s8+$0x0], $0xffff  }
0x1e3: {  	v39 =	vor.u32 $0x300, v0;
	_ =	sdelay $0x2  }
0x1e4: {  	s1 =	sor.u32 $0x280, s21  }
0x1e5: {  	[tilespmem:s1+$0x8400] =	vst v1  }
0x1e6: {  	v1 =	vld.idx.msk [tilespmem:v39+s8+$0x0], $0xffff  }
0x1e7: {  	v40 =	vor.u32 $0x380, v0;
	_ =	sdelay $0x2  }
0x1e8: {  	s21 =	sor.u32 $0x300, s21  }
0x1e9: {  	[tilespmem:s21+$0x8400] =	vst v1  }
0x1ea: {  	v1 =	vld.idx.msk [tilespmem:v40+s8+$0x0], $0xffff  }
0x1eb: {  	v41 =	vadd.s32 $0x2000, v0;
	_ =	sdelay $0x1  }
0x1ec: {  	s20 =	sor.u32 s20, s18  }
0x1ed: {  	s20 =	sor.u32 $0x380, s20  }
0x1ee: {  	[tilespmem:s20+$0x8400] =	vst v1  }
0x1ef: {  	v1 =	vld.idx.msk [tilespmem:v41+s8+$0x0], $0xffff  }
0x1f0: {  	v42 =	vadd.s32 $0x2080, v0;
	_ =	sdelay $0x2  }
0x1f1: {  	s23 =	sor.u32 s14, s24  }
0x1f2: {  	[tilespmem:s23+$0x0] =	vst v1  }
0x1f3: {  	v1 =	vld.idx.msk [tilespmem:v42+s8+$0x0], $0xffff  }
0x1f4: {  	v43 =	vadd.s32 $0x2100, v0;
	_ =	sdelay $0x2  }
0x1f5: {  	s25 =	sor.u32 s14, s25  }
0x1f6: {  	[tilespmem:s25+$0x0] =	vst v1  }
0x1f7: {  	v1 =	vld.idx.msk [tilespmem:v43+s8+$0x0], $0xffff  }
0x1f8: {  	v44 =	vadd.s32 $0x2180, v0;
	_ =	sdelay $0x2  }
0x1f9: {  	s28 =	sor.u32 s14, s28  }
0x1fa: {  	[tilespmem:s28+$0x0] =	vst v1  }
0x1fb: {  	v1 =	vld.idx.msk [tilespmem:v44+s8+$0x0], $0xffff  }
0x1fc: {  	v45 =	vadd.s32 $0x2200, v0;
	_ =	sdelay $0x2  }
0x1fd: {  	s29 =	sor.u32 s14, s29  }
0x1fe: {  	[tilespmem:s29+$0x0] =	vst v1  }
0x1ff: {  	v1 =	vld.idx.msk [tilespmem:v45+s8+$0x0], $0xffff  }
0x200: {  	v46 =	vadd.s32 $0x2280, v0;
	_ =	sdelay $0x2  }
0x201: {  	s1 =	sor.u32 s14, s19  }
0x202: {  	[tilespmem:s1+$0x0] =	vst v1  }
0x203: {  	v1 =	vld.idx.msk [tilespmem:v46+s8+$0x0], $0xffff  }
0x204: {  	v47 =	vadd.s32 $0x2300, v0;
	_ =	sdelay $0x2  }
0x205: {  	s19 =	sor.u32 s14, s30  }
0x206: {  	[tilespmem:s19+$0x0] =	vst v1  }
0x207: {  	v1 =	vld.idx.msk [tilespmem:v47+s8+$0x0], $0xffff  }
0x208: {  	v48 =	vadd.s32 $0x2380, v0;
	_ =	sdelay $0x1  }
0x209: {  	s21 =	rddreg [dreg:$0x17]  }
0x20a: {  	s23 =	sor.u32 s14, s21  }
0x20b: {  	[tilespmem:s23+$0x0] =	vst v1  }
0x20c: {  	v1 =	vld.idx.msk [tilespmem:v48+s8+$0x0], $0xffff  }
0x20d: {  	v49 =	vadd.s32 $0x4000, v0;
	_ =	sdelay $0x2  }
0x20e: {  	s25 =	sor.u32 s14, s7  }
0x20f: {  	[tilespmem:s25+$0x0] =	vst v1  }
0x210: {  	v1 =	vld.idx.msk [tilespmem:v49+s8+$0x0], $0xffff  }
0x211: {  	v50 =	vadd.s32 $0x4080, v0;
	_ =	sdelay $0x2  }
0x212: {  	s28 =	sor.u32 s14, s9  }
0x213: {  	[tilespmem:s28+$0x0] =	vst v1  }
0x214: {  	v1 =	vld.idx.msk [tilespmem:v50+s8+$0x0], $0xffff  }
0x215: {  	v51 =	vadd.s32 $0x4100, v0;
	_ =	sdelay $0x2  }
0x216: {  	s29 =	sor.u32 s14, s10  }
0x217: {  	[tilespmem:s29+$0x0] =	vst v1  }
0x218: {  	v1 =	vld.idx.msk [tilespmem:v51+s8+$0x0], $0xffff  }
0x219: {  	v52 =	vadd.s32 $0x4180, v0;
	_ =	sdelay $0x2  }
0x21a: {  	s30 =	sor.u32 s14, s2  }
0x21b: {  	[tilespmem:s30+$0x0] =	vst v1  }
0x21c: {  	v1 =	vld.idx.msk [tilespmem:v52+s8+$0x0], $0xffff  }
0x21d: {  	v53 =	vadd.s32 $0x4200, v0;
	_ =	sdelay $0x2  }
0x21e: {  	s1 =	sor.u32 s14, s26  }
0x21f: {  	[tilespmem:s1+$0x0] =	vst v1  }
0x220: {  	v1 =	vld.idx.msk [tilespmem:v53+s8+$0x0], $0xffff  }
0x221: {  	v54 =	vadd.s32 $0x4280, v0;
	_ =	sdelay $0x2  }
0x222: {  	s7 =	sor.u32 s14, s6  }
0x223: {  	[tilespmem:s7+$0x0] =	vst v1  }
0x224: {  	v1 =	vld.idx.msk [tilespmem:v54+s8+$0x0], $0xffff  }
0x225: {  	v55 =	vadd.s32 $0x4300, v0;
	_ =	sdelay $0x2  }
0x226: {  	s9 =	sor.u32 s14, s31  }
0x227: {  	[tilespmem:s9+$0x0] =	vst v1  }
0x228: {  	v1 =	vld.idx.msk [tilespmem:v55+s8+$0x0], $0xffff  }
0x229: {  	v56 =	vadd.s32 $0x4380, v0;
	_ =	sdelay $0x2  }
0x22a: {  	s10 =	sor.u32 s14, s4  }
0x22b: {  	[tilespmem:s10+$0x0] =	vst v1  }
0x22c: {  	v1 =	vld.idx.msk [tilespmem:v56+s8+$0x0], $0xffff  }
0x22d: {  	v57 =	vadd.s32 $0x6000, v0;
	_ =	sdelay $0x2  }
0x22e: {  	s19 =	sor.u32 s14, s12  }
0x22f: {  	[tilespmem:s19+$0x0] =	vst v1  }
0x230: {  	v1 =	vld.idx.msk [tilespmem:v57+s8+$0x0], $0xffff  }
0x231: {  	v58 =	vadd.s32 $0x6080, v0;
	_ =	sdelay $0x2  }
0x232: {  	s20 =	sor.u32 s14, s11  }
0x233: {  	[tilespmem:s20+$0x0] =	vst v1  }
0x234: {  	v1 =	vld.idx.msk [tilespmem:v58+s8+$0x0], $0xffff  }
0x235: {  	v59 =	vadd.s32 $0x6100, v0;
	_ =	sdelay $0x2  }
0x236: {  	s21 =	sor.u32 s14, s16  }
0x237: {  	[tilespmem:s21+$0x0] =	vst v1  }
0x238: {  	v1 =	vld.idx.msk [tilespmem:v59+s8+$0x0], $0xffff  }
0x239: {  	v60 =	vadd.s32 $0x6180, v0;
	_ =	sdelay $0x2  }
0x23a: {  	s23 =	sor.u32 s14, s17  }
0x23b: {  	[tilespmem:s23+$0x0] =	vst v1  }
0x23c: {  	v1 =	vld.idx.msk [tilespmem:v60+s8+$0x0], $0xffff  }
0x23d: {  	v61 =	vadd.s32 $0x6200, v0;
	_ =	sdelay $0x1  }
0x23e: {  	s25 =	rddreg [dreg:$0x10]  }
0x23f: {  	s1 =	sor.u32 s14, s25  }
0x240: {  	[tilespmem:s1+$0x0] =	vst v1  }
0x241: {  	v1 =	vld.idx.msk [tilespmem:v61+s8+$0x0], $0xffff  }
0x242: {  	v62 =	vadd.s32 $0x6280, v0;
	_ =	sdelay $0x2  }
0x243: {  	s26 =	sor.u32 s14, s3  }
0x244: {  	[tilespmem:s26+$0x0] =	vst v1  }
0x245: {  	v1 =	vld.idx.msk [tilespmem:v62+s8+$0x0], $0xffff  }
0x246: {  	v63 =	vadd.s32 $0x6300, v0;
	_ =	sdelay $0x2  }
0x247: {  	s28 =	sor.u32 s14, s0  }
0x248: {  	[tilespmem:s28+$0x0] =	vst v1  }
0x249: {  	v1 =	vld.idx.msk [tilespmem:v63+s8+$0x0], $0xffff  }
0x24a: {  	v0 =	vadd.s32 $0x6380, v0;
	_ =	sdelay $0x2  }
0x24b: {  	s29 =	sor.u32 s14, s13;
	s30 =	rddreg [dreg:$0xa]  }
0x24c: {  	s1 =	sadd.s32 $0x4, s30;
	[tilespmem:s29+$0x0] =	vst v1  }
0x24d: {  	p2 =	slt.u32 s1, $0x1C;
	v0 =	vld.idx.msk [tilespmem:v0+s8+$0x0], $0xffff  }
.Ltmp0:
0x24e: {  	_ = 	snop;
	(pc) =	sbr.rel @p2 .LBB2_3-.Ltmp0, $4  }
0x24f: {  	s22 =	sadd.s32 $0x2, s22  }
0x250: {  	[dreg:$0xb] =	wrdreg s22  }
0x251: {  	p1 =	por !p1, !p1;
	s24 =	rddreg [dreg:$0xc];
	s31 =	sor.u32 s14, s5  }
0x252: {  	s15 =	sadd.s32 $0x40, s15;
	s18 =	sadd.s32 $0x200, s18;
	s24 =	sadd.s32 $0x4, s24;
	[tilespmem:s31+$0x0] =	vst v0  }
0x253: {  	s0 =	rddreg [dreg:$0x6]  }
0x254: {  	s1 =	rddreg [dreg:$0x9];
	s31 =	simm.s32 $0x1000  }
0x255: {  	s2 =	simm.s32 $0x20000;
	s3 =	simm.s32 $0x8400;
	s0 =	sadd.s32 s1, s0  }
0x256: {  	[hbm4b:s0+s31] =	stream.strided.scatter [tilespmem:s3], [sflag:$0x1], $0x4000, s2, s31, $0x38;
	[tilespmem:$0xC400] =	vst v63  }
.Ltmp1:
0x257: {  	_ = 	snop;
	(pc) =	sbr.rel @p0 .LBB2_2-.Ltmp1, $4  }
0x258: {  	s0 =	simm.s32 $0x1  }
0x259: {  	_ =	swait.ge [sflag:s0], $0x4000  }
0x25a: {  	[sflag:s0] =	ssyncset.done $0x0  }
0x25b: {  	p2 =	por $0x0, $0x0;
	[sflag:s0] =	ssyncadd.s32 $0xFFFFC000  }
0x25c: {  	s1 =	rddreg [dreg:$0x8]  }
0x25d: {  	s0 =	rddreg [dreg:$0x7];
	s1 =	sadd.s32 $0x1, s1  }
0x25e: {  	p0 =	sne.s32 s1, s0  }
.Ltmp2:
0x25f: {  	_ = 	snop;
	(pc) =	sbr.rel @p0 .LBB2_1-.Ltmp2, $1  }
0x260: {  	_ =	sdelay $0x3  }
0x261: {  	_ =	sfence.sel $0x180000  }
0x262: {  	[bflag:$0x0] =	sbarrier.arrive $0xFFFF  }
0x263: {  	_ =	strace $0x9000004A  }
0x264: {  	s0 =	stileid.u32;
	[bflag:$0x2] =	sbarrier.arrive $0xFFFF  }
0x265: {  	p0 =	sne.s32 s0, $0x0;
	s0 =	rddreg [dreg:$0x3]  }
0x266: {  	s0 =	sadd.s32 @!p0 $0x100000, s0  }
0x267: {  	[sflag:s0] =	ssyncadd.tile.s32 @!p0 $0x1;
	_ =	shalt  }
.Lfunc_end2:
_tile_overlayer_lowered:
.L_overlay_start_2:
0x268: {  	(tag) =	ssettag $0x2  }
0x269: {  	s0 =	rddreg [dreg:$0x0];
	s2 =	stileid.u32  }
0x26a: {  	s1 =	rddreg [dreg:$0x1];
	p0 =	sne.s32 s2, $0x0  }
0x26b: {  	s3 =	rddreg [dreg:$0x2];
	[bflag:$0x3] =	sbarrier.arrive $0xFFFF;
	s2 =	simm.s32 @!p0 $0x1C01  }
0x26c: {  	[timem:s3], [sflag:s2] =	dma.local @!p0 [hbm:s0], s1  }
0x26d: {  	s0 =	simm.s32 @!p0 $0x1  }
0x26e: {  	_ =	swait.ge @!p0 [sflag:s0], s1  }
0x26f: {  	s1 =	ssub.s32 @!p0 $0x0, s1;
	[sflag:s0] =	ssyncset.done @!p0 $0x0  }
0x270: {  	[sflag:s0] =	ssyncadd.s32 @!p0 s1  }
0x271: {  	[bflag:$0x3] =	sbarrier.arrive $0xFFFF  }
0x272: {  	_ =	shalt  }

</sc_bundles>
